<compile_context>
chip_gen: v7x
topology: tpu7x:2x2x1
jax: 0.10.2.dev20260603
libtpu: 0.0.44.dev20260713+nightly
codegen_flags: <defaults>
</compile_context>

<pallas_src>
import functools

import jax
import jax.numpy as jnp
from jax import lax
from jax.experimental import pallas as pl
from jax.experimental.pallas import tpu as pltpu
from jax.experimental.pallas import tpu_sc as plsc

N = 10000
D = 128
E = 320000
NC = 2
NS = 16
NW = NC * NS

CH = 64
EPW_DEG = E // NW
NCHUNK = EPW_DEG // CH
CT = EPW_DEG - NCHUNK * CH
NSLOT = 6
LAG = 4
ROWS_PT = 624
ROW_TAIL = N - NS * ROWS_PT
N_ACC = N
N_HIST = 10240

@functools.cache
def _sc_kernels():
    mesh = plsc.VectorSubcoreMesh(
        core_axis_name="c", subcore_axis_name="s", num_cores=NC, num_subcores=NS
    )
    sc_params = pltpu.CompilerParams(needs_layout_passes=False)
    deg_kernel = functools.partial(
        pl.kernel,
        out_type=jax.ShapeDtypeStruct((NW, N_HIST), jnp.float32),
        mesh=mesh,
        compiler_params=sc_params,
        scratch_types=[
            pltpu.VMEM((N_HIST,), jnp.float32),
            pltpu.VMEM((EPW_DEG,), jnp.int32),
        ],
    )(_deg_body)
    seg_kernel = functools.partial(
        pl.kernel,
        out_type=jax.ShapeDtypeStruct((NC, N, D), jnp.float32),
        mesh=mesh,
        compiler_params=sc_params,
        scratch_types=[
            pltpu.VMEM_SHARED((N_ACC, D), jnp.float32),
            pltpu.VMEM((CT,), jnp.int32),
            pltpu.VMEM((CT,), jnp.int32),
        ]
        + [pltpu.VMEM((CH,), jnp.int32) for _ in range(2 * NSLOT)]
        + [pltpu.VMEM((CH, D), jnp.float32) for _ in range(NSLOT)]
        + [pltpu.SemaphoreType.DMA for _ in range(3 * NSLOT)],
    )(_seg_body)
    return deg_kernel, seg_kernel


def _deg_body(dst_hbm, out_hbm, hist, dstv):
    cid = lax.axis_index("c")
    sid = lax.axis_index("s")
    wid = sid * NC + cid

    zeros16 = jnp.zeros((16,), jnp.float32)

    def zbody(i, c):
        hist[pl.ds(i * 16, 16)] = zeros16
        return c

    lax.fori_loop(0, N_HIST // 16, zbody, 0)

    off = pl.multiple_of(wid * EPW_DEG, 8)
    pltpu.sync_copy(dst_hbm.at[pl.ds(off, EPW_DEG)], dstv)

    ones16 = jnp.ones((16,), jnp.float32)

    def body(i, c):
        idx = dstv[pl.ds(i * 16, 16)]
        plsc.addupdate_scatter(hist, [idx], ones16)
        return c

    lax.fori_loop(0, EPW_DEG // 16, body, 0)
    pltpu.sync_copy(hist, out_hbm.at[wid])


def _seg_body(xs_hbm, srcp_hbm, dstp_hbm, srct_hbm, dstt_hbm, out_hbm,
              acc, srct, dstt, *rest):
    sidx = rest[:NSLOT]
    didx = rest[NSLOT : 2 * NSLOT]
    rows = rest[2 * NSLOT : 3 * NSLOT]
    isem = rest[3 * NSLOT : 4 * NSLOT]
    gsem = rest[4 * NSLOT : 5 * NSLOT]
    ssem = rest[5 * NSLOT : 6 * NSLOT]
    cid = lax.axis_index("c")
    sid = lax.axis_index("s")
    wid = sid * NC + cid

    r0 = pl.multiple_of(sid * ROWS_PT, 8)
    pltpu.sync_copy(xs_hbm.at[pl.ds(r0, ROWS_PT)], acc.at[pl.ds(r0, ROWS_PT)])

    @pl.when(sid == 0)
    def _():
        t0 = NS * ROWS_PT
        pltpu.sync_copy(
            xs_hbm.at[pl.ds(t0, ROW_TAIL)], acc.at[pl.ds(t0, ROW_TAIL)]
        )

    pltpu.sync_copy(srct_hbm.at[wid], srct)
    pltpu.sync_copy(dstt_hbm.at[wid], dstt)
    plsc.subcore_barrier()

    def fire_idx(g, b):
        pltpu.async_copy(srcp_hbm.at[wid, g], sidx[b], isem[b])
        pltpu.async_copy(dstp_hbm.at[wid, g], didx[b], isem[b])

    def wait_idx(g, b):
        pltpu.make_async_copy(srcp_hbm.at[wid, g], sidx[b], isem[b]).wait()
        pltpu.make_async_copy(dstp_hbm.at[wid, g], didx[b], isem[b]).wait()

    def fire_gather(b):
        pltpu.async_copy(xs_hbm.at[sidx[b]], rows[b], gsem[b])

    def wait_gather(b):
        pltpu.make_async_copy(xs_hbm.at[sidx[b]], rows[b], gsem[b]).wait()

    def fire_scatter(b):
        pltpu.async_copy(rows[b], acc.at[didx[b]], ssem[b], add=True)

    def wait_scatter(b):
        pltpu.make_async_copy(rows[b], acc.at[didx[b]], ssem[b]).wait()

    def step(g, pos):
        b_a = pos % NSLOT
        if pos >= NSLOT:
            wait_scatter(b_a)
        fire_idx(g, b_a)
        if pos >= 1:
            b_b = (pos - 1) % NSLOT
            wait_idx(g - 1, b_b)
            fire_gather(b_b)
        if pos >= LAG:
            b_c = (pos - LAG) % NSLOT
            wait_gather(b_c)
            fire_scatter(b_c)

    for p in range(NSLOT):
        step(p, p)

    KS = (NCHUNK - NSLOT) // NSLOT

    def blk(j, c):
        g0 = NSLOT + NSLOT * j
        for b in range(NSLOT):
            step(g0 + b, NSLOT + b)
        return c

    lax.fori_loop(0, KS, blk, 0)

    for g in range(NSLOT + NSLOT * KS, NCHUNK):
        step(g, NSLOT + g % NSLOT)
    for g in range(NCHUNK, NCHUNK + LAG):
        b_b = (g - 1) % NSLOT
        if g - 1 < NCHUNK:
            wait_idx(g - 1, b_b)
            fire_gather(b_b)
        b_c = (g - LAG) % NSLOT
        if g - LAG < NCHUNK:
            wait_gather(b_c)
            fire_scatter(b_c)
    for c in range(NCHUNK - NSLOT, NCHUNK):
        wait_scatter(c % NSLOT)
    pltpu.async_copy(xs_hbm.at[srct], rows[0].at[pl.ds(0, CT)], gsem[0]).wait()
    pltpu.sync_copy(rows[0].at[pl.ds(0, CT)], acc.at[dstt], add=True)
    plsc.subcore_barrier()

    pltpu.sync_copy(
        acc.at[pl.ds(r0, ROWS_PT)], out_hbm.at[cid, pl.ds(r0, ROWS_PT)]
    )

    @pl.when(sid == 0)
    def _():
        t0 = NS * ROWS_PT
        pltpu.sync_copy(
            acc.at[pl.ds(t0, ROW_TAIL)], out_hbm.at[cid, pl.ds(t0, ROW_TAIL)]
        )


def _dinv_body(hists_ref, out_ref):
    deg = jnp.sum(hists_ref[...], axis=0) + 1.0
    out_ref[...] = lax.rsqrt(deg)


_dinv_call = pl.pallas_call(
    _dinv_body,
    out_shape=jax.ShapeDtypeStruct((N_HIST // 128, 128), jnp.float32),
)

BM = 2000


def _mm_body(x_ref, w_ref, dinv_ref, o_ref):
    xw = jnp.dot(x_ref[...], w_ref[...], preferred_element_type=jnp.float32)
    o_ref[...] = xw * dinv_ref[...]


_mm_call = pl.pallas_call(
    _mm_body,
    grid=(N // BM,),
    in_specs=[
        pl.BlockSpec((BM, D), lambda i: (i, 0)),
        pl.BlockSpec((D, D), lambda i: (0, 0)),
        pl.BlockSpec((BM, 1), lambda i: (i, 0)),
    ],
    out_specs=pl.BlockSpec((BM, D), lambda i: (i, 0)),
    out_shape=jax.ShapeDtypeStruct((N, D), jnp.float32),
)


def _post_body(p0_ref, p1_ref, xs_ref, dinv_ref, xin_ref, b_ref, g_ref, beta_ref, o_ref):
    agg = p0_ref[...] + p1_ref[...] - xs_ref[...]
    h = agg * dinv_ref[...] + b_ref[...]
    h = jnp.maximum(h, 0.0) + xin_ref[...]
    mu = jnp.mean(h, axis=-1, keepdims=True)
    d = h - mu
    var = jnp.mean(d * d, axis=-1, keepdims=True)
    o_ref[...] = d * lax.rsqrt(var + 1e-5) * g_ref[...] + beta_ref[...]


def _fused_body(p0_ref, p1_ref, xs_ref, dinv_ref, xin_ref, b_ref, g_ref,
                beta_ref, w_ref, ox_ref, oxs_ref):
    agg = p0_ref[...] + p1_ref[...] - xs_ref[...]
    h = agg * dinv_ref[...] + b_ref[...]
    h = jnp.maximum(h, 0.0) + xin_ref[...]
    mu = jnp.mean(h, axis=-1, keepdims=True)
    d = h - mu
    var = jnp.mean(d * d, axis=-1, keepdims=True)
    xnew = d * lax.rsqrt(var + 1e-5) * g_ref[...] + beta_ref[...]
    ox_ref[...] = xnew
    oxs_ref[...] = (
        jnp.dot(xnew, w_ref[...], preferred_element_type=jnp.float32)
        * dinv_ref[...]
    )


_fused_call = pl.pallas_call(
    _fused_body,
    grid=(N // BM,),
    in_specs=[
        pl.BlockSpec((BM, D), lambda i: (i, 0)),
        pl.BlockSpec((BM, D), lambda i: (i, 0)),
        pl.BlockSpec((BM, D), lambda i: (i, 0)),
        pl.BlockSpec((BM, 1), lambda i: (i, 0)),
        pl.BlockSpec((BM, D), lambda i: (i, 0)),
        pl.BlockSpec((1, D), lambda i: (0, 0)),
        pl.BlockSpec((1, D), lambda i: (0, 0)),
        pl.BlockSpec((1, D), lambda i: (0, 0)),
        pl.BlockSpec((D, D), lambda i: (0, 0)),
    ],
    out_specs=[
        pl.BlockSpec((BM, D), lambda i: (i, 0)),
        pl.BlockSpec((BM, D), lambda i: (i, 0)),
    ],
    out_shape=[
        jax.ShapeDtypeStruct((N, D), jnp.float32),
        jax.ShapeDtypeStruct((N, D), jnp.float32),
    ],
)

_post_call = pl.pallas_call(
    _post_body,
    grid=(N // BM,),
    in_specs=[
        pl.BlockSpec((BM, D), lambda i: (i, 0)),
        pl.BlockSpec((BM, D), lambda i: (i, 0)),
        pl.BlockSpec((BM, D), lambda i: (i, 0)),
        pl.BlockSpec((BM, 1), lambda i: (i, 0)),
        pl.BlockSpec((BM, D), lambda i: (i, 0)),
        pl.BlockSpec((1, D), lambda i: (0, 0)),
        pl.BlockSpec((1, D), lambda i: (0, 0)),
        pl.BlockSpec((1, D), lambda i: (0, 0)),
    ],
    out_specs=pl.BlockSpec((BM, D), lambda i: (i, 0)),
    out_shape=jax.ShapeDtypeStruct((N, D), jnp.float32),
)


@jax.jit
def _run(x, edge_index, Ws, bs, gammas, betas):
    src = edge_index[0]
    dst = edge_index[1]
    srcw = src.reshape(NW, EPW_DEG)
    dstw = dst.reshape(NW, EPW_DEG)
    srcp = srcw[:, : NCHUNK * CH].reshape(NW, NCHUNK, CH)
    dstp = dstw[:, : NCHUNK * CH].reshape(NW, NCHUNK, CH)
    srct = srcw[:, NCHUNK * CH :]
    dstt = dstw[:, NCHUNK * CH :]

    deg_kernel, seg_kernel = _sc_kernels()
    hists = deg_kernel(dst)
    dinv2d = _dinv_call(hists.reshape(NW, N_HIST // 128, 128))
    dinv_col = dinv2d.reshape(-1)[:N][:, None]

    xs = _mm_call(x, Ws[0], dinv_col)
    for i in range(2):
        parts = seg_kernel(xs, srcp, dstp, srct, dstt)
        x, xs = _fused_call(
            parts[0], parts[1], xs, dinv_col, x,
            bs[i][None, :], gammas[i][None, :], betas[i][None, :], Ws[i + 1],
        )
    parts = seg_kernel(xs, srcp, dstp, srct, dstt)
    x = _post_call(
        parts[0], parts[1], xs, dinv_col, x,
        bs[2][None, :], gammas[2][None, :], betas[2][None, :],
    )
    return x


def kernel(x, edge_index, Ws, bs, gammas, betas):
    return _run(x, edge_index, Ws, bs, gammas, betas)

# --- scband reference (transcript-rebuilt; emitter-appended) ---
"""Pipeline reference for scband-graph-encoder-15633680957569 (READ-ONLY COPY).

The authoritative reference and input builder live on the scoring server;
editing this copy changes nothing except your own understanding.
"""

import jax, jax.numpy as jnp
import numpy as np

N = 10000
E = 320000
D = 128
L = 3


def setup_inputs(seed: int = 0) -> dict:
    key = jax.random.key(seed)
    ks = jax.random.split(key, 5)
    x = jax.random.normal(ks[0], (N, D), dtype=jnp.float32)
    edge_index = jax.random.randint(ks[1], (2, E), 0, N, dtype=jnp.int32)
    # GCNConv linear weights (glorot-ish) and biases, stacked per layer
    Ws = jax.random.normal(ks[2], (L, D, D), dtype=jnp.float32) * (1.0 / np.sqrt(D))
    bs = jax.random.normal(ks[3], (L, D), dtype=jnp.float32) * 0.02
    # LayerNorm affine params (torch defaults: weight=1, bias=0)
    gammas = jnp.ones((L, D), dtype=jnp.float32)
    betas = jnp.zeros((L, D), dtype=jnp.float32)
    return {"x": x, "edge_index": edge_index, "Ws": Ws, "bs": bs, "gammas": gammas, "betas": betas}


def gcn_conv(x, edge_index, W, b):
    # Faithful PyG GCNConv: add self-loops, symmetric D^-1/2 A D^-1/2 norm,
    # x @ W before propagation, bias added after aggregation.
    n = x.shape[0]
    src = edge_index[0]
    dst = edge_index[1]
    loop = jnp.arange(n, dtype=src.dtype)
    src_f = jnp.concatenate([src, loop])
    dst_f = jnp.concatenate([dst, loop])
    ew = jnp.ones(src_f.shape[0], dtype=x.dtype)
    deg = jax.ops.segment_sum(ew, dst_f, num_segments=n)
    safe_deg = jnp.where(deg > 0, deg, 1.0)
    dinv = jnp.where(deg > 0, 1.0 / jnp.sqrt(safe_deg), 0.0)
    norm = dinv[src_f] * dinv[dst_f]
    xw = x @ W
    msgs = xw[src_f] * norm[:, None]
    out = jax.ops.segment_sum(msgs, dst_f, num_segments=n)
    return out + b


def layer_norm(h, g, b, eps=1e-5):
    mu = jnp.mean(h, axis=-1, keepdims=True)
    var = jnp.mean((h - mu) ** 2, axis=-1, keepdims=True)
    return (h - mu) / jnp.sqrt(var + eps) * g + b


def reference(x, edge_index, Ws, bs, gammas, betas):
    # Dropout is identity in eval mode.
    for i in range(L):
        h = gcn_conv(x, edge_index, Ws[i], bs[i])
        h = jax.nn.relu(h)
        if h.shape == x.shape:
            h = h + x
        x = layer_norm(h, gammas[i], betas[i])
    return x

if __name__ == "__main__":
    import jax
    _d = setup_inputs()
    print(jax.jit(kernel)(*tuple(_d.values())))

</pallas_src>

<mosaic_0001>
#map = affine_map<(d0, d1) -> (0, 0)>
#map1 = affine_map<(d0, d1) -> (0, 0, 0)>
module attributes {stable_mosaic.version = 14 : i64} {
  func.func @_seg_body(%arg0: i32, %arg1: i32, %arg2: memref<10000x128xf32, #tpu.memory_space<hbm>>, %arg3: memref<32x156x64xi32, #tpu.memory_space<hbm>>, %arg4: memref<32x156x64xi32, #tpu.memory_space<hbm>>, %arg5: memref<32x16xi32, #tpu.memory_space<hbm>>, %arg6: memref<32x16xi32, #tpu.memory_space<hbm>>, %arg7: memref<2x10000x128xf32, #tpu.memory_space<hbm>>, %arg8: memref<10000x128xf32, #tpu.memory_space<vmem_shared>>, %arg9: memref<16xi32, #tpu.memory_space<vmem>>, %arg10: memref<16xi32, #tpu.memory_space<vmem>>, %arg11: memref<64xi32, #tpu.memory_space<vmem>>, %arg12: memref<64xi32, #tpu.memory_space<vmem>>, %arg13: memref<64xi32, #tpu.memory_space<vmem>>, %arg14: memref<64xi32, #tpu.memory_space<vmem>>, %arg15: memref<64xi32, #tpu.memory_space<vmem>>, %arg16: memref<64xi32, #tpu.memory_space<vmem>>, %arg17: memref<64xi32, #tpu.memory_space<vmem>>, %arg18: memref<64xi32, #tpu.memory_space<vmem>>, %arg19: memref<64xi32, #tpu.memory_space<vmem>>, %arg20: memref<64xi32, #tpu.memory_space<vmem>>, %arg21: memref<64xi32, #tpu.memory_space<vmem>>, %arg22: memref<64xi32, #tpu.memory_space<vmem>>, %arg23: memref<64x128xf32, #tpu.memory_space<vmem>>, %arg24: memref<64x128xf32, #tpu.memory_space<vmem>>, %arg25: memref<64x128xf32, #tpu.memory_space<vmem>>, %arg26: memref<64x128xf32, #tpu.memory_space<vmem>>, %arg27: memref<64x128xf32, #tpu.memory_space<vmem>>, %arg28: memref<64x128xf32, #tpu.memory_space<vmem>>, %arg29: memref<!tpu.dma_semaphore, #tpu.memory_space<semaphore_mem>>, %arg30: memref<!tpu.dma_semaphore, #tpu.memory_space<semaphore_mem>>, %arg31: memref<!tpu.dma_semaphore, #tpu.memory_space<semaphore_mem>>, %arg32: memref<!tpu.dma_semaphore, #tpu.memory_space<semaphore_mem>>, %arg33: memref<!tpu.dma_semaphore, #tpu.memory_space<semaphore_mem>>, %arg34: memref<!tpu.dma_semaphore, #tpu.memory_space<semaphore_mem>>, %arg35: memref<!tpu.dma_semaphore, #tpu.memory_space<semaphore_mem>>, %arg36: memref<!tpu.dma_semaphore, #tpu.memory_space<semaphore_mem>>, %arg37: memref<!tpu.dma_semaphore, #tpu.memory_space<semaphore_mem>>, %arg38: memref<!tpu.dma_semaphore, #tpu.memory_space<semaphore_mem>>, %arg39: memref<!tpu.dma_semaphore, #tpu.memory_space<semaphore_mem>>, %arg40: memref<!tpu.dma_semaphore, #tpu.memory_space<semaphore_mem>>, %arg41: memref<!tpu.dma_semaphore, #tpu.memory_space<semaphore_mem>>, %arg42: memref<!tpu.dma_semaphore, #tpu.memory_space<semaphore_mem>>, %arg43: memref<!tpu.dma_semaphore, #tpu.memory_space<semaphore_mem>>, %arg44: memref<!tpu.dma_semaphore, #tpu.memory_space<semaphore_mem>>, %arg45: memref<!tpu.dma_semaphore, #tpu.memory_space<semaphore_mem>>, %arg46: memref<!tpu.dma_semaphore, #tpu.memory_space<semaphore_mem>>) attributes {dimension_semantics = [#tpu.dimension_semantics<core_parallel>, #tpu.dimension_semantics<subcore_parallel>], iteration_bounds = array<i64: 2, 16>, scalar_prefetch = 0 : i64, scratch_operands = 39 : i64, tpu.core_type = #tpu.core_type<sc_vector_subcore>, window_params = [{transform_indices = #map}, {transform_indices = #map1}, {transform_indices = #map1}, {transform_indices = #map}, {transform_indices = #map}, {transform_indices = #map1}]} {
    %mul3A = arith.constant 2 : i32
    %mul3A_0 = arith.muli %arg1, %mul3A : i32
    %add3A = arith.addi %mul3A_0, %arg0 : i32
    %mul3A_1 = arith.constant 624 : i32
    %mul3A_2 = arith.muli %arg1, %mul3A_1 : i32
    %multiple_of3A = tpu.assume_multiple %mul3A_2, 8 : i32
    "tpu.region"() ({
      %run_scoped3A = tpu.sem_alloc : memref<!tpu.dma_semaphore, #tpu.memory_space<semaphore_mem>>
      %dma_start3A_266 = arith.constant 0 : i32
      %dma_start3A_267 = tpu.memref_slice %arg8[%multiple_of3A, %dma_start3A_266] : memref<10000x128xf32, #tpu.memory_space<vmem_shared>> -> memref<624x128xf32, #tpu.memory_space<vmem_shared>>
      %dma_start3A_268 = arith.constant 0 : i32
      %dma_start3A_269 = tpu.memref_slice %arg2[%multiple_of3A, %dma_start3A_268] : memref<10000x128xf32, #tpu.memory_space<hbm>> -> memref<624x128xf32, #tpu.memory_space<hbm>>
      tpu.enqueue_dma source(%dma_start3A_269 : memref<624x128xf32, #tpu.memory_space<hbm>>) target(%dma_start3A_267 : memref<624x128xf32, #tpu.memory_space<vmem_shared>>) target_semaphore(%run_scoped3A : memref<!tpu.dma_semaphore, #tpu.memory_space<semaphore_mem>>)
      %dma_wait3A_270 = arith.constant 0 : i32
      %dma_wait3A_271 = tpu.memref_slice %arg8[%multiple_of3A, %dma_wait3A_270] : memref<10000x128xf32, #tpu.memory_space<vmem_shared>> -> memref<624x128xf32, #tpu.memory_space<vmem_shared>>
      %dma_wait3A_272 = arith.constant 0 : i32
      %dma_wait3A_273 = tpu.memref_slice %arg2[%multiple_of3A, %dma_wait3A_272] : memref<10000x128xf32, #tpu.memory_space<hbm>> -> memref<624x128xf32, #tpu.memory_space<hbm>>
      tpu.wait_dma2 semaphore(%run_scoped3A : memref<!tpu.dma_semaphore, #tpu.memory_space<semaphore_mem>>) src(%dma_wait3A_273 : memref<624x128xf32, #tpu.memory_space<hbm>>) dst(%dma_wait3A_271 : memref<624x128xf32, #tpu.memory_space<vmem_shared>>)
      tpu.yield
    }) : () -> ()
    %eq3A = arith.constant 0 : i32
    %eq3A_3 = arith.cmpi eq, %arg1, %eq3A : i32
    %convert_element_type3A = arith.extui %eq3A_3 : i1 to i32
    %cond3A = arith.constant 0 : i32
    %cond3A_4 = arith.cmpi ne, %convert_element_type3A, %cond3A : i32
    scf.if %cond3A_4 {
      "tpu.region"() ({
        %run_scoped3A = tpu.sem_alloc : memref<!tpu.dma_semaphore, #tpu.memory_space<semaphore_mem>>
        %dma_start3A_266 = arith.constant 9984 : i32
        %dma_start3A_267 = arith.constant 0 : i32
        %dma_start3A_268 = tpu.memref_slice %arg8[%dma_start3A_266, %dma_start3A_267] : memref<10000x128xf32, #tpu.memory_space<vmem_shared>> -> memref<16x128xf32, #tpu.memory_space<vmem_shared>>
        %dma_start3A_269 = arith.constant 9984 : i32
        %dma_start3A_270 = arith.constant 0 : i32
        %dma_start3A_271 = tpu.memref_slice %arg2[%dma_start3A_269, %dma_start3A_270] : memref<10000x128xf32, #tpu.memory_space<hbm>> -> memref<16x128xf32, #tpu.memory_space<hbm>>
        tpu.enqueue_dma source(%dma_start3A_271 : memref<16x128xf32, #tpu.memory_space<hbm>>) target(%dma_start3A_268 : memref<16x128xf32, #tpu.memory_space<vmem_shared>>) target_semaphore(%run_scoped3A : memref<!tpu.dma_semaphore, #tpu.memory_space<semaphore_mem>>)
        %dma_wait3A_272 = arith.constant 9984 : i32
        %dma_wait3A_273 = arith.constant 0 : i32
        %dma_wait3A_274 = tpu.memref_slice %arg8[%dma_wait3A_272, %dma_wait3A_273] : memref<10000x128xf32, #tpu.memory_space<vmem_shared>> -> memref<16x128xf32, #tpu.memory_space<vmem_shared>>
        %dma_wait3A_275 = arith.constant 9984 : i32
        %dma_wait3A_276 = arith.constant 0 : i32
        %dma_wait3A_277 = tpu.memref_slice %arg2[%dma_wait3A_275, %dma_wait3A_276] : memref<10000x128xf32, #tpu.memory_space<hbm>> -> memref<16x128xf32, #tpu.memory_space<hbm>>
        tpu.wait_dma2 semaphore(%run_scoped3A : memref<!tpu.dma_semaphore, #tpu.memory_space<semaphore_mem>>) src(%dma_wait3A_277 : memref<16x128xf32, #tpu.memory_space<hbm>>) dst(%dma_wait3A_274 : memref<16x128xf32, #tpu.memory_space<vmem_shared>>)
        tpu.yield
      }) : () -> ()
    } else {
    }
    "tpu.region"() ({
      %run_scoped3A = tpu.sem_alloc : memref<!tpu.dma_semaphore, #tpu.memory_space<semaphore_mem>>
      %dma_start3A_266 = arith.constant 0 : i32
      %dma_start3A_267 = tpu.memref_slice %arg5[%add3A, %dma_start3A_266] : memref<32x16xi32, #tpu.memory_space<hbm>> -> memref<1x16xi32, #tpu.memory_space<hbm>>
      %dma_start3A_268 = tpu.memref_squeeze %dma_start3A_267 : memref<1x16xi32, #tpu.memory_space<hbm>> -> memref<16xi32, #tpu.memory_space<hbm>>
      %dma_start3A_269 = arith.constant 0 : i32
      %dma_start3A_270 = tpu.memref_slice %arg5[%add3A, %dma_start3A_269] : memref<32x16xi32, #tpu.memory_space<hbm>> -> memref<1x16xi32, #tpu.memory_space<hbm>>
      %dma_start3A_271 = tpu.memref_squeeze %dma_start3A_270 : memref<1x16xi32, #tpu.memory_space<hbm>> -> memref<16xi32, #tpu.memory_space<hbm>>
      tpu.enqueue_dma source(%dma_start3A_271 : memref<16xi32, #tpu.memory_space<hbm>>) target(%arg9 : memref<16xi32, #tpu.memory_space<vmem>>) target_semaphore(%run_scoped3A : memref<!tpu.dma_semaphore, #tpu.memory_space<semaphore_mem>>)
      %dma_wait3A_272 = arith.constant 0 : i32
      %dma_wait3A_273 = tpu.memref_slice %arg5[%add3A, %dma_wait3A_272] : memref<32x16xi32, #tpu.memory_space<hbm>> -> memref<1x16xi32, #tpu.memory_space<hbm>>
      %dma_wait3A_274 = tpu.memref_squeeze %dma_wait3A_273 : memref<1x16xi32, #tpu.memory_space<hbm>> -> memref<16xi32, #tpu.memory_space<hbm>>
      %dma_wait3A_275 = arith.constant 0 : i32
      %dma_wait3A_276 = tpu.memref_slice %arg5[%add3A, %dma_wait3A_275] : memref<32x16xi32, #tpu.memory_space<hbm>> -> memref<1x16xi32, #tpu.memory_space<hbm>>
      %dma_wait3A_277 = tpu.memref_squeeze %dma_wait3A_276 : memref<1x16xi32, #tpu.memory_space<hbm>> -> memref<16xi32, #tpu.memory_space<hbm>>
      tpu.wait_dma2 semaphore(%run_scoped3A : memref<!tpu.dma_semaphore, #tpu.memory_space<semaphore_mem>>) src(%dma_wait3A_277 : memref<16xi32, #tpu.memory_space<hbm>>) dst(%arg9 : memref<16xi32, #tpu.memory_space<vmem>>)
      tpu.yield
    }) : () -> ()
    "tpu.region"() ({
      %run_scoped3A = tpu.sem_alloc : memref<!tpu.dma_semaphore, #tpu.memory_space<semaphore_mem>>
      %dma_start3A_266 = arith.constant 0 : i32
      %dma_start3A_267 = tpu.memref_slice %arg6[%add3A, %dma_start3A_266] : memref<32x16xi32, #tpu.memory_space<hbm>> -> memref<1x16xi32, #tpu.memory_space<hbm>>
      %dma_start3A_268 = tpu.memref_squeeze %dma_start3A_267 : memref<1x16xi32, #tpu.memory_space<hbm>> -> memref<16xi32, #tpu.memory_space<hbm>>
      %dma_start3A_269 = arith.constant 0 : i32
      %dma_start3A_270 = tpu.memref_slice %arg6[%add3A, %dma_start3A_269] : memref<32x16xi32, #tpu.memory_space<hbm>> -> memref<1x16xi32, #tpu.memory_space<hbm>>
      %dma_start3A_271 = tpu.memref_squeeze %dma_start3A_270 : memref<1x16xi32, #tpu.memory_space<hbm>> -> memref<16xi32, #tpu.memory_space<hbm>>
      tpu.enqueue_dma source(%dma_start3A_271 : memref<16xi32, #tpu.memory_space<hbm>>) target(%arg10 : memref<16xi32, #tpu.memory_space<vmem>>) target_semaphore(%run_scoped3A : memref<!tpu.dma_semaphore, #tpu.memory_space<semaphore_mem>>)
      %dma_wait3A_272 = arith.constant 0 : i32
      %dma_wait3A_273 = tpu.memref_slice %arg6[%add3A, %dma_wait3A_272] : memref<32x16xi32, #tpu.memory_space<hbm>> -> memref<1x16xi32, #tpu.memory_space<hbm>>
      %dma_wait3A_274 = tpu.memref_squeeze %dma_wait3A_273 : memref<1x16xi32, #tpu.memory_space<hbm>> -> memref<16xi32, #tpu.memory_space<hbm>>
      %dma_wait3A_275 = arith.constant 0 : i32
      %dma_wait3A_276 = tpu.memref_slice %arg6[%add3A, %dma_wait3A_275] : memref<32x16xi32, #tpu.memory_space<hbm>> -> memref<1x16xi32, #tpu.memory_space<hbm>>
      %dma_wait3A_277 = tpu.memref_squeeze %dma_wait3A_276 : memref<1x16xi32, #tpu.memory_space<hbm>> -> memref<16xi32, #tpu.memory_space<hbm>>
      tpu.wait_dma2 semaphore(%run_scoped3A : memref<!tpu.dma_semaphore, #tpu.memory_space<semaphore_mem>>) src(%dma_wait3A_277 : memref<16xi32, #tpu.memory_space<hbm>>) dst(%arg10 : memref<16xi32, #tpu.memory_space<vmem>>)
      tpu.yield
    }) : () -> ()
    %barrier3A = arith.constant 0 : index
    tpu.barrier barrier_id(%barrier3A)
    %dma_start3A = arith.constant 0 : i32
    %dma_start3A_5 = arith.constant 0 : i32
    %dma_start3A_6 = tpu.memref_slice %arg3[%add3A, %dma_start3A, %dma_start3A_5] : memref<32x156x64xi32, #tpu.memory_space<hbm>> -> memref<1x1x64xi32, #tpu.memory_space<hbm>>
    %dma_start3A_7 = tpu.memref_squeeze %dma_start3A_6 : memref<1x1x64xi32, #tpu.memory_space<hbm>> -> memref<64xi32, #tpu.memory_space<hbm>>
    %dma_start3A_8 = arith.constant 0 : i32
    %dma_start3A_9 = tpu.memref_slice %arg3[%add3A, %dma_start3A, %dma_start3A_8] : memref<32x156x64xi32, #tpu.memory_space<hbm>> -> memref<1x1x64xi32, #tpu.memory_space<hbm>>
    %dma_start3A_10 = tpu.memref_squeeze %dma_start3A_9 : memref<1x1x64xi32, #tpu.memory_space<hbm>> -> memref<64xi32, #tpu.memory_space<hbm>>
    tpu.enqueue_dma source(%dma_start3A_10 : memref<64xi32, #tpu.memory_space<hbm>>) target(%arg11 : memref<64xi32, #tpu.memory_space<vmem>>) target_semaphore(%arg29 : memref<!tpu.dma_semaphore, #tpu.memory_space<semaphore_mem>>)
    %dma_start3A_11 = arith.constant 0 : i32
    %dma_start3A_12 = arith.constant 0 : i32
    %dma_start3A_13 = tpu.memref_slice %arg4[%add3A, %dma_start3A_11, %dma_start3A_12] : memref<32x156x64xi32, #tpu.memory_space<hbm>> -> memref<1x1x64xi32, #tpu.memory_space<hbm>>
    %dma_start3A_14 = tpu.memref_squeeze %dma_start3A_13 : memref<1x1x64xi32, #tpu.memory_space<hbm>> -> memref<64xi32, #tpu.memory_space<hbm>>
    %dma_start3A_15 = arith.constant 0 : i32
    %dma_start3A_16 = tpu.memref_slice %arg4[%add3A, %dma_start3A_11, %dma_start3A_15] : memref<32x156x64xi32, #tpu.memory_space<hbm>> -> memref<1x1x64xi32, #tpu.memory_space<hbm>>
    %dma_start3A_17 = tpu.memref_squeeze %dma_start3A_16 : memref<1x1x64xi32, #tpu.memory_space<hbm>> -> memref<64xi32, #tpu.memory_space<hbm>>
    tpu.enqueue_dma source(%dma_start3A_17 : memref<64xi32, #tpu.memory_space<hbm>>) target(%arg17 : memref<64xi32, #tpu.memory_space<vmem>>) target_semaphore(%arg29 : memref<!tpu.dma_semaphore, #tpu.memory_space<semaphore_mem>>)
    %dma_start3A_18 = arith.constant 1 : i32
    %dma_start3A_19 = arith.constant 0 : i32
    %dma_start3A_20 = tpu.memref_slice %arg3[%add3A, %dma_start3A_18, %dma_start3A_19] : memref<32x156x64xi32, #tpu.memory_space<hbm>> -> memref<1x1x64xi32, #tpu.memory_space<hbm>>
    %dma_start3A_21 = tpu.memref_squeeze %dma_start3A_20 : memref<1x1x64xi32, #tpu.memory_space<hbm>> -> memref<64xi32, #tpu.memory_space<hbm>>
    %dma_start3A_22 = arith.constant 0 : i32
    %dma_start3A_23 = tpu.memref_slice %arg3[%add3A, %dma_start3A_18, %dma_start3A_22] : memref<32x156x64xi32, #tpu.memory_space<hbm>> -> memref<1x1x64xi32, #tpu.memory_space<hbm>>
    %dma_start3A_24 = tpu.memref_squeeze %dma_start3A_23 : memref<1x1x64xi32, #tpu.memory_space<hbm>> -> memref<64xi32, #tpu.memory_space<hbm>>
    tpu.enqueue_dma source(%dma_start3A_24 : memref<64xi32, #tpu.memory_space<hbm>>) target(%arg12 : memref<64xi32, #tpu.memory_space<vmem>>) target_semaphore(%arg30 : memref<!tpu.dma_semaphore, #tpu.memory_space<semaphore_mem>>)
    %dma_start3A_25 = arith.constant 1 : i32
    %dma_start3A_26 = arith.constant 0 : i32
    %dma_start3A_27 = tpu.memref_slice %arg4[%add3A, %dma_start3A_25, %dma_start3A_26] : memref<32x156x64xi32, #tpu.memory_space<hbm>> -> memref<1x1x64xi32, #tpu.memory_space<hbm>>
    %dma_start3A_28 = tpu.memref_squeeze %dma_start3A_27 : memref<1x1x64xi32, #tpu.memory_space<hbm>> -> memref<64xi32, #tpu.memory_space<hbm>>
    %dma_start3A_29 = arith.constant 0 : i32
    %dma_start3A_30 = tpu.memref_slice %arg4[%add3A, %dma_start3A_25, %dma_start3A_29] : memref<32x156x64xi32, #tpu.memory_space<hbm>> -> memref<1x1x64xi32, #tpu.memory_space<hbm>>
    %dma_start3A_31 = tpu.memref_squeeze %dma_start3A_30 : memref<1x1x64xi32, #tpu.memory_space<hbm>> -> memref<64xi32, #tpu.memory_space<hbm>>
    tpu.enqueue_dma source(%dma_start3A_31 : memref<64xi32, #tpu.memory_space<hbm>>) target(%arg18 : memref<64xi32, #tpu.memory_space<vmem>>) target_semaphore(%arg30 : memref<!tpu.dma_semaphore, #tpu.memory_space<semaphore_mem>>)
    %dma_wait3A = arith.constant 0 : i32
    %dma_wait3A_32 = arith.constant 0 : i32
    %dma_wait3A_33 = tpu.memref_slice %arg3[%add3A, %dma_wait3A, %dma_wait3A_32] : memref<32x156x64xi32, #tpu.memory_space<hbm>> -> memref<1x1x64xi32, #tpu.memory_space<hbm>>
    %dma_wait3A_34 = tpu.memref_squeeze %dma_wait3A_33 : memref<1x1x64xi32, #tpu.memory_space<hbm>> -> memref<64xi32, #tpu.memory_space<hbm>>
    %dma_wait3A_35 = arith.constant 0 : i32
    %dma_wait3A_36 = tpu.memref_slice %arg3[%add3A, %dma_wait3A, %dma_wait3A_35] : memref<32x156x64xi32, #tpu.memory_space<hbm>> -> memref<1x1x64xi32, #tpu.memory_space<hbm>>
    %dma_wait3A_37 = tpu.memref_squeeze %dma_wait3A_36 : memref<1x1x64xi32, #tpu.memory_space<hbm>> -> memref<64xi32, #tpu.memory_space<hbm>>
    tpu.wait_dma2 semaphore(%arg29 : memref<!tpu.dma_semaphore, #tpu.memory_space<semaphore_mem>>) src(%dma_wait3A_37 : memref<64xi32, #tpu.memory_space<hbm>>) dst(%arg11 : memref<64xi32, #tpu.memory_space<vmem>>)
    %dma_wait3A_38 = arith.constant 0 : i32
    %dma_wait3A_39 = arith.constant 0 : i32
    %dma_wait3A_40 = tpu.memref_slice %arg4[%add3A, %dma_wait3A_38, %dma_wait3A_39] : memref<32x156x64xi32, #tpu.memory_space<hbm>> -> memref<1x1x64xi32, #tpu.memory_space<hbm>>
    %dma_wait3A_41 = tpu.memref_squeeze %dma_wait3A_40 : memref<1x1x64xi32, #tpu.memory_space<hbm>> -> memref<64xi32, #tpu.memory_space<hbm>>
    %dma_wait3A_42 = arith.constant 0 : i32
    %dma_wait3A_43 = tpu.memref_slice %arg4[%add3A, %dma_wait3A_38, %dma_wait3A_42] : memref<32x156x64xi32, #tpu.memory_space<hbm>> -> memref<1x1x64xi32, #tpu.memory_space<hbm>>
    %dma_wait3A_44 = tpu.memref_squeeze %dma_wait3A_43 : memref<1x1x64xi32, #tpu.memory_space<hbm>> -> memref<64xi32, #tpu.memory_space<hbm>>
    tpu.wait_dma2 semaphore(%arg29 : memref<!tpu.dma_semaphore, #tpu.memory_space<semaphore_mem>>) src(%dma_wait3A_44 : memref<64xi32, #tpu.memory_space<hbm>>) dst(%arg17 : memref<64xi32, #tpu.memory_space<vmem>>)
    %dma_start3A_45 = arith.constant 0 : i32
    %dma_start3A_46 = arith.constant 0 : i32
    %dma_start3A_47 = tpu.memref_slice %arg2[%dma_start3A_45, %dma_start3A_46] : memref<10000x128xf32, #tpu.memory_space<hbm>> -> memref<10000x128xf32, #tpu.memory_space<hbm>>
    tpu.enqueue_indirect_dma source(%dma_start3A_47 : memref<10000x128xf32, #tpu.memory_space<hbm>>) target(%arg23 : memref<64x128xf32, #tpu.memory_space<vmem>>) offsets(%arg11 : memref<64xi32, #tpu.memory_space<vmem>>) semaphore(%arg35 : memref<!tpu.dma_semaphore, #tpu.memory_space<semaphore_mem>>)
    %dma_start3A_48 = arith.constant 2 : i32
    %dma_start3A_49 = arith.constant 0 : i32
    %dma_start3A_50 = tpu.memref_slice %arg3[%add3A, %dma_start3A_48, %dma_start3A_49] : memref<32x156x64xi32, #tpu.memory_space<hbm>> -> memref<1x1x64xi32, #tpu.memory_space<hbm>>
    %dma_start3A_51 = tpu.memref_squeeze %dma_start3A_50 : memref<1x1x64xi32, #tpu.memory_space<hbm>> -> memref<64xi32, #tpu.memory_space<hbm>>
    %dma_start3A_52 = arith.constant 0 : i32
    %dma_start3A_53 = tpu.memref_slice %arg3[%add3A, %dma_start3A_48, %dma_start3A_52] : memref<32x156x64xi32, #tpu.memory_space<hbm>> -> memref<1x1x64xi32, #tpu.memory_space<hbm>>
    %dma_start3A_54 = tpu.memref_squeeze %dma_start3A_53 : memref<1x1x64xi32, #tpu.memory_space<hbm>> -> memref<64xi32, #tpu.memory_space<hbm>>
    tpu.enqueue_dma source(%dma_start3A_54 : memref<64xi32, #tpu.memory_space<hbm>>) target(%arg13 : memref<64xi32, #tpu.memory_space<vmem>>) target_semaphore(%arg31 : memref<!tpu.dma_semaphore, #tpu.memory_space<semaphore_mem>>)
    %dma_start3A_55 = arith.constant 2 : i32
    %dma_start3A_56 = arith.constant 0 : i32
    %dma_start3A_57 = tpu.memref_slice %arg4[%add3A, %dma_start3A_55, %dma_start3A_56] : memref<32x156x64xi32, #tpu.memory_space<hbm>> -> memref<1x1x64xi32, #tpu.memory_space<hbm>>
    %dma_start3A_58 = tpu.memref_squeeze %dma_start3A_57 : memref<1x1x64xi32, #tpu.memory_space<hbm>> -> memref<64xi32, #tpu.memory_space<hbm>>
    %dma_start3A_59 = arith.constant 0 : i32
    %dma_start3A_60 = tpu.memref_slice %arg4[%add3A, %dma_start3A_55, %dma_start3A_59] : memref<32x156x64xi32, #tpu.memory_space<hbm>> -> memref<1x1x64xi32, #tpu.memory_space<hbm>>
    %dma_start3A_61 = tpu.memref_squeeze %dma_start3A_60 : memref<1x1x64xi32, #tpu.memory_space<hbm>> -> memref<64xi32, #tpu.memory_space<hbm>>
    tpu.enqueue_dma source(%dma_start3A_61 : memref<64xi32, #tpu.memory_space<hbm>>) target(%arg19 : memref<64xi32, #tpu.memory_space<vmem>>) target_semaphore(%arg31 : memref<!tpu.dma_semaphore, #tpu.memory_space<semaphore_mem>>)
    %dma_wait3A_62 = arith.constant 1 : i32
    %dma_wait3A_63 = arith.constant 0 : i32
    %dma_wait3A_64 = tpu.memref_slice %arg3[%add3A, %dma_wait3A_62, %dma_wait3A_63] : memref<32x156x64xi32, #tpu.memory_space<hbm>> -> memref<1x1x64xi32, #tpu.memory_space<hbm>>
    %dma_wait3A_65 = tpu.memref_squeeze %dma_wait3A_64 : memref<1x1x64xi32, #tpu.memory_space<hbm>> -> memref<64xi32, #tpu.memory_space<hbm>>
    %dma_wait3A_66 = arith.constant 0 : i32
    %dma_wait3A_67 = tpu.memref_slice %arg3[%add3A, %dma_wait3A_62, %dma_wait3A_66] : memref<32x156x64xi32, #tpu.memory_space<hbm>> -> memref<1x1x64xi32, #tpu.memory_space<hbm>>
    %dma_wait3A_68 = tpu.memref_squeeze %dma_wait3A_67 : memref<1x1x64xi32, #tpu.memory_space<hbm>> -> memref<64xi32, #tpu.memory_space<hbm>>
    tpu.wait_dma2 semaphore(%arg30 : memref<!tpu.dma_semaphore, #tpu.memory_space<semaphore_mem>>) src(%dma_wait3A_68 : memref<64xi32, #tpu.memory_space<hbm>>) dst(%arg12 : memref<64xi32, #tpu.memory_space<vmem>>)
    %dma_wait3A_69 = arith.constant 1 : i32
    %dma_wait3A_70 = arith.constant 0 : i32
    %dma_wait3A_71 = tpu.memref_slice %arg4[%add3A, %dma_wait3A_69, %dma_wait3A_70] : memref<32x156x64xi32, #tpu.memory_space<hbm>> -> memref<1x1x64xi32, #tpu.memory_space<hbm>>
    %dma_wait3A_72 = tpu.memref_squeeze %dma_wait3A_71 : memref<1x1x64xi32, #tpu.memory_space<hbm>> -> memref<64xi32, #tpu.memory_space<hbm>>
    %dma_wait3A_73 = arith.constant 0 : i32
    %dma_wait3A_74 = tpu.memref_slice %arg4[%add3A, %dma_wait3A_69, %dma_wait3A_73] : memref<32x156x64xi32, #tpu.memory_space<hbm>> -> memref<1x1x64xi32, #tpu.memory_space<hbm>>
    %dma_wait3A_75 = tpu.memref_squeeze %dma_wait3A_74 : memref<1x1x64xi32, #tpu.memory_space<hbm>> -> memref<64xi32, #tpu.memory_space<hbm>>
    tpu.wait_dma2 semaphore(%arg30 : memref<!tpu.dma_semaphore, #tpu.memory_space<semaphore_mem>>) src(%dma_wait3A_75 : memref<64xi32, #tpu.memory_space<hbm>>) dst(%arg18 : memref<64xi32, #tpu.memory_space<vmem>>)
    %dma_start3A_76 = arith.constant 0 : i32
    %dma_start3A_77 = arith.constant 0 : i32
    %dma_start3A_78 = tpu.memref_slice %arg2[%dma_start3A_76, %dma_start3A_77] : memref<10000x128xf32, #tpu.memory_space<hbm>> -> memref<10000x128xf32, #tpu.memory_space<hbm>>
    tpu.enqueue_indirect_dma source(%dma_start3A_78 : memref<10000x128xf32, #tpu.memory_space<hbm>>) target(%arg24 : memref<64x128xf32, #tpu.memory_space<vmem>>) offsets(%arg12 : memref<64xi32, #tpu.memory_space<vmem>>) semaphore(%arg36 : memref<!tpu.dma_semaphore, #tpu.memory_space<semaphore_mem>>)
    %dma_start3A_79 = arith.constant 3 : i32
    %dma_start3A_80 = arith.constant 0 : i32
    %dma_start3A_81 = tpu.memref_slice %arg3[%add3A, %dma_start3A_79, %dma_start3A_80] : memref<32x156x64xi32, #tpu.memory_space<hbm>> -> memref<1x1x64xi32, #tpu.memory_space<hbm>>
    %dma_start3A_82 = tpu.memref_squeeze %dma_start3A_81 : memref<1x1x64xi32, #tpu.memory_space<hbm>> -> memref<64xi32, #tpu.memory_space<hbm>>
    %dma_start3A_83 = arith.constant 0 : i32
    %dma_start3A_84 = tpu.memref_slice %arg3[%add3A, %dma_start3A_79, %dma_start3A_83] : memref<32x156x64xi32, #tpu.memory_space<hbm>> -> memref<1x1x64xi32, #tpu.memory_space<hbm>>
    %dma_start3A_85 = tpu.memref_squeeze %dma_start3A_84 : memref<1x1x64xi32, #tpu.memory_space<hbm>> -> memref<64xi32, #tpu.memory_space<hbm>>
    tpu.enqueue_dma source(%dma_start3A_85 : memref<64xi32, #tpu.memory_space<hbm>>) target(%arg14 : memref<64xi32, #tpu.memory_space<vmem>>) target_semaphore(%arg32 : memref<!tpu.dma_semaphore, #tpu.memory_space<semaphore_mem>>)
    %dma_start3A_86 = arith.constant 3 : i32
    %dma_start3A_87 = arith.constant 0 : i32
    %dma_start3A_88 = tpu.memref_slice %arg4[%add3A, %dma_start3A_86, %dma_start3A_87] : memref<32x156x64xi32, #tpu.memory_space<hbm>> -> memref<1x1x64xi32, #tpu.memory_space<hbm>>
    %dma_start3A_89 = tpu.memref_squeeze %dma_start3A_88 : memref<1x1x64xi32, #tpu.memory_space<hbm>> -> memref<64xi32, #tpu.memory_space<hbm>>
    %dma_start3A_90 = arith.constant 0 : i32
    %dma_start3A_91 = tpu.memref_slice %arg4[%add3A, %dma_start3A_86, %dma_start3A_90] : memref<32x156x64xi32, #tpu.memory_space<hbm>> -> memref<1x1x64xi32, #tpu.memory_space<hbm>>
    %dma_start3A_92 = tpu.memref_squeeze %dma_start3A_91 : memref<1x1x64xi32, #tpu.memory_space<hbm>> -> memref<64xi32, #tpu.memory_space<hbm>>
    tpu.enqueue_dma source(%dma_start3A_92 : memref<64xi32, #tpu.memory_space<hbm>>) target(%arg20 : memref<64xi32, #tpu.memory_space<vmem>>) target_semaphore(%arg32 : memref<!tpu.dma_semaphore, #tpu.memory_space<semaphore_mem>>)
    %dma_wait3A_93 = arith.constant 2 : i32
    %dma_wait3A_94 = arith.constant 0 : i32
    %dma_wait3A_95 = tpu.memref_slice %arg3[%add3A, %dma_wait3A_93, %dma_wait3A_94] : memref<32x156x64xi32, #tpu.memory_space<hbm>> -> memref<1x1x64xi32, #tpu.memory_space<hbm>>
    %dma_wait3A_96 = tpu.memref_squeeze %dma_wait3A_95 : memref<1x1x64xi32, #tpu.memory_space<hbm>> -> memref<64xi32, #tpu.memory_space<hbm>>
    %dma_wait3A_97 = arith.constant 0 : i32
    %dma_wait3A_98 = tpu.memref_slice %arg3[%add3A, %dma_wait3A_93, %dma_wait3A_97] : memref<32x156x64xi32, #tpu.memory_space<hbm>> -> memref<1x1x64xi32, #tpu.memory_space<hbm>>
    %dma_wait3A_99 = tpu.memref_squeeze %dma_wait3A_98 : memref<1x1x64xi32, #tpu.memory_space<hbm>> -> memref<64xi32, #tpu.memory_space<hbm>>
    tpu.wait_dma2 semaphore(%arg31 : memref<!tpu.dma_semaphore, #tpu.memory_space<semaphore_mem>>) src(%dma_wait3A_99 : memref<64xi32, #tpu.memory_space<hbm>>) dst(%arg13 : memref<64xi32, #tpu.memory_space<vmem>>)
    %dma_wait3A_100 = arith.constant 2 : i32
    %dma_wait3A_101 = arith.constant 0 : i32
    %dma_wait3A_102 = tpu.memref_slice %arg4[%add3A, %dma_wait3A_100, %dma_wait3A_101] : memref<32x156x64xi32, #tpu.memory_space<hbm>> -> memref<1x1x64xi32, #tpu.memory_space<hbm>>
    %dma_wait3A_103 = tpu.memref_squeeze %dma_wait3A_102 : memref<1x1x64xi32, #tpu.memory_space<hbm>> -> memref<64xi32, #tpu.memory_space<hbm>>
    %dma_wait3A_104 = arith.constant 0 : i32
    %dma_wait3A_105 = tpu.memref_slice %arg4[%add3A, %dma_wait3A_100, %dma_wait3A_104] : memref<32x156x64xi32, #tpu.memory_space<hbm>> -> memref<1x1x64xi32, #tpu.memory_space<hbm>>
    %dma_wait3A_106 = tpu.memref_squeeze %dma_wait3A_105 : memref<1x1x64xi32, #tpu.memory_space<hbm>> -> memref<64xi32, #tpu.memory_space<hbm>>
    tpu.wait_dma2 semaphore(%arg31 : memref<!tpu.dma_semaphore, #tpu.memory_space<semaphore_mem>>) src(%dma_wait3A_106 : memref<64xi32, #tpu.memory_space<hbm>>) dst(%arg19 : memref<64xi32, #tpu.memory_space<vmem>>)
    %dma_start3A_107 = arith.constant 0 : i32
    %dma_start3A_108 = arith.constant 0 : i32
    %dma_start3A_109 = tpu.memref_slice %arg2[%dma_start3A_107, %dma_start3A_108] : memref<10000x128xf32, #tpu.memory_space<hbm>> -> memref<10000x128xf32, #tpu.memory_space<hbm>>
    tpu.enqueue_indirect_dma source(%dma_start3A_109 : memref<10000x128xf32, #tpu.memory_space<hbm>>) target(%arg25 : memref<64x128xf32, #tpu.memory_space<vmem>>) offsets(%arg13 : memref<64xi32, #tpu.memory_space<vmem>>) semaphore(%arg37 : memref<!tpu.dma_semaphore, #tpu.memory_space<semaphore_mem>>)
    %dma_start3A_110 = arith.constant 4 : i32
    %dma_start3A_111 = arith.constant 0 : i32
    %dma_start3A_112 = tpu.memref_slice %arg3[%add3A, %dma_start3A_110, %dma_start3A_111] : memref<32x156x64xi32, #tpu.memory_space<hbm>> -> memref<1x1x64xi32, #tpu.memory_space<hbm>>
    %dma_start3A_113 = tpu.memref_squeeze %dma_start3A_112 : memref<1x1x64xi32, #tpu.memory_space<hbm>> -> memref<64xi32, #tpu.memory_space<hbm>>
    %dma_start3A_114 = arith.constant 0 : i32
    %dma_start3A_115 = tpu.memref_slice %arg3[%add3A, %dma_start3A_110, %dma_start3A_114] : memref<32x156x64xi32, #tpu.memory_space<hbm>> -> memref<1x1x64xi32, #tpu.memory_space<hbm>>
    %dma_start3A_116 = tpu.memref_squeeze %dma_start3A_115 : memref<1x1x64xi32, #tpu.memory_space<hbm>> -> memref<64xi32, #tpu.memory_space<hbm>>
    tpu.enqueue_dma source(%dma_start3A_116 : memref<64xi32, #tpu.memory_space<hbm>>) target(%arg15 : memref<64xi32, #tpu.memory_space<vmem>>) target_semaphore(%arg33 : memref<!tpu.dma_semaphore, #tpu.memory_space<semaphore_mem>>)
    %dma_start3A_117 = arith.constant 4 : i32
    %dma_start3A_118 = arith.constant 0 : i32
    %dma_start3A_119 = tpu.memref_slice %arg4[%add3A, %dma_start3A_117, %dma_start3A_118] : memref<32x156x64xi32, #tpu.memory_space<hbm>> -> memref<1x1x64xi32, #tpu.memory_space<hbm>>
    %dma_start3A_120 = tpu.memref_squeeze %dma_start3A_119 : memref<1x1x64xi32, #tpu.memory_space<hbm>> -> memref<64xi32, #tpu.memory_space<hbm>>
    %dma_start3A_121 = arith.constant 0 : i32
    %dma_start3A_122 = tpu.memref_slice %arg4[%add3A, %dma_start3A_117, %dma_start3A_121] : memref<32x156x64xi32, #tpu.memory_space<hbm>> -> memref<1x1x64xi32, #tpu.memory_space<hbm>>
    %dma_start3A_123 = tpu.memref_squeeze %dma_start3A_122 : memref<1x1x64xi32, #tpu.memory_space<hbm>> -> memref<64xi32, #tpu.memory_space<hbm>>
    tpu.enqueue_dma source(%dma_start3A_123 : memref<64xi32, #tpu.memory_space<hbm>>) target(%arg21 : memref<64xi32, #tpu.memory_space<vmem>>) target_semaphore(%arg33 : memref<!tpu.dma_semaphore, #tpu.memory_space<semaphore_mem>>)
    %dma_wait3A_124 = arith.constant 3 : i32
    %dma_wait3A_125 = arith.constant 0 : i32
    %dma_wait3A_126 = tpu.memref_slice %arg3[%add3A, %dma_wait3A_124, %dma_wait3A_125] : memref<32x156x64xi32, #tpu.memory_space<hbm>> -> memref<1x1x64xi32, #tpu.memory_space<hbm>>
    %dma_wait3A_127 = tpu.memref_squeeze %dma_wait3A_126 : memref<1x1x64xi32, #tpu.memory_space<hbm>> -> memref<64xi32, #tpu.memory_space<hbm>>
    %dma_wait3A_128 = arith.constant 0 : i32
    %dma_wait3A_129 = tpu.memref_slice %arg3[%add3A, %dma_wait3A_124, %dma_wait3A_128] : memref<32x156x64xi32, #tpu.memory_space<hbm>> -> memref<1x1x64xi32, #tpu.memory_space<hbm>>
    %dma_wait3A_130 = tpu.memref_squeeze %dma_wait3A_129 : memref<1x1x64xi32, #tpu.memory_space<hbm>> -> memref<64xi32, #tpu.memory_space<hbm>>
    tpu.wait_dma2 semaphore(%arg32 : memref<!tpu.dma_semaphore, #tpu.memory_space<semaphore_mem>>) src(%dma_wait3A_130 : memref<64xi32, #tpu.memory_space<hbm>>) dst(%arg14 : memref<64xi32, #tpu.memory_space<vmem>>)
    %dma_wait3A_131 = arith.constant 3 : i32
    %dma_wait3A_132 = arith.constant 0 : i32
    %dma_wait3A_133 = tpu.memref_slice %arg4[%add3A, %dma_wait3A_131, %dma_wait3A_132] : memref<32x156x64xi32, #tpu.memory_space<hbm>> -> memref<1x1x64xi32, #tpu.memory_space<hbm>>
    %dma_wait3A_134 = tpu.memref_squeeze %dma_wait3A_133 : memref<1x1x64xi32, #tpu.memory_space<hbm>> -> memref<64xi32, #tpu.memory_space<hbm>>
    %dma_wait3A_135 = arith.constant 0 : i32
    %dma_wait3A_136 = tpu.memref_slice %arg4[%add3A, %dma_wait3A_131, %dma_wait3A_135] : memref<32x156x64xi32, #tpu.memory_space<hbm>> -> memref<1x1x64xi32, #tpu.memory_space<hbm>>
    %dma_wait3A_137 = tpu.memref_squeeze %dma_wait3A_136 : memref<1x1x64xi32, #tpu.memory_space<hbm>> -> memref<64xi32, #tpu.memory_space<hbm>>
    tpu.wait_dma2 semaphore(%arg32 : memref<!tpu.dma_semaphore, #tpu.memory_space<semaphore_mem>>) src(%dma_wait3A_137 : memref<64xi32, #tpu.memory_space<hbm>>) dst(%arg20 : memref<64xi32, #tpu.memory_space<vmem>>)
    %dma_start3A_138 = arith.constant 0 : i32
    %dma_start3A_139 = arith.constant 0 : i32
    %dma_start3A_140 = tpu.memref_slice %arg2[%dma_start3A_138, %dma_start3A_139] : memref<10000x128xf32, #tpu.memory_space<hbm>> -> memref<10000x128xf32, #tpu.memory_space<hbm>>
    tpu.enqueue_indirect_dma source(%dma_start3A_140 : memref<10000x128xf32, #tpu.memory_space<hbm>>) target(%arg26 : memref<64x128xf32, #tpu.memory_space<vmem>>) offsets(%arg14 : memref<64xi32, #tpu.memory_space<vmem>>) semaphore(%arg38 : memref<!tpu.dma_semaphore, #tpu.memory_space<semaphore_mem>>)
    %dma_wait3A_141 = arith.constant 0 : i32
    %dma_wait3A_142 = arith.constant 0 : i32
    %dma_wait3A_143 = tpu.memref_slice %arg2[%dma_wait3A_141, %dma_wait3A_142] : memref<10000x128xf32, #tpu.memory_space<hbm>> -> memref<10000x128xf32, #tpu.memory_space<hbm>>
    tpu.wait_indirect_dma semaphore(%arg35 : memref<!tpu.dma_semaphore, #tpu.memory_space<semaphore_mem>>) src(%dma_wait3A_143 : memref<10000x128xf32, #tpu.memory_space<hbm>>) dst(%arg23 : memref<64x128xf32, #tpu.memory_space<vmem>>)
    %dma_start3A_144 = arith.constant 0 : i32
    %dma_start3A_145 = arith.constant 0 : i32
    %dma_start3A_146 = tpu.memref_slice %arg8[%dma_start3A_144, %dma_start3A_145] : memref<10000x128xf32, #tpu.memory_space<vmem_shared>> -> memref<10000x128xf32, #tpu.memory_space<vmem_shared>>
    tpu.enqueue_indirect_dma source(%arg23 : memref<64x128xf32, #tpu.memory_space<vmem>>) target(%dma_start3A_146 : memref<10000x128xf32, #tpu.memory_space<vmem_shared>>) offsets(%arg17 : memref<64xi32, #tpu.memory_space<vmem>>) semaphore(%arg41 : memref<!tpu.dma_semaphore, #tpu.memory_space<semaphore_mem>>) {add = true}
    %dma_start3A_147 = arith.constant 5 : i32
    %dma_start3A_148 = arith.constant 0 : i32
    %dma_start3A_149 = tpu.memref_slice %arg3[%add3A, %dma_start3A_147, %dma_start3A_148] : memref<32x156x64xi32, #tpu.memory_space<hbm>> -> memref<1x1x64xi32, #tpu.memory_space<hbm>>
    %dma_start3A_150 = tpu.memref_squeeze %dma_start3A_149 : memref<1x1x64xi32, #tpu.memory_space<hbm>> -> memref<64xi32, #tpu.memory_space<hbm>>
    %dma_start3A_151 = arith.constant 0 : i32
    %dma_start3A_152 = tpu.memref_slice %arg3[%add3A, %dma_start3A_147, %dma_start3A_151] : memref<32x156x64xi32, #tpu.memory_space<hbm>> -> memref<1x1x64xi32, #tpu.memory_space<hbm>>
    %dma_start3A_153 = tpu.memref_squeeze %dma_start3A_152 : memref<1x1x64xi32, #tpu.memory_space<hbm>> -> memref<64xi32, #tpu.memory_space<hbm>>
    tpu.enqueue_dma source(%dma_start3A_153 : memref<64xi32, #tpu.memory_space<hbm>>) target(%arg16 : memref<64xi32, #tpu.memory_space<vmem>>) target_semaphore(%arg34 : memref<!tpu.dma_semaphore, #tpu.memory_space<semaphore_mem>>)
    %dma_start3A_154 = arith.constant 5 : i32
    %dma_start3A_155 = arith.constant 0 : i32
    %dma_start3A_156 = tpu.memref_slice %arg4[%add3A, %dma_start3A_154, %dma_start3A_155] : memref<32x156x64xi32, #tpu.memory_space<hbm>> -> memref<1x1x64xi32, #tpu.memory_space<hbm>>
    %dma_start3A_157 = tpu.memref_squeeze %dma_start3A_156 : memref<1x1x64xi32, #tpu.memory_space<hbm>> -> memref<64xi32, #tpu.memory_space<hbm>>
    %dma_start3A_158 = arith.constant 0 : i32
    %dma_start3A_159 = tpu.memref_slice %arg4[%add3A, %dma_start3A_154, %dma_start3A_158] : memref<32x156x64xi32, #tpu.memory_space<hbm>> -> memref<1x1x64xi32, #tpu.memory_space<hbm>>
    %dma_start3A_160 = tpu.memref_squeeze %dma_start3A_159 : memref<1x1x64xi32, #tpu.memory_space<hbm>> -> memref<64xi32, #tpu.memory_space<hbm>>
    tpu.enqueue_dma source(%dma_start3A_160 : memref<64xi32, #tpu.memory_space<hbm>>) target(%arg22 : memref<64xi32, #tpu.memory_space<vmem>>) target_semaphore(%arg34 : memref<!tpu.dma_semaphore, #tpu.memory_space<semaphore_mem>>)
    %dma_wait3A_161 = arith.constant 4 : i32
    %dma_wait3A_162 = arith.constant 0 : i32
    %dma_wait3A_163 = tpu.memref_slice %arg3[%add3A, %dma_wait3A_161, %dma_wait3A_162] : memref<32x156x64xi32, #tpu.memory_space<hbm>> -> memref<1x1x64xi32, #tpu.memory_space<hbm>>
    %dma_wait3A_164 = tpu.memref_squeeze %dma_wait3A_163 : memref<1x1x64xi32, #tpu.memory_space<hbm>> -> memref<64xi32, #tpu.memory_space<hbm>>
    %dma_wait3A_165 = arith.constant 0 : i32
    %dma_wait3A_166 = tpu.memref_slice %arg3[%add3A, %dma_wait3A_161, %dma_wait3A_165] : memref<32x156x64xi32, #tpu.memory_space<hbm>> -> memref<1x1x64xi32, #tpu.memory_space<hbm>>
    %dma_wait3A_167 = tpu.memref_squeeze %dma_wait3A_166 : memref<1x1x64xi32, #tpu.memory_space<hbm>> -> memref<64xi32, #tpu.memory_space<hbm>>
    tpu.wait_dma2 semaphore(%arg33 : memref<!tpu.dma_semaphore, #tpu.memory_space<semaphore_mem>>) src(%dma_wait3A_167 : memref<64xi32, #tpu.memory_space<hbm>>) dst(%arg15 : memref<64xi32, #tpu.memory_space<vmem>>)
    %dma_wait3A_168 = arith.constant 4 : i32
    %dma_wait3A_169 = arith.constant 0 : i32
    %dma_wait3A_170 = tpu.memref_slice %arg4[%add3A, %dma_wait3A_168, %dma_wait3A_169] : memref<32x156x64xi32, #tpu.memory_space<hbm>> -> memref<1x1x64xi32, #tpu.memory_space<hbm>>
    %dma_wait3A_171 = tpu.memref_squeeze %dma_wait3A_170 : memref<1x1x64xi32, #tpu.memory_space<hbm>> -> memref<64xi32, #tpu.memory_space<hbm>>
    %dma_wait3A_172 = arith.constant 0 : i32
    %dma_wait3A_173 = tpu.memref_slice %arg4[%add3A, %dma_wait3A_168, %dma_wait3A_172] : memref<32x156x64xi32, #tpu.memory_space<hbm>> -> memref<1x1x64xi32, #tpu.memory_space<hbm>>
    %dma_wait3A_174 = tpu.memref_squeeze %dma_wait3A_173 : memref<1x1x64xi32, #tpu.memory_space<hbm>> -> memref<64xi32, #tpu.memory_space<hbm>>
    tpu.wait_dma2 semaphore(%arg33 : memref<!tpu.dma_semaphore, #tpu.memory_space<semaphore_mem>>) src(%dma_wait3A_174 : memref<64xi32, #tpu.memory_space<hbm>>) dst(%arg21 : memref<64xi32, #tpu.memory_space<vmem>>)
    %dma_start3A_175 = arith.constant 0 : i32
    %dma_start3A_176 = arith.constant 0 : i32
    %dma_start3A_177 = tpu.memref_slice %arg2[%dma_start3A_175, %dma_start3A_176] : memref<10000x128xf32, #tpu.memory_space<hbm>> -> memref<10000x128xf32, #tpu.memory_space<hbm>>
    tpu.enqueue_indirect_dma source(%dma_start3A_177 : memref<10000x128xf32, #tpu.memory_space<hbm>>) target(%arg27 : memref<64x128xf32, #tpu.memory_space<vmem>>) offsets(%arg15 : memref<64xi32, #tpu.memory_space<vmem>>) semaphore(%arg39 : memref<!tpu.dma_semaphore, #tpu.memory_space<semaphore_mem>>)
    %dma_wait3A_178 = arith.constant 0 : i32
    %dma_wait3A_179 = arith.constant 0 : i32
    %dma_wait3A_180 = tpu.memref_slice %arg2[%dma_wait3A_178, %dma_wait3A_179] : memref<10000x128xf32, #tpu.memory_space<hbm>> -> memref<10000x128xf32, #tpu.memory_space<hbm>>
    tpu.wait_indirect_dma semaphore(%arg36 : memref<!tpu.dma_semaphore, #tpu.memory_space<semaphore_mem>>) src(%dma_wait3A_180 : memref<10000x128xf32, #tpu.memory_space<hbm>>) dst(%arg24 : memref<64x128xf32, #tpu.memory_space<vmem>>)
    %dma_start3A_181 = arith.constant 0 : i32
    %dma_start3A_182 = arith.constant 0 : i32
    %dma_start3A_183 = tpu.memref_slice %arg8[%dma_start3A_181, %dma_start3A_182] : memref<10000x128xf32, #tpu.memory_space<vmem_shared>> -> memref<10000x128xf32, #tpu.memory_space<vmem_shared>>
    tpu.enqueue_indirect_dma source(%arg24 : memref<64x128xf32, #tpu.memory_space<vmem>>) target(%dma_start3A_183 : memref<10000x128xf32, #tpu.memory_space<vmem_shared>>) offsets(%arg18 : memref<64xi32, #tpu.memory_space<vmem>>) semaphore(%arg42 : memref<!tpu.dma_semaphore, #tpu.memory_space<semaphore_mem>>) {add = true}
    %scan3A = arith.constant 0 : i32
    %scan3A_184 = arith.constant 0 : i32
    %scan3A_185 = arith.constant 25 : i32
    %scan3A_186 = arith.addi %scan3A_184, %scan3A_185 : i32
    %scan3A_187 = arith.constant 1 : i32
    scf.for %scan3A_266 = %scan3A_184 to %scan3A_186 step %scan3A_187  : i32 {
      %mul3A_267 = arith.constant 6 : i32
      %mul3A_268 = arith.muli %mul3A_267, %scan3A_266 : i32
      %add3A_269 = arith.constant 6 : i32
      %add3A_270 = arith.addi %add3A_269, %mul3A_268 : i32
      %add3A_271 = arith.constant 0 : i32
      %add3A_272 = arith.addi %add3A_270, %add3A_271 : i32
      %dma_wait3A_273 = arith.constant 0 : i32
      %dma_wait3A_274 = arith.constant 0 : i32
      %dma_wait3A_275 = tpu.memref_slice %arg8[%dma_wait3A_273, %dma_wait3A_274] : memref<10000x128xf32, #tpu.memory_space<vmem_shared>> -> memref<10000x128xf32, #tpu.memory_space<vmem_shared>>
      tpu.wait_indirect_dma semaphore(%arg41 : memref<!tpu.dma_semaphore, #tpu.memory_space<semaphore_mem>>) src(%arg23 : memref<64x128xf32, #tpu.memory_space<vmem>>) dst(%dma_wait3A_275 : memref<10000x128xf32, #tpu.memory_space<vmem_shared>>)
      %dma_start3A_276 = arith.constant 0 : i32
      %dma_start3A_277 = tpu.memref_slice %arg3[%add3A, %add3A_272, %dma_start3A_276] : memref<32x156x64xi32, #tpu.memory_space<hbm>> -> memref<1x1x64xi32, #tpu.memory_space<hbm>>
      %dma_start3A_278 = tpu.memref_squeeze %dma_start3A_277 : memref<1x1x64xi32, #tpu.memory_space<hbm>> -> memref<64xi32, #tpu.memory_space<hbm>>
      %dma_start3A_279 = arith.constant 0 : i32
      %dma_start3A_280 = tpu.memref_slice %arg3[%add3A, %add3A_272, %dma_start3A_279] : memref<32x156x64xi32, #tpu.memory_space<hbm>> -> memref<1x1x64xi32, #tpu.memory_space<hbm>>
      %dma_start3A_281 = tpu.memref_squeeze %dma_start3A_280 : memref<1x1x64xi32, #tpu.memory_space<hbm>> -> memref<64xi32, #tpu.memory_space<hbm>>
      tpu.enqueue_dma source(%dma_start3A_281 : memref<64xi32, #tpu.memory_space<hbm>>) target(%arg11 : memref<64xi32, #tpu.memory_space<vmem>>) target_semaphore(%arg29 : memref<!tpu.dma_semaphore, #tpu.memory_space<semaphore_mem>>)
      %dma_start3A_282 = arith.constant 0 : i32
      %dma_start3A_283 = tpu.memref_slice %arg4[%add3A, %add3A_272, %dma_start3A_282] : memref<32x156x64xi32, #tpu.memory_space<hbm>> -> memref<1x1x64xi32, #tpu.memory_space<hbm>>
      %dma_start3A_284 = tpu.memref_squeeze %dma_start3A_283 : memref<1x1x64xi32, #tpu.memory_space<hbm>> -> memref<64xi32, #tpu.memory_space<hbm>>
      %dma_start3A_285 = arith.constant 0 : i32
      %dma_start3A_286 = tpu.memref_slice %arg4[%add3A, %add3A_272, %dma_start3A_285] : memref<32x156x64xi32, #tpu.memory_space<hbm>> -> memref<1x1x64xi32, #tpu.memory_space<hbm>>
      %dma_start3A_287 = tpu.memref_squeeze %dma_start3A_286 : memref<1x1x64xi32, #tpu.memory_space<hbm>> -> memref<64xi32, #tpu.memory_space<hbm>>
      tpu.enqueue_dma source(%dma_start3A_287 : memref<64xi32, #tpu.memory_space<hbm>>) target(%arg17 : memref<64xi32, #tpu.memory_space<vmem>>) target_semaphore(%arg29 : memref<!tpu.dma_semaphore, #tpu.memory_space<semaphore_mem>>)
      %sub3A = arith.constant 1 : i32
      %sub3A_288 = arith.subi %add3A_272, %sub3A : i32
      %dma_wait3A_289 = arith.constant 0 : i32
      %dma_wait3A_290 = tpu.memref_slice %arg3[%add3A, %sub3A_288, %dma_wait3A_289] : memref<32x156x64xi32, #tpu.memory_space<hbm>> -> memref<1x1x64xi32, #tpu.memory_space<hbm>>
      %dma_wait3A_291 = tpu.memref_squeeze %dma_wait3A_290 : memref<1x1x64xi32, #tpu.memory_space<hbm>> -> memref<64xi32, #tpu.memory_space<hbm>>
      %dma_wait3A_292 = arith.constant 0 : i32
      %dma_wait3A_293 = tpu.memref_slice %arg3[%add3A, %sub3A_288, %dma_wait3A_292] : memref<32x156x64xi32, #tpu.memory_space<hbm>> -> memref<1x1x64xi32, #tpu.memory_space<hbm>>
      %dma_wait3A_294 = tpu.memref_squeeze %dma_wait3A_293 : memref<1x1x64xi32, #tpu.memory_space<hbm>> -> memref<64xi32, #tpu.memory_space<hbm>>
      tpu.wait_dma2 semaphore(%arg34 : memref<!tpu.dma_semaphore, #tpu.memory_space<semaphore_mem>>) src(%dma_wait3A_294 : memref<64xi32, #tpu.memory_space<hbm>>) dst(%arg16 : memref<64xi32, #tpu.memory_space<vmem>>)
      %dma_wait3A_295 = arith.constant 0 : i32
      %dma_wait3A_296 = tpu.memref_slice %arg4[%add3A, %sub3A_288, %dma_wait3A_295] : memref<32x156x64xi32, #tpu.memory_space<hbm>> -> memref<1x1x64xi32, #tpu.memory_space<hbm>>
      %dma_wait3A_297 = tpu.memref_squeeze %dma_wait3A_296 : memref<1x1x64xi32, #tpu.memory_space<hbm>> -> memref<64xi32, #tpu.memory_space<hbm>>
      %dma_wait3A_298 = arith.constant 0 : i32
      %dma_wait3A_299 = tpu.memref_slice %arg4[%add3A, %sub3A_288, %dma_wait3A_298] : memref<32x156x64xi32, #tpu.memory_space<hbm>> -> memref<1x1x64xi32, #tpu.memory_space<hbm>>
      %dma_wait3A_300 = tpu.memref_squeeze %dma_wait3A_299 : memref<1x1x64xi32, #tpu.memory_space<hbm>> -> memref<64xi32, #tpu.memory_space<hbm>>
      tpu.wait_dma2 semaphore(%arg34 : memref<!tpu.dma_semaphore, #tpu.memory_space<semaphore_mem>>) src(%dma_wait3A_300 : memref<64xi32, #tpu.memory_space<hbm>>) dst(%arg22 : memref<64xi32, #tpu.memory_space<vmem>>)
      %dma_start3A_301 = arith.constant 0 : i32
      %dma_start3A_302 = arith.constant 0 : i32
      %dma_start3A_303 = tpu.memref_slice %arg2[%dma_start3A_301, %dma_start3A_302] : memref<10000x128xf32, #tpu.memory_space<hbm>> -> memref<10000x128xf32, #tpu.memory_space<hbm>>
      tpu.enqueue_indirect_dma source(%dma_start3A_303 : memref<10000x128xf32, #tpu.memory_space<hbm>>) target(%arg28 : memref<64x128xf32, #tpu.memory_space<vmem>>) offsets(%arg16 : memref<64xi32, #tpu.memory_space<vmem>>) semaphore(%arg40 : memref<!tpu.dma_semaphore, #tpu.memory_space<semaphore_mem>>)
      %dma_wait3A_304 = arith.constant 0 : i32
      %dma_wait3A_305 = arith.constant 0 : i32
      %dma_wait3A_306 = tpu.memref_slice %arg2[%dma_wait3A_304, %dma_wait3A_305] : memref<10000x128xf32, #tpu.memory_space<hbm>> -> memref<10000x128xf32, #tpu.memory_space<hbm>>
      tpu.wait_indirect_dma semaphore(%arg37 : memref<!tpu.dma_semaphore, #tpu.memory_space<semaphore_mem>>) src(%dma_wait3A_306 : memref<10000x128xf32, #tpu.memory_space<hbm>>) dst(%arg25 : memref<64x128xf32, #tpu.memory_space<vmem>>)
      %dma_start3A_307 = arith.constant 0 : i32
      %dma_start3A_308 = arith.constant 0 : i32
      %dma_start3A_309 = tpu.memref_slice %arg8[%dma_start3A_307, %dma_start3A_308] : memref<10000x128xf32, #tpu.memory_space<vmem_shared>> -> memref<10000x128xf32, #tpu.memory_space<vmem_shared>>
      tpu.enqueue_indirect_dma source(%arg25 : memref<64x128xf32, #tpu.memory_space<vmem>>) target(%dma_start3A_309 : memref<10000x128xf32, #tpu.memory_space<vmem_shared>>) offsets(%arg19 : memref<64xi32, #tpu.memory_space<vmem>>) semaphore(%arg43 : memref<!tpu.dma_semaphore, #tpu.memory_space<semaphore_mem>>) {add = true}
      %add3A_310 = arith.constant 1 : i32
      %add3A_311 = arith.addi %add3A_270, %add3A_310 : i32
      %dma_wait3A_312 = arith.constant 0 : i32
      %dma_wait3A_313 = arith.constant 0 : i32
      %dma_wait3A_314 = tpu.memref_slice %arg8[%dma_wait3A_312, %dma_wait3A_313] : memref<10000x128xf32, #tpu.memory_space<vmem_shared>> -> memref<10000x128xf32, #tpu.memory_space<vmem_shared>>
      tpu.wait_indirect_dma semaphore(%arg42 : memref<!tpu.dma_semaphore, #tpu.memory_space<semaphore_mem>>) src(%arg24 : memref<64x128xf32, #tpu.memory_space<vmem>>) dst(%dma_wait3A_314 : memref<10000x128xf32, #tpu.memory_space<vmem_shared>>)
      %dma_start3A_315 = arith.constant 0 : i32
      %dma_start3A_316 = tpu.memref_slice %arg3[%add3A, %add3A_311, %dma_start3A_315] : memref<32x156x64xi32, #tpu.memory_space<hbm>> -> memref<1x1x64xi32, #tpu.memory_space<hbm>>
      %dma_start3A_317 = tpu.memref_squeeze %dma_start3A_316 : memref<1x1x64xi32, #tpu.memory_space<hbm>> -> memref<64xi32, #tpu.memory_space<hbm>>
      %dma_start3A_318 = arith.constant 0 : i32
      %dma_start3A_319 = tpu.memref_slice %arg3[%add3A, %add3A_311, %dma_start3A_318] : memref<32x156x64xi32, #tpu.memory_space<hbm>> -> memref<1x1x64xi32, #tpu.memory_space<hbm>>
      %dma_start3A_320 = tpu.memref_squeeze %dma_start3A_319 : memref<1x1x64xi32, #tpu.memory_space<hbm>> -> memref<64xi32, #tpu.memory_space<hbm>>
      tpu.enqueue_dma source(%dma_start3A_320 : memref<64xi32, #tpu.memory_space<hbm>>) target(%arg12 : memref<64xi32, #tpu.memory_space<vmem>>) target_semaphore(%arg30 : memref<!tpu.dma_semaphore, #tpu.memory_space<semaphore_mem>>)
      %dma_start3A_321 = arith.constant 0 : i32
      %dma_start3A_322 = tpu.memref_slice %arg4[%add3A, %add3A_311, %dma_start3A_321] : memref<32x156x64xi32, #tpu.memory_space<hbm>> -> memref<1x1x64xi32, #tpu.memory_space<hbm>>
      %dma_start3A_323 = tpu.memref_squeeze %dma_start3A_322 : memref<1x1x64xi32, #tpu.memory_space<hbm>> -> memref<64xi32, #tpu.memory_space<hbm>>
      %dma_start3A_324 = arith.constant 0 : i32
      %dma_start3A_325 = tpu.memref_slice %arg4[%add3A, %add3A_311, %dma_start3A_324] : memref<32x156x64xi32, #tpu.memory_space<hbm>> -> memref<1x1x64xi32, #tpu.memory_space<hbm>>
      %dma_start3A_326 = tpu.memref_squeeze %dma_start3A_325 : memref<1x1x64xi32, #tpu.memory_space<hbm>> -> memref<64xi32, #tpu.memory_space<hbm>>
      tpu.enqueue_dma source(%dma_start3A_326 : memref<64xi32, #tpu.memory_space<hbm>>) target(%arg18 : memref<64xi32, #tpu.memory_space<vmem>>) target_semaphore(%arg30 : memref<!tpu.dma_semaphore, #tpu.memory_space<semaphore_mem>>)
      %sub3A_327 = arith.constant 1 : i32
      %sub3A_328 = arith.subi %add3A_311, %sub3A_327 : i32
      %dma_wait3A_329 = arith.constant 0 : i32
      %dma_wait3A_330 = tpu.memref_slice %arg3[%add3A, %sub3A_328, %dma_wait3A_329] : memref<32x156x64xi32, #tpu.memory_space<hbm>> -> memref<1x1x64xi32, #tpu.memory_space<hbm>>
      %dma_wait3A_331 = tpu.memref_squeeze %dma_wait3A_330 : memref<1x1x64xi32, #tpu.memory_space<hbm>> -> memref<64xi32, #tpu.memory_space<hbm>>
      %dma_wait3A_332 = arith.constant 0 : i32
      %dma_wait3A_333 = tpu.memref_slice %arg3[%add3A, %sub3A_328, %dma_wait3A_332] : memref<32x156x64xi32, #tpu.memory_space<hbm>> -> memref<1x1x64xi32, #tpu.memory_space<hbm>>
      %dma_wait3A_334 = tpu.memref_squeeze %dma_wait3A_333 : memref<1x1x64xi32, #tpu.memory_space<hbm>> -> memref<64xi32, #tpu.memory_space<hbm>>
      tpu.wait_dma2 semaphore(%arg29 : memref<!tpu.dma_semaphore, #tpu.memory_space<semaphore_mem>>) src(%dma_wait3A_334 : memref<64xi32, #tpu.memory_space<hbm>>) dst(%arg11 : memref<64xi32, #tpu.memory_space<vmem>>)
      %dma_wait3A_335 = arith.constant 0 : i32
      %dma_wait3A_336 = tpu.memref_slice %arg4[%add3A, %sub3A_328, %dma_wait3A_335] : memref<32x156x64xi32, #tpu.memory_space<hbm>> -> memref<1x1x64xi32, #tpu.memory_space<hbm>>
      %dma_wait3A_337 = tpu.memref_squeeze %dma_wait3A_336 : memref<1x1x64xi32, #tpu.memory_space<hbm>> -> memref<64xi32, #tpu.memory_space<hbm>>
      %dma_wait3A_338 = arith.constant 0 : i32
      %dma_wait3A_339 = tpu.memref_slice %arg4[%add3A, %sub3A_328, %dma_wait3A_338] : memref<32x156x64xi32, #tpu.memory_space<hbm>> -> memref<1x1x64xi32, #tpu.memory_space<hbm>>
      %dma_wait3A_340 = tpu.memref_squeeze %dma_wait3A_339 : memref<1x1x64xi32, #tpu.memory_space<hbm>> -> memref<64xi32, #tpu.memory_space<hbm>>
      tpu.wait_dma2 semaphore(%arg29 : memref<!tpu.dma_semaphore, #tpu.memory_space<semaphore_mem>>) src(%dma_wait3A_340 : memref<64xi32, #tpu.memory_space<hbm>>) dst(%arg17 : memref<64xi32, #tpu.memory_space<vmem>>)
      %dma_start3A_341 = arith.constant 0 : i32
      %dma_start3A_342 = arith.constant 0 : i32
      %dma_start3A_343 = tpu.memref_slice %arg2[%dma_start3A_341, %dma_start3A_342] : memref<10000x128xf32, #tpu.memory_space<hbm>> -> memref<10000x128xf32, #tpu.memory_space<hbm>>
      tpu.enqueue_indirect_dma source(%dma_start3A_343 : memref<10000x128xf32, #tpu.memory_space<hbm>>) target(%arg23 : memref<64x128xf32, #tpu.memory_space<vmem>>) offsets(%arg11 : memref<64xi32, #tpu.memory_space<vmem>>) semaphore(%arg35 : memref<!tpu.dma_semaphore, #tpu.memory_space<semaphore_mem>>)
      %dma_wait3A_344 = arith.constant 0 : i32
      %dma_wait3A_345 = arith.constant 0 : i32
      %dma_wait3A_346 = tpu.memref_slice %arg2[%dma_wait3A_344, %dma_wait3A_345] : memref<10000x128xf32, #tpu.memory_space<hbm>> -> memref<10000x128xf32, #tpu.memory_space<hbm>>
      tpu.wait_indirect_dma semaphore(%arg38 : memref<!tpu.dma_semaphore, #tpu.memory_space<semaphore_mem>>) src(%dma_wait3A_346 : memref<10000x128xf32, #tpu.memory_space<hbm>>) dst(%arg26 : memref<64x128xf32, #tpu.memory_space<vmem>>)
      %dma_start3A_347 = arith.constant 0 : i32
      %dma_start3A_348 = arith.constant 0 : i32
      %dma_start3A_349 = tpu.memref_slice %arg8[%dma_start3A_347, %dma_start3A_348] : memref<10000x128xf32, #tpu.memory_space<vmem_shared>> -> memref<10000x128xf32, #tpu.memory_space<vmem_shared>>
      tpu.enqueue_indirect_dma source(%arg26 : memref<64x128xf32, #tpu.memory_space<vmem>>) target(%dma_start3A_349 : memref<10000x128xf32, #tpu.memory_space<vmem_shared>>) offsets(%arg20 : memref<64xi32, #tpu.memory_space<vmem>>) semaphore(%arg44 : memref<!tpu.dma_semaphore, #tpu.memory_space<semaphore_mem>>) {add = true}
      %add3A_350 = arith.constant 2 : i32
      %add3A_351 = arith.addi %add3A_270, %add3A_350 : i32
      %dma_wait3A_352 = arith.constant 0 : i32
      %dma_wait3A_353 = arith.constant 0 : i32
      %dma_wait3A_354 = tpu.memref_slice %arg8[%dma_wait3A_352, %dma_wait3A_353] : memref<10000x128xf32, #tpu.memory_space<vmem_shared>> -> memref<10000x128xf32, #tpu.memory_space<vmem_shared>>
      tpu.wait_indirect_dma semaphore(%arg43 : memref<!tpu.dma_semaphore, #tpu.memory_space<semaphore_mem>>) src(%arg25 : memref<64x128xf32, #tpu.memory_space<vmem>>) dst(%dma_wait3A_354 : memref<10000x128xf32, #tpu.memory_space<vmem_shared>>)
      %dma_start3A_355 = arith.constant 0 : i32
      %dma_start3A_356 = tpu.memref_slice %arg3[%add3A, %add3A_351, %dma_start3A_355] : memref<32x156x64xi32, #tpu.memory_space<hbm>> -> memref<1x1x64xi32, #tpu.memory_space<hbm>>
      %dma_start3A_357 = tpu.memref_squeeze %dma_start3A_356 : memref<1x1x64xi32, #tpu.memory_space<hbm>> -> memref<64xi32, #tpu.memory_space<hbm>>
      %dma_start3A_358 = arith.constant 0 : i32
      %dma_start3A_359 = tpu.memref_slice %arg3[%add3A, %add3A_351, %dma_start3A_358] : memref<32x156x64xi32, #tpu.memory_space<hbm>> -> memref<1x1x64xi32, #tpu.memory_space<hbm>>
      %dma_start3A_360 = tpu.memref_squeeze %dma_start3A_359 : memref<1x1x64xi32, #tpu.memory_space<hbm>> -> memref<64xi32, #tpu.memory_space<hbm>>
      tpu.enqueue_dma source(%dma_start3A_360 : memref<64xi32, #tpu.memory_space<hbm>>) target(%arg13 : memref<64xi32, #tpu.memory_space<vmem>>) target_semaphore(%arg31 : memref<!tpu.dma_semaphore, #tpu.memory_space<semaphore_mem>>)
      %dma_start3A_361 = arith.constant 0 : i32
      %dma_start3A_362 = tpu.memref_slice %arg4[%add3A, %add3A_351, %dma_start3A_361] : memref<32x156x64xi32, #tpu.memory_space<hbm>> -> memref<1x1x64xi32, #tpu.memory_space<hbm>>
      %dma_start3A_363 = tpu.memref_squeeze %dma_start3A_362 : memref<1x1x64xi32, #tpu.memory_space<hbm>> -> memref<64xi32, #tpu.memory_space<hbm>>
      %dma_start3A_364 = arith.constant 0 : i32
      %dma_start3A_365 = tpu.memref_slice %arg4[%add3A, %add3A_351, %dma_start3A_364] : memref<32x156x64xi32, #tpu.memory_space<hbm>> -> memref<1x1x64xi32, #tpu.memory_space<hbm>>
      %dma_start3A_366 = tpu.memref_squeeze %dma_start3A_365 : memref<1x1x64xi32, #tpu.memory_space<hbm>> -> memref<64xi32, #tpu.memory_space<hbm>>
      tpu.enqueue_dma source(%dma_start3A_366 : memref<64xi32, #tpu.memory_space<hbm>>) target(%arg19 : memref<64xi32, #tpu.memory_space<vmem>>) target_semaphore(%arg31 : memref<!tpu.dma_semaphore, #tpu.memory_space<semaphore_mem>>)
      %sub3A_367 = arith.constant 1 : i32
      %sub3A_368 = arith.subi %add3A_351, %sub3A_367 : i32
      %dma_wait3A_369 = arith.constant 0 : i32
      %dma_wait3A_370 = tpu.memref_slice %arg3[%add3A, %sub3A_368, %dma_wait3A_369] : memref<32x156x64xi32, #tpu.memory_space<hbm>> -> memref<1x1x64xi32, #tpu.memory_space<hbm>>
      %dma_wait3A_371 = tpu.memref_squeeze %dma_wait3A_370 : memref<1x1x64xi32, #tpu.memory_space<hbm>> -> memref<64xi32, #tpu.memory_space<hbm>>
      %dma_wait3A_372 = arith.constant 0 : i32
      %dma_wait3A_373 = tpu.memref_slice %arg3[%add3A, %sub3A_368, %dma_wait3A_372] : memref<32x156x64xi32, #tpu.memory_space<hbm>> -> memref<1x1x64xi32, #tpu.memory_space<hbm>>
      %dma_wait3A_374 = tpu.memref_squeeze %dma_wait3A_373 : memref<1x1x64xi32, #tpu.memory_space<hbm>> -> memref<64xi32, #tpu.memory_space<hbm>>
      tpu.wait_dma2 semaphore(%arg30 : memref<!tpu.dma_semaphore, #tpu.memory_space<semaphore_mem>>) src(%dma_wait3A_374 : memref<64xi32, #tpu.memory_space<hbm>>) dst(%arg12 : memref<64xi32, #tpu.memory_space<vmem>>)
      %dma_wait3A_375 = arith.constant 0 : i32
      %dma_wait3A_376 = tpu.memref_slice %arg4[%add3A, %sub3A_368, %dma_wait3A_375] : memref<32x156x64xi32, #tpu.memory_space<hbm>> -> memref<1x1x64xi32, #tpu.memory_space<hbm>>
      %dma_wait3A_377 = tpu.memref_squeeze %dma_wait3A_376 : memref<1x1x64xi32, #tpu.memory_space<hbm>> -> memref<64xi32, #tpu.memory_space<hbm>>
      %dma_wait3A_378 = arith.constant 0 : i32
      %dma_wait3A_379 = tpu.memref_slice %arg4[%add3A, %sub3A_368, %dma_wait3A_378] : memref<32x156x64xi32, #tpu.memory_space<hbm>> -> memref<1x1x64xi32, #tpu.memory_space<hbm>>
      %dma_wait3A_380 = tpu.memref_squeeze %dma_wait3A_379 : memref<1x1x64xi32, #tpu.memory_space<hbm>> -> memref<64xi32, #tpu.memory_space<hbm>>
      tpu.wait_dma2 semaphore(%arg30 : memref<!tpu.dma_semaphore, #tpu.memory_space<semaphore_mem>>) src(%dma_wait3A_380 : memref<64xi32, #tpu.memory_space<hbm>>) dst(%arg18 : memref<64xi32, #tpu.memory_space<vmem>>)
      %dma_start3A_381 = arith.constant 0 : i32
      %dma_start3A_382 = arith.constant 0 : i32
      %dma_start3A_383 = tpu.memref_slice %arg2[%dma_start3A_381, %dma_start3A_382] : memref<10000x128xf32, #tpu.memory_space<hbm>> -> memref<10000x128xf32, #tpu.memory_space<hbm>>
      tpu.enqueue_indirect_dma source(%dma_start3A_383 : memref<10000x128xf32, #tpu.memory_space<hbm>>) target(%arg24 : memref<64x128xf32, #tpu.memory_space<vmem>>) offsets(%arg12 : memref<64xi32, #tpu.memory_space<vmem>>) semaphore(%arg36 : memref<!tpu.dma_semaphore, #tpu.memory_space<semaphore_mem>>)
      %dma_wait3A_384 = arith.constant 0 : i32
      %dma_wait3A_385 = arith.constant 0 : i32
      %dma_wait3A_386 = tpu.memref_slice %arg2[%dma_wait3A_384, %dma_wait3A_385] : memref<10000x128xf32, #tpu.memory_space<hbm>> -> memref<10000x128xf32, #tpu.memory_space<hbm>>
      tpu.wait_indirect_dma semaphore(%arg39 : memref<!tpu.dma_semaphore, #tpu.memory_space<semaphore_mem>>) src(%dma_wait3A_386 : memref<10000x128xf32, #tpu.memory_space<hbm>>) dst(%arg27 : memref<64x128xf32, #tpu.memory_space<vmem>>)
      %dma_start3A_387 = arith.constant 0 : i32
      %dma_start3A_388 = arith.constant 0 : i32
      %dma_start3A_389 = tpu.memref_slice %arg8[%dma_start3A_387, %dma_start3A_388] : memref<10000x128xf32, #tpu.memory_space<vmem_shared>> -> memref<10000x128xf32, #tpu.memory_space<vmem_shared>>
      tpu.enqueue_indirect_dma source(%arg27 : memref<64x128xf32, #tpu.memory_space<vmem>>) target(%dma_start3A_389 : memref<10000x128xf32, #tpu.memory_space<vmem_shared>>) offsets(%arg21 : memref<64xi32, #tpu.memory_space<vmem>>) semaphore(%arg45 : memref<!tpu.dma_semaphore, #tpu.memory_space<semaphore_mem>>) {add = true}
      %add3A_390 = arith.constant 3 : i32
      %add3A_391 = arith.addi %add3A_270, %add3A_390 : i32
      %dma_wait3A_392 = arith.constant 0 : i32
      %dma_wait3A_393 = arith.constant 0 : i32
      %dma_wait3A_394 = tpu.memref_slice %arg8[%dma_wait3A_392, %dma_wait3A_393] : memref<10000x128xf32, #tpu.memory_space<vmem_shared>> -> memref<10000x128xf32, #tpu.memory_space<vmem_shared>>
      tpu.wait_indirect_dma semaphore(%arg44 : memref<!tpu.dma_semaphore, #tpu.memory_space<semaphore_mem>>) src(%arg26 : memref<64x128xf32, #tpu.memory_space<vmem>>) dst(%dma_wait3A_394 : memref<10000x128xf32, #tpu.memory_space<vmem_shared>>)
      %dma_start3A_395 = arith.constant 0 : i32
      %dma_start3A_396 = tpu.memref_slice %arg3[%add3A, %add3A_391, %dma_start3A_395] : memref<32x156x64xi32, #tpu.memory_space<hbm>> -> memref<1x1x64xi32, #tpu.memory_space<hbm>>
      %dma_start3A_397 = tpu.memref_squeeze %dma_start3A_396 : memref<1x1x64xi32, #tpu.memory_space<hbm>> -> memref<64xi32, #tpu.memory_space<hbm>>
      %dma_start3A_398 = arith.constant 0 : i32
      %dma_start3A_399 = tpu.memref_slice %arg3[%add3A, %add3A_391, %dma_start3A_398] : memref<32x156x64xi32, #tpu.memory_space<hbm>> -> memref<1x1x64xi32, #tpu.memory_space<hbm>>
      %dma_start3A_400 = tpu.memref_squeeze %dma_start3A_399 : memref<1x1x64xi32, #tpu.memory_space<hbm>> -> memref<64xi32, #tpu.memory_space<hbm>>
      tpu.enqueue_dma source(%dma_start3A_400 : memref<64xi32, #tpu.memory_space<hbm>>) target(%arg14 : memref<64xi32, #tpu.memory_space<vmem>>) target_semaphore(%arg32 : memref<!tpu.dma_semaphore, #tpu.memory_space<semaphore_mem>>)
      %dma_start3A_401 = arith.constant 0 : i32
      %dma_start3A_402 = tpu.memref_slice %arg4[%add3A, %add3A_391, %dma_start3A_401] : memref<32x156x64xi32, #tpu.memory_space<hbm>> -> memref<1x1x64xi32, #tpu.memory_space<hbm>>
      %dma_start3A_403 = tpu.memref_squeeze %dma_start3A_402 : memref<1x1x64xi32, #tpu.memory_space<hbm>> -> memref<64xi32, #tpu.memory_space<hbm>>
      %dma_start3A_404 = arith.constant 0 : i32
      %dma_start3A_405 = tpu.memref_slice %arg4[%add3A, %add3A_391, %dma_start3A_404] : memref<32x156x64xi32, #tpu.memory_space<hbm>> -> memref<1x1x64xi32, #tpu.memory_space<hbm>>
      %dma_start3A_406 = tpu.memref_squeeze %dma_start3A_405 : memref<1x1x64xi32, #tpu.memory_space<hbm>> -> memref<64xi32, #tpu.memory_space<hbm>>
      tpu.enqueue_dma source(%dma_start3A_406 : memref<64xi32, #tpu.memory_space<hbm>>) target(%arg20 : memref<64xi32, #tpu.memory_space<vmem>>) target_semaphore(%arg32 : memref<!tpu.dma_semaphore, #tpu.memory_space<semaphore_mem>>)
      %sub3A_407 = arith.constant 1 : i32
      %sub3A_408 = arith.subi %add3A_391, %sub3A_407 : i32
      %dma_wait3A_409 = arith.constant 0 : i32
      %dma_wait3A_410 = tpu.memref_slice %arg3[%add3A, %sub3A_408, %dma_wait3A_409] : memref<32x156x64xi32, #tpu.memory_space<hbm>> -> memref<1x1x64xi32, #tpu.memory_space<hbm>>
      %dma_wait3A_411 = tpu.memref_squeeze %dma_wait3A_410 : memref<1x1x64xi32, #tpu.memory_space<hbm>> -> memref<64xi32, #tpu.memory_space<hbm>>
      %dma_wait3A_412 = arith.constant 0 : i32
      %dma_wait3A_413 = tpu.memref_slice %arg3[%add3A, %sub3A_408, %dma_wait3A_412] : memref<32x156x64xi32, #tpu.memory_space<hbm>> -> memref<1x1x64xi32, #tpu.memory_space<hbm>>
      %dma_wait3A_414 = tpu.memref_squeeze %dma_wait3A_413 : memref<1x1x64xi32, #tpu.memory_space<hbm>> -> memref<64xi32, #tpu.memory_space<hbm>>
      tpu.wait_dma2 semaphore(%arg31 : memref<!tpu.dma_semaphore, #tpu.memory_space<semaphore_mem>>) src(%dma_wait3A_414 : memref<64xi32, #tpu.memory_space<hbm>>) dst(%arg13 : memref<64xi32, #tpu.memory_space<vmem>>)
      %dma_wait3A_415 = arith.constant 0 : i32
      %dma_wait3A_416 = tpu.memref_slice %arg4[%add3A, %sub3A_408, %dma_wait3A_415] : memref<32x156x64xi32, #tpu.memory_space<hbm>> -> memref<1x1x64xi32, #tpu.memory_space<hbm>>
      %dma_wait3A_417 = tpu.memref_squeeze %dma_wait3A_416 : memref<1x1x64xi32, #tpu.memory_space<hbm>> -> memref<64xi32, #tpu.memory_space<hbm>>
      %dma_wait3A_418 = arith.constant 0 : i32
      %dma_wait3A_419 = tpu.memref_slice %arg4[%add3A, %sub3A_408, %dma_wait3A_418] : memref<32x156x64xi32, #tpu.memory_space<hbm>> -> memref<1x1x64xi32, #tpu.memory_space<hbm>>
      %dma_wait3A_420 = tpu.memref_squeeze %dma_wait3A_419 : memref<1x1x64xi32, #tpu.memory_space<hbm>> -> memref<64xi32, #tpu.memory_space<hbm>>
      tpu.wait_dma2 semaphore(%arg31 : memref<!tpu.dma_semaphore, #tpu.memory_space<semaphore_mem>>) src(%dma_wait3A_420 : memref<64xi32, #tpu.memory_space<hbm>>) dst(%arg19 : memref<64xi32, #tpu.memory_space<vmem>>)
      %dma_start3A_421 = arith.constant 0 : i32
      %dma_start3A_422 = arith.constant 0 : i32
      %dma_start3A_423 = tpu.memref_slice %arg2[%dma_start3A_421, %dma_start3A_422] : memref<10000x128xf32, #tpu.memory_space<hbm>> -> memref<10000x128xf32, #tpu.memory_space<hbm>>
      tpu.enqueue_indirect_dma source(%dma_start3A_423 : memref<10000x128xf32, #tpu.memory_space<hbm>>) target(%arg25 : memref<64x128xf32, #tpu.memory_space<vmem>>) offsets(%arg13 : memref<64xi32, #tpu.memory_space<vmem>>) semaphore(%arg37 : memref<!tpu.dma_semaphore, #tpu.memory_space<semaphore_mem>>)
      %dma_wait3A_424 = arith.constant 0 : i32
      %dma_wait3A_425 = arith.constant 0 : i32
      %dma_wait3A_426 = tpu.memref_slice %arg2[%dma_wait3A_424, %dma_wait3A_425] : memref<10000x128xf32, #tpu.memory_space<hbm>> -> memref<10000x128xf32, #tpu.memory_space<hbm>>
      tpu.wait_indirect_dma semaphore(%arg40 : memref<!tpu.dma_semaphore, #tpu.memory_space<semaphore_mem>>) src(%dma_wait3A_426 : memref<10000x128xf32, #tpu.memory_space<hbm>>) dst(%arg28 : memref<64x128xf32, #tpu.memory_space<vmem>>)
      %dma_start3A_427 = arith.constant 0 : i32
      %dma_start3A_428 = arith.constant 0 : i32
      %dma_start3A_429 = tpu.memref_slice %arg8[%dma_start3A_427, %dma_start3A_428] : memref<10000x128xf32, #tpu.memory_space<vmem_shared>> -> memref<10000x128xf32, #tpu.memory_space<vmem_shared>>
      tpu.enqueue_indirect_dma source(%arg28 : memref<64x128xf32, #tpu.memory_space<vmem>>) target(%dma_start3A_429 : memref<10000x128xf32, #tpu.memory_space<vmem_shared>>) offsets(%arg22 : memref<64xi32, #tpu.memory_space<vmem>>) semaphore(%arg46 : memref<!tpu.dma_semaphore, #tpu.memory_space<semaphore_mem>>) {add = true}
      %add3A_430 = arith.constant 4 : i32
      %add3A_431 = arith.addi %add3A_270, %add3A_430 : i32
      %dma_wait3A_432 = arith.constant 0 : i32
      %dma_wait3A_433 = arith.constant 0 : i32
      %dma_wait3A_434 = tpu.memref_slice %arg8[%dma_wait3A_432, %dma_wait3A_433] : memref<10000x128xf32, #tpu.memory_space<vmem_shared>> -> memref<10000x128xf32, #tpu.memory_space<vmem_shared>>
      tpu.wait_indirect_dma semaphore(%arg45 : memref<!tpu.dma_semaphore, #tpu.memory_space<semaphore_mem>>) src(%arg27 : memref<64x128xf32, #tpu.memory_space<vmem>>) dst(%dma_wait3A_434 : memref<10000x128xf32, #tpu.memory_space<vmem_shared>>)
      %dma_start3A_435 = arith.constant 0 : i32
      %dma_start3A_436 = tpu.memref_slice %arg3[%add3A, %add3A_431, %dma_start3A_435] : memref<32x156x64xi32, #tpu.memory_space<hbm>> -> memref<1x1x64xi32, #tpu.memory_space<hbm>>
      %dma_start3A_437 = tpu.memref_squeeze %dma_start3A_436 : memref<1x1x64xi32, #tpu.memory_space<hbm>> -> memref<64xi32, #tpu.memory_space<hbm>>
      %dma_start3A_438 = arith.constant 0 : i32
      %dma_start3A_439 = tpu.memref_slice %arg3[%add3A, %add3A_431, %dma_start3A_438] : memref<32x156x64xi32, #tpu.memory_space<hbm>> -> memref<1x1x64xi32, #tpu.memory_space<hbm>>
      %dma_start3A_440 = tpu.memref_squeeze %dma_start3A_439 : memref<1x1x64xi32, #tpu.memory_space<hbm>> -> memref<64xi32, #tpu.memory_space<hbm>>
      tpu.enqueue_dma source(%dma_start3A_440 : memref<64xi32, #tpu.memory_space<hbm>>) target(%arg15 : memref<64xi32, #tpu.memory_space<vmem>>) target_semaphore(%arg33 : memref<!tpu.dma_semaphore, #tpu.memory_space<semaphore_mem>>)
      %dma_start3A_441 = arith.constant 0 : i32
      %dma_start3A_442 = tpu.memref_slice %arg4[%add3A, %add3A_431, %dma_start3A_441] : memref<32x156x64xi32, #tpu.memory_space<hbm>> -> memref<1x1x64xi32, #tpu.memory_space<hbm>>
      %dma_start3A_443 = tpu.memref_squeeze %dma_start3A_442 : memref<1x1x64xi32, #tpu.memory_space<hbm>> -> memref<64xi32, #tpu.memory_space<hbm>>
      %dma_start3A_444 = arith.constant 0 : i32
      %dma_start3A_445 = tpu.memref_slice %arg4[%add3A, %add3A_431, %dma_start3A_444] : memref<32x156x64xi32, #tpu.memory_space<hbm>> -> memref<1x1x64xi32, #tpu.memory_space<hbm>>
      %dma_start3A_446 = tpu.memref_squeeze %dma_start3A_445 : memref<1x1x64xi32, #tpu.memory_space<hbm>> -> memref<64xi32, #tpu.memory_space<hbm>>
      tpu.enqueue_dma source(%dma_start3A_446 : memref<64xi32, #tpu.memory_space<hbm>>) target(%arg21 : memref<64xi32, #tpu.memory_space<vmem>>) target_semaphore(%arg33 : memref<!tpu.dma_semaphore, #tpu.memory_space<semaphore_mem>>)
      %sub3A_447 = arith.constant 1 : i32
      %sub3A_448 = arith.subi %add3A_431, %sub3A_447 : i32
      %dma_wait3A_449 = arith.constant 0 : i32
      %dma_wait3A_450 = tpu.memref_slice %arg3[%add3A, %sub3A_448, %dma_wait3A_449] : memref<32x156x64xi32, #tpu.memory_space<hbm>> -> memref<1x1x64xi32, #tpu.memory_space<hbm>>
      %dma_wait3A_451 = tpu.memref_squeeze %dma_wait3A_450 : memref<1x1x64xi32, #tpu.memory_space<hbm>> -> memref<64xi32, #tpu.memory_space<hbm>>
      %dma_wait3A_452 = arith.constant 0 : i32
      %dma_wait3A_453 = tpu.memref_slice %arg3[%add3A, %sub3A_448, %dma_wait3A_452] : memref<32x156x64xi32, #tpu.memory_space<hbm>> -> memref<1x1x64xi32, #tpu.memory_space<hbm>>
      %dma_wait3A_454 = tpu.memref_squeeze %dma_wait3A_453 : memref<1x1x64xi32, #tpu.memory_space<hbm>> -> memref<64xi32, #tpu.memory_space<hbm>>
      tpu.wait_dma2 semaphore(%arg32 : memref<!tpu.dma_semaphore, #tpu.memory_space<semaphore_mem>>) src(%dma_wait3A_454 : memref<64xi32, #tpu.memory_space<hbm>>) dst(%arg14 : memref<64xi32, #tpu.memory_space<vmem>>)
      %dma_wait3A_455 = arith.constant 0 : i32
      %dma_wait3A_456 = tpu.memref_slice %arg4[%add3A, %sub3A_448, %dma_wait3A_455] : memref<32x156x64xi32, #tpu.memory_space<hbm>> -> memref<1x1x64xi32, #tpu.memory_space<hbm>>
      %dma_wait3A_457 = tpu.memref_squeeze %dma_wait3A_456 : memref<1x1x64xi32, #tpu.memory_space<hbm>> -> memref<64xi32, #tpu.memory_space<hbm>>
      %dma_wait3A_458 = arith.constant 0 : i32
      %dma_wait3A_459 = tpu.memref_slice %arg4[%add3A, %sub3A_448, %dma_wait3A_458] : memref<32x156x64xi32, #tpu.memory_space<hbm>> -> memref<1x1x64xi32, #tpu.memory_space<hbm>>
      %dma_wait3A_460 = tpu.memref_squeeze %dma_wait3A_459 : memref<1x1x64xi32, #tpu.memory_space<hbm>> -> memref<64xi32, #tpu.memory_space<hbm>>
      tpu.wait_dma2 semaphore(%arg32 : memref<!tpu.dma_semaphore, #tpu.memory_space<semaphore_mem>>) src(%dma_wait3A_460 : memref<64xi32, #tpu.memory_space<hbm>>) dst(%arg20 : memref<64xi32, #tpu.memory_space<vmem>>)
      %dma_start3A_461 = arith.constant 0 : i32
      %dma_start3A_462 = arith.constant 0 : i32
      %dma_start3A_463 = tpu.memref_slice %arg2[%dma_start3A_461, %dma_start3A_462] : memref<10000x128xf32, #tpu.memory_space<hbm>> -> memref<10000x128xf32, #tpu.memory_space<hbm>>
      tpu.enqueue_indirect_dma source(%dma_start3A_463 : memref<10000x128xf32, #tpu.memory_space<hbm>>) target(%arg26 : memref<64x128xf32, #tpu.memory_space<vmem>>) offsets(%arg14 : memref<64xi32, #tpu.memory_space<vmem>>) semaphore(%arg38 : memref<!tpu.dma_semaphore, #tpu.memory_space<semaphore_mem>>)
      %dma_wait3A_464 = arith.constant 0 : i32
      %dma_wait3A_465 = arith.constant 0 : i32
      %dma_wait3A_466 = tpu.memref_slice %arg2[%dma_wait3A_464, %dma_wait3A_465] : memref<10000x128xf32, #tpu.memory_space<hbm>> -> memref<10000x128xf32, #tpu.memory_space<hbm>>
      tpu.wait_indirect_dma semaphore(%arg35 : memref<!tpu.dma_semaphore, #tpu.memory_space<semaphore_mem>>) src(%dma_wait3A_466 : memref<10000x128xf32, #tpu.memory_space<hbm>>) dst(%arg23 : memref<64x128xf32, #tpu.memory_space<vmem>>)
      %dma_start3A_467 = arith.constant 0 : i32
      %dma_start3A_468 = arith.constant 0 : i32
      %dma_start3A_469 = tpu.memref_slice %arg8[%dma_start3A_467, %dma_start3A_468] : memref<10000x128xf32, #tpu.memory_space<vmem_shared>> -> memref<10000x128xf32, #tpu.memory_space<vmem_shared>>
      tpu.enqueue_indirect_dma source(%arg23 : memref<64x128xf32, #tpu.memory_space<vmem>>) target(%dma_start3A_469 : memref<10000x128xf32, #tpu.memory_space<vmem_shared>>) offsets(%arg17 : memref<64xi32, #tpu.memory_space<vmem>>) semaphore(%arg41 : memref<!tpu.dma_semaphore, #tpu.memory_space<semaphore_mem>>) {add = true}
      %add3A_470 = arith.constant 5 : i32
      %add3A_471 = arith.addi %add3A_270, %add3A_470 : i32
      %dma_wait3A_472 = arith.constant 0 : i32
      %dma_wait3A_473 = arith.constant 0 : i32
      %dma_wait3A_474 = tpu.memref_slice %arg8[%dma_wait3A_472, %dma_wait3A_473] : memref<10000x128xf32, #tpu.memory_space<vmem_shared>> -> memref<10000x128xf32, #tpu.memory_space<vmem_shared>>
      tpu.wait_indirect_dma semaphore(%arg46 : memref<!tpu.dma_semaphore, #tpu.memory_space<semaphore_mem>>) src(%arg28 : memref<64x128xf32, #tpu.memory_space<vmem>>) dst(%dma_wait3A_474 : memref<10000x128xf32, #tpu.memory_space<vmem_shared>>)
      %dma_start3A_475 = arith.constant 0 : i32
      %dma_start3A_476 = tpu.memref_slice %arg3[%add3A, %add3A_471, %dma_start3A_475] : memref<32x156x64xi32, #tpu.memory_space<hbm>> -> memref<1x1x64xi32, #tpu.memory_space<hbm>>
      %dma_start3A_477 = tpu.memref_squeeze %dma_start3A_476 : memref<1x1x64xi32, #tpu.memory_space<hbm>> -> memref<64xi32, #tpu.memory_space<hbm>>
      %dma_start3A_478 = arith.constant 0 : i32
      %dma_start3A_479 = tpu.memref_slice %arg3[%add3A, %add3A_471, %dma_start3A_478] : memref<32x156x64xi32, #tpu.memory_space<hbm>> -> memref<1x1x64xi32, #tpu.memory_space<hbm>>
      %dma_start3A_480 = tpu.memref_squeeze %dma_start3A_479 : memref<1x1x64xi32, #tpu.memory_space<hbm>> -> memref<64xi32, #tpu.memory_space<hbm>>
      tpu.enqueue_dma source(%dma_start3A_480 : memref<64xi32, #tpu.memory_space<hbm>>) target(%arg16 : memref<64xi32, #tpu.memory_space<vmem>>) target_semaphore(%arg34 : memref<!tpu.dma_semaphore, #tpu.memory_space<semaphore_mem>>)
      %dma_start3A_481 = arith.constant 0 : i32
      %dma_start3A_482 = tpu.memref_slice %arg4[%add3A, %add3A_471, %dma_start3A_481] : memref<32x156x64xi32, #tpu.memory_space<hbm>> -> memref<1x1x64xi32, #tpu.memory_space<hbm>>
      %dma_start3A_483 = tpu.memref_squeeze %dma_start3A_482 : memref<1x1x64xi32, #tpu.memory_space<hbm>> -> memref<64xi32, #tpu.memory_space<hbm>>
      %dma_start3A_484 = arith.constant 0 : i32
      %dma_start3A_485 = tpu.memref_slice %arg4[%add3A, %add3A_471, %dma_start3A_484] : memref<32x156x64xi32, #tpu.memory_space<hbm>> -> memref<1x1x64xi32, #tpu.memory_space<hbm>>
      %dma_start3A_486 = tpu.memref_squeeze %dma_start3A_485 : memref<1x1x64xi32, #tpu.memory_space<hbm>> -> memref<64xi32, #tpu.memory_space<hbm>>
      tpu.enqueue_dma source(%dma_start3A_486 : memref<64xi32, #tpu.memory_space<hbm>>) target(%arg22 : memref<64xi32, #tpu.memory_space<vmem>>) target_semaphore(%arg34 : memref<!tpu.dma_semaphore, #tpu.memory_space<semaphore_mem>>)
      %sub3A_487 = arith.constant 1 : i32
      %sub3A_488 = arith.subi %add3A_471, %sub3A_487 : i32
      %dma_wait3A_489 = arith.constant 0 : i32
      %dma_wait3A_490 = tpu.memref_slice %arg3[%add3A, %sub3A_488, %dma_wait3A_489] : memref<32x156x64xi32, #tpu.memory_space<hbm>> -> memref<1x1x64xi32, #tpu.memory_space<hbm>>
      %dma_wait3A_491 = tpu.memref_squeeze %dma_wait3A_490 : memref<1x1x64xi32, #tpu.memory_space<hbm>> -> memref<64xi32, #tpu.memory_space<hbm>>
      %dma_wait3A_492 = arith.constant 0 : i32
      %dma_wait3A_493 = tpu.memref_slice %arg3[%add3A, %sub3A_488, %dma_wait3A_492] : memref<32x156x64xi32, #tpu.memory_space<hbm>> -> memref<1x1x64xi32, #tpu.memory_space<hbm>>
      %dma_wait3A_494 = tpu.memref_squeeze %dma_wait3A_493 : memref<1x1x64xi32, #tpu.memory_space<hbm>> -> memref<64xi32, #tpu.memory_space<hbm>>
      tpu.wait_dma2 semaphore(%arg33 : memref<!tpu.dma_semaphore, #tpu.memory_space<semaphore_mem>>) src(%dma_wait3A_494 : memref<64xi32, #tpu.memory_space<hbm>>) dst(%arg15 : memref<64xi32, #tpu.memory_space<vmem>>)
      %dma_wait3A_495 = arith.constant 0 : i32
      %dma_wait3A_496 = tpu.memref_slice %arg4[%add3A, %sub3A_488, %dma_wait3A_495] : memref<32x156x64xi32, #tpu.memory_space<hbm>> -> memref<1x1x64xi32, #tpu.memory_space<hbm>>
      %dma_wait3A_497 = tpu.memref_squeeze %dma_wait3A_496 : memref<1x1x64xi32, #tpu.memory_space<hbm>> -> memref<64xi32, #tpu.memory_space<hbm>>
      %dma_wait3A_498 = arith.constant 0 : i32
      %dma_wait3A_499 = tpu.memref_slice %arg4[%add3A, %sub3A_488, %dma_wait3A_498] : memref<32x156x64xi32, #tpu.memory_space<hbm>> -> memref<1x1x64xi32, #tpu.memory_space<hbm>>
      %dma_wait3A_500 = tpu.memref_squeeze %dma_wait3A_499 : memref<1x1x64xi32, #tpu.memory_space<hbm>> -> memref<64xi32, #tpu.memory_space<hbm>>
      tpu.wait_dma2 semaphore(%arg33 : memref<!tpu.dma_semaphore, #tpu.memory_space<semaphore_mem>>) src(%dma_wait3A_500 : memref<64xi32, #tpu.memory_space<hbm>>) dst(%arg21 : memref<64xi32, #tpu.memory_space<vmem>>)
      %dma_start3A_501 = arith.constant 0 : i32
      %dma_start3A_502 = arith.constant 0 : i32
      %dma_start3A_503 = tpu.memref_slice %arg2[%dma_start3A_501, %dma_start3A_502] : memref<10000x128xf32, #tpu.memory_space<hbm>> -> memref<10000x128xf32, #tpu.memory_space<hbm>>
      tpu.enqueue_indirect_dma source(%dma_start3A_503 : memref<10000x128xf32, #tpu.memory_space<hbm>>) target(%arg27 : memref<64x128xf32, #tpu.memory_space<vmem>>) offsets(%arg15 : memref<64xi32, #tpu.memory_space<vmem>>) semaphore(%arg39 : memref<!tpu.dma_semaphore, #tpu.memory_space<semaphore_mem>>)
      %dma_wait3A_504 = arith.constant 0 : i32
      %dma_wait3A_505 = arith.constant 0 : i32
      %dma_wait3A_506 = tpu.memref_slice %arg2[%dma_wait3A_504, %dma_wait3A_505] : memref<10000x128xf32, #tpu.memory_space<hbm>> -> memref<10000x128xf32, #tpu.memory_space<hbm>>
      tpu.wait_indirect_dma semaphore(%arg36 : memref<!tpu.dma_semaphore, #tpu.memory_space<semaphore_mem>>) src(%dma_wait3A_506 : memref<10000x128xf32, #tpu.memory_space<hbm>>) dst(%arg24 : memref<64x128xf32, #tpu.memory_space<vmem>>)
      %dma_start3A_507 = arith.constant 0 : i32
      %dma_start3A_508 = arith.constant 0 : i32
      %dma_start3A_509 = tpu.memref_slice %arg8[%dma_start3A_507, %dma_start3A_508] : memref<10000x128xf32, #tpu.memory_space<vmem_shared>> -> memref<10000x128xf32, #tpu.memory_space<vmem_shared>>
      tpu.enqueue_indirect_dma source(%arg24 : memref<64x128xf32, #tpu.memory_space<vmem>>) target(%dma_start3A_509 : memref<10000x128xf32, #tpu.memory_space<vmem_shared>>) offsets(%arg18 : memref<64xi32, #tpu.memory_space<vmem>>) semaphore(%arg42 : memref<!tpu.dma_semaphore, #tpu.memory_space<semaphore_mem>>) {add = true}
    }
    %scan3A_188 = arith.constant 25 : i32
    %dma_wait3A_189 = arith.constant 155 : i32
    %dma_wait3A_190 = arith.constant 0 : i32
    %dma_wait3A_191 = tpu.memref_slice %arg3[%add3A, %dma_wait3A_189, %dma_wait3A_190] : memref<32x156x64xi32, #tpu.memory_space<hbm>> -> memref<1x1x64xi32, #tpu.memory_space<hbm>>
    %dma_wait3A_192 = tpu.memref_squeeze %dma_wait3A_191 : memref<1x1x64xi32, #tpu.memory_space<hbm>> -> memref<64xi32, #tpu.memory_space<hbm>>
    %dma_wait3A_193 = arith.constant 0 : i32
    %dma_wait3A_194 = tpu.memref_slice %arg3[%add3A, %dma_wait3A_189, %dma_wait3A_193] : memref<32x156x64xi32, #tpu.memory_space<hbm>> -> memref<1x1x64xi32, #tpu.memory_space<hbm>>
    %dma_wait3A_195 = tpu.memref_squeeze %dma_wait3A_194 : memref<1x1x64xi32, #tpu.memory_space<hbm>> -> memref<64xi32, #tpu.memory_space<hbm>>
    tpu.wait_dma2 semaphore(%arg34 : memref<!tpu.dma_semaphore, #tpu.memory_space<semaphore_mem>>) src(%dma_wait3A_195 : memref<64xi32, #tpu.memory_space<hbm>>) dst(%arg16 : memref<64xi32, #tpu.memory_space<vmem>>)
    %dma_wait3A_196 = arith.constant 155 : i32
    %dma_wait3A_197 = arith.constant 0 : i32
    %dma_wait3A_198 = tpu.memref_slice %arg4[%add3A, %dma_wait3A_196, %dma_wait3A_197] : memref<32x156x64xi32, #tpu.memory_space<hbm>> -> memref<1x1x64xi32, #tpu.memory_space<hbm>>
    %dma_wait3A_199 = tpu.memref_squeeze %dma_wait3A_198 : memref<1x1x64xi32, #tpu.memory_space<hbm>> -> memref<64xi32, #tpu.memory_space<hbm>>
    %dma_wait3A_200 = arith.constant 0 : i32
    %dma_wait3A_201 = tpu.memref_slice %arg4[%add3A, %dma_wait3A_196, %dma_wait3A_200] : memref<32x156x64xi32, #tpu.memory_space<hbm>> -> memref<1x1x64xi32, #tpu.memory_space<hbm>>
    %dma_wait3A_202 = tpu.memref_squeeze %dma_wait3A_201 : memref<1x1x64xi32, #tpu.memory_space<hbm>> -> memref<64xi32, #tpu.memory_space<hbm>>
    tpu.wait_dma2 semaphore(%arg34 : memref<!tpu.dma_semaphore, #tpu.memory_space<semaphore_mem>>) src(%dma_wait3A_202 : memref<64xi32, #tpu.memory_space<hbm>>) dst(%arg22 : memref<64xi32, #tpu.memory_space<vmem>>)
    %dma_start3A_203 = arith.constant 0 : i32
    %dma_start3A_204 = arith.constant 0 : i32
    %dma_start3A_205 = tpu.memref_slice %arg2[%dma_start3A_203, %dma_start3A_204] : memref<10000x128xf32, #tpu.memory_space<hbm>> -> memref<10000x128xf32, #tpu.memory_space<hbm>>
    tpu.enqueue_indirect_dma source(%dma_start3A_205 : memref<10000x128xf32, #tpu.memory_space<hbm>>) target(%arg28 : memref<64x128xf32, #tpu.memory_space<vmem>>) offsets(%arg16 : memref<64xi32, #tpu.memory_space<vmem>>) semaphore(%arg40 : memref<!tpu.dma_semaphore, #tpu.memory_space<semaphore_mem>>)
    %dma_wait3A_206 = arith.constant 0 : i32
    %dma_wait3A_207 = arith.constant 0 : i32
    %dma_wait3A_208 = tpu.memref_slice %arg2[%dma_wait3A_206, %dma_wait3A_207] : memref<10000x128xf32, #tpu.memory_space<hbm>> -> memref<10000x128xf32, #tpu.memory_space<hbm>>
    tpu.wait_indirect_dma semaphore(%arg37 : memref<!tpu.dma_semaphore, #tpu.memory_space<semaphore_mem>>) src(%dma_wait3A_208 : memref<10000x128xf32, #tpu.memory_space<hbm>>) dst(%arg25 : memref<64x128xf32, #tpu.memory_space<vmem>>)
    %dma_start3A_209 = arith.constant 0 : i32
    %dma_start3A_210 = arith.constant 0 : i32
    %dma_start3A_211 = tpu.memref_slice %arg8[%dma_start3A_209, %dma_start3A_210] : memref<10000x128xf32, #tpu.memory_space<vmem_shared>> -> memref<10000x128xf32, #tpu.memory_space<vmem_shared>>
    tpu.enqueue_indirect_dma source(%arg25 : memref<64x128xf32, #tpu.memory_space<vmem>>) target(%dma_start3A_211 : memref<10000x128xf32, #tpu.memory_space<vmem_shared>>) offsets(%arg19 : memref<64xi32, #tpu.memory_space<vmem>>) semaphore(%arg43 : memref<!tpu.dma_semaphore, #tpu.memory_space<semaphore_mem>>) {add = true}
    %dma_wait3A_212 = arith.constant 0 : i32
    %dma_wait3A_213 = arith.constant 0 : i32
    %dma_wait3A_214 = tpu.memref_slice %arg2[%dma_wait3A_212, %dma_wait3A_213] : memref<10000x128xf32, #tpu.memory_space<hbm>> -> memref<10000x128xf32, #tpu.memory_space<hbm>>
    tpu.wait_indirect_dma semaphore(%arg38 : memref<!tpu.dma_semaphore, #tpu.memory_space<semaphore_mem>>) src(%dma_wait3A_214 : memref<10000x128xf32, #tpu.memory_space<hbm>>) dst(%arg26 : memref<64x128xf32, #tpu.memory_space<vmem>>)
    %dma_start3A_215 = arith.constant 0 : i32
    %dma_start3A_216 = arith.constant 0 : i32
    %dma_start3A_217 = tpu.memref_slice %arg8[%dma_start3A_215, %dma_start3A_216] : memref<10000x128xf32, #tpu.memory_space<vmem_shared>> -> memref<10000x128xf32, #tpu.memory_space<vmem_shared>>
    tpu.enqueue_indirect_dma source(%arg26 : memref<64x128xf32, #tpu.memory_space<vmem>>) target(%dma_start3A_217 : memref<10000x128xf32, #tpu.memory_space<vmem_shared>>) offsets(%arg20 : memref<64xi32, #tpu.memory_space<vmem>>) semaphore(%arg44 : memref<!tpu.dma_semaphore, #tpu.memory_space<semaphore_mem>>) {add = true}
    %dma_wait3A_218 = arith.constant 0 : i32
    %dma_wait3A_219 = arith.constant 0 : i32
    %dma_wait3A_220 = tpu.memref_slice %arg2[%dma_wait3A_218, %dma_wait3A_219] : memref<10000x128xf32, #tpu.memory_space<hbm>> -> memref<10000x128xf32, #tpu.memory_space<hbm>>
    tpu.wait_indirect_dma semaphore(%arg39 : memref<!tpu.dma_semaphore, #tpu.memory_space<semaphore_mem>>) src(%dma_wait3A_220 : memref<10000x128xf32, #tpu.memory_space<hbm>>) dst(%arg27 : memref<64x128xf32, #tpu.memory_space<vmem>>)
    %dma_start3A_221 = arith.constant 0 : i32
    %dma_start3A_222 = arith.constant 0 : i32
    %dma_start3A_223 = tpu.memref_slice %arg8[%dma_start3A_221, %dma_start3A_222] : memref<10000x128xf32, #tpu.memory_space<vmem_shared>> -> memref<10000x128xf32, #tpu.memory_space<vmem_shared>>
    tpu.enqueue_indirect_dma source(%arg27 : memref<64x128xf32, #tpu.memory_space<vmem>>) target(%dma_start3A_223 : memref<10000x128xf32, #tpu.memory_space<vmem_shared>>) offsets(%arg21 : memref<64xi32, #tpu.memory_space<vmem>>) semaphore(%arg45 : memref<!tpu.dma_semaphore, #tpu.memory_space<semaphore_mem>>) {add = true}
    %dma_wait3A_224 = arith.constant 0 : i32
    %dma_wait3A_225 = arith.constant 0 : i32
    %dma_wait3A_226 = tpu.memref_slice %arg2[%dma_wait3A_224, %dma_wait3A_225] : memref<10000x128xf32, #tpu.memory_space<hbm>> -> memref<10000x128xf32, #tpu.memory_space<hbm>>
    tpu.wait_indirect_dma semaphore(%arg40 : memref<!tpu.dma_semaphore, #tpu.memory_space<semaphore_mem>>) src(%dma_wait3A_226 : memref<10000x128xf32, #tpu.memory_space<hbm>>) dst(%arg28 : memref<64x128xf32, #tpu.memory_space<vmem>>)
    %dma_start3A_227 = arith.constant 0 : i32
    %dma_start3A_228 = arith.constant 0 : i32
    %dma_start3A_229 = tpu.memref_slice %arg8[%dma_start3A_227, %dma_start3A_228] : memref<10000x128xf32, #tpu.memory_space<vmem_shared>> -> memref<10000x128xf32, #tpu.memory_space<vmem_shared>>
    tpu.enqueue_indirect_dma source(%arg28 : memref<64x128xf32, #tpu.memory_space<vmem>>) target(%dma_start3A_229 : memref<10000x128xf32, #tpu.memory_space<vmem_shared>>) offsets(%arg22 : memref<64xi32, #tpu.memory_space<vmem>>) semaphore(%arg46 : memref<!tpu.dma_semaphore, #tpu.memory_space<semaphore_mem>>) {add = true}
    %dma_wait3A_230 = arith.constant 0 : i32
    %dma_wait3A_231 = arith.constant 0 : i32
    %dma_wait3A_232 = tpu.memref_slice %arg8[%dma_wait3A_230, %dma_wait3A_231] : memref<10000x128xf32, #tpu.memory_space<vmem_shared>> -> memref<10000x128xf32, #tpu.memory_space<vmem_shared>>
    tpu.wait_indirect_dma semaphore(%arg41 : memref<!tpu.dma_semaphore, #tpu.memory_space<semaphore_mem>>) src(%arg23 : memref<64x128xf32, #tpu.memory_space<vmem>>) dst(%dma_wait3A_232 : memref<10000x128xf32, #tpu.memory_space<vmem_shared>>)
    %dma_wait3A_233 = arith.constant 0 : i32
    %dma_wait3A_234 = arith.constant 0 : i32
    %dma_wait3A_235 = tpu.memref_slice %arg8[%dma_wait3A_233, %dma_wait3A_234] : memref<10000x128xf32, #tpu.memory_space<vmem_shared>> -> memref<10000x128xf32, #tpu.memory_space<vmem_shared>>
    tpu.wait_indirect_dma semaphore(%arg42 : memref<!tpu.dma_semaphore, #tpu.memory_space<semaphore_mem>>) src(%arg24 : memref<64x128xf32, #tpu.memory_space<vmem>>) dst(%dma_wait3A_235 : memref<10000x128xf32, #tpu.memory_space<vmem_shared>>)
    %dma_wait3A_236 = arith.constant 0 : i32
    %dma_wait3A_237 = arith.constant 0 : i32
    %dma_wait3A_238 = tpu.memref_slice %arg8[%dma_wait3A_236, %dma_wait3A_237] : memref<10000x128xf32, #tpu.memory_space<vmem_shared>> -> memref<10000x128xf32, #tpu.memory_space<vmem_shared>>
    tpu.wait_indirect_dma semaphore(%arg43 : memref<!tpu.dma_semaphore, #tpu.memory_space<semaphore_mem>>) src(%arg25 : memref<64x128xf32, #tpu.memory_space<vmem>>) dst(%dma_wait3A_238 : memref<10000x128xf32, #tpu.memory_space<vmem_shared>>)
    %dma_wait3A_239 = arith.constant 0 : i32
    %dma_wait3A_240 = arith.constant 0 : i32
    %dma_wait3A_241 = tpu.memref_slice %arg8[%dma_wait3A_239, %dma_wait3A_240] : memref<10000x128xf32, #tpu.memory_space<vmem_shared>> -> memref<10000x128xf32, #tpu.memory_space<vmem_shared>>
    tpu.wait_indirect_dma semaphore(%arg44 : memref<!tpu.dma_semaphore, #tpu.memory_space<semaphore_mem>>) src(%arg26 : memref<64x128xf32, #tpu.memory_space<vmem>>) dst(%dma_wait3A_241 : memref<10000x128xf32, #tpu.memory_space<vmem_shared>>)
    %dma_wait3A_242 = arith.constant 0 : i32
    %dma_wait3A_243 = arith.constant 0 : i32
    %dma_wait3A_244 = tpu.memref_slice %arg8[%dma_wait3A_242, %dma_wait3A_243] : memref<10000x128xf32, #tpu.memory_space<vmem_shared>> -> memref<10000x128xf32, #tpu.memory_space<vmem_shared>>
    tpu.wait_indirect_dma semaphore(%arg45 : memref<!tpu.dma_semaphore, #tpu.memory_space<semaphore_mem>>) src(%arg27 : memref<64x128xf32, #tpu.memory_space<vmem>>) dst(%dma_wait3A_244 : memref<10000x128xf32, #tpu.memory_space<vmem_shared>>)
    %dma_wait3A_245 = arith.constant 0 : i32
    %dma_wait3A_246 = arith.constant 0 : i32
    %dma_wait3A_247 = tpu.memref_slice %arg8[%dma_wait3A_245, %dma_wait3A_246] : memref<10000x128xf32, #tpu.memory_space<vmem_shared>> -> memref<10000x128xf32, #tpu.memory_space<vmem_shared>>
    tpu.wait_indirect_dma semaphore(%arg46 : memref<!tpu.dma_semaphore, #tpu.memory_space<semaphore_mem>>) src(%arg28 : memref<64x128xf32, #tpu.memory_space<vmem>>) dst(%dma_wait3A_247 : memref<10000x128xf32, #tpu.memory_space<vmem_shared>>)
    %dma_start3A_248 = arith.constant 0 : i32
    %dma_start3A_249 = arith.constant 0 : i32
    %dma_start3A_250 = tpu.memref_slice %arg23[%dma_start3A_248, %dma_start3A_249] : memref<64x128xf32, #tpu.memory_space<vmem>> -> memref<16x128xf32, #tpu.memory_space<vmem>>
    %dma_start3A_251 = arith.constant 0 : i32
    %dma_start3A_252 = arith.constant 0 : i32
    %dma_start3A_253 = tpu.memref_slice %arg2[%dma_start3A_251, %dma_start3A_252] : memref<10000x128xf32, #tpu.memory_space<hbm>> -> memref<10000x128xf32, #tpu.memory_space<hbm>>
    tpu.enqueue_indirect_dma source(%dma_start3A_253 : memref<10000x128xf32, #tpu.memory_space<hbm>>) target(%dma_start3A_250 : memref<16x128xf32, #tpu.memory_space<vmem>>) offsets(%arg9 : memref<16xi32, #tpu.memory_space<vmem>>) semaphore(%arg35 : memref<!tpu.dma_semaphore, #tpu.memory_space<semaphore_mem>>)
    %dma_wait3A_254 = arith.constant 0 : i32
    %dma_wait3A_255 = arith.constant 0 : i32
    %dma_wait3A_256 = tpu.memref_slice %arg23[%dma_wait3A_254, %dma_wait3A_255] : memref<64x128xf32, #tpu.memory_space<vmem>> -> memref<16x128xf32, #tpu.memory_space<vmem>>
    %dma_wait3A_257 = arith.constant 0 : i32
    %dma_wait3A_258 = arith.constant 0 : i32
    %dma_wait3A_259 = tpu.memref_slice %arg2[%dma_wait3A_257, %dma_wait3A_258] : memref<10000x128xf32, #tpu.memory_space<hbm>> -> memref<10000x128xf32, #tpu.memory_space<hbm>>
    tpu.wait_indirect_dma semaphore(%arg35 : memref<!tpu.dma_semaphore, #tpu.memory_space<semaphore_mem>>) src(%dma_wait3A_259 : memref<10000x128xf32, #tpu.memory_space<hbm>>) dst(%dma_wait3A_256 : memref<16x128xf32, #tpu.memory_space<vmem>>)
    "tpu.region"() ({
      %run_scoped3A = tpu.sem_alloc : memref<!tpu.dma_semaphore, #tpu.memory_space<semaphore_mem>>
      %dma_start3A_266 = arith.constant 0 : i32
      %dma_start3A_267 = arith.constant 0 : i32
      %dma_start3A_268 = tpu.memref_slice %arg23[%dma_start3A_266, %dma_start3A_267] : memref<64x128xf32, #tpu.memory_space<vmem>> -> memref<16x128xf32, #tpu.memory_space<vmem>>
      %dma_start3A_269 = arith.constant 0 : i32
      %dma_start3A_270 = arith.constant 0 : i32
      %dma_start3A_271 = tpu.memref_slice %arg8[%dma_start3A_269, %dma_start3A_270] : memref<10000x128xf32, #tpu.memory_space<vmem_shared>> -> memref<10000x128xf32, #tpu.memory_space<vmem_shared>>
      tpu.enqueue_indirect_dma source(%dma_start3A_268 : memref<16x128xf32, #tpu.memory_space<vmem>>) target(%dma_start3A_271 : memref<10000x128xf32, #tpu.memory_space<vmem_shared>>) offsets(%arg10 : memref<16xi32, #tpu.memory_space<vmem>>) semaphore(%run_scoped3A : memref<!tpu.dma_semaphore, #tpu.memory_space<semaphore_mem>>) {add = true}
      %dma_wait3A_272 = arith.constant 0 : i32
      %dma_wait3A_273 = arith.constant 0 : i32
      %dma_wait3A_274 = tpu.memref_slice %arg23[%dma_wait3A_272, %dma_wait3A_273] : memref<64x128xf32, #tpu.memory_space<vmem>> -> memref<16x128xf32, #tpu.memory_space<vmem>>
      %dma_wait3A_275 = arith.constant 0 : i32
      %dma_wait3A_276 = arith.constant 0 : i32
      %dma_wait3A_277 = tpu.memref_slice %arg8[%dma_wait3A_275, %dma_wait3A_276] : memref<10000x128xf32, #tpu.memory_space<vmem_shared>> -> memref<10000x128xf32, #tpu.memory_space<vmem_shared>>
      tpu.wait_indirect_dma semaphore(%run_scoped3A : memref<!tpu.dma_semaphore, #tpu.memory_space<semaphore_mem>>) src(%dma_wait3A_274 : memref<16x128xf32, #tpu.memory_space<vmem>>) dst(%dma_wait3A_277 : memref<10000x128xf32, #tpu.memory_space<vmem_shared>>)
      tpu.yield
    }) : () -> ()
    %barrier3A_260 = arith.constant 0 : index
    tpu.barrier barrier_id(%barrier3A_260)
    "tpu.region"() ({
      %run_scoped3A = tpu.sem_alloc : memref<!tpu.dma_semaphore, #tpu.memory_space<semaphore_mem>>
      %dma_start3A_266 = arith.constant 0 : i32
      %dma_start3A_267 = tpu.memref_slice %arg7[%arg0, %multiple_of3A, %dma_start3A_266] : memref<2x10000x128xf32, #tpu.memory_space<hbm>> -> memref<1x624x128xf32, #tpu.memory_space<hbm>>
      %dma_start3A_268 = tpu.memref_squeeze %dma_start3A_267 : memref<1x624x128xf32, #tpu.memory_space<hbm>> -> memref<624x128xf32, #tpu.memory_space<hbm>>
      %dma_start3A_269 = arith.constant 0 : i32
      %dma_start3A_270 = tpu.memref_slice %arg8[%multiple_of3A, %dma_start3A_269] : memref<10000x128xf32, #tpu.memory_space<vmem_shared>> -> memref<624x128xf32, #tpu.memory_space<vmem_shared>>
      tpu.enqueue_dma source(%dma_start3A_270 : memref<624x128xf32, #tpu.memory_space<vmem_shared>>) target(%dma_start3A_268 : memref<624x128xf32, #tpu.memory_space<hbm>>) target_semaphore(%run_scoped3A : memref<!tpu.dma_semaphore, #tpu.memory_space<semaphore_mem>>)
      %dma_wait3A_271 = arith.constant 0 : i32
      %dma_wait3A_272 = tpu.memref_slice %arg7[%arg0, %multiple_of3A, %dma_wait3A_271] : memref<2x10000x128xf32, #tpu.memory_space<hbm>> -> memref<1x624x128xf32, #tpu.memory_space<hbm>>
      %dma_wait3A_273 = tpu.memref_squeeze %dma_wait3A_272 : memref<1x624x128xf32, #tpu.memory_space<hbm>> -> memref<624x128xf32, #tpu.memory_space<hbm>>
      %dma_wait3A_274 = arith.constant 0 : i32
      %dma_wait3A_275 = tpu.memref_slice %arg8[%multiple_of3A, %dma_wait3A_274] : memref<10000x128xf32, #tpu.memory_space<vmem_shared>> -> memref<624x128xf32, #tpu.memory_space<vmem_shared>>
      tpu.wait_dma2 semaphore(%run_scoped3A : memref<!tpu.dma_semaphore, #tpu.memory_space<semaphore_mem>>) src(%dma_wait3A_275 : memref<624x128xf32, #tpu.memory_space<vmem_shared>>) dst(%dma_wait3A_273 : memref<624x128xf32, #tpu.memory_space<hbm>>)
      tpu.yield
    }) : () -> ()
    %eq3A_261 = arith.constant 0 : i32
    %eq3A_262 = arith.cmpi eq, %arg1, %eq3A_261 : i32
    %convert_element_type3A_263 = arith.extui %eq3A_262 : i1 to i32
    %cond3A_264 = arith.constant 0 : i32
    %cond3A_265 = arith.cmpi ne, %convert_element_type3A_263, %cond3A_264 : i32
    scf.if %cond3A_265 {
      "tpu.region"() ({
        %run_scoped3A = tpu.sem_alloc : memref<!tpu.dma_semaphore, #tpu.memory_space<semaphore_mem>>
        %dma_start3A_266 = arith.constant 9984 : i32
        %dma_start3A_267 = arith.constant 0 : i32
        %dma_start3A_268 = tpu.memref_slice %arg7[%arg0, %dma_start3A_266, %dma_start3A_267] : memref<2x10000x128xf32, #tpu.memory_space<hbm>> -> memref<1x16x128xf32, #tpu.memory_space<hbm>>
        %dma_start3A_269 = tpu.memref_squeeze %dma_start3A_268 : memref<1x16x128xf32, #tpu.memory_space<hbm>> -> memref<16x128xf32, #tpu.memory_space<hbm>>
        %dma_start3A_270 = arith.constant 9984 : i32
        %dma_start3A_271 = arith.constant 0 : i32
        %dma_start3A_272 = tpu.memref_slice %arg8[%dma_start3A_270, %dma_start3A_271] : memref<10000x128xf32, #tpu.memory_space<vmem_shared>> -> memref<16x128xf32, #tpu.memory_space<vmem_shared>>
        tpu.enqueue_dma source(%dma_start3A_272 : memref<16x128xf32, #tpu.memory_space<vmem_shared>>) target(%dma_start3A_269 : memref<16x128xf32, #tpu.memory_space<hbm>>) target_semaphore(%run_scoped3A : memref<!tpu.dma_semaphore, #tpu.memory_space<semaphore_mem>>)
        %dma_wait3A_273 = arith.constant 9984 : i32
        %dma_wait3A_274 = arith.constant 0 : i32
        %dma_wait3A_275 = tpu.memref_slice %arg7[%arg0, %dma_wait3A_273, %dma_wait3A_274] : memref<2x10000x128xf32, #tpu.memory_space<hbm>> -> memref<1x16x128xf32, #tpu.memory_space<hbm>>
        %dma_wait3A_276 = tpu.memref_squeeze %dma_wait3A_275 : memref<1x16x128xf32, #tpu.memory_space<hbm>> -> memref<16x128xf32, #tpu.memory_space<hbm>>
        %dma_wait3A_277 = arith.constant 9984 : i32
        %dma_wait3A_278 = arith.constant 0 : i32
        %dma_wait3A_279 = tpu.memref_slice %arg8[%dma_wait3A_277, %dma_wait3A_278] : memref<10000x128xf32, #tpu.memory_space<vmem_shared>> -> memref<16x128xf32, #tpu.memory_space<vmem_shared>>
        tpu.wait_dma2 semaphore(%run_scoped3A : memref<!tpu.dma_semaphore, #tpu.memory_space<semaphore_mem>>) src(%dma_wait3A_279 : memref<16x128xf32, #tpu.memory_space<vmem_shared>>) dst(%dma_wait3A_276 : memref<16x128xf32, #tpu.memory_space<hbm>>)
        tpu.yield
      }) : () -> ()
    } else {
    }
    return
  }
}

#map = affine_map<(d0, d1) -> (0)>
#map1 = affine_map<(d0, d1) -> (0, 0)>
module attributes {stable_mosaic.version = 14 : i64} {
  func.func @_deg_body(%arg0: i32, %arg1: i32, %arg2: memref<320000xi32, #tpu.memory_space<hbm>>, %arg3: memref<32x10240xf32, #tpu.memory_space<hbm>>, %arg4: memref<10240xf32, #tpu.memory_space<vmem>>, %arg5: memref<10000xi32, #tpu.memory_space<vmem>>) attributes {dimension_semantics = [#tpu.dimension_semantics<core_parallel>, #tpu.dimension_semantics<subcore_parallel>], iteration_bounds = array<i64: 2, 16>, scalar_prefetch = 0 : i64, scratch_operands = 2 : i64, tpu.core_type = #tpu.core_type<sc_vector_subcore>, window_params = [{transform_indices = #map}, {transform_indices = #map1}]} {
    %mul3A = arith.constant 2 : i32
    %mul3A_0 = arith.muli %arg1, %mul3A : i32
    %add3A = arith.addi %mul3A_0, %arg0 : i32
    %broadcast_in_dim3A = arith.constant 0.000000e+00 : f32
    %broadcast_in_dim3A_1 = vector.broadcast %broadcast_in_dim3A : f32 to vector<16xf32>
    %scan3A = arith.constant 0 : i32
    %scan3A_2 = arith.constant 0 : i32
    %scan3A_3 = arith.constant 640 : i32
    %scan3A_4 = arith.addi %scan3A_2, %scan3A_3 : i32
    %scan3A_5 = arith.constant 1 : i32
    scf.for %scan3A_17 = %scan3A_2 to %scan3A_4 step %scan3A_5  : i32 {
      %mul3A_18 = arith.constant 16 : i32
      %mul3A_19 = arith.muli %scan3A_17, %mul3A_18 : i32
      %swap3A = arith.index_cast %mul3A_19 : i32 to index
      %swap3A_20 = tpu.vector_load %arg4[%swap3A] {strides = array<i32>} : memref<10240xf32, #tpu.memory_space<vmem>>, vector<16xf32>,
      tpu.vector_store %arg4[%swap3A], %broadcast_in_dim3A_1 {strides = array<i32>} : memref<10240xf32, #tpu.memory_space<vmem>>, vector<16xf32>,
    }
    %scan3A_6 = arith.constant 640 : i32
    %mul3A_7 = arith.constant 10000 : i32
    %mul3A_8 = arith.muli %add3A, %mul3A_7 : i32
    %multiple_of3A = tpu.assume_multiple %mul3A_8, 8 : i32
    "tpu.region"() ({
      %run_scoped3A = tpu.sem_alloc : memref<!tpu.dma_semaphore, #tpu.memory_space<semaphore_mem>>
      %dma_start3A = tpu.memref_slice %arg2[%multiple_of3A] : memref<320000xi32, #tpu.memory_space<hbm>> -> memref<10000xi32, #tpu.memory_space<hbm>>
      %dma_start3A_17 = tpu.memref_slice %arg2[%multiple_of3A] : memref<320000xi32, #tpu.memory_space<hbm>> -> memref<10000xi32, #tpu.memory_space<hbm>>
      tpu.enqueue_dma source(%dma_start3A_17 : memref<10000xi32, #tpu.memory_space<hbm>>) target(%arg5 : memref<10000xi32, #tpu.memory_space<vmem>>) target_semaphore(%run_scoped3A : memref<!tpu.dma_semaphore, #tpu.memory_space<semaphore_mem>>)
      %dma_wait3A = tpu.memref_slice %arg2[%multiple_of3A] : memref<320000xi32, #tpu.memory_space<hbm>> -> memref<10000xi32, #tpu.memory_space<hbm>>
      %dma_wait3A_18 = tpu.memref_slice %arg2[%multiple_of3A] : memref<320000xi32, #tpu.memory_space<hbm>> -> memref<10000xi32, #tpu.memory_space<hbm>>
      tpu.wait_dma2 semaphore(%run_scoped3A : memref<!tpu.dma_semaphore, #tpu.memory_space<semaphore_mem>>) src(%dma_wait3A_18 : memref<10000xi32, #tpu.memory_space<hbm>>) dst(%arg5 : memref<10000xi32, #tpu.memory_space<vmem>>)
      tpu.yield
    }) : () -> ()
    %broadcast_in_dim3A_9 = arith.constant 1.000000e+00 : f32
    %broadcast_in_dim3A_10 = vector.broadcast %broadcast_in_dim3A_9 : f32 to vector<16xf32>
    %scan3A_11 = arith.constant 0 : i32
    %scan3A_12 = arith.constant 0 : i32
    %scan3A_13 = arith.constant 625 : i32
    %scan3A_14 = arith.addi %scan3A_12, %scan3A_13 : i32
    %scan3A_15 = arith.constant 1 : i32
    scf.for %scan3A_17 = %scan3A_12 to %scan3A_14 step %scan3A_15  : i32 {
      %mul3A_18 = arith.constant 16 : i32
      %mul3A_19 = arith.muli %scan3A_17, %mul3A_18 : i32
      %get3A = arith.index_cast %mul3A_19 : i32 to index
      %get3A_20 = tpu.vector_load %arg5[%get3A] {strides = array<i32>} : memref<10000xi32, #tpu.memory_space<vmem>>, vector<16xi32>,
      tpu.vector_store_idx %arg4[%get3A_20], %broadcast_in_dim3A_10 {add = true} : memref<10240xf32, #tpu.memory_space<vmem>>[vector<16xi32>], vector<16xf32>,
    }
    %scan3A_16 = arith.constant 625 : i32
    "tpu.region"() ({
      %run_scoped3A = tpu.sem_alloc : memref<!tpu.dma_semaphore, #tpu.memory_space<semaphore_mem>>
      %dma_start3A = arith.constant 0 : i32
      %dma_start3A_17 = tpu.memref_slice %arg3[%add3A, %dma_start3A] : memref<32x10240xf32, #tpu.memory_space<hbm>> -> memref<1x10240xf32, #tpu.memory_space<hbm>>
      %dma_start3A_18 = tpu.memref_squeeze %dma_start3A_17 : memref<1x10240xf32, #tpu.memory_space<hbm>> -> memref<10240xf32, #tpu.memory_space<hbm>>
      %dma_start3A_19 = arith.constant 0 : i32
      %dma_start3A_20 = tpu.memref_slice %arg3[%add3A, %dma_start3A_19] : memref<32x10240xf32, #tpu.memory_space<hbm>> -> memref<1x10240xf32, #tpu.memory_space<hbm>>
      %dma_start3A_21 = tpu.memref_squeeze %dma_start3A_20 : memref<1x10240xf32, #tpu.memory_space<hbm>> -> memref<10240xf32, #tpu.memory_space<hbm>>
      tpu.enqueue_dma source(%arg4 : memref<10240xf32, #tpu.memory_space<vmem>>) target(%dma_start3A_21 : memref<10240xf32, #tpu.memory_space<hbm>>) target_semaphore(%run_scoped3A : memref<!tpu.dma_semaphore, #tpu.memory_space<semaphore_mem>>)
      %dma_wait3A = arith.constant 0 : i32
      %dma_wait3A_22 = tpu.memref_slice %arg3[%add3A, %dma_wait3A] : memref<32x10240xf32, #tpu.memory_space<hbm>> -> memref<1x10240xf32, #tpu.memory_space<hbm>>
      %dma_wait3A_23 = tpu.memref_squeeze %dma_wait3A_22 : memref<1x10240xf32, #tpu.memory_space<hbm>> -> memref<10240xf32, #tpu.memory_space<hbm>>
      %dma_wait3A_24 = arith.constant 0 : i32
      %dma_wait3A_25 = tpu.memref_slice %arg3[%add3A, %dma_wait3A_24] : memref<32x10240xf32, #tpu.memory_space<hbm>> -> memref<1x10240xf32, #tpu.memory_space<hbm>>
      %dma_wait3A_26 = tpu.memref_squeeze %dma_wait3A_25 : memref<1x10240xf32, #tpu.memory_space<hbm>> -> memref<10240xf32, #tpu.memory_space<hbm>>
      tpu.wait_dma2 semaphore(%run_scoped3A : memref<!tpu.dma_semaphore, #tpu.memory_space<semaphore_mem>>) src(%arg4 : memref<10240xf32, #tpu.memory_space<vmem>>) dst(%dma_wait3A_26 : memref<10240xf32, #tpu.memory_space<hbm>>)
      tpu.yield
    }) : () -> ()
    return
  }
}

#map = affine_map<(d0, d1) -> (0, 0)>
#map1 = affine_map<(d0, d1) -> (0, 0, 0)>
module attributes {stable_mosaic.version = 14 : i64} {
  func.func @_seg_body(%arg0: i32, %arg1: i32, %arg2: memref<10000x128xf32, #tpu.memory_space<hbm>>, %arg3: memref<32x156x64xi32, #tpu.memory_space<hbm>>, %arg4: memref<32x156x64xi32, #tpu.memory_space<hbm>>, %arg5: memref<32x16xi32, #tpu.memory_space<hbm>>, %arg6: memref<32x16xi32, #tpu.memory_space<hbm>>, %arg7: memref<2x10000x128xf32, #tpu.memory_space<hbm>>, %arg8: memref<10000x128xf32, #tpu.memory_space<vmem_shared>>, %arg9: memref<16xi32, #tpu.memory_space<vmem>>, %arg10: memref<16xi32, #tpu.memory_space<vmem>>, %arg11: memref<64xi32, #tpu.memory_space<vmem>>, %arg12: memref<64xi32, #tpu.memory_space<vmem>>, %arg13: memref<64xi32, #tpu.memory_space<vmem>>, %arg14: memref<64xi32, #tpu.memory_space<vmem>>, %arg15: memref<64xi32, #tpu.memory_space<vmem>>, %arg16: memref<64xi32, #tpu.memory_space<vmem>>, %arg17: memref<64xi32, #tpu.memory_space<vmem>>, %arg18: memref<64xi32, #tpu.memory_space<vmem>>, %arg19: memref<64xi32, #tpu.memory_space<vmem>>, %arg20: memref<64xi32, #tpu.memory_space<vmem>>, %arg21: memref<64xi32, #tpu.memory_space<vmem>>, %arg22: memref<64xi32, #tpu.memory_space<vmem>>, %arg23: memref<64x128xf32, #tpu.memory_space<vmem>>, %arg24: memref<64x128xf32, #tpu.memory_space<vmem>>, %arg25: memref<64x128xf32, #tpu.memory_space<vmem>>, %arg26: memref<64x128xf32, #tpu.memory_space<vmem>>, %arg27: memref<64x128xf32, #tpu.memory_space<vmem>>, %arg28: memref<64x128xf32, #tpu.memory_space<vmem>>, %arg29: memref<!tpu.dma_semaphore, #tpu.memory_space<semaphore_mem>>, %arg30: memref<!tpu.dma_semaphore, #tpu.memory_space<semaphore_mem>>, %arg31: memref<!tpu.dma_semaphore, #tpu.memory_space<semaphore_mem>>, %arg32: memref<!tpu.dma_semaphore, #tpu.memory_space<semaphore_mem>>, %arg33: memref<!tpu.dma_semaphore, #tpu.memory_space<semaphore_mem>>, %arg34: memref<!tpu.dma_semaphore, #tpu.memory_space<semaphore_mem>>, %arg35: memref<!tpu.dma_semaphore, #tpu.memory_space<semaphore_mem>>, %arg36: memref<!tpu.dma_semaphore, #tpu.memory_space<semaphore_mem>>, %arg37: memref<!tpu.dma_semaphore, #tpu.memory_space<semaphore_mem>>, %arg38: memref<!tpu.dma_semaphore, #tpu.memory_space<semaphore_mem>>, %arg39: memref<!tpu.dma_semaphore, #tpu.memory_space<semaphore_mem>>, %arg40: memref<!tpu.dma_semaphore, #tpu.memory_space<semaphore_mem>>, %arg41: memref<!tpu.dma_semaphore, #tpu.memory_space<semaphore_mem>>, %arg42: memref<!tpu.dma_semaphore, #tpu.memory_space<semaphore_mem>>, %arg43: memref<!tpu.dma_semaphore, #tpu.memory_space<semaphore_mem>>, %arg44: memref<!tpu.dma_semaphore, #tpu.memory_space<semaphore_mem>>, %arg45: memref<!tpu.dma_semaphore, #tpu.memory_space<semaphore_mem>>, %arg46: memref<!tpu.dma_semaphore, #tpu.memory_space<semaphore_mem>>) attributes {dimension_semantics = [#tpu.dimension_semantics<core_parallel>, #tpu.dimension_semantics<subcore_parallel>], iteration_bounds = array<i64: 2, 16>, scalar_prefetch = 0 : i64, scratch_operands = 39 : i64, tpu.core_type = #tpu.core_type<sc_vector_subcore>, window_params = [{transform_indices = #map}, {transform_indices = #map1}, {transform_indices = #map1}, {transform_indices = #map}, {transform_indices = #map}, {transform_indices = #map1}]} {
    %mul3A = arith.constant 2 : i32
    %mul3A_0 = arith.muli %arg1, %mul3A : i32
    %add3A = arith.addi %mul3A_0, %arg0 : i32
    %mul3A_1 = arith.constant 624 : i32
    %mul3A_2 = arith.muli %arg1, %mul3A_1 : i32
    %multiple_of3A = tpu.assume_multiple %mul3A_2, 8 : i32
    "tpu.region"() ({
      %run_scoped3A = tpu.sem_alloc : memref<!tpu.dma_semaphore, #tpu.memory_space<semaphore_mem>>
      %dma_start3A_266 = arith.constant 0 : i32
      %dma_start3A_267 = tpu.memref_slice %arg8[%multiple_of3A, %dma_start3A_266] : memref<10000x128xf32, #tpu.memory_space<vmem_shared>> -> memref<624x128xf32, #tpu.memory_space<vmem_shared>>
      %dma_start3A_268 = arith.constant 0 : i32
      %dma_start3A_269 = tpu.memref_slice %arg2[%multiple_of3A, %dma_start3A_268] : memref<10000x128xf32, #tpu.memory_space<hbm>> -> memref<624x128xf32, #tpu.memory_space<hbm>>
      tpu.enqueue_dma source(%dma_start3A_269 : memref<624x128xf32, #tpu.memory_space<hbm>>) target(%dma_start3A_267 : memref<624x128xf32, #tpu.memory_space<vmem_shared>>) target_semaphore(%run_scoped3A : memref<!tpu.dma_semaphore, #tpu.memory_space<semaphore_mem>>)
      %dma_wait3A_270 = arith.constant 0 : i32
      %dma_wait3A_271 = tpu.memref_slice %arg8[%multiple_of3A, %dma_wait3A_270] : memref<10000x128xf32, #tpu.memory_space<vmem_shared>> -> memref<624x128xf32, #tpu.memory_space<vmem_shared>>
      %dma_wait3A_272 = arith.constant 0 : i32
      %dma_wait3A_273 = tpu.memref_slice %arg2[%multiple_of3A, %dma_wait3A_272] : memref<10000x128xf32, #tpu.memory_space<hbm>> -> memref<624x128xf32, #tpu.memory_space<hbm>>
      tpu.wait_dma2 semaphore(%run_scoped3A : memref<!tpu.dma_semaphore, #tpu.memory_space<semaphore_mem>>) src(%dma_wait3A_273 : memref<624x128xf32, #tpu.memory_space<hbm>>) dst(%dma_wait3A_271 : memref<624x128xf32, #tpu.memory_space<vmem_shared>>)
      tpu.yield
    }) : () -> ()
    %eq3A = arith.constant 0 : i32
    %eq3A_3 = arith.cmpi eq, %arg1, %eq3A : i32
    %convert_element_type3A = arith.extui %eq3A_3 : i1 to i32
    %cond3A = arith.constant 0 : i32
    %cond3A_4 = arith.cmpi ne, %convert_element_type3A, %cond3A : i32
    scf.if %cond3A_4 {
      "tpu.region"() ({
        %run_scoped3A = tpu.sem_alloc : memref<!tpu.dma_semaphore, #tpu.memory_space<semaphore_mem>>
        %dma_start3A_266 = arith.constant 9984 : i32
        %dma_start3A_267 = arith.constant 0 : i32
        %dma_start3A_268 = tpu.memref_slice %arg8[%dma_start3A_266, %dma_start3A_267] : memref<10000x128xf32, #tpu.memory_space<vmem_shared>> -> memref<16x128xf32, #tpu.memory_space<vmem_shared>>
        %dma_start3A_269 = arith.constant 9984 : i32
        %dma_start3A_270 = arith.constant 0 : i32
        %dma_start3A_271 = tpu.memref_slice %arg2[%dma_start3A_269, %dma_start3A_270] : memref<10000x128xf32, #tpu.memory_space<hbm>> -> memref<16x128xf32, #tpu.memory_space<hbm>>
        tpu.enqueue_dma source(%dma_start3A_271 : memref<16x128xf32, #tpu.memory_space<hbm>>) target(%dma_start3A_268 : memref<16x128xf32, #tpu.memory_space<vmem_shared>>) target_semaphore(%run_scoped3A : memref<!tpu.dma_semaphore, #tpu.memory_space<semaphore_mem>>)
        %dma_wait3A_272 = arith.constant 9984 : i32
        %dma_wait3A_273 = arith.constant 0 : i32
        %dma_wait3A_274 = tpu.memref_slice %arg8[%dma_wait3A_272, %dma_wait3A_273] : memref<10000x128xf32, #tpu.memory_space<vmem_shared>> -> memref<16x128xf32, #tpu.memory_space<vmem_shared>>
        %dma_wait3A_275 = arith.constant 9984 : i32
        %dma_wait3A_276 = arith.constant 0 : i32
        %dma_wait3A_277 = tpu.memref_slice %arg2[%dma_wait3A_275, %dma_wait3A_276] : memref<10000x128xf32, #tpu.memory_space<hbm>> -> memref<16x128xf32, #tpu.memory_space<hbm>>
        tpu.wait_dma2 semaphore(%run_scoped3A : memref<!tpu.dma_semaphore, #tpu.memory_space<semaphore_mem>>) src(%dma_wait3A_277 : memref<16x128xf32, #tpu.memory_space<hbm>>) dst(%dma_wait3A_274 : memref<16x128xf32, #tpu.memory_space<vmem_shared>>)
        tpu.yield
      }) : () -> ()
    } else {
    }
    "tpu.region"() ({
      %run_scoped3A = tpu.sem_alloc : memref<!tpu.dma_semaphore, #tpu.memory_space<semaphore_mem>>
      %dma_start3A_266 = arith.constant 0 : i32
      %dma_start3A_267 = tpu.memref_slice %arg5[%add3A, %dma_start3A_266] : memref<32x16xi32, #tpu.memory_space<hbm>> -> memref<1x16xi32, #tpu.memory_space<hbm>>
      %dma_start3A_268 = tpu.memref_squeeze %dma_start3A_267 : memref<1x16xi32, #tpu.memory_space<hbm>> -> memref<16xi32, #tpu.memory_space<hbm>>
      %dma_start3A_269 = arith.constant 0 : i32
      %dma_start3A_270 = tpu.memref_slice %arg5[%add3A, %dma_start3A_269] : memref<32x16xi32, #tpu.memory_space<hbm>> -> memref<1x16xi32, #tpu.memory_space<hbm>>
      %dma_start3A_271 = tpu.memref_squeeze %dma_start3A_270 : memref<1x16xi32, #tpu.memory_space<hbm>> -> memref<16xi32, #tpu.memory_space<hbm>>
      tpu.enqueue_dma source(%dma_start3A_271 : memref<16xi32, #tpu.memory_space<hbm>>) target(%arg9 : memref<16xi32, #tpu.memory_space<vmem>>) target_semaphore(%run_scoped3A : memref<!tpu.dma_semaphore, #tpu.memory_space<semaphore_mem>>)
      %dma_wait3A_272 = arith.constant 0 : i32
      %dma_wait3A_273 = tpu.memref_slice %arg5[%add3A, %dma_wait3A_272] : memref<32x16xi32, #tpu.memory_space<hbm>> -> memref<1x16xi32, #tpu.memory_space<hbm>>
      %dma_wait3A_274 = tpu.memref_squeeze %dma_wait3A_273 : memref<1x16xi32, #tpu.memory_space<hbm>> -> memref<16xi32, #tpu.memory_space<hbm>>
      %dma_wait3A_275 = arith.constant 0 : i32
      %dma_wait3A_276 = tpu.memref_slice %arg5[%add3A, %dma_wait3A_275] : memref<32x16xi32, #tpu.memory_space<hbm>> -> memref<1x16xi32, #tpu.memory_space<hbm>>
      %dma_wait3A_277 = tpu.memref_squeeze %dma_wait3A_276 : memref<1x16xi32, #tpu.memory_space<hbm>> -> memref<16xi32, #tpu.memory_space<hbm>>
      tpu.wait_dma2 semaphore(%run_scoped3A : memref<!tpu.dma_semaphore, #tpu.memory_space<semaphore_mem>>) src(%dma_wait3A_277 : memref<16xi32, #tpu.memory_space<hbm>>) dst(%arg9 : memref<16xi32, #tpu.memory_space<vmem>>)
      tpu.yield
    }) : () -> ()
    "tpu.region"() ({
      %run_scoped3A = tpu.sem_alloc : memref<!tpu.dma_semaphore, #tpu.memory_space<semaphore_mem>>
      %dma_start3A_266 = arith.constant 0 : i32
      %dma_start3A_267 = tpu.memref_slice %arg6[%add3A, %dma_start3A_266] : memref<32x16xi32, #tpu.memory_space<hbm>> -> memref<1x16xi32, #tpu.memory_space<hbm>>
      %dma_start3A_268 = tpu.memref_squeeze %dma_start3A_267 : memref<1x16xi32, #tpu.memory_space<hbm>> -> memref<16xi32, #tpu.memory_space<hbm>>
      %dma_start3A_269 = arith.constant 0 : i32
      %dma_start3A_270 = tpu.memref_slice %arg6[%add3A, %dma_start3A_269] : memref<32x16xi32, #tpu.memory_space<hbm>> -> memref<1x16xi32, #tpu.memory_space<hbm>>
      %dma_start3A_271 = tpu.memref_squeeze %dma_start3A_270 : memref<1x16xi32, #tpu.memory_space<hbm>> -> memref<16xi32, #tpu.memory_space<hbm>>
      tpu.enqueue_dma source(%dma_start3A_271 : memref<16xi32, #tpu.memory_space<hbm>>) target(%arg10 : memref<16xi32, #tpu.memory_space<vmem>>) target_semaphore(%run_scoped3A : memref<!tpu.dma_semaphore, #tpu.memory_space<semaphore_mem>>)
      %dma_wait3A_272 = arith.constant 0 : i32
      %dma_wait3A_273 = tpu.memref_slice %arg6[%add3A, %dma_wait3A_272] : memref<32x16xi32, #tpu.memory_space<hbm>> -> memref<1x16xi32, #tpu.memory_space<hbm>>
      %dma_wait3A_274 = tpu.memref_squeeze %dma_wait3A_273 : memref<1x16xi32, #tpu.memory_space<hbm>> -> memref<16xi32, #tpu.memory_space<hbm>>
      %dma_wait3A_275 = arith.constant 0 : i32
      %dma_wait3A_276 = tpu.memref_slice %arg6[%add3A, %dma_wait3A_275] : memref<32x16xi32, #tpu.memory_space<hbm>> -> memref<1x16xi32, #tpu.memory_space<hbm>>
      %dma_wait3A_277 = tpu.memref_squeeze %dma_wait3A_276 : memref<1x16xi32, #tpu.memory_space<hbm>> -> memref<16xi32, #tpu.memory_space<hbm>>
      tpu.wait_dma2 semaphore(%run_scoped3A : memref<!tpu.dma_semaphore, #tpu.memory_space<semaphore_mem>>) src(%dma_wait3A_277 : memref<16xi32, #tpu.memory_space<hbm>>) dst(%arg10 : memref<16xi32, #tpu.memory_space<vmem>>)
      tpu.yield
    }) : () -> ()
    %barrier3A = arith.constant 0 : index
    tpu.barrier barrier_id(%barrier3A)
    %dma_start3A = arith.constant 0 : i32
    %dma_start3A_5 = arith.constant 0 : i32
    %dma_start3A_6 = tpu.memref_slice %arg3[%add3A, %dma_start3A, %dma_start3A_5] : memref<32x156x64xi32, #tpu.memory_space<hbm>> -> memref<1x1x64xi32, #tpu.memory_space<hbm>>
    %dma_start3A_7 = tpu.memref_squeeze %dma_start3A_6 : memref<1x1x64xi32, #tpu.memory_space<hbm>> -> memref<64xi32, #tpu.memory_space<hbm>>
    %dma_start3A_8 = arith.constant 0 : i32
    %dma_start3A_9 = tpu.memref_slice %arg3[%add3A, %dma_start3A, %dma_start3A_8] : memref<32x156x64xi32, #tpu.memory_space<hbm>> -> memref<1x1x64xi32, #tpu.memory_space<hbm>>
    %dma_start3A_10 = tpu.memref_squeeze %dma_start3A_9 : memref<1x1x64xi32, #tpu.memory_space<hbm>> -> memref<64xi32, #tpu.memory_space<hbm>>
    tpu.enqueue_dma source(%dma_start3A_10 : memref<64xi32, #tpu.memory_space<hbm>>) target(%arg11 : memref<64xi32, #tpu.memory_space<vmem>>) target_semaphore(%arg29 : memref<!tpu.dma_semaphore, #tpu.memory_space<semaphore_mem>>)
    %dma_start3A_11 = arith.constant 0 : i32
    %dma_start3A_12 = arith.constant 0 : i32
    %dma_start3A_13 = tpu.memref_slice %arg4[%add3A, %dma_start3A_11, %dma_start3A_12] : memref<32x156x64xi32, #tpu.memory_space<hbm>> -> memref<1x1x64xi32, #tpu.memory_space<hbm>>
    %dma_start3A_14 = tpu.memref_squeeze %dma_start3A_13 : memref<1x1x64xi32, #tpu.memory_space<hbm>> -> memref<64xi32, #tpu.memory_space<hbm>>
    %dma_start3A_15 = arith.constant 0 : i32
    %dma_start3A_16 = tpu.memref_slice %arg4[%add3A, %dma_start3A_11, %dma_start3A_15] : memref<32x156x64xi32, #tpu.memory_space<hbm>> -> memref<1x1x64xi32, #tpu.memory_space<hbm>>
    %dma_start3A_17 = tpu.memref_squeeze %dma_start3A_16 : memref<1x1x64xi32, #tpu.memory_space<hbm>> -> memref<64xi32, #tpu.memory_space<hbm>>
    tpu.enqueue_dma source(%dma_start3A_17 : memref<64xi32, #tpu.memory_space<hbm>>) target(%arg17 : memref<64xi32, #tpu.memory_space<vmem>>) target_semaphore(%arg29 : memref<!tpu.dma_semaphore, #tpu.memory_space<semaphore_mem>>)
    %dma_start3A_18 = arith.constant 1 : i32
    %dma_start3A_19 = arith.constant 0 : i32
    %dma_start3A_20 = tpu.memref_slice %arg3[%add3A, %dma_start3A_18, %dma_start3A_19] : memref<32x156x64xi32, #tpu.memory_space<hbm>> -> memref<1x1x64xi32, #tpu.memory_space<hbm>>
    %dma_start3A_21 = tpu.memref_squeeze %dma_start3A_20 : memref<1x1x64xi32, #tpu.memory_space<hbm>> -> memref<64xi32, #tpu.memory_space<hbm>>
    %dma_start3A_22 = arith.constant 0 : i32
    %dma_start3A_23 = tpu.memref_slice %arg3[%add3A, %dma_start3A_18, %dma_start3A_22] : memref<32x156x64xi32, #tpu.memory_space<hbm>> -> memref<1x1x64xi32, #tpu.memory_space<hbm>>
    %dma_start3A_24 = tpu.memref_squeeze %dma_start3A_23 : memref<1x1x64xi32, #tpu.memory_space<hbm>> -> memref<64xi32, #tpu.memory_space<hbm>>
    tpu.enqueue_dma source(%dma_start3A_24 : memref<64xi32, #tpu.memory_space<hbm>>) target(%arg12 : memref<64xi32, #tpu.memory_space<vmem>>) target_semaphore(%arg30 : memref<!tpu.dma_semaphore, #tpu.memory_space<semaphore_mem>>)
    %dma_start3A_25 = arith.constant 1 : i32
    %dma_start3A_26 = arith.constant 0 : i32
    %dma_start3A_27 = tpu.memref_slice %arg4[%add3A, %dma_start3A_25, %dma_start3A_26] : memref<32x156x64xi32, #tpu.memory_space<hbm>> -> memref<1x1x64xi32, #tpu.memory_space<hbm>>
    %dma_start3A_28 = tpu.memref_squeeze %dma_start3A_27 : memref<1x1x64xi32, #tpu.memory_space<hbm>> -> memref<64xi32, #tpu.memory_space<hbm>>
    %dma_start3A_29 = arith.constant 0 : i32
    %dma_start3A_30 = tpu.memref_slice %arg4[%add3A, %dma_start3A_25, %dma_start3A_29] : memref<32x156x64xi32, #tpu.memory_space<hbm>> -> memref<1x1x64xi32, #tpu.memory_space<hbm>>
    %dma_start3A_31 = tpu.memref_squeeze %dma_start3A_30 : memref<1x1x64xi32, #tpu.memory_space<hbm>> -> memref<64xi32, #tpu.memory_space<hbm>>
    tpu.enqueue_dma source(%dma_start3A_31 : memref<64xi32, #tpu.memory_space<hbm>>) target(%arg18 : memref<64xi32, #tpu.memory_space<vmem>>) target_semaphore(%arg30 : memref<!tpu.dma_semaphore, #tpu.memory_space<semaphore_mem>>)
    %dma_wait3A = arith.constant 0 : i32
    %dma_wait3A_32 = arith.constant 0 : i32
    %dma_wait3A_33 = tpu.memref_slice %arg3[%add3A, %dma_wait3A, %dma_wait3A_32] : memref<32x156x64xi32, #tpu.memory_space<hbm>> -> memref<1x1x64xi32, #tpu.memory_space<hbm>>
    %dma_wait3A_34 = tpu.memref_squeeze %dma_wait3A_33 : memref<1x1x64xi32, #tpu.memory_space<hbm>> -> memref<64xi32, #tpu.memory_space<hbm>>
    %dma_wait3A_35 = arith.constant 0 : i32
    %dma_wait3A_36 = tpu.memref_slice %arg3[%add3A, %dma_wait3A, %dma_wait3A_35] : memref<32x156x64xi32, #tpu.memory_space<hbm>> -> memref<1x1x64xi32, #tpu.memory_space<hbm>>
    %dma_wait3A_37 = tpu.memref_squeeze %dma_wait3A_36 : memref<1x1x64xi32, #tpu.memory_space<hbm>> -> memref<64xi32, #tpu.memory_space<hbm>>
    tpu.wait_dma2 semaphore(%arg29 : memref<!tpu.dma_semaphore, #tpu.memory_space<semaphore_mem>>) src(%dma_wait3A_37 : memref<64xi32, #tpu.memory_space<hbm>>) dst(%arg11 : memref<64xi32, #tpu.memory_space<vmem>>)
    %dma_wait3A_38 = arith.constant 0 : i32
    %dma_wait3A_39 = arith.constant 0 : i32
    %dma_wait3A_40 = tpu.memref_slice %arg4[%add3A, %dma_wait3A_38, %dma_wait3A_39] : memref<32x156x64xi32, #tpu.memory_space<hbm>> -> memref<1x1x64xi32, #tpu.memory_space<hbm>>
    %dma_wait3A_41 = tpu.memref_squeeze %dma_wait3A_40 : memref<1x1x64xi32, #tpu.memory_space<hbm>> -> memref<64xi32, #tpu.memory_space<hbm>>
    %dma_wait3A_42 = arith.constant 0 : i32
    %dma_wait3A_43 = tpu.memref_slice %arg4[%add3A, %dma_wait3A_38, %dma_wait3A_42] : memref<32x156x64xi32, #tpu.memory_space<hbm>> -> memref<1x1x64xi32, #tpu.memory_space<hbm>>
    %dma_wait3A_44 = tpu.memref_squeeze %dma_wait3A_43 : memref<1x1x64xi32, #tpu.memory_space<hbm>> -> memref<64xi32, #tpu.memory_space<hbm>>
    tpu.wait_dma2 semaphore(%arg29 : memref<!tpu.dma_semaphore, #tpu.memory_space<semaphore_mem>>) src(%dma_wait3A_44 : memref<64xi32, #tpu.memory_space<hbm>>) dst(%arg17 : memref<64xi32, #tpu.memory_space<vmem>>)
    %dma_start3A_45 = arith.constant 0 : i32
    %dma_start3A_46 = arith.constant 0 : i32
    %dma_start3A_47 = tpu.memref_slice %arg2[%dma_start3A_45, %dma_start3A_46] : memref<10000x128xf32, #tpu.memory_space<hbm>> -> memref<10000x128xf32, #tpu.memory_space<hbm>>
    tpu.enqueue_indirect_dma source(%dma_start3A_47 : memref<10000x128xf32, #tpu.memory_space<hbm>>) target(%arg23 : memref<64x128xf32, #tpu.memory_space<vmem>>) offsets(%arg11 : memref<64xi32, #tpu.memory_space<vmem>>) semaphore(%arg35 : memref<!tpu.dma_semaphore, #tpu.memory_space<semaphore_mem>>)
    %dma_start3A_48 = arith.constant 2 : i32
    %dma_start3A_49 = arith.constant 0 : i32
    %dma_start3A_50 = tpu.memref_slice %arg3[%add3A, %dma_start3A_48, %dma_start3A_49] : memref<32x156x64xi32, #tpu.memory_space<hbm>> -> memref<1x1x64xi32, #tpu.memory_space<hbm>>
    %dma_start3A_51 = tpu.memref_squeeze %dma_start3A_50 : memref<1x1x64xi32, #tpu.memory_space<hbm>> -> memref<64xi32, #tpu.memory_space<hbm>>
    %dma_start3A_52 = arith.constant 0 : i32
    %dma_start3A_53 = tpu.memref_slice %arg3[%add3A, %dma_start3A_48, %dma_start3A_52] : memref<32x156x64xi32, #tpu.memory_space<hbm>> -> memref<1x1x64xi32, #tpu.memory_space<hbm>>
    %dma_start3A_54 = tpu.memref_squeeze %dma_start3A_53 : memref<1x1x64xi32, #tpu.memory_space<hbm>> -> memref<64xi32, #tpu.memory_space<hbm>>
    tpu.enqueue_dma source(%dma_start3A_54 : memref<64xi32, #tpu.memory_space<hbm>>) target(%arg13 : memref<64xi32, #tpu.memory_space<vmem>>) target_semaphore(%arg31 : memref<!tpu.dma_semaphore, #tpu.memory_space<semaphore_mem>>)
    %dma_start3A_55 = arith.constant 2 : i32
    %dma_start3A_56 = arith.constant 0 : i32
    %dma_start3A_57 = tpu.memref_slice %arg4[%add3A, %dma_start3A_55, %dma_start3A_56] : memref<32x156x64xi32, #tpu.memory_space<hbm>> -> memref<1x1x64xi32, #tpu.memory_space<hbm>>
    %dma_start3A_58 = tpu.memref_squeeze %dma_start3A_57 : memref<1x1x64xi32, #tpu.memory_space<hbm>> -> memref<64xi32, #tpu.memory_space<hbm>>
    %dma_start3A_59 = arith.constant 0 : i32
    %dma_start3A_60 = tpu.memref_slice %arg4[%add3A, %dma_start3A_55, %dma_start3A_59] : memref<32x156x64xi32, #tpu.memory_space<hbm>> -> memref<1x1x64xi32, #tpu.memory_space<hbm>>
    %dma_start3A_61 = tpu.memref_squeeze %dma_start3A_60 : memref<1x1x64xi32, #tpu.memory_space<hbm>> -> memref<64xi32, #tpu.memory_space<hbm>>
    tpu.enqueue_dma source(%dma_start3A_61 : memref<64xi32, #tpu.memory_space<hbm>>) target(%arg19 : memref<64xi32, #tpu.memory_space<vmem>>) target_semaphore(%arg31 : memref<!tpu.dma_semaphore, #tpu.memory_space<semaphore_mem>>)
    %dma_wait3A_62 = arith.constant 1 : i32
    %dma_wait3A_63 = arith.constant 0 : i32
    %dma_wait3A_64 = tpu.memref_slice %arg3[%add3A, %dma_wait3A_62, %dma_wait3A_63] : memref<32x156x64xi32, #tpu.memory_space<hbm>> -> memref<1x1x64xi32, #tpu.memory_space<hbm>>
    %dma_wait3A_65 = tpu.memref_squeeze %dma_wait3A_64 : memref<1x1x64xi32, #tpu.memory_space<hbm>> -> memref<64xi32, #tpu.memory_space<hbm>>
    %dma_wait3A_66 = arith.constant 0 : i32
    %dma_wait3A_67 = tpu.memref_slice %arg3[%add3A, %dma_wait3A_62, %dma_wait3A_66] : memref<32x156x64xi32, #tpu.memory_space<hbm>> -> memref<1x1x64xi32, #tpu.memory_space<hbm>>
    %dma_wait3A_68 = tpu.memref_squeeze %dma_wait3A_67 : memref<1x1x64xi32, #tpu.memory_space<hbm>> -> memref<64xi32, #tpu.memory_space<hbm>>
    tpu.wait_dma2 semaphore(%arg30 : memref<!tpu.dma_semaphore, #tpu.memory_space<semaphore_mem>>) src(%dma_wait3A_68 : memref<64xi32, #tpu.memory_space<hbm>>) dst(%arg12 : memref<64xi32, #tpu.memory_space<vmem>>)
    %dma_wait3A_69 = arith.constant 1 : i32
    %dma_wait3A_70 = arith.constant 0 : i32
    %dma_wait3A_71 = tpu.memref_slice %arg4[%add3A, %dma_wait3A_69, %dma_wait3A_70] : memref<32x156x64xi32, #tpu.memory_space<hbm>> -> memref<1x1x64xi32, #tpu.memory_space<hbm>>
    %dma_wait3A_72 = tpu.memref_squeeze %dma_wait3A_71 : memref<1x1x64xi32, #tpu.memory_space<hbm>> -> memref<64xi32, #tpu.memory_space<hbm>>
    %dma_wait3A_73 = arith.constant 0 : i32
    %dma_wait3A_74 = tpu.memref_slice %arg4[%add3A, %dma_wait3A_69, %dma_wait3A_73] : memref<32x156x64xi32, #tpu.memory_space<hbm>> -> memref<1x1x64xi32, #tpu.memory_space<hbm>>
    %dma_wait3A_75 = tpu.memref_squeeze %dma_wait3A_74 : memref<1x1x64xi32, #tpu.memory_space<hbm>> -> memref<64xi32, #tpu.memory_space<hbm>>
    tpu.wait_dma2 semaphore(%arg30 : memref<!tpu.dma_semaphore, #tpu.memory_space<semaphore_mem>>) src(%dma_wait3A_75 : memref<64xi32, #tpu.memory_space<hbm>>) dst(%arg18 : memref<64xi32, #tpu.memory_space<vmem>>)
    %dma_start3A_76 = arith.constant 0 : i32
    %dma_start3A_77 = arith.constant 0 : i32
    %dma_start3A_78 = tpu.memref_slice %arg2[%dma_start3A_76, %dma_start3A_77] : memref<10000x128xf32, #tpu.memory_space<hbm>> -> memref<10000x128xf32, #tpu.memory_space<hbm>>
    tpu.enqueue_indirect_dma source(%dma_start3A_78 : memref<10000x128xf32, #tpu.memory_space<hbm>>) target(%arg24 : memref<64x128xf32, #tpu.memory_space<vmem>>) offsets(%arg12 : memref<64xi32, #tpu.memory_space<vmem>>) semaphore(%arg36 : memref<!tpu.dma_semaphore, #tpu.memory_space<semaphore_mem>>)
    %dma_start3A_79 = arith.constant 3 : i32
    %dma_start3A_80 = arith.constant 0 : i32
    %dma_start3A_81 = tpu.memref_slice %arg3[%add3A, %dma_start3A_79, %dma_start3A_80] : memref<32x156x64xi32, #tpu.memory_space<hbm>> -> memref<1x1x64xi32, #tpu.memory_space<hbm>>
    %dma_start3A_82 = tpu.memref_squeeze %dma_start3A_81 : memref<1x1x64xi32, #tpu.memory_space<hbm>> -> memref<64xi32, #tpu.memory_space<hbm>>
    %dma_start3A_83 = arith.constant 0 : i32
    %dma_start3A_84 = tpu.memref_slice %arg3[%add3A, %dma_start3A_79, %dma_start3A_83] : memref<32x156x64xi32, #tpu.memory_space<hbm>> -> memref<1x1x64xi32, #tpu.memory_space<hbm>>
    %dma_start3A_85 = tpu.memref_squeeze %dma_start3A_84 : memref<1x1x64xi32, #tpu.memory_space<hbm>> -> memref<64xi32, #tpu.memory_space<hbm>>
    tpu.enqueue_dma source(%dma_start3A_85 : memref<64xi32, #tpu.memory_space<hbm>>) target(%arg14 : memref<64xi32, #tpu.memory_space<vmem>>) target_semaphore(%arg32 : memref<!tpu.dma_semaphore, #tpu.memory_space<semaphore_mem>>)
    %dma_start3A_86 = arith.constant 3 : i32
    %dma_start3A_87 = arith.constant 0 : i32
    %dma_start3A_88 = tpu.memref_slice %arg4[%add3A, %dma_start3A_86, %dma_start3A_87] : memref<32x156x64xi32, #tpu.memory_space<hbm>> -> memref<1x1x64xi32, #tpu.memory_space<hbm>>
    %dma_start3A_89 = tpu.memref_squeeze %dma_start3A_88 : memref<1x1x64xi32, #tpu.memory_space<hbm>> -> memref<64xi32, #tpu.memory_space<hbm>>
    %dma_start3A_90 = arith.constant 0 : i32
    %dma_start3A_91 = tpu.memref_slice %arg4[%add3A, %dma_start3A_86, %dma_start3A_90] : memref<32x156x64xi32, #tpu.memory_space<hbm>> -> memref<1x1x64xi32, #tpu.memory_space<hbm>>
    %dma_start3A_92 = tpu.memref_squeeze %dma_start3A_91 : memref<1x1x64xi32, #tpu.memory_space<hbm>> -> memref<64xi32, #tpu.memory_space<hbm>>
    tpu.enqueue_dma source(%dma_start3A_92 : memref<64xi32, #tpu.memory_space<hbm>>) target(%arg20 : memref<64xi32, #tpu.memory_space<vmem>>) target_semaphore(%arg32 : memref<!tpu.dma_semaphore, #tpu.memory_space<semaphore_mem>>)
    %dma_wait3A_93 = arith.constant 2 : i32
    %dma_wait3A_94 = arith.constant 0 : i32
    %dma_wait3A_95 = tpu.memref_slice %arg3[%add3A, %dma_wait3A_93, %dma_wait3A_94] : memref<32x156x64xi32, #tpu.memory_space<hbm>> -> memref<1x1x64xi32, #tpu.memory_space<hbm>>
    %dma_wait3A_96 = tpu.memref_squeeze %dma_wait3A_95 : memref<1x1x64xi32, #tpu.memory_space<hbm>> -> memref<64xi32, #tpu.memory_space<hbm>>
    %dma_wait3A_97 = arith.constant 0 : i32
    %dma_wait3A_98 = tpu.memref_slice %arg3[%add3A, %dma_wait3A_93, %dma_wait3A_97] : memref<32x156x64xi32, #tpu.memory_space<hbm>> -> memref<1x1x64xi32, #tpu.memory_space<hbm>>
    %dma_wait3A_99 = tpu.memref_squeeze %dma_wait3A_98 : memref<1x1x64xi32, #tpu.memory_space<hbm>> -> memref<64xi32, #tpu.memory_space<hbm>>
    tpu.wait_dma2 semaphore(%arg31 : memref<!tpu.dma_semaphore, #tpu.memory_space<semaphore_mem>>) src(%dma_wait3A_99 : memref<64xi32, #tpu.memory_space<hbm>>) dst(%arg13 : memref<64xi32, #tpu.memory_space<vmem>>)
    %dma_wait3A_100 = arith.constant 2 : i32
    %dma_wait3A_101 = arith.constant 0 : i32
    %dma_wait3A_102 = tpu.memref_slice %arg4[%add3A, %dma_wait3A_100, %dma_wait3A_101] : memref<32x156x64xi32, #tpu.memory_space<hbm>> -> memref<1x1x64xi32, #tpu.memory_space<hbm>>
    %dma_wait3A_103 = tpu.memref_squeeze %dma_wait3A_102 : memref<1x1x64xi32, #tpu.memory_space<hbm>> -> memref<64xi32, #tpu.memory_space<hbm>>
    %dma_wait3A_104 = arith.constant 0 : i32
    %dma_wait3A_105 = tpu.memref_slice %arg4[%add3A, %dma_wait3A_100, %dma_wait3A_104] : memref<32x156x64xi32, #tpu.memory_space<hbm>> -> memref<1x1x64xi32, #tpu.memory_space<hbm>>
    %dma_wait3A_106 = tpu.memref_squeeze %dma_wait3A_105 : memref<1x1x64xi32, #tpu.memory_space<hbm>> -> memref<64xi32, #tpu.memory_space<hbm>>
    tpu.wait_dma2 semaphore(%arg31 : memref<!tpu.dma_semaphore, #tpu.memory_space<semaphore_mem>>) src(%dma_wait3A_106 : memref<64xi32, #tpu.memory_space<hbm>>) dst(%arg19 : memref<64xi32, #tpu.memory_space<vmem>>)
    %dma_start3A_107 = arith.constant 0 : i32
    %dma_start3A_108 = arith.constant 0 : i32
    %dma_start3A_109 = tpu.memref_slice %arg2[%dma_start3A_107, %dma_start3A_108] : memref<10000x128xf32, #tpu.memory_space<hbm>> -> memref<10000x128xf32, #tpu.memory_space<hbm>>
    tpu.enqueue_indirect_dma source(%dma_start3A_109 : memref<10000x128xf32, #tpu.memory_space<hbm>>) target(%arg25 : memref<64x128xf32, #tpu.memory_space<vmem>>) offsets(%arg13 : memref<64xi32, #tpu.memory_space<vmem>>) semaphore(%arg37 : memref<!tpu.dma_semaphore, #tpu.memory_space<semaphore_mem>>)
    %dma_start3A_110 = arith.constant 4 : i32
    %dma_start3A_111 = arith.constant 0 : i32
    %dma_start3A_112 = tpu.memref_slice %arg3[%add3A, %dma_start3A_110, %dma_start3A_111] : memref<32x156x64xi32, #tpu.memory_space<hbm>> -> memref<1x1x64xi32, #tpu.memory_space<hbm>>
    %dma_start3A_113 = tpu.memref_squeeze %dma_start3A_112 : memref<1x1x64xi32, #tpu.memory_space<hbm>> -> memref<64xi32, #tpu.memory_space<hbm>>
    %dma_start3A_114 = arith.constant 0 : i32
    %dma_start3A_115 = tpu.memref_slice %arg3[%add3A, %dma_start3A_110, %dma_start3A_114] : memref<32x156x64xi32, #tpu.memory_space<hbm>> -> memref<1x1x64xi32, #tpu.memory_space<hbm>>
    %dma_start3A_116 = tpu.memref_squeeze %dma_start3A_115 : memref<1x1x64xi32, #tpu.memory_space<hbm>> -> memref<64xi32, #tpu.memory_space<hbm>>
    tpu.enqueue_dma source(%dma_start3A_116 : memref<64xi32, #tpu.memory_space<hbm>>) target(%arg15 : memref<64xi32, #tpu.memory_space<vmem>>) target_semaphore(%arg33 : memref<!tpu.dma_semaphore, #tpu.memory_space<semaphore_mem>>)
    %dma_start3A_117 = arith.constant 4 : i32
    %dma_start3A_118 = arith.constant 0 : i32
    %dma_start3A_119 = tpu.memref_slice %arg4[%add3A, %dma_start3A_117, %dma_start3A_118] : memref<32x156x64xi32, #tpu.memory_space<hbm>> -> memref<1x1x64xi32, #tpu.memory_space<hbm>>
    %dma_start3A_120 = tpu.memref_squeeze %dma_start3A_119 : memref<1x1x64xi32, #tpu.memory_space<hbm>> -> memref<64xi32, #tpu.memory_space<hbm>>
    %dma_start3A_121 = arith.constant 0 : i32
    %dma_start3A_122 = tpu.memref_slice %arg4[%add3A, %dma_start3A_117, %dma_start3A_121] : memref<32x156x64xi32, #tpu.memory_space<hbm>> -> memref<1x1x64xi32, #tpu.memory_space<hbm>>
    %dma_start3A_123 = tpu.memref_squeeze %dma_start3A_122 : memref<1x1x64xi32, #tpu.memory_space<hbm>> -> memref<64xi32, #tpu.memory_space<hbm>>
    tpu.enqueue_dma source(%dma_start3A_123 : memref<64xi32, #tpu.memory_space<hbm>>) target(%arg21 : memref<64xi32, #tpu.memory_space<vmem>>) target_semaphore(%arg33 : memref<!tpu.dma_semaphore, #tpu.memory_space<semaphore_mem>>)
    %dma_wait3A_124 = arith.constant 3 : i32
    %dma_wait3A_125 = arith.constant 0 : i32
    %dma_wait3A_126 = tpu.memref_slice %arg3[%add3A, %dma_wait3A_124, %dma_wait3A_125] : memref<32x156x64xi32, #tpu.memory_space<hbm>> -> memref<1x1x64xi32, #tpu.memory_space<hbm>>
    %dma_wait3A_127 = tpu.memref_squeeze %dma_wait3A_126 : memref<1x1x64xi32, #tpu.memory_space<hbm>> -> memref<64xi32, #tpu.memory_space<hbm>>
    %dma_wait3A_128 = arith.constant 0 : i32
    %dma_wait3A_129 = tpu.memref_slice %arg3[%add3A, %dma_wait3A_124, %dma_wait3A_128] : memref<32x156x64xi32, #tpu.memory_space<hbm>> -> memref<1x1x64xi32, #tpu.memory_space<hbm>>
    %dma_wait3A_130 = tpu.memref_squeeze %dma_wait3A_129 : memref<1x1x64xi32, #tpu.memory_space<hbm>> -> memref<64xi32, #tpu.memory_space<hbm>>
    tpu.wait_dma2 semaphore(%arg32 : memref<!tpu.dma_semaphore, #tpu.memory_space<semaphore_mem>>) src(%dma_wait3A_130 : memref<64xi32, #tpu.memory_space<hbm>>) dst(%arg14 : memref<64xi32, #tpu.memory_space<vmem>>)
    %dma_wait3A_131 = arith.constant 3 : i32
    %dma_wait3A_132 = arith.constant 0 : i32
    %dma_wait3A_133 = tpu.memref_slice %arg4[%add3A, %dma_wait3A_131, %dma_wait3A_132] : memref<32x156x64xi32, #tpu.memory_space<hbm>> -> memref<1x1x64xi32, #tpu.memory_space<hbm>>
    %dma_wait3A_134 = tpu.memref_squeeze %dma_wait3A_133 : memref<1x1x64xi32, #tpu.memory_space<hbm>> -> memref<64xi32, #tpu.memory_space<hbm>>
    %dma_wait3A_135 = arith.constant 0 : i32
    %dma_wait3A_136 = tpu.memref_slice %arg4[%add3A, %dma_wait3A_131, %dma_wait3A_135] : memref<32x156x64xi32, #tpu.memory_space<hbm>> -> memref<1x1x64xi32, #tpu.memory_space<hbm>>
    %dma_wait3A_137 = tpu.memref_squeeze %dma_wait3A_136 : memref<1x1x64xi32, #tpu.memory_space<hbm>> -> memref<64xi32, #tpu.memory_space<hbm>>
    tpu.wait_dma2 semaphore(%arg32 : memref<!tpu.dma_semaphore, #tpu.memory_space<semaphore_mem>>) src(%dma_wait3A_137 : memref<64xi32, #tpu.memory_space<hbm>>) dst(%arg20 : memref<64xi32, #tpu.memory_space<vmem>>)
    %dma_start3A_138 = arith.constant 0 : i32
    %dma_start3A_139 = arith.constant 0 : i32
    %dma_start3A_140 = tpu.memref_slice %arg2[%dma_start3A_138, %dma_start3A_139] : memref<10000x128xf32, #tpu.memory_space<hbm>> -> memref<10000x128xf32, #tpu.memory_space<hbm>>
    tpu.enqueue_indirect_dma source(%dma_start3A_140 : memref<10000x128xf32, #tpu.memory_space<hbm>>) target(%arg26 : memref<64x128xf32, #tpu.memory_space<vmem>>) offsets(%arg14 : memref<64xi32, #tpu.memory_space<vmem>>) semaphore(%arg38 : memref<!tpu.dma_semaphore, #tpu.memory_space<semaphore_mem>>)
    %dma_wait3A_141 = arith.constant 0 : i32
    %dma_wait3A_142 = arith.constant 0 : i32
    %dma_wait3A_143 = tpu.memref_slice %arg2[%dma_wait3A_141, %dma_wait3A_142] : memref<10000x128xf32, #tpu.memory_space<hbm>> -> memref<10000x128xf32, #tpu.memory_space<hbm>>
    tpu.wait_indirect_dma semaphore(%arg35 : memref<!tpu.dma_semaphore, #tpu.memory_space<semaphore_mem>>) src(%dma_wait3A_143 : memref<10000x128xf32, #tpu.memory_space<hbm>>) dst(%arg23 : memref<64x128xf32, #tpu.memory_space<vmem>>)
    %dma_start3A_144 = arith.constant 0 : i32
    %dma_start3A_145 = arith.constant 0 : i32
    %dma_start3A_146 = tpu.memref_slice %arg8[%dma_start3A_144, %dma_start3A_145] : memref<10000x128xf32, #tpu.memory_space<vmem_shared>> -> memref<10000x128xf32, #tpu.memory_space<vmem_shared>>
    tpu.enqueue_indirect_dma source(%arg23 : memref<64x128xf32, #tpu.memory_space<vmem>>) target(%dma_start3A_146 : memref<10000x128xf32, #tpu.memory_space<vmem_shared>>) offsets(%arg17 : memref<64xi32, #tpu.memory_space<vmem>>) semaphore(%arg41 : memref<!tpu.dma_semaphore, #tpu.memory_space<semaphore_mem>>) {add = true}
    %dma_start3A_147 = arith.constant 5 : i32
    %dma_start3A_148 = arith.constant 0 : i32
    %dma_start3A_149 = tpu.memref_slice %arg3[%add3A, %dma_start3A_147, %dma_start3A_148] : memref<32x156x64xi32, #tpu.memory_space<hbm>> -> memref<1x1x64xi32, #tpu.memory_space<hbm>>
    %dma_start3A_150 = tpu.memref_squeeze %dma_start3A_149 : memref<1x1x64xi32, #tpu.memory_space<hbm>> -> memref<64xi32, #tpu.memory_space<hbm>>
    %dma_start3A_151 = arith.constant 0 : i32
    %dma_start3A_152 = tpu.memref_slice %arg3[%add3A, %dma_start3A_147, %dma_start3A_151] : memref<32x156x64xi32, #tpu.memory_space<hbm>> -> memref<1x1x64xi32, #tpu.memory_space<hbm>>
    %dma_start3A_153 = tpu.memref_squeeze %dma_start3A_152 : memref<1x1x64xi32, #tpu.memory_space<hbm>> -> memref<64xi32, #tpu.memory_space<hbm>>
    tpu.enqueue_dma source(%dma_start3A_153 : memref<64xi32, #tpu.memory_space<hbm>>) target(%arg16 : memref<64xi32, #tpu.memory_space<vmem>>) target_semaphore(%arg34 : memref<!tpu.dma_semaphore, #tpu.memory_space<semaphore_mem>>)
    %dma_start3A_154 = arith.constant 5 : i32
    %dma_start3A_155 = arith.constant 0 : i32
    %dma_start3A_156 = tpu.memref_slice %arg4[%add3A, %dma_start3A_154, %dma_start3A_155] : memref<32x156x64xi32, #tpu.memory_space<hbm>> -> memref<1x1x64xi32, #tpu.memory_space<hbm>>
    %dma_start3A_157 = tpu.memref_squeeze %dma_start3A_156 : memref<1x1x64xi32, #tpu.memory_space<hbm>> -> memref<64xi32, #tpu.memory_space<hbm>>
    %dma_start3A_158 = arith.constant 0 : i32
    %dma_start3A_159 = tpu.memref_slice %arg4[%add3A, %dma_start3A_154, %dma_start3A_158] : memref<32x156x64xi32, #tpu.memory_space<hbm>> -> memref<1x1x64xi32, #tpu.memory_space<hbm>>
    %dma_start3A_160 = tpu.memref_squeeze %dma_start3A_159 : memref<1x1x64xi32, #tpu.memory_space<hbm>> -> memref<64xi32, #tpu.memory_space<hbm>>
    tpu.enqueue_dma source(%dma_start3A_160 : memref<64xi32, #tpu.memory_space<hbm>>) target(%arg22 : memref<64xi32, #tpu.memory_space<vmem>>) target_semaphore(%arg34 : memref<!tpu.dma_semaphore, #tpu.memory_space<semaphore_mem>>)
    %dma_wait3A_161 = arith.constant 4 : i32
    %dma_wait3A_162 = arith.constant 0 : i32
    %dma_wait3A_163 = tpu.memref_slice %arg3[%add3A, %dma_wait3A_161, %dma_wait3A_162] : memref<32x156x64xi32, #tpu.memory_space<hbm>> -> memref<1x1x64xi32, #tpu.memory_space<hbm>>
    %dma_wait3A_164 = tpu.memref_squeeze %dma_wait3A_163 : memref<1x1x64xi32, #tpu.memory_space<hbm>> -> memref<64xi32, #tpu.memory_space<hbm>>
    %dma_wait3A_165 = arith.constant 0 : i32
    %dma_wait3A_166 = tpu.memref_slice %arg3[%add3A, %dma_wait3A_161, %dma_wait3A_165] : memref<32x156x64xi32, #tpu.memory_space<hbm>> -> memref<1x1x64xi32, #tpu.memory_space<hbm>>
    %dma_wait3A_167 = tpu.memref_squeeze %dma_wait3A_166 : memref<1x1x64xi32, #tpu.memory_space<hbm>> -> memref<64xi32, #tpu.memory_space<hbm>>
    tpu.wait_dma2 semaphore(%arg33 : memref<!tpu.dma_semaphore, #tpu.memory_space<semaphore_mem>>) src(%dma_wait3A_167 : memref<64xi32, #tpu.memory_space<hbm>>) dst(%arg15 : memref<64xi32, #tpu.memory_space<vmem>>)
    %dma_wait3A_168 = arith.constant 4 : i32
    %dma_wait3A_169 = arith.constant 0 : i32
    %dma_wait3A_170 = tpu.memref_slice %arg4[%add3A, %dma_wait3A_168, %dma_wait3A_169] : memref<32x156x64xi32, #tpu.memory_space<hbm>> -> memref<1x1x64xi32, #tpu.memory_space<hbm>>
    %dma_wait3A_171 = tpu.memref_squeeze %dma_wait3A_170 : memref<1x1x64xi32, #tpu.memory_space<hbm>> -> memref<64xi32, #tpu.memory_space<hbm>>
    %dma_wait3A_172 = arith.constant 0 : i32
    %dma_wait3A_173 = tpu.memref_slice %arg4[%add3A, %dma_wait3A_168, %dma_wait3A_172] : memref<32x156x64xi32, #tpu.memory_space<hbm>> -> memref<1x1x64xi32, #tpu.memory_space<hbm>>
    %dma_wait3A_174 = tpu.memref_squeeze %dma_wait3A_173 : memref<1x1x64xi32, #tpu.memory_space<hbm>> -> memref<64xi32, #tpu.memory_space<hbm>>
    tpu.wait_dma2 semaphore(%arg33 : memref<!tpu.dma_semaphore, #tpu.memory_space<semaphore_mem>>) src(%dma_wait3A_174 : memref<64xi32, #tpu.memory_space<hbm>>) dst(%arg21 : memref<64xi32, #tpu.memory_space<vmem>>)
    %dma_start3A_175 = arith.constant 0 : i32
    %dma_start3A_176 = arith.constant 0 : i32
    %dma_start3A_177 = tpu.memref_slice %arg2[%dma_start3A_175, %dma_start3A_176] : memref<10000x128xf32, #tpu.memory_space<hbm>> -> memref<10000x128xf32, #tpu.memory_space<hbm>>
    tpu.enqueue_indirect_dma source(%dma_start3A_177 : memref<10000x128xf32, #tpu.memory_space<hbm>>) target(%arg27 : memref<64x128xf32, #tpu.memory_space<vmem>>) offsets(%arg15 : memref<64xi32, #tpu.memory_space<vmem>>) semaphore(%arg39 : memref<!tpu.dma_semaphore, #tpu.memory_space<semaphore_mem>>)
    %dma_wait3A_178 = arith.constant 0 : i32
    %dma_wait3A_179 = arith.constant 0 : i32
    %dma_wait3A_180 = tpu.memref_slice %arg2[%dma_wait3A_178, %dma_wait3A_179] : memref<10000x128xf32, #tpu.memory_space<hbm>> -> memref<10000x128xf32, #tpu.memory_space<hbm>>
    tpu.wait_indirect_dma semaphore(%arg36 : memref<!tpu.dma_semaphore, #tpu.memory_space<semaphore_mem>>) src(%dma_wait3A_180 : memref<10000x128xf32, #tpu.memory_space<hbm>>) dst(%arg24 : memref<64x128xf32, #tpu.memory_space<vmem>>)
    %dma_start3A_181 = arith.constant 0 : i32
    %dma_start3A_182 = arith.constant 0 : i32
    %dma_start3A_183 = tpu.memref_slice %arg8[%dma_start3A_181, %dma_start3A_182] : memref<10000x128xf32, #tpu.memory_space<vmem_shared>> -> memref<10000x128xf32, #tpu.memory_space<vmem_shared>>
    tpu.enqueue_indirect_dma source(%arg24 : memref<64x128xf32, #tpu.memory_space<vmem>>) target(%dma_start3A_183 : memref<10000x128xf32, #tpu.memory_space<vmem_shared>>) offsets(%arg18 : memref<64xi32, #tpu.memory_space<vmem>>) semaphore(%arg42 : memref<!tpu.dma_semaphore, #tpu.memory_space<semaphore_mem>>) {add = true}
    %scan3A = arith.constant 0 : i32
    %scan3A_184 = arith.constant 0 : i32
    %scan3A_185 = arith.constant 25 : i32
    %scan3A_186 = arith.addi %scan3A_184, %scan3A_185 : i32
    %scan3A_187 = arith.constant 1 : i32
    scf.for %scan3A_266 = %scan3A_184 to %scan3A_186 step %scan3A_187  : i32 {
      %mul3A_267 = arith.constant 6 : i32
      %mul3A_268 = arith.muli %mul3A_267, %scan3A_266 : i32
      %add3A_269 = arith.constant 6 : i32
      %add3A_270 = arith.addi %add3A_269, %mul3A_268 : i32
      %add3A_271 = arith.constant 0 : i32
      %add3A_272 = arith.addi %add3A_270, %add3A_271 : i32
      %dma_wait3A_273 = arith.constant 0 : i32
      %dma_wait3A_274 = arith.constant 0 : i32
      %dma_wait3A_275 = tpu.memref_slice %arg8[%dma_wait3A_273, %dma_wait3A_274] : memref<10000x128xf32, #tpu.memory_space<vmem_shared>> -> memref<10000x128xf32, #tpu.memory_space<vmem_shared>>
      tpu.wait_indirect_dma semaphore(%arg41 : memref<!tpu.dma_semaphore, #tpu.memory_space<semaphore_mem>>) src(%arg23 : memref<64x128xf32, #tpu.memory_space<vmem>>) dst(%dma_wait3A_275 : memref<10000x128xf32, #tpu.memory_space<vmem_shared>>)
      %dma_start3A_276 = arith.constant 0 : i32
      %dma_start3A_277 = tpu.memref_slice %arg3[%add3A, %add3A_272, %dma_start3A_276] : memref<32x156x64xi32, #tpu.memory_space<hbm>> -> memref<1x1x64xi32, #tpu.memory_space<hbm>>
      %dma_start3A_278 = tpu.memref_squeeze %dma_start3A_277 : memref<1x1x64xi32, #tpu.memory_space<hbm>> -> memref<64xi32, #tpu.memory_space<hbm>>
      %dma_start3A_279 = arith.constant 0 : i32
      %dma_start3A_280 = tpu.memref_slice %arg3[%add3A, %add3A_272, %dma_start3A_279] : memref<32x156x64xi32, #tpu.memory_space<hbm>> -> memref<1x1x64xi32, #tpu.memory_space<hbm>>
      %dma_start3A_281 = tpu.memref_squeeze %dma_start3A_280 : memref<1x1x64xi32, #tpu.memory_space<hbm>> -> memref<64xi32, #tpu.memory_space<hbm>>
      tpu.enqueue_dma source(%dma_start3A_281 : memref<64xi32, #tpu.memory_space<hbm>>) target(%arg11 : memref<64xi32, #tpu.memory_space<vmem>>) target_semaphore(%arg29 : memref<!tpu.dma_semaphore, #tpu.memory_space<semaphore_mem>>)
      %dma_start3A_282 = arith.constant 0 : i32
      %dma_start3A_283 = tpu.memref_slice %arg4[%add3A, %add3A_272, %dma_start3A_282] : memref<32x156x64xi32, #tpu.memory_space<hbm>> -> memref<1x1x64xi32, #tpu.memory_space<hbm>>
      %dma_start3A_284 = tpu.memref_squeeze %dma_start3A_283 : memref<1x1x64xi32, #tpu.memory_space<hbm>> -> memref<64xi32, #tpu.memory_space<hbm>>
      %dma_start3A_285 = arith.constant 0 : i32
      %dma_start3A_286 = tpu.memref_slice %arg4[%add3A, %add3A_272, %dma_start3A_285] : memref<32x156x64xi32, #tpu.memory_space<hbm>> -> memref<1x1x64xi32, #tpu.memory_space<hbm>>
      %dma_start3A_287 = tpu.memref_squeeze %dma_start3A_286 : memref<1x1x64xi32, #tpu.memory_space<hbm>> -> memref<64xi32, #tpu.memory_space<hbm>>
      tpu.enqueue_dma source(%dma_start3A_287 : memref<64xi32, #tpu.memory_space<hbm>>) target(%arg17 : memref<64xi32, #tpu.memory_space<vmem>>) target_semaphore(%arg29 : memref<!tpu.dma_semaphore, #tpu.memory_space<semaphore_mem>>)
      %sub3A = arith.constant 1 : i32
      %sub3A_288 = arith.subi %add3A_272, %sub3A : i32
      %dma_wait3A_289 = arith.constant 0 : i32
      %dma_wait3A_290 = tpu.memref_slice %arg3[%add3A, %sub3A_288, %dma_wait3A_289] : memref<32x156x64xi32, #tpu.memory_space<hbm>> -> memref<1x1x64xi32, #tpu.memory_space<hbm>>
      %dma_wait3A_291 = tpu.memref_squeeze %dma_wait3A_290 : memref<1x1x64xi32, #tpu.memory_space<hbm>> -> memref<64xi32, #tpu.memory_space<hbm>>
      %dma_wait3A_292 = arith.constant 0 : i32
      %dma_wait3A_293 = tpu.memref_slice %arg3[%add3A, %sub3A_288, %dma_wait3A_292] : memref<32x156x64xi32, #tpu.memory_space<hbm>> -> memref<1x1x64xi32, #tpu.memory_space<hbm>>
      %dma_wait3A_294 = tpu.memref_squeeze %dma_wait3A_293 : memref<1x1x64xi32, #tpu.memory_space<hbm>> -> memref<64xi32, #tpu.memory_space<hbm>>
      tpu.wait_dma2 semaphore(%arg34 : memref<!tpu.dma_semaphore, #tpu.memory_space<semaphore_mem>>) src(%dma_wait3A_294 : memref<64xi32, #tpu.memory_space<hbm>>) dst(%arg16 : memref<64xi32, #tpu.memory_space<vmem>>)
      %dma_wait3A_295 = arith.constant 0 : i32
      %dma_wait3A_296 = tpu.memref_slice %arg4[%add3A, %sub3A_288, %dma_wait3A_295] : memref<32x156x64xi32, #tpu.memory_space<hbm>> -> memref<1x1x64xi32, #tpu.memory_space<hbm>>
      %dma_wait3A_297 = tpu.memref_squeeze %dma_wait3A_296 : memref<1x1x64xi32, #tpu.memory_space<hbm>> -> memref<64xi32, #tpu.memory_space<hbm>>
      %dma_wait3A_298 = arith.constant 0 : i32
      %dma_wait3A_299 = tpu.memref_slice %arg4[%add3A, %sub3A_288, %dma_wait3A_298] : memref<32x156x64xi32, #tpu.memory_space<hbm>> -> memref<1x1x64xi32, #tpu.memory_space<hbm>>
      %dma_wait3A_300 = tpu.memref_squeeze %dma_wait3A_299 : memref<1x1x64xi32, #tpu.memory_space<hbm>> -> memref<64xi32, #tpu.memory_space<hbm>>
      tpu.wait_dma2 semaphore(%arg34 : memref<!tpu.dma_semaphore, #tpu.memory_space<semaphore_mem>>) src(%dma_wait3A_300 : memref<64xi32, #tpu.memory_space<hbm>>) dst(%arg22 : memref<64xi32, #tpu.memory_space<vmem>>)
      %dma_start3A_301 = arith.constant 0 : i32
      %dma_start3A_302 = arith.constant 0 : i32
      %dma_start3A_303 = tpu.memref_slice %arg2[%dma_start3A_301, %dma_start3A_302] : memref<10000x128xf32, #tpu.memory_space<hbm>> -> memref<10000x128xf32, #tpu.memory_space<hbm>>
      tpu.enqueue_indirect_dma source(%dma_start3A_303 : memref<10000x128xf32, #tpu.memory_space<hbm>>) target(%arg28 : memref<64x128xf32, #tpu.memory_space<vmem>>) offsets(%arg16 : memref<64xi32, #tpu.memory_space<vmem>>) semaphore(%arg40 : memref<!tpu.dma_semaphore, #tpu.memory_space<semaphore_mem>>)
      %dma_wait3A_304 = arith.constant 0 : i32
      %dma_wait3A_305 = arith.constant 0 : i32
      %dma_wait3A_306 = tpu.memref_slice %arg2[%dma_wait3A_304, %dma_wait3A_305] : memref<10000x128xf32, #tpu.memory_space<hbm>> -> memref<10000x128xf32, #tpu.memory_space<hbm>>
      tpu.wait_indirect_dma semaphore(%arg37 : memref<!tpu.dma_semaphore, #tpu.memory_space<semaphore_mem>>) src(%dma_wait3A_306 : memref<10000x128xf32, #tpu.memory_space<hbm>>) dst(%arg25 : memref<64x128xf32, #tpu.memory_space<vmem>>)
      %dma_start3A_307 = arith.constant 0 : i32
      %dma_start3A_308 = arith.constant 0 : i32
      %dma_start3A_309 = tpu.memref_slice %arg8[%dma_start3A_307, %dma_start3A_308] : memref<10000x128xf32, #tpu.memory_space<vmem_shared>> -> memref<10000x128xf32, #tpu.memory_space<vmem_shared>>
      tpu.enqueue_indirect_dma source(%arg25 : memref<64x128xf32, #tpu.memory_space<vmem>>) target(%dma_start3A_309 : memref<10000x128xf32, #tpu.memory_space<vmem_shared>>) offsets(%arg19 : memref<64xi32, #tpu.memory_space<vmem>>) semaphore(%arg43 : memref<!tpu.dma_semaphore, #tpu.memory_space<semaphore_mem>>) {add = true}
      %add3A_310 = arith.constant 1 : i32
      %add3A_311 = arith.addi %add3A_270, %add3A_310 : i32
      %dma_wait3A_312 = arith.constant 0 : i32
      %dma_wait3A_313 = arith.constant 0 : i32
      %dma_wait3A_314 = tpu.memref_slice %arg8[%dma_wait3A_312, %dma_wait3A_313] : memref<10000x128xf32, #tpu.memory_space<vmem_shared>> -> memref<10000x128xf32, #tpu.memory_space<vmem_shared>>
      tpu.wait_indirect_dma semaphore(%arg42 : memref<!tpu.dma_semaphore, #tpu.memory_space<semaphore_mem>>) src(%arg24 : memref<64x128xf32, #tpu.memory_space<vmem>>) dst(%dma_wait3A_314 : memref<10000x128xf32, #tpu.memory_space<vmem_shared>>)
      %dma_start3A_315 = arith.constant 0 : i32
      %dma_start3A_316 = tpu.memref_slice %arg3[%add3A, %add3A_311, %dma_start3A_315] : memref<32x156x64xi32, #tpu.memory_space<hbm>> -> memref<1x1x64xi32, #tpu.memory_space<hbm>>
      %dma_start3A_317 = tpu.memref_squeeze %dma_start3A_316 : memref<1x1x64xi32, #tpu.memory_space<hbm>> -> memref<64xi32, #tpu.memory_space<hbm>>
      %dma_start3A_318 = arith.constant 0 : i32
      %dma_start3A_319 = tpu.memref_slice %arg3[%add3A, %add3A_311, %dma_start3A_318] : memref<32x156x64xi32, #tpu.memory_space<hbm>> -> memref<1x1x64xi32, #tpu.memory_space<hbm>>
      %dma_start3A_320 = tpu.memref_squeeze %dma_start3A_319 : memref<1x1x64xi32, #tpu.memory_space<hbm>> -> memref<64xi32, #tpu.memory_space<hbm>>
      tpu.enqueue_dma source(%dma_start3A_320 : memref<64xi32, #tpu.memory_space<hbm>>) target(%arg12 : memref<64xi32, #tpu.memory_space<vmem>>) target_semaphore(%arg30 : memref<!tpu.dma_semaphore, #tpu.memory_space<semaphore_mem>>)
      %dma_start3A_321 = arith.constant 0 : i32
      %dma_start3A_322 = tpu.memref_slice %arg4[%add3A, %add3A_311, %dma_start3A_321] : memref<32x156x64xi32, #tpu.memory_space<hbm>> -> memref<1x1x64xi32, #tpu.memory_space<hbm>>
      %dma_start3A_323 = tpu.memref_squeeze %dma_start3A_322 : memref<1x1x64xi32, #tpu.memory_space<hbm>> -> memref<64xi32, #tpu.memory_space<hbm>>
      %dma_start3A_324 = arith.constant 0 : i32
      %dma_start3A_325 = tpu.memref_slice %arg4[%add3A, %add3A_311, %dma_start3A_324] : memref<32x156x64xi32, #tpu.memory_space<hbm>> -> memref<1x1x64xi32, #tpu.memory_space<hbm>>
      %dma_start3A_326 = tpu.memref_squeeze %dma_start3A_325 : memref<1x1x64xi32, #tpu.memory_space<hbm>> -> memref<64xi32, #tpu.memory_space<hbm>>
      tpu.enqueue_dma source(%dma_start3A_326 : memref<64xi32, #tpu.memory_space<hbm>>) target(%arg18 : memref<64xi32, #tpu.memory_space<vmem>>) target_semaphore(%arg30 : memref<!tpu.dma_semaphore, #tpu.memory_space<semaphore_mem>>)
      %sub3A_327 = arith.constant 1 : i32
      %sub3A_328 = arith.subi %add3A_311, %sub3A_327 : i32
      %dma_wait3A_329 = arith.constant 0 : i32
      %dma_wait3A_330 = tpu.memref_slice %arg3[%add3A, %sub3A_328, %dma_wait3A_329] : memref<32x156x64xi32, #tpu.memory_space<hbm>> -> memref<1x1x64xi32, #tpu.memory_space<hbm>>
      %dma_wait3A_331 = tpu.memref_squeeze %dma_wait3A_330 : memref<1x1x64xi32, #tpu.memory_space<hbm>> -> memref<64xi32, #tpu.memory_space<hbm>>
      %dma_wait3A_332 = arith.constant 0 : i32
      %dma_wait3A_333 = tpu.memref_slice %arg3[%add3A, %sub3A_328, %dma_wait3A_332] : memref<32x156x64xi32, #tpu.memory_space<hbm>> -> memref<1x1x64xi32, #tpu.memory_space<hbm>>
      %dma_wait3A_334 = tpu.memref_squeeze %dma_wait3A_333 : memref<1x1x64xi32, #tpu.memory_space<hbm>> -> memref<64xi32, #tpu.memory_space<hbm>>
      tpu.wait_dma2 semaphore(%arg29 : memref<!tpu.dma_semaphore, #tpu.memory_space<semaphore_mem>>) src(%dma_wait3A_334 : memref<64xi32, #tpu.memory_space<hbm>>) dst(%arg11 : memref<64xi32, #tpu.memory_space<vmem>>)
      %dma_wait3A_335 = arith.constant 0 : i32
      %dma_wait3A_336 = tpu.memref_slice %arg4[%add3A, %sub3A_328, %dma_wait3A_335] : memref<32x156x64xi32, #tpu.memory_space<hbm>> -> memref<1x1x64xi32, #tpu.memory_space<hbm>>
      %dma_wait3A_337 = tpu.memref_squeeze %dma_wait3A_336 : memref<1x1x64xi32, #tpu.memory_space<hbm>> -> memref<64xi32, #tpu.memory_space<hbm>>
      %dma_wait3A_338 = arith.constant 0 : i32
      %dma_wait3A_339 = tpu.memref_slice %arg4[%add3A, %sub3A_328, %dma_wait3A_338] : memref<32x156x64xi32, #tpu.memory_space<hbm>> -> memref<1x1x64xi32, #tpu.memory_space<hbm>>
      %dma_wait3A_340 = tpu.memref_squeeze %dma_wait3A_339 : memref<1x1x64xi32, #tpu.memory_space<hbm>> -> memref<64xi32, #tpu.memory_space<hbm>>
      tpu.wait_dma2 semaphore(%arg29 : memref<!tpu.dma_semaphore, #tpu.memory_space<semaphore_mem>>) src(%dma_wait3A_340 : memref<64xi32, #tpu.memory_space<hbm>>) dst(%arg17 : memref<64xi32, #tpu.memory_space<vmem>>)
      %dma_start3A_341 = arith.constant 0 : i32
      %dma_start3A_342 = arith.constant 0 : i32
      %dma_start3A_343 = tpu.memref_slice %arg2[%dma_start3A_341, %dma_start3A_342] : memref<10000x128xf32, #tpu.memory_space<hbm>> -> memref<10000x128xf32, #tpu.memory_space<hbm>>
      tpu.enqueue_indirect_dma source(%dma_start3A_343 : memref<10000x128xf32, #tpu.memory_space<hbm>>) target(%arg23 : memref<64x128xf32, #tpu.memory_space<vmem>>) offsets(%arg11 : memref<64xi32, #tpu.memory_space<vmem>>) semaphore(%arg35 : memref<!tpu.dma_semaphore, #tpu.memory_space<semaphore_mem>>)
      %dma_wait3A_344 = arith.constant 0 : i32
      %dma_wait3A_345 = arith.constant 0 : i32
      %dma_wait3A_346 = tpu.memref_slice %arg2[%dma_wait3A_344, %dma_wait3A_345] : memref<10000x128xf32, #tpu.memory_space<hbm>> -> memref<10000x128xf32, #tpu.memory_space<hbm>>
      tpu.wait_indirect_dma semaphore(%arg38 : memref<!tpu.dma_semaphore, #tpu.memory_space<semaphore_mem>>) src(%dma_wait3A_346 : memref<10000x128xf32, #tpu.memory_space<hbm>>) dst(%arg26 : memref<64x128xf32, #tpu.memory_space<vmem>>)
      %dma_start3A_347 = arith.constant 0 : i32
      %dma_start3A_348 = arith.constant 0 : i32
      %dma_start3A_349 = tpu.memref_slice %arg8[%dma_start3A_347, %dma_start3A_348] : memref<10000x128xf32, #tpu.memory_space<vmem_shared>> -> memref<10000x128xf32, #tpu.memory_space<vmem_shared>>
      tpu.enqueue_indirect_dma source(%arg26 : memref<64x128xf32, #tpu.memory_space<vmem>>) target(%dma_start3A_349 : memref<10000x128xf32, #tpu.memory_space<vmem_shared>>) offsets(%arg20 : memref<64xi32, #tpu.memory_space<vmem>>) semaphore(%arg44 : memref<!tpu.dma_semaphore, #tpu.memory_space<semaphore_mem>>) {add = true}
      %add3A_350 = arith.constant 2 : i32
      %add3A_351 = arith.addi %add3A_270, %add3A_350 : i32
      %dma_wait3A_352 = arith.constant 0 : i32
      %dma_wait3A_353 = arith.constant 0 : i32
      %dma_wait3A_354 = tpu.memref_slice %arg8[%dma_wait3A_352, %dma_wait3A_353] : memref<10000x128xf32, #tpu.memory_space<vmem_shared>> -> memref<10000x128xf32, #tpu.memory_space<vmem_shared>>
      tpu.wait_indirect_dma semaphore(%arg43 : memref<!tpu.dma_semaphore, #tpu.memory_space<semaphore_mem>>) src(%arg25 : memref<64x128xf32, #tpu.memory_space<vmem>>) dst(%dma_wait3A_354 : memref<10000x128xf32, #tpu.memory_space<vmem_shared>>)
      %dma_start3A_355 = arith.constant 0 : i32
      %dma_start3A_356 = tpu.memref_slice %arg3[%add3A, %add3A_351, %dma_start3A_355] : memref<32x156x64xi32, #tpu.memory_space<hbm>> -> memref<1x1x64xi32, #tpu.memory_space<hbm>>
      %dma_start3A_357 = tpu.memref_squeeze %dma_start3A_356 : memref<1x1x64xi32, #tpu.memory_space<hbm>> -> memref<64xi32, #tpu.memory_space<hbm>>
      %dma_start3A_358 = arith.constant 0 : i32
      %dma_start3A_359 = tpu.memref_slice %arg3[%add3A, %add3A_351, %dma_start3A_358] : memref<32x156x64xi32, #tpu.memory_space<hbm>> -> memref<1x1x64xi32, #tpu.memory_space<hbm>>
      %dma_start3A_360 = tpu.memref_squeeze %dma_start3A_359 : memref<1x1x64xi32, #tpu.memory_space<hbm>> -> memref<64xi32, #tpu.memory_space<hbm>>
      tpu.enqueue_dma source(%dma_start3A_360 : memref<64xi32, #tpu.memory_space<hbm>>) target(%arg13 : memref<64xi32, #tpu.memory_space<vmem>>) target_semaphore(%arg31 : memref<!tpu.dma_semaphore, #tpu.memory_space<semaphore_mem>>)
      %dma_start3A_361 = arith.constant 0 : i32
      %dma_start3A_362 = tpu.memref_slice %arg4[%add3A, %add3A_351, %dma_start3A_361] : memref<32x156x64xi32, #tpu.memory_space<hbm>> -> memref<1x1x64xi32, #tpu.memory_space<hbm>>
      %dma_start3A_363 = tpu.memref_squeeze %dma_start3A_362 : memref<1x1x64xi32, #tpu.memory_space<hbm>> -> memref<64xi32, #tpu.memory_space<hbm>>
      %dma_start3A_364 = arith.constant 0 : i32
      %dma_start3A_365 = tpu.memref_slice %arg4[%add3A, %add3A_351, %dma_start3A_364] : memref<32x156x64xi32, #tpu.memory_space<hbm>> -> memref<1x1x64xi32, #tpu.memory_space<hbm>>
      %dma_start3A_366 = tpu.memref_squeeze %dma_start3A_365 : memref<1x1x64xi32, #tpu.memory_space<hbm>> -> memref<64xi32, #tpu.memory_space<hbm>>
      tpu.enqueue_dma source(%dma_start3A_366 : memref<64xi32, #tpu.memory_space<hbm>>) target(%arg19 : memref<64xi32, #tpu.memory_space<vmem>>) target_semaphore(%arg31 : memref<!tpu.dma_semaphore, #tpu.memory_space<semaphore_mem>>)
      %sub3A_367 = arith.constant 1 : i32
      %sub3A_368 = arith.subi %add3A_351, %sub3A_367 : i32
      %dma_wait3A_369 = arith.constant 0 : i32
      %dma_wait3A_370 = tpu.memref_slice %arg3[%add3A, %sub3A_368, %dma_wait3A_369] : memref<32x156x64xi32, #tpu.memory_space<hbm>> -> memref<1x1x64xi32, #tpu.memory_space<hbm>>
      %dma_wait3A_371 = tpu.memref_squeeze %dma_wait3A_370 : memref<1x1x64xi32, #tpu.memory_space<hbm>> -> memref<64xi32, #tpu.memory_space<hbm>>
      %dma_wait3A_372 = arith.constant 0 : i32
      %dma_wait3A_373 = tpu.memref_slice %arg3[%add3A, %sub3A_368, %dma_wait3A_372] : memref<32x156x64xi32, #tpu.memory_space<hbm>> -> memref<1x1x64xi32, #tpu.memory_space<hbm>>
      %dma_wait3A_374 = tpu.memref_squeeze %dma_wait3A_373 : memref<1x1x64xi32, #tpu.memory_space<hbm>> -> memref<64xi32, #tpu.memory_space<hbm>>
      tpu.wait_dma2 semaphore(%arg30 : memref<!tpu.dma_semaphore, #tpu.memory_space<semaphore_mem>>) src(%dma_wait3A_374 : memref<64xi32, #tpu.memory_space<hbm>>) dst(%arg12 : memref<64xi32, #tpu.memory_space<vmem>>)
      %dma_wait3A_375 = arith.constant 0 : i32
      %dma_wait3A_376 = tpu.memref_slice %arg4[%add3A, %sub3A_368, %dma_wait3A_375] : memref<32x156x64xi32, #tpu.memory_space<hbm>> -> memref<1x1x64xi32, #tpu.memory_space<hbm>>
      %dma_wait3A_377 = tpu.memref_squeeze %dma_wait3A_376 : memref<1x1x64xi32, #tpu.memory_space<hbm>> -> memref<64xi32, #tpu.memory_space<hbm>>
      %dma_wait3A_378 = arith.constant 0 : i32
      %dma_wait3A_379 = tpu.memref_slice %arg4[%add3A, %sub3A_368, %dma_wait3A_378] : memref<32x156x64xi32, #tpu.memory_space<hbm>> -> memref<1x1x64xi32, #tpu.memory_space<hbm>>
      %dma_wait3A_380 = tpu.memref_squeeze %dma_wait3A_379 : memref<1x1x64xi32, #tpu.memory_space<hbm>> -> memref<64xi32, #tpu.memory_space<hbm>>
      tpu.wait_dma2 semaphore(%arg30 : memref<!tpu.dma_semaphore, #tpu.memory_space<semaphore_mem>>) src(%dma_wait3A_380 : memref<64xi32, #tpu.memory_space<hbm>>) dst(%arg18 : memref<64xi32, #tpu.memory_space<vmem>>)
      %dma_start3A_381 = arith.constant 0 : i32
      %dma_start3A_382 = arith.constant 0 : i32
      %dma_start3A_383 = tpu.memref_slice %arg2[%dma_start3A_381, %dma_start3A_382] : memref<10000x128xf32, #tpu.memory_space<hbm>> -> memref<10000x128xf32, #tpu.memory_space<hbm>>
      tpu.enqueue_indirect_dma source(%dma_start3A_383 : memref<10000x128xf32, #tpu.memory_space<hbm>>) target(%arg24 : memref<64x128xf32, #tpu.memory_space<vmem>>) offsets(%arg12 : memref<64xi32, #tpu.memory_space<vmem>>) semaphore(%arg36 : memref<!tpu.dma_semaphore, #tpu.memory_space<semaphore_mem>>)
      %dma_wait3A_384 = arith.constant 0 : i32
      %dma_wait3A_385 = arith.constant 0 : i32
      %dma_wait3A_386 = tpu.memref_slice %arg2[%dma_wait3A_384, %dma_wait3A_385] : memref<10000x128xf32, #tpu.memory_space<hbm>> -> memref<10000x128xf32, #tpu.memory_space<hbm>>
      tpu.wait_indirect_dma semaphore(%arg39 : memref<!tpu.dma_semaphore, #tpu.memory_space<semaphore_mem>>) src(%dma_wait3A_386 : memref<10000x128xf32, #tpu.memory_space<hbm>>) dst(%arg27 : memref<64x128xf32, #tpu.memory_space<vmem>>)
      %dma_start3A_387 = arith.constant 0 : i32
      %dma_start3A_388 = arith.constant 0 : i32
      %dma_start3A_389 = tpu.memref_slice %arg8[%dma_start3A_387, %dma_start3A_388] : memref<10000x128xf32, #tpu.memory_space<vmem_shared>> -> memref<10000x128xf32, #tpu.memory_space<vmem_shared>>
      tpu.enqueue_indirect_dma source(%arg27 : memref<64x128xf32, #tpu.memory_space<vmem>>) target(%dma_start3A_389 : memref<10000x128xf32, #tpu.memory_space<vmem_shared>>) offsets(%arg21 : memref<64xi32, #tpu.memory_space<vmem>>) semaphore(%arg45 : memref<!tpu.dma_semaphore, #tpu.memory_space<semaphore_mem>>) {add = true}
      %add3A_390 = arith.constant 3 : i32
      %add3A_391 = arith.addi %add3A_270, %add3A_390 : i32
      %dma_wait3A_392 = arith.constant 0 : i32
      %dma_wait3A_393 = arith.constant 0 : i32
      %dma_wait3A_394 = tpu.memref_slice %arg8[%dma_wait3A_392, %dma_wait3A_393] : memref<10000x128xf32, #tpu.memory_space<vmem_shared>> -> memref<10000x128xf32, #tpu.memory_space<vmem_shared>>
      tpu.wait_indirect_dma semaphore(%arg44 : memref<!tpu.dma_semaphore, #tpu.memory_space<semaphore_mem>>) src(%arg26 : memref<64x128xf32, #tpu.memory_space<vmem>>) dst(%dma_wait3A_394 : memref<10000x128xf32, #tpu.memory_space<vmem_shared>>)
      %dma_start3A_395 = arith.constant 0 : i32
      %dma_start3A_396 = tpu.memref_slice %arg3[%add3A, %add3A_391, %dma_start3A_395] : memref<32x156x64xi32, #tpu.memory_space<hbm>> -> memref<1x1x64xi32, #tpu.memory_space<hbm>>
      %dma_start3A_397 = tpu.memref_squeeze %dma_start3A_396 : memref<1x1x64xi32, #tpu.memory_space<hbm>> -> memref<64xi32, #tpu.memory_space<hbm>>
      %dma_start3A_398 = arith.constant 0 : i32
      %dma_start3A_399 = tpu.memref_slice %arg3[%add3A, %add3A_391, %dma_start3A_398] : memref<32x156x64xi32, #tpu.memory_space<hbm>> -> memref<1x1x64xi32, #tpu.memory_space<hbm>>
      %dma_start3A_400 = tpu.memref_squeeze %dma_start3A_399 : memref<1x1x64xi32, #tpu.memory_space<hbm>> -> memref<64xi32, #tpu.memory_space<hbm>>
      tpu.enqueue_dma source(%dma_start3A_400 : memref<64xi32, #tpu.memory_space<hbm>>) target(%arg14 : memref<64xi32, #tpu.memory_space<vmem>>) target_semaphore(%arg32 : memref<!tpu.dma_semaphore, #tpu.memory_space<semaphore_mem>>)
      %dma_start3A_401 = arith.constant 0 : i32
      %dma_start3A_402 = tpu.memref_slice %arg4[%add3A, %add3A_391, %dma_start3A_401] : memref<32x156x64xi32, #tpu.memory_space<hbm>> -> memref<1x1x64xi32, #tpu.memory_space<hbm>>
      %dma_start3A_403 = tpu.memref_squeeze %dma_start3A_402 : memref<1x1x64xi32, #tpu.memory_space<hbm>> -> memref<64xi32, #tpu.memory_space<hbm>>
      %dma_start3A_404 = arith.constant 0 : i32
      %dma_start3A_405 = tpu.memref_slice %arg4[%add3A, %add3A_391, %dma_start3A_404] : memref<32x156x64xi32, #tpu.memory_space<hbm>> -> memref<1x1x64xi32, #tpu.memory_space<hbm>>
      %dma_start3A_406 = tpu.memref_squeeze %dma_start3A_405 : memref<1x1x64xi32, #tpu.memory_space<hbm>> -> memref<64xi32, #tpu.memory_space<hbm>>
      tpu.enqueue_dma source(%dma_start3A_406 : memref<64xi32, #tpu.memory_space<hbm>>) target(%arg20 : memref<64xi32, #tpu.memory_space<vmem>>) target_semaphore(%arg32 : memref<!tpu.dma_semaphore, #tpu.memory_space<semaphore_mem>>)
      %sub3A_407 = arith.constant 1 : i32
      %sub3A_408 = arith.subi %add3A_391, %sub3A_407 : i32
      %dma_wait3A_409 = arith.constant 0 : i32
      %dma_wait3A_410 = tpu.memref_slice %arg3[%add3A, %sub3A_408, %dma_wait3A_409] : memref<32x156x64xi32, #tpu.memory_space<hbm>> -> memref<1x1x64xi32, #tpu.memory_space<hbm>>
      %dma_wait3A_411 = tpu.memref_squeeze %dma_wait3A_410 : memref<1x1x64xi32, #tpu.memory_space<hbm>> -> memref<64xi32, #tpu.memory_space<hbm>>
      %dma_wait3A_412 = arith.constant 0 : i32
      %dma_wait3A_413 = tpu.memref_slice %arg3[%add3A, %sub3A_408, %dma_wait3A_412] : memref<32x156x64xi32, #tpu.memory_space<hbm>> -> memref<1x1x64xi32, #tpu.memory_space<hbm>>
      %dma_wait3A_414 = tpu.memref_squeeze %dma_wait3A_413 : memref<1x1x64xi32, #tpu.memory_space<hbm>> -> memref<64xi32, #tpu.memory_space<hbm>>
      tpu.wait_dma2 semaphore(%arg31 : memref<!tpu.dma_semaphore, #tpu.memory_space<semaphore_mem>>) src(%dma_wait3A_414 : memref<64xi32, #tpu.memory_space<hbm>>) dst(%arg13 : memref<64xi32, #tpu.memory_space<vmem>>)
      %dma_wait3A_415 = arith.constant 0 : i32
      %dma_wait3A_416 = tpu.memref_slice %arg4[%add3A, %sub3A_408, %dma_wait3A_415] : memref<32x156x64xi32, #tpu.memory_space<hbm>> -> memref<1x1x64xi32, #tpu.memory_space<hbm>>
      %dma_wait3A_417 = tpu.memref_squeeze %dma_wait3A_416 : memref<1x1x64xi32, #tpu.memory_space<hbm>> -> memref<64xi32, #tpu.memory_space<hbm>>
      %dma_wait3A_418 = arith.constant 0 : i32
      %dma_wait3A_419 = tpu.memref_slice %arg4[%add3A, %sub3A_408, %dma_wait3A_418] : memref<32x156x64xi32, #tpu.memory_space<hbm>> -> memref<1x1x64xi32, #tpu.memory_space<hbm>>
      %dma_wait3A_420 = tpu.memref_squeeze %dma_wait3A_419 : memref<1x1x64xi32, #tpu.memory_space<hbm>> -> memref<64xi32, #tpu.memory_space<hbm>>
      tpu.wait_dma2 semaphore(%arg31 : memref<!tpu.dma_semaphore, #tpu.memory_space<semaphore_mem>>) src(%dma_wait3A_420 : memref<64xi32, #tpu.memory_space<hbm>>) dst(%arg19 : memref<64xi32, #tpu.memory_space<vmem>>)
      %dma_start3A_421 = arith.constant 0 : i32
      %dma_start3A_422 = arith.constant 0 : i32
      %dma_start3A_423 = tpu.memref_slice %arg2[%dma_start3A_421, %dma_start3A_422] : memref<10000x128xf32, #tpu.memory_space<hbm>> -> memref<10000x128xf32, #tpu.memory_space<hbm>>
      tpu.enqueue_indirect_dma source(%dma_start3A_423 : memref<10000x128xf32, #tpu.memory_space<hbm>>) target(%arg25 : memref<64x128xf32, #tpu.memory_space<vmem>>) offsets(%arg13 : memref<64xi32, #tpu.memory_space<vmem>>) semaphore(%arg37 : memref<!tpu.dma_semaphore, #tpu.memory_space<semaphore_mem>>)
      %dma_wait3A_424 = arith.constant 0 : i32
      %dma_wait3A_425 = arith.constant 0 : i32
      %dma_wait3A_426 = tpu.memref_slice %arg2[%dma_wait3A_424, %dma_wait3A_425] : memref<10000x128xf32, #tpu.memory_space<hbm>> -> memref<10000x128xf32, #tpu.memory_space<hbm>>
      tpu.wait_indirect_dma semaphore(%arg40 : memref<!tpu.dma_semaphore, #tpu.memory_space<semaphore_mem>>) src(%dma_wait3A_426 : memref<10000x128xf32, #tpu.memory_space<hbm>>) dst(%arg28 : memref<64x128xf32, #tpu.memory_space<vmem>>)
      %dma_start3A_427 = arith.constant 0 : i32
      %dma_start3A_428 = arith.constant 0 : i32
      %dma_start3A_429 = tpu.memref_slice %arg8[%dma_start3A_427, %dma_start3A_428] : memref<10000x128xf32, #tpu.memory_space<vmem_shared>> -> memref<10000x128xf32, #tpu.memory_space<vmem_shared>>
      tpu.enqueue_indirect_dma source(%arg28 : memref<64x128xf32, #tpu.memory_space<vmem>>) target(%dma_start3A_429 : memref<10000x128xf32, #tpu.memory_space<vmem_shared>>) offsets(%arg22 : memref<64xi32, #tpu.memory_space<vmem>>) semaphore(%arg46 : memref<!tpu.dma_semaphore, #tpu.memory_space<semaphore_mem>>) {add = true}
      %add3A_430 = arith.constant 4 : i32
      %add3A_431 = arith.addi %add3A_270, %add3A_430 : i32
      %dma_wait3A_432 = arith.constant 0 : i32
      %dma_wait3A_433 = arith.constant 0 : i32
      %dma_wait3A_434 = tpu.memref_slice %arg8[%dma_wait3A_432, %dma_wait3A_433] : memref<10000x128xf32, #tpu.memory_space<vmem_shared>> -> memref<10000x128xf32, #tpu.memory_space<vmem_shared>>
      tpu.wait_indirect_dma semaphore(%arg45 : memref<!tpu.dma_semaphore, #tpu.memory_space<semaphore_mem>>) src(%arg27 : memref<64x128xf32, #tpu.memory_space<vmem>>) dst(%dma_wait3A_434 : memref<10000x128xf32, #tpu.memory_space<vmem_shared>>)
      %dma_start3A_435 = arith.constant 0 : i32
      %dma_start3A_436 = tpu.memref_slice %arg3[%add3A, %add3A_431, %dma_start3A_435] : memref<32x156x64xi32, #tpu.memory_space<hbm>> -> memref<1x1x64xi32, #tpu.memory_space<hbm>>
      %dma_start3A_437 = tpu.memref_squeeze %dma_start3A_436 : memref<1x1x64xi32, #tpu.memory_space<hbm>> -> memref<64xi32, #tpu.memory_space<hbm>>
      %dma_start3A_438 = arith.constant 0 : i32
      %dma_start3A_439 = tpu.memref_slice %arg3[%add3A, %add3A_431, %dma_start3A_438] : memref<32x156x64xi32, #tpu.memory_space<hbm>> -> memref<1x1x64xi32, #tpu.memory_space<hbm>>
      %dma_start3A_440 = tpu.memref_squeeze %dma_start3A_439 : memref<1x1x64xi32, #tpu.memory_space<hbm>> -> memref<64xi32, #tpu.memory_space<hbm>>
      tpu.enqueue_dma source(%dma_start3A_440 : memref<64xi32, #tpu.memory_space<hbm>>) target(%arg15 : memref<64xi32, #tpu.memory_space<vmem>>) target_semaphore(%arg33 : memref<!tpu.dma_semaphore, #tpu.memory_space<semaphore_mem>>)
      %dma_start3A_441 = arith.constant 0 : i32
      %dma_start3A_442 = tpu.memref_slice %arg4[%add3A, %add3A_431, %dma_start3A_441] : memref<32x156x64xi32, #tpu.memory_space<hbm>> -> memref<1x1x64xi32, #tpu.memory_space<hbm>>
      %dma_start3A_443 = tpu.memref_squeeze %dma_start3A_442 : memref<1x1x64xi32, #tpu.memory_space<hbm>> -> memref<64xi32, #tpu.memory_space<hbm>>
      %dma_start3A_444 = arith.constant 0 : i32
      %dma_start3A_445 = tpu.memref_slice %arg4[%add3A, %add3A_431, %dma_start3A_444] : memref<32x156x64xi32, #tpu.memory_space<hbm>> -> memref<1x1x64xi32, #tpu.memory_space<hbm>>
      %dma_start3A_446 = tpu.memref_squeeze %dma_start3A_445 : memref<1x1x64xi32, #tpu.memory_space<hbm>> -> memref<64xi32, #tpu.memory_space<hbm>>
      tpu.enqueue_dma source(%dma_start3A_446 : memref<64xi32, #tpu.memory_space<hbm>>) target(%arg21 : memref<64xi32, #tpu.memory_space<vmem>>) target_semaphore(%arg33 : memref<!tpu.dma_semaphore, #tpu.memory_space<semaphore_mem>>)
      %sub3A_447 = arith.constant 1 : i32
      %sub3A_448 = arith.subi %add3A_431, %sub3A_447 : i32
      %dma_wait3A_449 = arith.constant 0 : i32
      %dma_wait3A_450 = tpu.memref_slice %arg3[%add3A, %sub3A_448, %dma_wait3A_449] : memref<32x156x64xi32, #tpu.memory_space<hbm>> -> memref<1x1x64xi32, #tpu.memory_space<hbm>>
      %dma_wait3A_451 = tpu.memref_squeeze %dma_wait3A_450 : memref<1x1x64xi32, #tpu.memory_space<hbm>> -> memref<64xi32, #tpu.memory_space<hbm>>
      %dma_wait3A_452 = arith.constant 0 : i32
      %dma_wait3A_453 = tpu.memref_slice %arg3[%add3A, %sub3A_448, %dma_wait3A_452] : memref<32x156x64xi32, #tpu.memory_space<hbm>> -> memref<1x1x64xi32, #tpu.memory_space<hbm>>
      %dma_wait3A_454 = tpu.memref_squeeze %dma_wait3A_453 : memref<1x1x64xi32, #tpu.memory_space<hbm>> -> memref<64xi32, #tpu.memory_space<hbm>>
      tpu.wait_dma2 semaphore(%arg32 : memref<!tpu.dma_semaphore, #tpu.memory_space<semaphore_mem>>) src(%dma_wait3A_454 : memref<64xi32, #tpu.memory_space<hbm>>) dst(%arg14 : memref<64xi32, #tpu.memory_space<vmem>>)
      %dma_wait3A_455 = arith.constant 0 : i32
      %dma_wait3A_456 = tpu.memref_slice %arg4[%add3A, %sub3A_448, %dma_wait3A_455] : memref<32x156x64xi32, #tpu.memory_space<hbm>> -> memref<1x1x64xi32, #tpu.memory_space<hbm>>
      %dma_wait3A_457 = tpu.memref_squeeze %dma_wait3A_456 : memref<1x1x64xi32, #tpu.memory_space<hbm>> -> memref<64xi32, #tpu.memory_space<hbm>>
      %dma_wait3A_458 = arith.constant 0 : i32
      %dma_wait3A_459 = tpu.memref_slice %arg4[%add3A, %sub3A_448, %dma_wait3A_458] : memref<32x156x64xi32, #tpu.memory_space<hbm>> -> memref<1x1x64xi32, #tpu.memory_space<hbm>>
      %dma_wait3A_460 = tpu.memref_squeeze %dma_wait3A_459 : memref<1x1x64xi32, #tpu.memory_space<hbm>> -> memref<64xi32, #tpu.memory_space<hbm>>
      tpu.wait_dma2 semaphore(%arg32 : memref<!tpu.dma_semaphore, #tpu.memory_space<semaphore_mem>>) src(%dma_wait3A_460 : memref<64xi32, #tpu.memory_space<hbm>>) dst(%arg20 : memref<64xi32, #tpu.memory_space<vmem>>)
      %dma_start3A_461 = arith.constant 0 : i32
      %dma_start3A_462 = arith.constant 0 : i32
      %dma_start3A_463 = tpu.memref_slice %arg2[%dma_start3A_461, %dma_start3A_462] : memref<10000x128xf32, #tpu.memory_space<hbm>> -> memref<10000x128xf32, #tpu.memory_space<hbm>>
      tpu.enqueue_indirect_dma source(%dma_start3A_463 : memref<10000x128xf32, #tpu.memory_space<hbm>>) target(%arg26 : memref<64x128xf32, #tpu.memory_space<vmem>>) offsets(%arg14 : memref<64xi32, #tpu.memory_space<vmem>>) semaphore(%arg38 : memref<!tpu.dma_semaphore, #tpu.memory_space<semaphore_mem>>)
      %dma_wait3A_464 = arith.constant 0 : i32
      %dma_wait3A_465 = arith.constant 0 : i32
      %dma_wait3A_466 = tpu.memref_slice %arg2[%dma_wait3A_464, %dma_wait3A_465] : memref<10000x128xf32, #tpu.memory_space<hbm>> -> memref<10000x128xf32, #tpu.memory_space<hbm>>
      tpu.wait_indirect_dma semaphore(%arg35 : memref<!tpu.dma_semaphore, #tpu.memory_space<semaphore_mem>>) src(%dma_wait3A_466 : memref<10000x128xf32, #tpu.memory_space<hbm>>) dst(%arg23 : memref<64x128xf32, #tpu.memory_space<vmem>>)
      %dma_start3A_467 = arith.constant 0 : i32
      %dma_start3A_468 = arith.constant 0 : i32
      %dma_start3A_469 = tpu.memref_slice %arg8[%dma_start3A_467, %dma_start3A_468] : memref<10000x128xf32, #tpu.memory_space<vmem_shared>> -> memref<10000x128xf32, #tpu.memory_space<vmem_shared>>
      tpu.enqueue_indirect_dma source(%arg23 : memref<64x128xf32, #tpu.memory_space<vmem>>) target(%dma_start3A_469 : memref<10000x128xf32, #tpu.memory_space<vmem_shared>>) offsets(%arg17 : memref<64xi32, #tpu.memory_space<vmem>>) semaphore(%arg41 : memref<!tpu.dma_semaphore, #tpu.memory_space<semaphore_mem>>) {add = true}
      %add3A_470 = arith.constant 5 : i32
      %add3A_471 = arith.addi %add3A_270, %add3A_470 : i32
      %dma_wait3A_472 = arith.constant 0 : i32
      %dma_wait3A_473 = arith.constant 0 : i32
      %dma_wait3A_474 = tpu.memref_slice %arg8[%dma_wait3A_472, %dma_wait3A_473] : memref<10000x128xf32, #tpu.memory_space<vmem_shared>> -> memref<10000x128xf32, #tpu.memory_space<vmem_shared>>
      tpu.wait_indirect_dma semaphore(%arg46 : memref<!tpu.dma_semaphore, #tpu.memory_space<semaphore_mem>>) src(%arg28 : memref<64x128xf32, #tpu.memory_space<vmem>>) dst(%dma_wait3A_474 : memref<10000x128xf32, #tpu.memory_space<vmem_shared>>)
      %dma_start3A_475 = arith.constant 0 : i32
      %dma_start3A_476 = tpu.memref_slice %arg3[%add3A, %add3A_471, %dma_start3A_475] : memref<32x156x64xi32, #tpu.memory_space<hbm>> -> memref<1x1x64xi32, #tpu.memory_space<hbm>>
      %dma_start3A_477 = tpu.memref_squeeze %dma_start3A_476 : memref<1x1x64xi32, #tpu.memory_space<hbm>> -> memref<64xi32, #tpu.memory_space<hbm>>
      %dma_start3A_478 = arith.constant 0 : i32
      %dma_start3A_479 = tpu.memref_slice %arg3[%add3A, %add3A_471, %dma_start3A_478] : memref<32x156x64xi32, #tpu.memory_space<hbm>> -> memref<1x1x64xi32, #tpu.memory_space<hbm>>
      %dma_start3A_480 = tpu.memref_squeeze %dma_start3A_479 : memref<1x1x64xi32, #tpu.memory_space<hbm>> -> memref<64xi32, #tpu.memory_space<hbm>>
      tpu.enqueue_dma source(%dma_start3A_480 : memref<64xi32, #tpu.memory_space<hbm>>) target(%arg16 : memref<64xi32, #tpu.memory_space<vmem>>) target_semaphore(%arg34 : memref<!tpu.dma_semaphore, #tpu.memory_space<semaphore_mem>>)
      %dma_start3A_481 = arith.constant 0 : i32
      %dma_start3A_482 = tpu.memref_slice %arg4[%add3A, %add3A_471, %dma_start3A_481] : memref<32x156x64xi32, #tpu.memory_space<hbm>> -> memref<1x1x64xi32, #tpu.memory_space<hbm>>
      %dma_start3A_483 = tpu.memref_squeeze %dma_start3A_482 : memref<1x1x64xi32, #tpu.memory_space<hbm>> -> memref<64xi32, #tpu.memory_space<hbm>>
      %dma_start3A_484 = arith.constant 0 : i32
      %dma_start3A_485 = tpu.memref_slice %arg4[%add3A, %add3A_471, %dma_start3A_484] : memref<32x156x64xi32, #tpu.memory_space<hbm>> -> memref<1x1x64xi32, #tpu.memory_space<hbm>>
      %dma_start3A_486 = tpu.memref_squeeze %dma_start3A_485 : memref<1x1x64xi32, #tpu.memory_space<hbm>> -> memref<64xi32, #tpu.memory_space<hbm>>
      tpu.enqueue_dma source(%dma_start3A_486 : memref<64xi32, #tpu.memory_space<hbm>>) target(%arg22 : memref<64xi32, #tpu.memory_space<vmem>>) target_semaphore(%arg34 : memref<!tpu.dma_semaphore, #tpu.memory_space<semaphore_mem>>)
      %sub3A_487 = arith.constant 1 : i32
      %sub3A_488 = arith.subi %add3A_471, %sub3A_487 : i32
      %dma_wait3A_489 = arith.constant 0 : i32
      %dma_wait3A_490 = tpu.memref_slice %arg3[%add3A, %sub3A_488, %dma_wait3A_489] : memref<32x156x64xi32, #tpu.memory_space<hbm>> -> memref<1x1x64xi32, #tpu.memory_space<hbm>>
      %dma_wait3A_491 = tpu.memref_squeeze %dma_wait3A_490 : memref<1x1x64xi32, #tpu.memory_space<hbm>> -> memref<64xi32, #tpu.memory_space<hbm>>
      %dma_wait3A_492 = arith.constant 0 : i32
      %dma_wait3A_493 = tpu.memref_slice %arg3[%add3A, %sub3A_488, %dma_wait3A_492] : memref<32x156x64xi32, #tpu.memory_space<hbm>> -> memref<1x1x64xi32, #tpu.memory_space<hbm>>
      %dma_wait3A_494 = tpu.memref_squeeze %dma_wait3A_493 : memref<1x1x64xi32, #tpu.memory_space<hbm>> -> memref<64xi32, #tpu.memory_space<hbm>>
      tpu.wait_dma2 semaphore(%arg33 : memref<!tpu.dma_semaphore, #tpu.memory_space<semaphore_mem>>) src(%dma_wait3A_494 : memref<64xi32, #tpu.memory_space<hbm>>) dst(%arg15 : memref<64xi32, #tpu.memory_space<vmem>>)
      %dma_wait3A_495 = arith.constant 0 : i32
      %dma_wait3A_496 = tpu.memref_slice %arg4[%add3A, %sub3A_488, %dma_wait3A_495] : memref<32x156x64xi32, #tpu.memory_space<hbm>> -> memref<1x1x64xi32, #tpu.memory_space<hbm>>
      %dma_wait3A_497 = tpu.memref_squeeze %dma_wait3A_496 : memref<1x1x64xi32, #tpu.memory_space<hbm>> -> memref<64xi32, #tpu.memory_space<hbm>>
      %dma_wait3A_498 = arith.constant 0 : i32
      %dma_wait3A_499 = tpu.memref_slice %arg4[%add3A, %sub3A_488, %dma_wait3A_498] : memref<32x156x64xi32, #tpu.memory_space<hbm>> -> memref<1x1x64xi32, #tpu.memory_space<hbm>>
      %dma_wait3A_500 = tpu.memref_squeeze %dma_wait3A_499 : memref<1x1x64xi32, #tpu.memory_space<hbm>> -> memref<64xi32, #tpu.memory_space<hbm>>
      tpu.wait_dma2 semaphore(%arg33 : memref<!tpu.dma_semaphore, #tpu.memory_space<semaphore_mem>>) src(%dma_wait3A_500 : memref<64xi32, #tpu.memory_space<hbm>>) dst(%arg21 : memref<64xi32, #tpu.memory_space<vmem>>)
      %dma_start3A_501 = arith.constant 0 : i32
      %dma_start3A_502 = arith.constant 0 : i32
      %dma_start3A_503 = tpu.memref_slice %arg2[%dma_start3A_501, %dma_start3A_502] : memref<10000x128xf32, #tpu.memory_space<hbm>> -> memref<10000x128xf32, #tpu.memory_space<hbm>>
      tpu.enqueue_indirect_dma source(%dma_start3A_503 : memref<10000x128xf32, #tpu.memory_space<hbm>>) target(%arg27 : memref<64x128xf32, #tpu.memory_space<vmem>>) offsets(%arg15 : memref<64xi32, #tpu.memory_space<vmem>>) semaphore(%arg39 : memref<!tpu.dma_semaphore, #tpu.memory_space<semaphore_mem>>)
      %dma_wait3A_504 = arith.constant 0 : i32
      %dma_wait3A_505 = arith.constant 0 : i32
      %dma_wait3A_506 = tpu.memref_slice %arg2[%dma_wait3A_504, %dma_wait3A_505] : memref<10000x128xf32, #tpu.memory_space<hbm>> -> memref<10000x128xf32, #tpu.memory_space<hbm>>
      tpu.wait_indirect_dma semaphore(%arg36 : memref<!tpu.dma_semaphore, #tpu.memory_space<semaphore_mem>>) src(%dma_wait3A_506 : memref<10000x128xf32, #tpu.memory_space<hbm>>) dst(%arg24 : memref<64x128xf32, #tpu.memory_space<vmem>>)
      %dma_start3A_507 = arith.constant 0 : i32
      %dma_start3A_508 = arith.constant 0 : i32
      %dma_start3A_509 = tpu.memref_slice %arg8[%dma_start3A_507, %dma_start3A_508] : memref<10000x128xf32, #tpu.memory_space<vmem_shared>> -> memref<10000x128xf32, #tpu.memory_space<vmem_shared>>
      tpu.enqueue_indirect_dma source(%arg24 : memref<64x128xf32, #tpu.memory_space<vmem>>) target(%dma_start3A_509 : memref<10000x128xf32, #tpu.memory_space<vmem_shared>>) offsets(%arg18 : memref<64xi32, #tpu.memory_space<vmem>>) semaphore(%arg42 : memref<!tpu.dma_semaphore, #tpu.memory_space<semaphore_mem>>) {add = true}
    }
    %scan3A_188 = arith.constant 25 : i32
    %dma_wait3A_189 = arith.constant 155 : i32
    %dma_wait3A_190 = arith.constant 0 : i32
    %dma_wait3A_191 = tpu.memref_slice %arg3[%add3A, %dma_wait3A_189, %dma_wait3A_190] : memref<32x156x64xi32, #tpu.memory_space<hbm>> -> memref<1x1x64xi32, #tpu.memory_space<hbm>>
    %dma_wait3A_192 = tpu.memref_squeeze %dma_wait3A_191 : memref<1x1x64xi32, #tpu.memory_space<hbm>> -> memref<64xi32, #tpu.memory_space<hbm>>
    %dma_wait3A_193 = arith.constant 0 : i32
    %dma_wait3A_194 = tpu.memref_slice %arg3[%add3A, %dma_wait3A_189, %dma_wait3A_193] : memref<32x156x64xi32, #tpu.memory_space<hbm>> -> memref<1x1x64xi32, #tpu.memory_space<hbm>>
    %dma_wait3A_195 = tpu.memref_squeeze %dma_wait3A_194 : memref<1x1x64xi32, #tpu.memory_space<hbm>> -> memref<64xi32, #tpu.memory_space<hbm>>
    tpu.wait_dma2 semaphore(%arg34 : memref<!tpu.dma_semaphore, #tpu.memory_space<semaphore_mem>>) src(%dma_wait3A_195 : memref<64xi32, #tpu.memory_space<hbm>>) dst(%arg16 : memref<64xi32, #tpu.memory_space<vmem>>)
    %dma_wait3A_196 = arith.constant 155 : i32
    %dma_wait3A_197 = arith.constant 0 : i32
    %dma_wait3A_198 = tpu.memref_slice %arg4[%add3A, %dma_wait3A_196, %dma_wait3A_197] : memref<32x156x64xi32, #tpu.memory_space<hbm>> -> memref<1x1x64xi32, #tpu.memory_space<hbm>>
    %dma_wait3A_199 = tpu.memref_squeeze %dma_wait3A_198 : memref<1x1x64xi32, #tpu.memory_space<hbm>> -> memref<64xi32, #tpu.memory_space<hbm>>
    %dma_wait3A_200 = arith.constant 0 : i32
    %dma_wait3A_201 = tpu.memref_slice %arg4[%add3A, %dma_wait3A_196, %dma_wait3A_200] : memref<32x156x64xi32, #tpu.memory_space<hbm>> -> memref<1x1x64xi32, #tpu.memory_space<hbm>>
    %dma_wait3A_202 = tpu.memref_squeeze %dma_wait3A_201 : memref<1x1x64xi32, #tpu.memory_space<hbm>> -> memref<64xi32, #tpu.memory_space<hbm>>
    tpu.wait_dma2 semaphore(%arg34 : memref<!tpu.dma_semaphore, #tpu.memory_space<semaphore_mem>>) src(%dma_wait3A_202 : memref<64xi32, #tpu.memory_space<hbm>>) dst(%arg22 : memref<64xi32, #tpu.memory_space<vmem>>)
    %dma_start3A_203 = arith.constant 0 : i32
    %dma_start3A_204 = arith.constant 0 : i32
    %dma_start3A_205 = tpu.memref_slice %arg2[%dma_start3A_203, %dma_start3A_204] : memref<10000x128xf32, #tpu.memory_space<hbm>> -> memref<10000x128xf32, #tpu.memory_space<hbm>>
    tpu.enqueue_indirect_dma source(%dma_start3A_205 : memref<10000x128xf32, #tpu.memory_space<hbm>>) target(%arg28 : memref<64x128xf32, #tpu.memory_space<vmem>>) offsets(%arg16 : memref<64xi32, #tpu.memory_space<vmem>>) semaphore(%arg40 : memref<!tpu.dma_semaphore, #tpu.memory_space<semaphore_mem>>)
    %dma_wait3A_206 = arith.constant 0 : i32
    %dma_wait3A_207 = arith.constant 0 : i32
    %dma_wait3A_208 = tpu.memref_slice %arg2[%dma_wait3A_206, %dma_wait3A_207] : memref<10000x128xf32, #tpu.memory_space<hbm>> -> memref<10000x128xf32, #tpu.memory_space<hbm>>
    tpu.wait_indirect_dma semaphore(%arg37 : memref<!tpu.dma_semaphore, #tpu.memory_space<semaphore_mem>>) src(%dma_wait3A_208 : memref<10000x128xf32, #tpu.memory_space<hbm>>) dst(%arg25 : memref<64x128xf32, #tpu.memory_space<vmem>>)
    %dma_start3A_209 = arith.constant 0 : i32
    %dma_start3A_210 = arith.constant 0 : i32
    %dma_start3A_211 = tpu.memref_slice %arg8[%dma_start3A_209, %dma_start3A_210] : memref<10000x128xf32, #tpu.memory_space<vmem_shared>> -> memref<10000x128xf32, #tpu.memory_space<vmem_shared>>
    tpu.enqueue_indirect_dma source(%arg25 : memref<64x128xf32, #tpu.memory_space<vmem>>) target(%dma_start3A_211 : memref<10000x128xf32, #tpu.memory_space<vmem_shared>>) offsets(%arg19 : memref<64xi32, #tpu.memory_space<vmem>>) semaphore(%arg43 : memref<!tpu.dma_semaphore, #tpu.memory_space<semaphore_mem>>) {add = true}
    %dma_wait3A_212 = arith.constant 0 : i32
    %dma_wait3A_213 = arith.constant 0 : i32
    %dma_wait3A_214 = tpu.memref_slice %arg2[%dma_wait3A_212, %dma_wait3A_213] : memref<10000x128xf32, #tpu.memory_space<hbm>> -> memref<10000x128xf32, #tpu.memory_space<hbm>>
    tpu.wait_indirect_dma semaphore(%arg38 : memref<!tpu.dma_semaphore, #tpu.memory_space<semaphore_mem>>) src(%dma_wait3A_214 : memref<10000x128xf32, #tpu.memory_space<hbm>>) dst(%arg26 : memref<64x128xf32, #tpu.memory_space<vmem>>)
    %dma_start3A_215 = arith.constant 0 : i32
    %dma_start3A_216 = arith.constant 0 : i32
    %dma_start3A_217 = tpu.memref_slice %arg8[%dma_start3A_215, %dma_start3A_216] : memref<10000x128xf32, #tpu.memory_space<vmem_shared>> -> memref<10000x128xf32, #tpu.memory_space<vmem_shared>>
    tpu.enqueue_indirect_dma source(%arg26 : memref<64x128xf32, #tpu.memory_space<vmem>>) target(%dma_start3A_217 : memref<10000x128xf32, #tpu.memory_space<vmem_shared>>) offsets(%arg20 : memref<64xi32, #tpu.memory_space<vmem>>) semaphore(%arg44 : memref<!tpu.dma_semaphore, #tpu.memory_space<semaphore_mem>>) {add = true}
    %dma_wait3A_218 = arith.constant 0 : i32
    %dma_wait3A_219 = arith.constant 0 : i32
    %dma_wait3A_220 = tpu.memref_slice %arg2[%dma_wait3A_218, %dma_wait3A_219] : memref<10000x128xf32, #tpu.memory_space<hbm>> -> memref<10000x128xf32, #tpu.memory_space<hbm>>
    tpu.wait_indirect_dma semaphore(%arg39 : memref<!tpu.dma_semaphore, #tpu.memory_space<semaphore_mem>>) src(%dma_wait3A_220 : memref<10000x128xf32, #tpu.memory_space<hbm>>) dst(%arg27 : memref<64x128xf32, #tpu.memory_space<vmem>>)
    %dma_start3A_221 = arith.constant 0 : i32
    %dma_start3A_222 = arith.constant 0 : i32
    %dma_start3A_223 = tpu.memref_slice %arg8[%dma_start3A_221, %dma_start3A_222] : memref<10000x128xf32, #tpu.memory_space<vmem_shared>> -> memref<10000x128xf32, #tpu.memory_space<vmem_shared>>
    tpu.enqueue_indirect_dma source(%arg27 : memref<64x128xf32, #tpu.memory_space<vmem>>) target(%dma_start3A_223 : memref<10000x128xf32, #tpu.memory_space<vmem_shared>>) offsets(%arg21 : memref<64xi32, #tpu.memory_space<vmem>>) semaphore(%arg45 : memref<!tpu.dma_semaphore, #tpu.memory_space<semaphore_mem>>) {add = true}
    %dma_wait3A_224 = arith.constant 0 : i32
    %dma_wait3A_225 = arith.constant 0 : i32
    %dma_wait3A_226 = tpu.memref_slice %arg2[%dma_wait3A_224, %dma_wait3A_225] : memref<10000x128xf32, #tpu.memory_space<hbm>> -> memref<10000x128xf32, #tpu.memory_space<hbm>>
    tpu.wait_indirect_dma semaphore(%arg40 : memref<!tpu.dma_semaphore, #tpu.memory_space<semaphore_mem>>) src(%dma_wait3A_226 : memref<10000x128xf32, #tpu.memory_space<hbm>>) dst(%arg28 : memref<64x128xf32, #tpu.memory_space<vmem>>)
    %dma_start3A_227 = arith.constant 0 : i32
    %dma_start3A_228 = arith.constant 0 : i32
    %dma_start3A_229 = tpu.memref_slice %arg8[%dma_start3A_227, %dma_start3A_228] : memref<10000x128xf32, #tpu.memory_space<vmem_shared>> -> memref<10000x128xf32, #tpu.memory_space<vmem_shared>>
    tpu.enqueue_indirect_dma source(%arg28 : memref<64x128xf32, #tpu.memory_space<vmem>>) target(%dma_start3A_229 : memref<10000x128xf32, #tpu.memory_space<vmem_shared>>) offsets(%arg22 : memref<64xi32, #tpu.memory_space<vmem>>) semaphore(%arg46 : memref<!tpu.dma_semaphore, #tpu.memory_space<semaphore_mem>>) {add = true}
    %dma_wait3A_230 = arith.constant 0 : i32
    %dma_wait3A_231 = arith.constant 0 : i32
    %dma_wait3A_232 = tpu.memref_slice %arg8[%dma_wait3A_230, %dma_wait3A_231] : memref<10000x128xf32, #tpu.memory_space<vmem_shared>> -> memref<10000x128xf32, #tpu.memory_space<vmem_shared>>
    tpu.wait_indirect_dma semaphore(%arg41 : memref<!tpu.dma_semaphore, #tpu.memory_space<semaphore_mem>>) src(%arg23 : memref<64x128xf32, #tpu.memory_space<vmem>>) dst(%dma_wait3A_232 : memref<10000x128xf32, #tpu.memory_space<vmem_shared>>)
    %dma_wait3A_233 = arith.constant 0 : i32
    %dma_wait3A_234 = arith.constant 0 : i32
    %dma_wait3A_235 = tpu.memref_slice %arg8[%dma_wait3A_233, %dma_wait3A_234] : memref<10000x128xf32, #tpu.memory_space<vmem_shared>> -> memref<10000x128xf32, #tpu.memory_space<vmem_shared>>
    tpu.wait_indirect_dma semaphore(%arg42 : memref<!tpu.dma_semaphore, #tpu.memory_space<semaphore_mem>>) src(%arg24 : memref<64x128xf32, #tpu.memory_space<vmem>>) dst(%dma_wait3A_235 : memref<10000x128xf32, #tpu.memory_space<vmem_shared>>)
    %dma_wait3A_236 = arith.constant 0 : i32
    %dma_wait3A_237 = arith.constant 0 : i32
    %dma_wait3A_238 = tpu.memref_slice %arg8[%dma_wait3A_236, %dma_wait3A_237] : memref<10000x128xf32, #tpu.memory_space<vmem_shared>> -> memref<10000x128xf32, #tpu.memory_space<vmem_shared>>
    tpu.wait_indirect_dma semaphore(%arg43 : memref<!tpu.dma_semaphore, #tpu.memory_space<semaphore_mem>>) src(%arg25 : memref<64x128xf32, #tpu.memory_space<vmem>>) dst(%dma_wait3A_238 : memref<10000x128xf32, #tpu.memory_space<vmem_shared>>)
    %dma_wait3A_239 = arith.constant 0 : i32
    %dma_wait3A_240 = arith.constant 0 : i32
    %dma_wait3A_241 = tpu.memref_slice %arg8[%dma_wait3A_239, %dma_wait3A_240] : memref<10000x128xf32, #tpu.memory_space<vmem_shared>> -> memref<10000x128xf32, #tpu.memory_space<vmem_shared>>
    tpu.wait_indirect_dma semaphore(%arg44 : memref<!tpu.dma_semaphore, #tpu.memory_space<semaphore_mem>>) src(%arg26 : memref<64x128xf32, #tpu.memory_space<vmem>>) dst(%dma_wait3A_241 : memref<10000x128xf32, #tpu.memory_space<vmem_shared>>)
    %dma_wait3A_242 = arith.constant 0 : i32
    %dma_wait3A_243 = arith.constant 0 : i32
    %dma_wait3A_244 = tpu.memref_slice %arg8[%dma_wait3A_242, %dma_wait3A_243] : memref<10000x128xf32, #tpu.memory_space<vmem_shared>> -> memref<10000x128xf32, #tpu.memory_space<vmem_shared>>
    tpu.wait_indirect_dma semaphore(%arg45 : memref<!tpu.dma_semaphore, #tpu.memory_space<semaphore_mem>>) src(%arg27 : memref<64x128xf32, #tpu.memory_space<vmem>>) dst(%dma_wait3A_244 : memref<10000x128xf32, #tpu.memory_space<vmem_shared>>)
    %dma_wait3A_245 = arith.constant 0 : i32
    %dma_wait3A_246 = arith.constant 0 : i32
    %dma_wait3A_247 = tpu.memref_slice %arg8[%dma_wait3A_245, %dma_wait3A_246] : memref<10000x128xf32, #tpu.memory_space<vmem_shared>> -> memref<10000x128xf32, #tpu.memory_space<vmem_shared>>
    tpu.wait_indirect_dma semaphore(%arg46 : memref<!tpu.dma_semaphore, #tpu.memory_space<semaphore_mem>>) src(%arg28 : memref<64x128xf32, #tpu.memory_space<vmem>>) dst(%dma_wait3A_247 : memref<10000x128xf32, #tpu.memory_space<vmem_shared>>)
    %dma_start3A_248 = arith.constant 0 : i32
    %dma_start3A_249 = arith.constant 0 : i32
    %dma_start3A_250 = tpu.memref_slice %arg23[%dma_start3A_248, %dma_start3A_249] : memref<64x128xf32, #tpu.memory_space<vmem>> -> memref<16x128xf32, #tpu.memory_space<vmem>>
    %dma_start3A_251 = arith.constant 0 : i32
    %dma_start3A_252 = arith.constant 0 : i32
    %dma_start3A_253 = tpu.memref_slice %arg2[%dma_start3A_251, %dma_start3A_252] : memref<10000x128xf32, #tpu.memory_space<hbm>> -> memref<10000x128xf32, #tpu.memory_space<hbm>>
    tpu.enqueue_indirect_dma source(%dma_start3A_253 : memref<10000x128xf32, #tpu.memory_space<hbm>>) target(%dma_start3A_250 : memref<16x128xf32, #tpu.memory_space<vmem>>) offsets(%arg9 : memref<16xi32, #tpu.memory_space<vmem>>) semaphore(%arg35 : memref<!tpu.dma_semaphore, #tpu.memory_space<semaphore_mem>>)
    %dma_wait3A_254 = arith.constant 0 : i32
    %dma_wait3A_255 = arith.constant 0 : i32
    %dma_wait3A_256 = tpu.memref_slice %arg23[%dma_wait3A_254, %dma_wait3A_255] : memref<64x128xf32, #tpu.memory_space<vmem>> -> memref<16x128xf32, #tpu.memory_space<vmem>>
    %dma_wait3A_257 = arith.constant 0 : i32
    %dma_wait3A_258 = arith.constant 0 : i32
    %dma_wait3A_259 = tpu.memref_slice %arg2[%dma_wait3A_257, %dma_wait3A_258] : memref<10000x128xf32, #tpu.memory_space<hbm>> -> memref<10000x128xf32, #tpu.memory_space<hbm>>
    tpu.wait_indirect_dma semaphore(%arg35 : memref<!tpu.dma_semaphore, #tpu.memory_space<semaphore_mem>>) src(%dma_wait3A_259 : memref<10000x128xf32, #tpu.memory_space<hbm>>) dst(%dma_wait3A_256 : memref<16x128xf32, #tpu.memory_space<vmem>>)
    "tpu.region"() ({
      %run_scoped3A = tpu.sem_alloc : memref<!tpu.dma_semaphore, #tpu.memory_space<semaphore_mem>>
      %dma_start3A_266 = arith.constant 0 : i32
      %dma_start3A_267 = arith.constant 0 : i32
      %dma_start3A_268 = tpu.memref_slice %arg23[%dma_start3A_266, %dma_start3A_267] : memref<64x128xf32, #tpu.memory_space<vmem>> -> memref<16x128xf32, #tpu.memory_space<vmem>>
      %dma_start3A_269 = arith.constant 0 : i32
      %dma_start3A_270 = arith.constant 0 : i32
      %dma_start3A_271 = tpu.memref_slice %arg8[%dma_start3A_269, %dma_start3A_270] : memref<10000x128xf32, #tpu.memory_space<vmem_shared>> -> memref<10000x128xf32, #tpu.memory_space<vmem_shared>>
      tpu.enqueue_indirect_dma source(%dma_start3A_268 : memref<16x128xf32, #tpu.memory_space<vmem>>) target(%dma_start3A_271 : memref<10000x128xf32, #tpu.memory_space<vmem_shared>>) offsets(%arg10 : memref<16xi32, #tpu.memory_space<vmem>>) semaphore(%run_scoped3A : memref<!tpu.dma_semaphore, #tpu.memory_space<semaphore_mem>>) {add = true}
      %dma_wait3A_272 = arith.constant 0 : i32
      %dma_wait3A_273 = arith.constant 0 : i32
      %dma_wait3A_274 = tpu.memref_slice %arg23[%dma_wait3A_272, %dma_wait3A_273] : memref<64x128xf32, #tpu.memory_space<vmem>> -> memref<16x128xf32, #tpu.memory_space<vmem>>
      %dma_wait3A_275 = arith.constant 0 : i32
      %dma_wait3A_276 = arith.constant 0 : i32
      %dma_wait3A_277 = tpu.memref_slice %arg8[%dma_wait3A_275, %dma_wait3A_276] : memref<10000x128xf32, #tpu.memory_space<vmem_shared>> -> memref<10000x128xf32, #tpu.memory_space<vmem_shared>>
      tpu.wait_indirect_dma semaphore(%run_scoped3A : memref<!tpu.dma_semaphore, #tpu.memory_space<semaphore_mem>>) src(%dma_wait3A_274 : memref<16x128xf32, #tpu.memory_space<vmem>>) dst(%dma_wait3A_277 : memref<10000x128xf32, #tpu.memory_space<vmem_shared>>)
      tpu.yield
    }) : () -> ()
    %barrier3A_260 = arith.constant 0 : index
    tpu.barrier barrier_id(%barrier3A_260)
    "tpu.region"() ({
      %run_scoped3A = tpu.sem_alloc : memref<!tpu.dma_semaphore, #tpu.memory_space<semaphore_mem>>
      %dma_start3A_266 = arith.constant 0 : i32
      %dma_start3A_267 = tpu.memref_slice %arg7[%arg0, %multiple_of3A, %dma_start3A_266] : memref<2x10000x128xf32, #tpu.memory_space<hbm>> -> memref<1x624x128xf32, #tpu.memory_space<hbm>>
      %dma_start3A_268 = tpu.memref_squeeze %dma_start3A_267 : memref<1x624x128xf32, #tpu.memory_space<hbm>> -> memref<624x128xf32, #tpu.memory_space<hbm>>
      %dma_start3A_269 = arith.constant 0 : i32
      %dma_start3A_270 = tpu.memref_slice %arg8[%multiple_of3A, %dma_start3A_269] : memref<10000x128xf32, #tpu.memory_space<vmem_shared>> -> memref<624x128xf32, #tpu.memory_space<vmem_shared>>
      tpu.enqueue_dma source(%dma_start3A_270 : memref<624x128xf32, #tpu.memory_space<vmem_shared>>) target(%dma_start3A_268 : memref<624x128xf32, #tpu.memory_space<hbm>>) target_semaphore(%run_scoped3A : memref<!tpu.dma_semaphore, #tpu.memory_space<semaphore_mem>>)
      %dma_wait3A_271 = arith.constant 0 : i32
      %dma_wait3A_272 = tpu.memref_slice %arg7[%arg0, %multiple_of3A, %dma_wait3A_271] : memref<2x10000x128xf32, #tpu.memory_space<hbm>> -> memref<1x624x128xf32, #tpu.memory_space<hbm>>
      %dma_wait3A_273 = tpu.memref_squeeze %dma_wait3A_272 : memref<1x624x128xf32, #tpu.memory_space<hbm>> -> memref<624x128xf32, #tpu.memory_space<hbm>>
      %dma_wait3A_274 = arith.constant 0 : i32
      %dma_wait3A_275 = tpu.memref_slice %arg8[%multiple_of3A, %dma_wait3A_274] : memref<10000x128xf32, #tpu.memory_space<vmem_shared>> -> memref<624x128xf32, #tpu.memory_space<vmem_shared>>
      tpu.wait_dma2 semaphore(%run_scoped3A : memref<!tpu.dma_semaphore, #tpu.memory_space<semaphore_mem>>) src(%dma_wait3A_275 : memref<624x128xf32, #tpu.memory_space<vmem_shared>>) dst(%dma_wait3A_273 : memref<624x128xf32, #tpu.memory_space<hbm>>)
      tpu.yield
    }) : () -> ()
    %eq3A_261 = arith.constant 0 : i32
    %eq3A_262 = arith.cmpi eq, %arg1, %eq3A_261 : i32
    %convert_element_type3A_263 = arith.extui %eq3A_262 : i1 to i32
    %cond3A_264 = arith.constant 0 : i32
    %cond3A_265 = arith.cmpi ne, %convert_element_type3A_263, %cond3A_264 : i32
    scf.if %cond3A_265 {
      "tpu.region"() ({
        %run_scoped3A = tpu.sem_alloc : memref<!tpu.dma_semaphore, #tpu.memory_space<semaphore_mem>>
        %dma_start3A_266 = arith.constant 9984 : i32
        %dma_start3A_267 = arith.constant 0 : i32
        %dma_start3A_268 = tpu.memref_slice %arg7[%arg0, %dma_start3A_266, %dma_start3A_267] : memref<2x10000x128xf32, #tpu.memory_space<hbm>> -> memref<1x16x128xf32, #tpu.memory_space<hbm>>
        %dma_start3A_269 = tpu.memref_squeeze %dma_start3A_268 : memref<1x16x128xf32, #tpu.memory_space<hbm>> -> memref<16x128xf32, #tpu.memory_space<hbm>>
        %dma_start3A_270 = arith.constant 9984 : i32
        %dma_start3A_271 = arith.constant 0 : i32
        %dma_start3A_272 = tpu.memref_slice %arg8[%dma_start3A_270, %dma_start3A_271] : memref<10000x128xf32, #tpu.memory_space<vmem_shared>> -> memref<16x128xf32, #tpu.memory_space<vmem_shared>>
        tpu.enqueue_dma source(%dma_start3A_272 : memref<16x128xf32, #tpu.memory_space<vmem_shared>>) target(%dma_start3A_269 : memref<16x128xf32, #tpu.memory_space<hbm>>) target_semaphore(%run_scoped3A : memref<!tpu.dma_semaphore, #tpu.memory_space<semaphore_mem>>)
        %dma_wait3A_273 = arith.constant 9984 : i32
        %dma_wait3A_274 = arith.constant 0 : i32
        %dma_wait3A_275 = tpu.memref_slice %arg7[%arg0, %dma_wait3A_273, %dma_wait3A_274] : memref<2x10000x128xf32, #tpu.memory_space<hbm>> -> memref<1x16x128xf32, #tpu.memory_space<hbm>>
        %dma_wait3A_276 = tpu.memref_squeeze %dma_wait3A_275 : memref<1x16x128xf32, #tpu.memory_space<hbm>> -> memref<16x128xf32, #tpu.memory_space<hbm>>
        %dma_wait3A_277 = arith.constant 9984 : i32
        %dma_wait3A_278 = arith.constant 0 : i32
        %dma_wait3A_279 = tpu.memref_slice %arg8[%dma_wait3A_277, %dma_wait3A_278] : memref<10000x128xf32, #tpu.memory_space<vmem_shared>> -> memref<16x128xf32, #tpu.memory_space<vmem_shared>>
        tpu.wait_dma2 semaphore(%run_scoped3A : memref<!tpu.dma_semaphore, #tpu.memory_space<semaphore_mem>>) src(%dma_wait3A_279 : memref<16x128xf32, #tpu.memory_space<vmem_shared>>) dst(%dma_wait3A_276 : memref<16x128xf32, #tpu.memory_space<hbm>>)
        tpu.yield
      }) : () -> ()
    } else {
    }
    return
  }
}

#map = affine_map<(d0, d1) -> (0, 0)>
#map1 = affine_map<(d0, d1) -> (0, 0, 0)>
module attributes {stable_mosaic.version = 14 : i64} {
  func.func @_seg_body(%arg0: i32, %arg1: i32, %arg2: memref<10000x128xf32, #tpu.memory_space<hbm>>, %arg3: memref<32x156x64xi32, #tpu.memory_space<hbm>>, %arg4: memref<32x156x64xi32, #tpu.memory_space<hbm>>, %arg5: memref<32x16xi32, #tpu.memory_space<hbm>>, %arg6: memref<32x16xi32, #tpu.memory_space<hbm>>, %arg7: memref<2x10000x128xf32, #tpu.memory_space<hbm>>, %arg8: memref<10000x128xf32, #tpu.memory_space<vmem_shared>>, %arg9: memref<16xi32, #tpu.memory_space<vmem>>, %arg10: memref<16xi32, #tpu.memory_space<vmem>>, %arg11: memref<64xi32, #tpu.memory_space<vmem>>, %arg12: memref<64xi32, #tpu.memory_space<vmem>>, %arg13: memref<64xi32, #tpu.memory_space<vmem>>, %arg14: memref<64xi32, #tpu.memory_space<vmem>>, %arg15: memref<64xi32, #tpu.memory_space<vmem>>, %arg16: memref<64xi32, #tpu.memory_space<vmem>>, %arg17: memref<64xi32, #tpu.memory_space<vmem>>, %arg18: memref<64xi32, #tpu.memory_space<vmem>>, %arg19: memref<64xi32, #tpu.memory_space<vmem>>, %arg20: memref<64xi32, #tpu.memory_space<vmem>>, %arg21: memref<64xi32, #tpu.memory_space<vmem>>, %arg22: memref<64xi32, #tpu.memory_space<vmem>>, %arg23: memref<64x128xf32, #tpu.memory_space<vmem>>, %arg24: memref<64x128xf32, #tpu.memory_space<vmem>>, %arg25: memref<64x128xf32, #tpu.memory_space<vmem>>, %arg26: memref<64x128xf32, #tpu.memory_space<vmem>>, %arg27: memref<64x128xf32, #tpu.memory_space<vmem>>, %arg28: memref<64x128xf32, #tpu.memory_space<vmem>>, %arg29: memref<!tpu.dma_semaphore, #tpu.memory_space<semaphore_mem>>, %arg30: memref<!tpu.dma_semaphore, #tpu.memory_space<semaphore_mem>>, %arg31: memref<!tpu.dma_semaphore, #tpu.memory_space<semaphore_mem>>, %arg32: memref<!tpu.dma_semaphore, #tpu.memory_space<semaphore_mem>>, %arg33: memref<!tpu.dma_semaphore, #tpu.memory_space<semaphore_mem>>, %arg34: memref<!tpu.dma_semaphore, #tpu.memory_space<semaphore_mem>>, %arg35: memref<!tpu.dma_semaphore, #tpu.memory_space<semaphore_mem>>, %arg36: memref<!tpu.dma_semaphore, #tpu.memory_space<semaphore_mem>>, %arg37: memref<!tpu.dma_semaphore, #tpu.memory_space<semaphore_mem>>, %arg38: memref<!tpu.dma_semaphore, #tpu.memory_space<semaphore_mem>>, %arg39: memref<!tpu.dma_semaphore, #tpu.memory_space<semaphore_mem>>, %arg40: memref<!tpu.dma_semaphore, #tpu.memory_space<semaphore_mem>>, %arg41: memref<!tpu.dma_semaphore, #tpu.memory_space<semaphore_mem>>, %arg42: memref<!tpu.dma_semaphore, #tpu.memory_space<semaphore_mem>>, %arg43: memref<!tpu.dma_semaphore, #tpu.memory_space<semaphore_mem>>, %arg44: memref<!tpu.dma_semaphore, #tpu.memory_space<semaphore_mem>>, %arg45: memref<!tpu.dma_semaphore, #tpu.memory_space<semaphore_mem>>, %arg46: memref<!tpu.dma_semaphore, #tpu.memory_space<semaphore_mem>>) attributes {dimension_semantics = [#tpu.dimension_semantics<core_parallel>, #tpu.dimension_semantics<subcore_parallel>], iteration_bounds = array<i64: 2, 16>, scalar_prefetch = 0 : i64, scratch_operands = 39 : i64, tpu.core_type = #tpu.core_type<sc_vector_subcore>, window_params = [{transform_indices = #map}, {transform_indices = #map1}, {transform_indices = #map1}, {transform_indices = #map}, {transform_indices = #map}, {transform_indices = #map1}]} {
    %mul3A = arith.constant 2 : i32
    %mul3A_0 = arith.muli %arg1, %mul3A : i32
    %add3A = arith.addi %mul3A_0, %arg0 : i32
    %mul3A_1 = arith.constant 624 : i32
    %mul3A_2 = arith.muli %arg1, %mul3A_1 : i32
    %multiple_of3A = tpu.assume_multiple %mul3A_2, 8 : i32
    "tpu.region"() ({
      %run_scoped3A = tpu.sem_alloc : memref<!tpu.dma_semaphore, #tpu.memory_space<semaphore_mem>>
      %dma_start3A_266 = arith.constant 0 : i32
      %dma_start3A_267 = tpu.memref_slice %arg8[%multiple_of3A, %dma_start3A_266] : memref<10000x128xf32, #tpu.memory_space<vmem_shared>> -> memref<624x128xf32, #tpu.memory_space<vmem_shared>>
      %dma_start3A_268 = arith.constant 0 : i32
      %dma_start3A_269 = tpu.memref_slice %arg2[%multiple_of3A, %dma_start3A_268] : memref<10000x128xf32, #tpu.memory_space<hbm>> -> memref<624x128xf32, #tpu.memory_space<hbm>>
      tpu.enqueue_dma source(%dma_start3A_269 : memref<624x128xf32, #tpu.memory_space<hbm>>) target(%dma_start3A_267 : memref<624x128xf32, #tpu.memory_space<vmem_shared>>) target_semaphore(%run_scoped3A : memref<!tpu.dma_semaphore, #tpu.memory_space<semaphore_mem>>)
      %dma_wait3A_270 = arith.constant 0 : i32
      %dma_wait3A_271 = tpu.memref_slice %arg8[%multiple_of3A, %dma_wait3A_270] : memref<10000x128xf32, #tpu.memory_space<vmem_shared>> -> memref<624x128xf32, #tpu.memory_space<vmem_shared>>
      %dma_wait3A_272 = arith.constant 0 : i32
      %dma_wait3A_273 = tpu.memref_slice %arg2[%multiple_of3A, %dma_wait3A_272] : memref<10000x128xf32, #tpu.memory_space<hbm>> -> memref<624x128xf32, #tpu.memory_space<hbm>>
      tpu.wait_dma2 semaphore(%run_scoped3A : memref<!tpu.dma_semaphore, #tpu.memory_space<semaphore_mem>>) src(%dma_wait3A_273 : memref<624x128xf32, #tpu.memory_space<hbm>>) dst(%dma_wait3A_271 : memref<624x128xf32, #tpu.memory_space<vmem_shared>>)
      tpu.yield
    }) : () -> ()
    %eq3A = arith.constant 0 : i32
    %eq3A_3 = arith.cmpi eq, %arg1, %eq3A : i32
    %convert_element_type3A = arith.extui %eq3A_3 : i1 to i32
    %cond3A = arith.constant 0 : i32
    %cond3A_4 = arith.cmpi ne, %convert_element_type3A, %cond3A : i32
    scf.if %cond3A_4 {
      "tpu.region"() ({
        %run_scoped3A = tpu.sem_alloc : memref<!tpu.dma_semaphore, #tpu.memory_space<semaphore_mem>>
        %dma_start3A_266 = arith.constant 9984 : i32
        %dma_start3A_267 = arith.constant 0 : i32
        %dma_start3A_268 = tpu.memref_slice %arg8[%dma_start3A_266, %dma_start3A_267] : memref<10000x128xf32, #tpu.memory_space<vmem_shared>> -> memref<16x128xf32, #tpu.memory_space<vmem_shared>>
        %dma_start3A_269 = arith.constant 9984 : i32
        %dma_start3A_270 = arith.constant 0 : i32
        %dma_start3A_271 = tpu.memref_slice %arg2[%dma_start3A_269, %dma_start3A_270] : memref<10000x128xf32, #tpu.memory_space<hbm>> -> memref<16x128xf32, #tpu.memory_space<hbm>>
        tpu.enqueue_dma source(%dma_start3A_271 : memref<16x128xf32, #tpu.memory_space<hbm>>) target(%dma_start3A_268 : memref<16x128xf32, #tpu.memory_space<vmem_shared>>) target_semaphore(%run_scoped3A : memref<!tpu.dma_semaphore, #tpu.memory_space<semaphore_mem>>)
        %dma_wait3A_272 = arith.constant 9984 : i32
        %dma_wait3A_273 = arith.constant 0 : i32
        %dma_wait3A_274 = tpu.memref_slice %arg8[%dma_wait3A_272, %dma_wait3A_273] : memref<10000x128xf32, #tpu.memory_space<vmem_shared>> -> memref<16x128xf32, #tpu.memory_space<vmem_shared>>
        %dma_wait3A_275 = arith.constant 9984 : i32
        %dma_wait3A_276 = arith.constant 0 : i32
        %dma_wait3A_277 = tpu.memref_slice %arg2[%dma_wait3A_275, %dma_wait3A_276] : memref<10000x128xf32, #tpu.memory_space<hbm>> -> memref<16x128xf32, #tpu.memory_space<hbm>>
        tpu.wait_dma2 semaphore(%run_scoped3A : memref<!tpu.dma_semaphore, #tpu.memory_space<semaphore_mem>>) src(%dma_wait3A_277 : memref<16x128xf32, #tpu.memory_space<hbm>>) dst(%dma_wait3A_274 : memref<16x128xf32, #tpu.memory_space<vmem_shared>>)
        tpu.yield
      }) : () -> ()
    } else {
    }
    "tpu.region"() ({
      %run_scoped3A = tpu.sem_alloc : memref<!tpu.dma_semaphore, #tpu.memory_space<semaphore_mem>>
      %dma_start3A_266 = arith.constant 0 : i32
      %dma_start3A_267 = tpu.memref_slice %arg5[%add3A, %dma_start3A_266] : memref<32x16xi32, #tpu.memory_space<hbm>> -> memref<1x16xi32, #tpu.memory_space<hbm>>
      %dma_start3A_268 = tpu.memref_squeeze %dma_start3A_267 : memref<1x16xi32, #tpu.memory_space<hbm>> -> memref<16xi32, #tpu.memory_space<hbm>>
      %dma_start3A_269 = arith.constant 0 : i32
      %dma_start3A_270 = tpu.memref_slice %arg5[%add3A, %dma_start3A_269] : memref<32x16xi32, #tpu.memory_space<hbm>> -> memref<1x16xi32, #tpu.memory_space<hbm>>
      %dma_start3A_271 = tpu.memref_squeeze %dma_start3A_270 : memref<1x16xi32, #tpu.memory_space<hbm>> -> memref<16xi32, #tpu.memory_space<hbm>>
      tpu.enqueue_dma source(%dma_start3A_271 : memref<16xi32, #tpu.memory_space<hbm>>) target(%arg9 : memref<16xi32, #tpu.memory_space<vmem>>) target_semaphore(%run_scoped3A : memref<!tpu.dma_semaphore, #tpu.memory_space<semaphore_mem>>)
      %dma_wait3A_272 = arith.constant 0 : i32
      %dma_wait3A_273 = tpu.memref_slice %arg5[%add3A, %dma_wait3A_272] : memref<32x16xi32, #tpu.memory_space<hbm>> -> memref<1x16xi32, #tpu.memory_space<hbm>>
      %dma_wait3A_274 = tpu.memref_squeeze %dma_wait3A_273 : memref<1x16xi32, #tpu.memory_space<hbm>> -> memref<16xi32, #tpu.memory_space<hbm>>
      %dma_wait3A_275 = arith.constant 0 : i32
      %dma_wait3A_276 = tpu.memref_slice %arg5[%add3A, %dma_wait3A_275] : memref<32x16xi32, #tpu.memory_space<hbm>> -> memref<1x16xi32, #tpu.memory_space<hbm>>
      %dma_wait3A_277 = tpu.memref_squeeze %dma_wait3A_276 : memref<1x16xi32, #tpu.memory_space<hbm>> -> memref<16xi32, #tpu.memory_space<hbm>>
      tpu.wait_dma2 semaphore(%run_scoped3A : memref<!tpu.dma_semaphore, #tpu.memory_space<semaphore_mem>>) src(%dma_wait3A_277 : memref<16xi32, #tpu.memory_space<hbm>>) dst(%arg9 : memref<16xi32, #tpu.memory_space<vmem>>)
      tpu.yield
    }) : () -> ()
    "tpu.region"() ({
      %run_scoped3A = tpu.sem_alloc : memref<!tpu.dma_semaphore, #tpu.memory_space<semaphore_mem>>
      %dma_start3A_266 = arith.constant 0 : i32
      %dma_start3A_267 = tpu.memref_slice %arg6[%add3A, %dma_start3A_266] : memref<32x16xi32, #tpu.memory_space<hbm>> -> memref<1x16xi32, #tpu.memory_space<hbm>>
      %dma_start3A_268 = tpu.memref_squeeze %dma_start3A_267 : memref<1x16xi32, #tpu.memory_space<hbm>> -> memref<16xi32, #tpu.memory_space<hbm>>
      %dma_start3A_269 = arith.constant 0 : i32
      %dma_start3A_270 = tpu.memref_slice %arg6[%add3A, %dma_start3A_269] : memref<32x16xi32, #tpu.memory_space<hbm>> -> memref<1x16xi32, #tpu.memory_space<hbm>>
      %dma_start3A_271 = tpu.memref_squeeze %dma_start3A_270 : memref<1x16xi32, #tpu.memory_space<hbm>> -> memref<16xi32, #tpu.memory_space<hbm>>
      tpu.enqueue_dma source(%dma_start3A_271 : memref<16xi32, #tpu.memory_space<hbm>>) target(%arg10 : memref<16xi32, #tpu.memory_space<vmem>>) target_semaphore(%run_scoped3A : memref<!tpu.dma_semaphore, #tpu.memory_space<semaphore_mem>>)
      %dma_wait3A_272 = arith.constant 0 : i32
      %dma_wait3A_273 = tpu.memref_slice %arg6[%add3A, %dma_wait3A_272] : memref<32x16xi32, #tpu.memory_space<hbm>> -> memref<1x16xi32, #tpu.memory_space<hbm>>
      %dma_wait3A_274 = tpu.memref_squeeze %dma_wait3A_273 : memref<1x16xi32, #tpu.memory_space<hbm>> -> memref<16xi32, #tpu.memory_space<hbm>>
      %dma_wait3A_275 = arith.constant 0 : i32
      %dma_wait3A_276 = tpu.memref_slice %arg6[%add3A, %dma_wait3A_275] : memref<32x16xi32, #tpu.memory_space<hbm>> -> memref<1x16xi32, #tpu.memory_space<hbm>>
      %dma_wait3A_277 = tpu.memref_squeeze %dma_wait3A_276 : memref<1x16xi32, #tpu.memory_space<hbm>> -> memref<16xi32, #tpu.memory_space<hbm>>
      tpu.wait_dma2 semaphore(%run_scoped3A : memref<!tpu.dma_semaphore, #tpu.memory_space<semaphore_mem>>) src(%dma_wait3A_277 : memref<16xi32, #tpu.memory_space<hbm>>) dst(%arg10 : memref<16xi32, #tpu.memory_space<vmem>>)
      tpu.yield
    }) : () -> ()
    %barrier3A = arith.constant 0 : index
    tpu.barrier barrier_id(%barrier3A)
    %dma_start3A = arith.constant 0 : i32
    %dma_start3A_5 = arith.constant 0 : i32
    %dma_start3A_6 = tpu.memref_slice %arg3[%add3A, %dma_start3A, %dma_start3A_5] : memref<32x156x64xi32, #tpu.memory_space<hbm>> -> memref<1x1x64xi32, #tpu.memory_space<hbm>>
    %dma_start3A_7 = tpu.memref_squeeze %dma_start3A_6 : memref<1x1x64xi32, #tpu.memory_space<hbm>> -> memref<64xi32, #tpu.memory_space<hbm>>
    %dma_start3A_8 = arith.constant 0 : i32
    %dma_start3A_9 = tpu.memref_slice %arg3[%add3A, %dma_start3A, %dma_start3A_8] : memref<32x156x64xi32, #tpu.memory_space<hbm>> -> memref<1x1x64xi32, #tpu.memory_space<hbm>>
    %dma_start3A_10 = tpu.memref_squeeze %dma_start3A_9 : memref<1x1x64xi32, #tpu.memory_space<hbm>> -> memref<64xi32, #tpu.memory_space<hbm>>
    tpu.enqueue_dma source(%dma_start3A_10 : memref<64xi32, #tpu.memory_space<hbm>>) target(%arg11 : memref<64xi32, #tpu.memory_space<vmem>>) target_semaphore(%arg29 : memref<!tpu.dma_semaphore, #tpu.memory_space<semaphore_mem>>)
    %dma_start3A_11 = arith.constant 0 : i32
    %dma_start3A_12 = arith.constant 0 : i32
    %dma_start3A_13 = tpu.memref_slice %arg4[%add3A, %dma_start3A_11, %dma_start3A_12] : memref<32x156x64xi32, #tpu.memory_space<hbm>> -> memref<1x1x64xi32, #tpu.memory_space<hbm>>
    %dma_start3A_14 = tpu.memref_squeeze %dma_start3A_13 : memref<1x1x64xi32, #tpu.memory_space<hbm>> -> memref<64xi32, #tpu.memory_space<hbm>>
    %dma_start3A_15 = arith.constant 0 : i32
    %dma_start3A_16 = tpu.memref_slice %arg4[%add3A, %dma_start3A_11, %dma_start3A_15] : memref<32x156x64xi32, #tpu.memory_space<hbm>> -> memref<1x1x64xi32, #tpu.memory_space<hbm>>
    %dma_start3A_17 = tpu.memref_squeeze %dma_start3A_16 : memref<1x1x64xi32, #tpu.memory_space<hbm>> -> memref<64xi32, #tpu.memory_space<hbm>>
    tpu.enqueue_dma source(%dma_start3A_17 : memref<64xi32, #tpu.memory_space<hbm>>) target(%arg17 : memref<64xi32, #tpu.memory_space<vmem>>) target_semaphore(%arg29 : memref<!tpu.dma_semaphore, #tpu.memory_space<semaphore_mem>>)
    %dma_start3A_18 = arith.constant 1 : i32
    %dma_start3A_19 = arith.constant 0 : i32
    %dma_start3A_20 = tpu.memref_slice %arg3[%add3A, %dma_start3A_18, %dma_start3A_19] : memref<32x156x64xi32, #tpu.memory_space<hbm>> -> memref<1x1x64xi32, #tpu.memory_space<hbm>>
    %dma_start3A_21 = tpu.memref_squeeze %dma_start3A_20 : memref<1x1x64xi32, #tpu.memory_space<hbm>> -> memref<64xi32, #tpu.memory_space<hbm>>
    %dma_start3A_22 = arith.constant 0 : i32
    %dma_start3A_23 = tpu.memref_slice %arg3[%add3A, %dma_start3A_18, %dma_start3A_22] : memref<32x156x64xi32, #tpu.memory_space<hbm>> -> memref<1x1x64xi32, #tpu.memory_space<hbm>>
    %dma_start3A_24 = tpu.memref_squeeze %dma_start3A_23 : memref<1x1x64xi32, #tpu.memory_space<hbm>> -> memref<64xi32, #tpu.memory_space<hbm>>
    tpu.enqueue_dma source(%dma_start3A_24 : memref<64xi32, #tpu.memory_space<hbm>>) target(%arg12 : memref<64xi32, #tpu.memory_space<vmem>>) target_semaphore(%arg30 : memref<!tpu.dma_semaphore, #tpu.memory_space<semaphore_mem>>)
    %dma_start3A_25 = arith.constant 1 : i32
    %dma_start3A_26 = arith.constant 0 : i32
    %dma_start3A_27 = tpu.memref_slice %arg4[%add3A, %dma_start3A_25, %dma_start3A_26] : memref<32x156x64xi32, #tpu.memory_space<hbm>> -> memref<1x1x64xi32, #tpu.memory_space<hbm>>
    %dma_start3A_28 = tpu.memref_squeeze %dma_start3A_27 : memref<1x1x64xi32, #tpu.memory_space<hbm>> -> memref<64xi32, #tpu.memory_space<hbm>>
    %dma_start3A_29 = arith.constant 0 : i32
    %dma_start3A_30 = tpu.memref_slice %arg4[%add3A, %dma_start3A_25, %dma_start3A_29] : memref<32x156x64xi32, #tpu.memory_space<hbm>> -> memref<1x1x64xi32, #tpu.memory_space<hbm>>
    %dma_start3A_31 = tpu.memref_squeeze %dma_start3A_30 : memref<1x1x64xi32, #tpu.memory_space<hbm>> -> memref<64xi32, #tpu.memory_space<hbm>>
    tpu.enqueue_dma source(%dma_start3A_31 : memref<64xi32, #tpu.memory_space<hbm>>) target(%arg18 : memref<64xi32, #tpu.memory_space<vmem>>) target_semaphore(%arg30 : memref<!tpu.dma_semaphore, #tpu.memory_space<semaphore_mem>>)
    %dma_wait3A = arith.constant 0 : i32
    %dma_wait3A_32 = arith.constant 0 : i32
    %dma_wait3A_33 = tpu.memref_slice %arg3[%add3A, %dma_wait3A, %dma_wait3A_32] : memref<32x156x64xi32, #tpu.memory_space<hbm>> -> memref<1x1x64xi32, #tpu.memory_space<hbm>>
    %dma_wait3A_34 = tpu.memref_squeeze %dma_wait3A_33 : memref<1x1x64xi32, #tpu.memory_space<hbm>> -> memref<64xi32, #tpu.memory_space<hbm>>
    %dma_wait3A_35 = arith.constant 0 : i32
    %dma_wait3A_36 = tpu.memref_slice %arg3[%add3A, %dma_wait3A, %dma_wait3A_35] : memref<32x156x64xi32, #tpu.memory_space<hbm>> -> memref<1x1x64xi32, #tpu.memory_space<hbm>>
    %dma_wait3A_37 = tpu.memref_squeeze %dma_wait3A_36 : memref<1x1x64xi32, #tpu.memory_space<hbm>> -> memref<64xi32, #tpu.memory_space<hbm>>
    tpu.wait_dma2 semaphore(%arg29 : memref<!tpu.dma_semaphore, #tpu.memory_space<semaphore_mem>>) src(%dma_wait3A_37 : memref<64xi32, #tpu.memory_space<hbm>>) dst(%arg11 : memref<64xi32, #tpu.memory_space<vmem>>)
    %dma_wait3A_38 = arith.constant 0 : i32
    %dma_wait3A_39 = arith.constant 0 : i32
    %dma_wait3A_40 = tpu.memref_slice %arg4[%add3A, %dma_wait3A_38, %dma_wait3A_39] : memref<32x156x64xi32, #tpu.memory_space<hbm>> -> memref<1x1x64xi32, #tpu.memory_space<hbm>>
    %dma_wait3A_41 = tpu.memref_squeeze %dma_wait3A_40 : memref<1x1x64xi32, #tpu.memory_space<hbm>> -> memref<64xi32, #tpu.memory_space<hbm>>
    %dma_wait3A_42 = arith.constant 0 : i32
    %dma_wait3A_43 = tpu.memref_slice %arg4[%add3A, %dma_wait3A_38, %dma_wait3A_42] : memref<32x156x64xi32, #tpu.memory_space<hbm>> -> memref<1x1x64xi32, #tpu.memory_space<hbm>>
    %dma_wait3A_44 = tpu.memref_squeeze %dma_wait3A_43 : memref<1x1x64xi32, #tpu.memory_space<hbm>> -> memref<64xi32, #tpu.memory_space<hbm>>
    tpu.wait_dma2 semaphore(%arg29 : memref<!tpu.dma_semaphore, #tpu.memory_space<semaphore_mem>>) src(%dma_wait3A_44 : memref<64xi32, #tpu.memory_space<hbm>>) dst(%arg17 : memref<64xi32, #tpu.memory_space<vmem>>)
    %dma_start3A_45 = arith.constant 0 : i32
    %dma_start3A_46 = arith.constant 0 : i32
    %dma_start3A_47 = tpu.memref_slice %arg2[%dma_start3A_45, %dma_start3A_46] : memref<10000x128xf32, #tpu.memory_space<hbm>> -> memref<10000x128xf32, #tpu.memory_space<hbm>>
    tpu.enqueue_indirect_dma source(%dma_start3A_47 : memref<10000x128xf32, #tpu.memory_space<hbm>>) target(%arg23 : memref<64x128xf32, #tpu.memory_space<vmem>>) offsets(%arg11 : memref<64xi32, #tpu.memory_space<vmem>>) semaphore(%arg35 : memref<!tpu.dma_semaphore, #tpu.memory_space<semaphore_mem>>)
    %dma_start3A_48 = arith.constant 2 : i32
    %dma_start3A_49 = arith.constant 0 : i32
    %dma_start3A_50 = tpu.memref_slice %arg3[%add3A, %dma_start3A_48, %dma_start3A_49] : memref<32x156x64xi32, #tpu.memory_space<hbm>> -> memref<1x1x64xi32, #tpu.memory_space<hbm>>
    %dma_start3A_51 = tpu.memref_squeeze %dma_start3A_50 : memref<1x1x64xi32, #tpu.memory_space<hbm>> -> memref<64xi32, #tpu.memory_space<hbm>>
    %dma_start3A_52 = arith.constant 0 : i32
    %dma_start3A_53 = tpu.memref_slice %arg3[%add3A, %dma_start3A_48, %dma_start3A_52] : memref<32x156x64xi32, #tpu.memory_space<hbm>> -> memref<1x1x64xi32, #tpu.memory_space<hbm>>
    %dma_start3A_54 = tpu.memref_squeeze %dma_start3A_53 : memref<1x1x64xi32, #tpu.memory_space<hbm>> -> memref<64xi32, #tpu.memory_space<hbm>>
    tpu.enqueue_dma source(%dma_start3A_54 : memref<64xi32, #tpu.memory_space<hbm>>) target(%arg13 : memref<64xi32, #tpu.memory_space<vmem>>) target_semaphore(%arg31 : memref<!tpu.dma_semaphore, #tpu.memory_space<semaphore_mem>>)
    %dma_start3A_55 = arith.constant 2 : i32
    %dma_start3A_56 = arith.constant 0 : i32
    %dma_start3A_57 = tpu.memref_slice %arg4[%add3A, %dma_start3A_55, %dma_start3A_56] : memref<32x156x64xi32, #tpu.memory_space<hbm>> -> memref<1x1x64xi32, #tpu.memory_space<hbm>>
    %dma_start3A_58 = tpu.memref_squeeze %dma_start3A_57 : memref<1x1x64xi32, #tpu.memory_space<hbm>> -> memref<64xi32, #tpu.memory_space<hbm>>
    %dma_start3A_59 = arith.constant 0 : i32
    %dma_start3A_60 = tpu.memref_slice %arg4[%add3A, %dma_start3A_55, %dma_start3A_59] : memref<32x156x64xi32, #tpu.memory_space<hbm>> -> memref<1x1x64xi32, #tpu.memory_space<hbm>>
    %dma_start3A_61 = tpu.memref_squeeze %dma_start3A_60 : memref<1x1x64xi32, #tpu.memory_space<hbm>> -> memref<64xi32, #tpu.memory_space<hbm>>
    tpu.enqueue_dma source(%dma_start3A_61 : memref<64xi32, #tpu.memory_space<hbm>>) target(%arg19 : memref<64xi32, #tpu.memory_space<vmem>>) target_semaphore(%arg31 : memref<!tpu.dma_semaphore, #tpu.memory_space<semaphore_mem>>)
    %dma_wait3A_62 = arith.constant 1 : i32
    %dma_wait3A_63 = arith.constant 0 : i32
    %dma_wait3A_64 = tpu.memref_slice %arg3[%add3A, %dma_wait3A_62, %dma_wait3A_63] : memref<32x156x64xi32, #tpu.memory_space<hbm>> -> memref<1x1x64xi32, #tpu.memory_space<hbm>>
    %dma_wait3A_65 = tpu.memref_squeeze %dma_wait3A_64 : memref<1x1x64xi32, #tpu.memory_space<hbm>> -> memref<64xi32, #tpu.memory_space<hbm>>
    %dma_wait3A_66 = arith.constant 0 : i32
    %dma_wait3A_67 = tpu.memref_slice %arg3[%add3A, %dma_wait3A_62, %dma_wait3A_66] : memref<32x156x64xi32, #tpu.memory_space<hbm>> -> memref<1x1x64xi32, #tpu.memory_space<hbm>>
    %dma_wait3A_68 = tpu.memref_squeeze %dma_wait3A_67 : memref<1x1x64xi32, #tpu.memory_space<hbm>> -> memref<64xi32, #tpu.memory_space<hbm>>
    tpu.wait_dma2 semaphore(%arg30 : memref<!tpu.dma_semaphore, #tpu.memory_space<semaphore_mem>>) src(%dma_wait3A_68 : memref<64xi32, #tpu.memory_space<hbm>>) dst(%arg12 : memref<64xi32, #tpu.memory_space<vmem>>)
    %dma_wait3A_69 = arith.constant 1 : i32
    %dma_wait3A_70 = arith.constant 0 : i32
    %dma_wait3A_71 = tpu.memref_slice %arg4[%add3A, %dma_wait3A_69, %dma_wait3A_70] : memref<32x156x64xi32, #tpu.memory_space<hbm>> -> memref<1x1x64xi32, #tpu.memory_space<hbm>>
    %dma_wait3A_72 = tpu.memref_squeeze %dma_wait3A_71 : memref<1x1x64xi32, #tpu.memory_space<hbm>> -> memref<64xi32, #tpu.memory_space<hbm>>
    %dma_wait3A_73 = arith.constant 0 : i32
    %dma_wait3A_74 = tpu.memref_slice %arg4[%add3A, %dma_wait3A_69, %dma_wait3A_73] : memref<32x156x64xi32, #tpu.memory_space<hbm>> -> memref<1x1x64xi32, #tpu.memory_space<hbm>>
    %dma_wait3A_75 = tpu.memref_squeeze %dma_wait3A_74 : memref<1x1x64xi32, #tpu.memory_space<hbm>> -> memref<64xi32, #tpu.memory_space<hbm>>
    tpu.wait_dma2 semaphore(%arg30 : memref<!tpu.dma_semaphore, #tpu.memory_space<semaphore_mem>>) src(%dma_wait3A_75 : memref<64xi32, #tpu.memory_space<hbm>>) dst(%arg18 : memref<64xi32, #tpu.memory_space<vmem>>)
    %dma_start3A_76 = arith.constant 0 : i32
    %dma_start3A_77 = arith.constant 0 : i32
    %dma_start3A_78 = tpu.memref_slice %arg2[%dma_start3A_76, %dma_start3A_77] : memref<10000x128xf32, #tpu.memory_space<hbm>> -> memref<10000x128xf32, #tpu.memory_space<hbm>>
    tpu.enqueue_indirect_dma source(%dma_start3A_78 : memref<10000x128xf32, #tpu.memory_space<hbm>>) target(%arg24 : memref<64x128xf32, #tpu.memory_space<vmem>>) offsets(%arg12 : memref<64xi32, #tpu.memory_space<vmem>>) semaphore(%arg36 : memref<!tpu.dma_semaphore, #tpu.memory_space<semaphore_mem>>)
    %dma_start3A_79 = arith.constant 3 : i32
    %dma_start3A_80 = arith.constant 0 : i32
    %dma_start3A_81 = tpu.memref_slice %arg3[%add3A, %dma_start3A_79, %dma_start3A_80] : memref<32x156x64xi32, #tpu.memory_space<hbm>> -> memref<1x1x64xi32, #tpu.memory_space<hbm>>
    %dma_start3A_82 = tpu.memref_squeeze %dma_start3A_81 : memref<1x1x64xi32, #tpu.memory_space<hbm>> -> memref<64xi32, #tpu.memory_space<hbm>>
    %dma_start3A_83 = arith.constant 0 : i32
    %dma_start3A_84 = tpu.memref_slice %arg3[%add3A, %dma_start3A_79, %dma_start3A_83] : memref<32x156x64xi32, #tpu.memory_space<hbm>> -> memref<1x1x64xi32, #tpu.memory_space<hbm>>
    %dma_start3A_85 = tpu.memref_squeeze %dma_start3A_84 : memref<1x1x64xi32, #tpu.memory_space<hbm>> -> memref<64xi32, #tpu.memory_space<hbm>>
    tpu.enqueue_dma source(%dma_start3A_85 : memref<64xi32, #tpu.memory_space<hbm>>) target(%arg14 : memref<64xi32, #tpu.memory_space<vmem>>) target_semaphore(%arg32 : memref<!tpu.dma_semaphore, #tpu.memory_space<semaphore_mem>>)
    %dma_start3A_86 = arith.constant 3 : i32
    %dma_start3A_87 = arith.constant 0 : i32
    %dma_start3A_88 = tpu.memref_slice %arg4[%add3A, %dma_start3A_86, %dma_start3A_87] : memref<32x156x64xi32, #tpu.memory_space<hbm>> -> memref<1x1x64xi32, #tpu.memory_space<hbm>>
    %dma_start3A_89 = tpu.memref_squeeze %dma_start3A_88 : memref<1x1x64xi32, #tpu.memory_space<hbm>> -> memref<64xi32, #tpu.memory_space<hbm>>
    %dma_start3A_90 = arith.constant 0 : i32
    %dma_start3A_91 = tpu.memref_slice %arg4[%add3A, %dma_start3A_86, %dma_start3A_90] : memref<32x156x64xi32, #tpu.memory_space<hbm>> -> memref<1x1x64xi32, #tpu.memory_space<hbm>>
    %dma_start3A_92 = tpu.memref_squeeze %dma_start3A_91 : memref<1x1x64xi32, #tpu.memory_space<hbm>> -> memref<64xi32, #tpu.memory_space<hbm>>
    tpu.enqueue_dma source(%dma_start3A_92 : memref<64xi32, #tpu.memory_space<hbm>>) target(%arg20 : memref<64xi32, #tpu.memory_space<vmem>>) target_semaphore(%arg32 : memref<!tpu.dma_semaphore, #tpu.memory_space<semaphore_mem>>)
    %dma_wait3A_93 = arith.constant 2 : i32
    %dma_wait3A_94 = arith.constant 0 : i32
    %dma_wait3A_95 = tpu.memref_slice %arg3[%add3A, %dma_wait3A_93, %dma_wait3A_94] : memref<32x156x64xi32, #tpu.memory_space<hbm>> -> memref<1x1x64xi32, #tpu.memory_space<hbm>>
    %dma_wait3A_96 = tpu.memref_squeeze %dma_wait3A_95 : memref<1x1x64xi32, #tpu.memory_space<hbm>> -> memref<64xi32, #tpu.memory_space<hbm>>
    %dma_wait3A_97 = arith.constant 0 : i32
    %dma_wait3A_98 = tpu.memref_slice %arg3[%add3A, %dma_wait3A_93, %dma_wait3A_97] : memref<32x156x64xi32, #tpu.memory_space<hbm>> -> memref<1x1x64xi32, #tpu.memory_space<hbm>>
    %dma_wait3A_99 = tpu.memref_squeeze %dma_wait3A_98 : memref<1x1x64xi32, #tpu.memory_space<hbm>> -> memref<64xi32, #tpu.memory_space<hbm>>
    tpu.wait_dma2 semaphore(%arg31 : memref<!tpu.dma_semaphore, #tpu.memory_space<semaphore_mem>>) src(%dma_wait3A_99 : memref<64xi32, #tpu.memory_space<hbm>>) dst(%arg13 : memref<64xi32, #tpu.memory_space<vmem>>)
    %dma_wait3A_100 = arith.constant 2 : i32
    %dma_wait3A_101 = arith.constant 0 : i32
    %dma_wait3A_102 = tpu.memref_slice %arg4[%add3A, %dma_wait3A_100, %dma_wait3A_101] : memref<32x156x64xi32, #tpu.memory_space<hbm>> -> memref<1x1x64xi32, #tpu.memory_space<hbm>>
    %dma_wait3A_103 = tpu.memref_squeeze %dma_wait3A_102 : memref<1x1x64xi32, #tpu.memory_space<hbm>> -> memref<64xi32, #tpu.memory_space<hbm>>
    %dma_wait3A_104 = arith.constant 0 : i32
    %dma_wait3A_105 = tpu.memref_slice %arg4[%add3A, %dma_wait3A_100, %dma_wait3A_104] : memref<32x156x64xi32, #tpu.memory_space<hbm>> -> memref<1x1x64xi32, #tpu.memory_space<hbm>>
    %dma_wait3A_106 = tpu.memref_squeeze %dma_wait3A_105 : memref<1x1x64xi32, #tpu.memory_space<hbm>> -> memref<64xi32, #tpu.memory_space<hbm>>
    tpu.wait_dma2 semaphore(%arg31 : memref<!tpu.dma_semaphore, #tpu.memory_space<semaphore_mem>>) src(%dma_wait3A_106 : memref<64xi32, #tpu.memory_space<hbm>>) dst(%arg19 : memref<64xi32, #tpu.memory_space<vmem>>)
    %dma_start3A_107 = arith.constant 0 : i32
    %dma_start3A_108 = arith.constant 0 : i32
    %dma_start3A_109 = tpu.memref_slice %arg2[%dma_start3A_107, %dma_start3A_108] : memref<10000x128xf32, #tpu.memory_space<hbm>> -> memref<10000x128xf32, #tpu.memory_space<hbm>>
    tpu.enqueue_indirect_dma source(%dma_start3A_109 : memref<10000x128xf32, #tpu.memory_space<hbm>>) target(%arg25 : memref<64x128xf32, #tpu.memory_space<vmem>>) offsets(%arg13 : memref<64xi32, #tpu.memory_space<vmem>>) semaphore(%arg37 : memref<!tpu.dma_semaphore, #tpu.memory_space<semaphore_mem>>)
    %dma_start3A_110 = arith.constant 4 : i32
    %dma_start3A_111 = arith.constant 0 : i32
    %dma_start3A_112 = tpu.memref_slice %arg3[%add3A, %dma_start3A_110, %dma_start3A_111] : memref<32x156x64xi32, #tpu.memory_space<hbm>> -> memref<1x1x64xi32, #tpu.memory_space<hbm>>
    %dma_start3A_113 = tpu.memref_squeeze %dma_start3A_112 : memref<1x1x64xi32, #tpu.memory_space<hbm>> -> memref<64xi32, #tpu.memory_space<hbm>>
    %dma_start3A_114 = arith.constant 0 : i32
    %dma_start3A_115 = tpu.memref_slice %arg3[%add3A, %dma_start3A_110, %dma_start3A_114] : memref<32x156x64xi32, #tpu.memory_space<hbm>> -> memref<1x1x64xi32, #tpu.memory_space<hbm>>
    %dma_start3A_116 = tpu.memref_squeeze %dma_start3A_115 : memref<1x1x64xi32, #tpu.memory_space<hbm>> -> memref<64xi32, #tpu.memory_space<hbm>>
    tpu.enqueue_dma source(%dma_start3A_116 : memref<64xi32, #tpu.memory_space<hbm>>) target(%arg15 : memref<64xi32, #tpu.memory_space<vmem>>) target_semaphore(%arg33 : memref<!tpu.dma_semaphore, #tpu.memory_space<semaphore_mem>>)
    %dma_start3A_117 = arith.constant 4 : i32
    %dma_start3A_118 = arith.constant 0 : i32
    %dma_start3A_119 = tpu.memref_slice %arg4[%add3A, %dma_start3A_117, %dma_start3A_118] : memref<32x156x64xi32, #tpu.memory_space<hbm>> -> memref<1x1x64xi32, #tpu.memory_space<hbm>>
    %dma_start3A_120 = tpu.memref_squeeze %dma_start3A_119 : memref<1x1x64xi32, #tpu.memory_space<hbm>> -> memref<64xi32, #tpu.memory_space<hbm>>
    %dma_start3A_121 = arith.constant 0 : i32
    %dma_start3A_122 = tpu.memref_slice %arg4[%add3A, %dma_start3A_117, %dma_start3A_121] : memref<32x156x64xi32, #tpu.memory_space<hbm>> -> memref<1x1x64xi32, #tpu.memory_space<hbm>>
    %dma_start3A_123 = tpu.memref_squeeze %dma_start3A_122 : memref<1x1x64xi32, #tpu.memory_space<hbm>> -> memref<64xi32, #tpu.memory_space<hbm>>
    tpu.enqueue_dma source(%dma_start3A_123 : memref<64xi32, #tpu.memory_space<hbm>>) target(%arg21 : memref<64xi32, #tpu.memory_space<vmem>>) target_semaphore(%arg33 : memref<!tpu.dma_semaphore, #tpu.memory_space<semaphore_mem>>)
    %dma_wait3A_124 = arith.constant 3 : i32
    %dma_wait3A_125 = arith.constant 0 : i32
    %dma_wait3A_126 = tpu.memref_slice %arg3[%add3A, %dma_wait3A_124, %dma_wait3A_125] : memref<32x156x64xi32, #tpu.memory_space<hbm>> -> memref<1x1x64xi32, #tpu.memory_space<hbm>>
    %dma_wait3A_127 = tpu.memref_squeeze %dma_wait3A_126 : memref<1x1x64xi32, #tpu.memory_space<hbm>> -> memref<64xi32, #tpu.memory_space<hbm>>
    %dma_wait3A_128 = arith.constant 0 : i32
    %dma_wait3A_129 = tpu.memref_slice %arg3[%add3A, %dma_wait3A_124, %dma_wait3A_128] : memref<32x156x64xi32, #tpu.memory_space<hbm>> -> memref<1x1x64xi32, #tpu.memory_space<hbm>>
    %dma_wait3A_130 = tpu.memref_squeeze %dma_wait3A_129 : memref<1x1x64xi32, #tpu.memory_space<hbm>> -> memref<64xi32, #tpu.memory_space<hbm>>
    tpu.wait_dma2 semaphore(%arg32 : memref<!tpu.dma_semaphore, #tpu.memory_space<semaphore_mem>>) src(%dma_wait3A_130 : memref<64xi32, #tpu.memory_space<hbm>>) dst(%arg14 : memref<64xi32, #tpu.memory_space<vmem>>)
    %dma_wait3A_131 = arith.constant 3 : i32
    %dma_wait3A_132 = arith.constant 0 : i32
    %dma_wait3A_133 = tpu.memref_slice %arg4[%add3A, %dma_wait3A_131, %dma_wait3A_132] : memref<32x156x64xi32, #tpu.memory_space<hbm>> -> memref<1x1x64xi32, #tpu.memory_space<hbm>>
    %dma_wait3A_134 = tpu.memref_squeeze %dma_wait3A_133 : memref<1x1x64xi32, #tpu.memory_space<hbm>> -> memref<64xi32, #tpu.memory_space<hbm>>
    %dma_wait3A_135 = arith.constant 0 : i32
    %dma_wait3A_136 = tpu.memref_slice %arg4[%add3A, %dma_wait3A_131, %dma_wait3A_135] : memref<32x156x64xi32, #tpu.memory_space<hbm>> -> memref<1x1x64xi32, #tpu.memory_space<hbm>>
    %dma_wait3A_137 = tpu.memref_squeeze %dma_wait3A_136 : memref<1x1x64xi32, #tpu.memory_space<hbm>> -> memref<64xi32, #tpu.memory_space<hbm>>
    tpu.wait_dma2 semaphore(%arg32 : memref<!tpu.dma_semaphore, #tpu.memory_space<semaphore_mem>>) src(%dma_wait3A_137 : memref<64xi32, #tpu.memory_space<hbm>>) dst(%arg20 : memref<64xi32, #tpu.memory_space<vmem>>)
    %dma_start3A_138 = arith.constant 0 : i32
    %dma_start3A_139 = arith.constant 0 : i32
    %dma_start3A_140 = tpu.memref_slice %arg2[%dma_start3A_138, %dma_start3A_139] : memref<10000x128xf32, #tpu.memory_space<hbm>> -> memref<10000x128xf32, #tpu.memory_space<hbm>>
    tpu.enqueue_indirect_dma source(%dma_start3A_140 : memref<10000x128xf32, #tpu.memory_space<hbm>>) target(%arg26 : memref<64x128xf32, #tpu.memory_space<vmem>>) offsets(%arg14 : memref<64xi32, #tpu.memory_space<vmem>>) semaphore(%arg38 : memref<!tpu.dma_semaphore, #tpu.memory_space<semaphore_mem>>)
    %dma_wait3A_141 = arith.constant 0 : i32
    %dma_wait3A_142 = arith.constant 0 : i32
    %dma_wait3A_143 = tpu.memref_slice %arg2[%dma_wait3A_141, %dma_wait3A_142] : memref<10000x128xf32, #tpu.memory_space<hbm>> -> memref<10000x128xf32, #tpu.memory_space<hbm>>
    tpu.wait_indirect_dma semaphore(%arg35 : memref<!tpu.dma_semaphore, #tpu.memory_space<semaphore_mem>>) src(%dma_wait3A_143 : memref<10000x128xf32, #tpu.memory_space<hbm>>) dst(%arg23 : memref<64x128xf32, #tpu.memory_space<vmem>>)
    %dma_start3A_144 = arith.constant 0 : i32
    %dma_start3A_145 = arith.constant 0 : i32
    %dma_start3A_146 = tpu.memref_slice %arg8[%dma_start3A_144, %dma_start3A_145] : memref<10000x128xf32, #tpu.memory_space<vmem_shared>> -> memref<10000x128xf32, #tpu.memory_space<vmem_shared>>
    tpu.enqueue_indirect_dma source(%arg23 : memref<64x128xf32, #tpu.memory_space<vmem>>) target(%dma_start3A_146 : memref<10000x128xf32, #tpu.memory_space<vmem_shared>>) offsets(%arg17 : memref<64xi32, #tpu.memory_space<vmem>>) semaphore(%arg41 : memref<!tpu.dma_semaphore, #tpu.memory_space<semaphore_mem>>) {add = true}
    %dma_start3A_147 = arith.constant 5 : i32
    %dma_start3A_148 = arith.constant 0 : i32
    %dma_start3A_149 = tpu.memref_slice %arg3[%add3A, %dma_start3A_147, %dma_start3A_148] : memref<32x156x64xi32, #tpu.memory_space<hbm>> -> memref<1x1x64xi32, #tpu.memory_space<hbm>>
    %dma_start3A_150 = tpu.memref_squeeze %dma_start3A_149 : memref<1x1x64xi32, #tpu.memory_space<hbm>> -> memref<64xi32, #tpu.memory_space<hbm>>
    %dma_start3A_151 = arith.constant 0 : i32
    %dma_start3A_152 = tpu.memref_slice %arg3[%add3A, %dma_start3A_147, %dma_start3A_151] : memref<32x156x64xi32, #tpu.memory_space<hbm>> -> memref<1x1x64xi32, #tpu.memory_space<hbm>>
    %dma_start3A_153 = tpu.memref_squeeze %dma_start3A_152 : memref<1x1x64xi32, #tpu.memory_space<hbm>> -> memref<64xi32, #tpu.memory_space<hbm>>
    tpu.enqueue_dma source(%dma_start3A_153 : memref<64xi32, #tpu.memory_space<hbm>>) target(%arg16 : memref<64xi32, #tpu.memory_space<vmem>>) target_semaphore(%arg34 : memref<!tpu.dma_semaphore, #tpu.memory_space<semaphore_mem>>)
    %dma_start3A_154 = arith.constant 5 : i32
    %dma_start3A_155 = arith.constant 0 : i32
    %dma_start3A_156 = tpu.memref_slice %arg4[%add3A, %dma_start3A_154, %dma_start3A_155] : memref<32x156x64xi32, #tpu.memory_space<hbm>> -> memref<1x1x64xi32, #tpu.memory_space<hbm>>
    %dma_start3A_157 = tpu.memref_squeeze %dma_start3A_156 : memref<1x1x64xi32, #tpu.memory_space<hbm>> -> memref<64xi32, #tpu.memory_space<hbm>>
    %dma_start3A_158 = arith.constant 0 : i32
    %dma_start3A_159 = tpu.memref_slice %arg4[%add3A, %dma_start3A_154, %dma_start3A_158] : memref<32x156x64xi32, #tpu.memory_space<hbm>> -> memref<1x1x64xi32, #tpu.memory_space<hbm>>
    %dma_start3A_160 = tpu.memref_squeeze %dma_start3A_159 : memref<1x1x64xi32, #tpu.memory_space<hbm>> -> memref<64xi32, #tpu.memory_space<hbm>>
    tpu.enqueue_dma source(%dma_start3A_160 : memref<64xi32, #tpu.memory_space<hbm>>) target(%arg22 : memref<64xi32, #tpu.memory_space<vmem>>) target_semaphore(%arg34 : memref<!tpu.dma_semaphore, #tpu.memory_space<semaphore_mem>>)
    %dma_wait3A_161 = arith.constant 4 : i32
    %dma_wait3A_162 = arith.constant 0 : i32
    %dma_wait3A_163 = tpu.memref_slice %arg3[%add3A, %dma_wait3A_161, %dma_wait3A_162] : memref<32x156x64xi32, #tpu.memory_space<hbm>> -> memref<1x1x64xi32, #tpu.memory_space<hbm>>
    %dma_wait3A_164 = tpu.memref_squeeze %dma_wait3A_163 : memref<1x1x64xi32, #tpu.memory_space<hbm>> -> memref<64xi32, #tpu.memory_space<hbm>>
    %dma_wait3A_165 = arith.constant 0 : i32
    %dma_wait3A_166 = tpu.memref_slice %arg3[%add3A, %dma_wait3A_161, %dma_wait3A_165] : memref<32x156x64xi32, #tpu.memory_space<hbm>> -> memref<1x1x64xi32, #tpu.memory_space<hbm>>
    %dma_wait3A_167 = tpu.memref_squeeze %dma_wait3A_166 : memref<1x1x64xi32, #tpu.memory_space<hbm>> -> memref<64xi32, #tpu.memory_space<hbm>>
    tpu.wait_dma2 semaphore(%arg33 : memref<!tpu.dma_semaphore, #tpu.memory_space<semaphore_mem>>) src(%dma_wait3A_167 : memref<64xi32, #tpu.memory_space<hbm>>) dst(%arg15 : memref<64xi32, #tpu.memory_space<vmem>>)
    %dma_wait3A_168 = arith.constant 4 : i32
    %dma_wait3A_169 = arith.constant 0 : i32
    %dma_wait3A_170 = tpu.memref_slice %arg4[%add3A, %dma_wait3A_168, %dma_wait3A_169] : memref<32x156x64xi32, #tpu.memory_space<hbm>> -> memref<1x1x64xi32, #tpu.memory_space<hbm>>
    %dma_wait3A_171 = tpu.memref_squeeze %dma_wait3A_170 : memref<1x1x64xi32, #tpu.memory_space<hbm>> -> memref<64xi32, #tpu.memory_space<hbm>>
    %dma_wait3A_172 = arith.constant 0 : i32
    %dma_wait3A_173 = tpu.memref_slice %arg4[%add3A, %dma_wait3A_168, %dma_wait3A_172] : memref<32x156x64xi32, #tpu.memory_space<hbm>> -> memref<1x1x64xi32, #tpu.memory_space<hbm>>
    %dma_wait3A_174 = tpu.memref_squeeze %dma_wait3A_173 : memref<1x1x64xi32, #tpu.memory_space<hbm>> -> memref<64xi32, #tpu.memory_space<hbm>>
    tpu.wait_dma2 semaphore(%arg33 : memref<!tpu.dma_semaphore, #tpu.memory_space<semaphore_mem>>) src(%dma_wait3A_174 : memref<64xi32, #tpu.memory_space<hbm>>) dst(%arg21 : memref<64xi32, #tpu.memory_space<vmem>>)
    %dma_start3A_175 = arith.constant 0 : i32
    %dma_start3A_176 = arith.constant 0 : i32
    %dma_start3A_177 = tpu.memref_slice %arg2[%dma_start3A_175, %dma_start3A_176] : memref<10000x128xf32, #tpu.memory_space<hbm>> -> memref<10000x128xf32, #tpu.memory_space<hbm>>
    tpu.enqueue_indirect_dma source(%dma_start3A_177 : memref<10000x128xf32, #tpu.memory_space<hbm>>) target(%arg27 : memref<64x128xf32, #tpu.memory_space<vmem>>) offsets(%arg15 : memref<64xi32, #tpu.memory_space<vmem>>) semaphore(%arg39 : memref<!tpu.dma_semaphore, #tpu.memory_space<semaphore_mem>>)
    %dma_wait3A_178 = arith.constant 0 : i32
    %dma_wait3A_179 = arith.constant 0 : i32
    %dma_wait3A_180 = tpu.memref_slice %arg2[%dma_wait3A_178, %dma_wait3A_179] : memref<10000x128xf32, #tpu.memory_space<hbm>> -> memref<10000x128xf32, #tpu.memory_space<hbm>>
    tpu.wait_indirect_dma semaphore(%arg36 : memref<!tpu.dma_semaphore, #tpu.memory_space<semaphore_mem>>) src(%dma_wait3A_180 : memref<10000x128xf32, #tpu.memory_space<hbm>>) dst(%arg24 : memref<64x128xf32, #tpu.memory_space<vmem>>)
    %dma_start3A_181 = arith.constant 0 : i32
    %dma_start3A_182 = arith.constant 0 : i32
    %dma_start3A_183 = tpu.memref_slice %arg8[%dma_start3A_181, %dma_start3A_182] : memref<10000x128xf32, #tpu.memory_space<vmem_shared>> -> memref<10000x128xf32, #tpu.memory_space<vmem_shared>>
    tpu.enqueue_indirect_dma source(%arg24 : memref<64x128xf32, #tpu.memory_space<vmem>>) target(%dma_start3A_183 : memref<10000x128xf32, #tpu.memory_space<vmem_shared>>) offsets(%arg18 : memref<64xi32, #tpu.memory_space<vmem>>) semaphore(%arg42 : memref<!tpu.dma_semaphore, #tpu.memory_space<semaphore_mem>>) {add = true}
    %scan3A = arith.constant 0 : i32
    %scan3A_184 = arith.constant 0 : i32
    %scan3A_185 = arith.constant 25 : i32
    %scan3A_186 = arith.addi %scan3A_184, %scan3A_185 : i32
    %scan3A_187 = arith.constant 1 : i32
    scf.for %scan3A_266 = %scan3A_184 to %scan3A_186 step %scan3A_187  : i32 {
      %mul3A_267 = arith.constant 6 : i32
      %mul3A_268 = arith.muli %mul3A_267, %scan3A_266 : i32
      %add3A_269 = arith.constant 6 : i32
      %add3A_270 = arith.addi %add3A_269, %mul3A_268 : i32
      %add3A_271 = arith.constant 0 : i32
      %add3A_272 = arith.addi %add3A_270, %add3A_271 : i32
      %dma_wait3A_273 = arith.constant 0 : i32
      %dma_wait3A_274 = arith.constant 0 : i32
      %dma_wait3A_275 = tpu.memref_slice %arg8[%dma_wait3A_273, %dma_wait3A_274] : memref<10000x128xf32, #tpu.memory_space<vmem_shared>> -> memref<10000x128xf32, #tpu.memory_space<vmem_shared>>
      tpu.wait_indirect_dma semaphore(%arg41 : memref<!tpu.dma_semaphore, #tpu.memory_space<semaphore_mem>>) src(%arg23 : memref<64x128xf32, #tpu.memory_space<vmem>>) dst(%dma_wait3A_275 : memref<10000x128xf32, #tpu.memory_space<vmem_shared>>)
      %dma_start3A_276 = arith.constant 0 : i32
      %dma_start3A_277 = tpu.memref_slice %arg3[%add3A, %add3A_272, %dma_start3A_276] : memref<32x156x64xi32, #tpu.memory_space<hbm>> -> memref<1x1x64xi32, #tpu.memory_space<hbm>>
      %dma_start3A_278 = tpu.memref_squeeze %dma_start3A_277 : memref<1x1x64xi32, #tpu.memory_space<hbm>> -> memref<64xi32, #tpu.memory_space<hbm>>
      %dma_start3A_279 = arith.constant 0 : i32
      %dma_start3A_280 = tpu.memref_slice %arg3[%add3A, %add3A_272, %dma_start3A_279] : memref<32x156x64xi32, #tpu.memory_space<hbm>> -> memref<1x1x64xi32, #tpu.memory_space<hbm>>
      %dma_start3A_281 = tpu.memref_squeeze %dma_start3A_280 : memref<1x1x64xi32, #tpu.memory_space<hbm>> -> memref<64xi32, #tpu.memory_space<hbm>>
      tpu.enqueue_dma source(%dma_start3A_281 : memref<64xi32, #tpu.memory_space<hbm>>) target(%arg11 : memref<64xi32, #tpu.memory_space<vmem>>) target_semaphore(%arg29 : memref<!tpu.dma_semaphore, #tpu.memory_space<semaphore_mem>>)
      %dma_start3A_282 = arith.constant 0 : i32
      %dma_start3A_283 = tpu.memref_slice %arg4[%add3A, %add3A_272, %dma_start3A_282] : memref<32x156x64xi32, #tpu.memory_space<hbm>> -> memref<1x1x64xi32, #tpu.memory_space<hbm>>
      %dma_start3A_284 = tpu.memref_squeeze %dma_start3A_283 : memref<1x1x64xi32, #tpu.memory_space<hbm>> -> memref<64xi32, #tpu.memory_space<hbm>>
      %dma_start3A_285 = arith.constant 0 : i32
      %dma_start3A_286 = tpu.memref_slice %arg4[%add3A, %add3A_272, %dma_start3A_285] : memref<32x156x64xi32, #tpu.memory_space<hbm>> -> memref<1x1x64xi32, #tpu.memory_space<hbm>>
      %dma_start3A_287 = tpu.memref_squeeze %dma_start3A_286 : memref<1x1x64xi32, #tpu.memory_space<hbm>> -> memref<64xi32, #tpu.memory_space<hbm>>
      tpu.enqueue_dma source(%dma_start3A_287 : memref<64xi32, #tpu.memory_space<hbm>>) target(%arg17 : memref<64xi32, #tpu.memory_space<vmem>>) target_semaphore(%arg29 : memref<!tpu.dma_semaphore, #tpu.memory_space<semaphore_mem>>)
      %sub3A = arith.constant 1 : i32
      %sub3A_288 = arith.subi %add3A_272, %sub3A : i32
      %dma_wait3A_289 = arith.constant 0 : i32
      %dma_wait3A_290 = tpu.memref_slice %arg3[%add3A, %sub3A_288, %dma_wait3A_289] : memref<32x156x64xi32, #tpu.memory_space<hbm>> -> memref<1x1x64xi32, #tpu.memory_space<hbm>>
      %dma_wait3A_291 = tpu.memref_squeeze %dma_wait3A_290 : memref<1x1x64xi32, #tpu.memory_space<hbm>> -> memref<64xi32, #tpu.memory_space<hbm>>
      %dma_wait3A_292 = arith.constant 0 : i32
      %dma_wait3A_293 = tpu.memref_slice %arg3[%add3A, %sub3A_288, %dma_wait3A_292] : memref<32x156x64xi32, #tpu.memory_space<hbm>> -> memref<1x1x64xi32, #tpu.memory_space<hbm>>
      %dma_wait3A_294 = tpu.memref_squeeze %dma_wait3A_293 : memref<1x1x64xi32, #tpu.memory_space<hbm>> -> memref<64xi32, #tpu.memory_space<hbm>>
      tpu.wait_dma2 semaphore(%arg34 : memref<!tpu.dma_semaphore, #tpu.memory_space<semaphore_mem>>) src(%dma_wait3A_294 : memref<64xi32, #tpu.memory_space<hbm>>) dst(%arg16 : memref<64xi32, #tpu.memory_space<vmem>>)
      %dma_wait3A_295 = arith.constant 0 : i32
      %dma_wait3A_296 = tpu.memref_slice %arg4[%add3A, %sub3A_288, %dma_wait3A_295] : memref<32x156x64xi32, #tpu.memory_space<hbm>> -> memref<1x1x64xi32, #tpu.memory_space<hbm>>
      %dma_wait3A_297 = tpu.memref_squeeze %dma_wait3A_296 : memref<1x1x64xi32, #tpu.memory_space<hbm>> -> memref<64xi32, #tpu.memory_space<hbm>>
      %dma_wait3A_298 = arith.constant 0 : i32
      %dma_wait3A_299 = tpu.memref_slice %arg4[%add3A, %sub3A_288, %dma_wait3A_298] : memref<32x156x64xi32, #tpu.memory_space<hbm>> -> memref<1x1x64xi32, #tpu.memory_space<hbm>>
      %dma_wait3A_300 = tpu.memref_squeeze %dma_wait3A_299 : memref<1x1x64xi32, #tpu.memory_space<hbm>> -> memref<64xi32, #tpu.memory_space<hbm>>
      tpu.wait_dma2 semaphore(%arg34 : memref<!tpu.dma_semaphore, #tpu.memory_space<semaphore_mem>>) src(%dma_wait3A_300 : memref<64xi32, #tpu.memory_space<hbm>>) dst(%arg22 : memref<64xi32, #tpu.memory_space<vmem>>)
      %dma_start3A_301 = arith.constant 0 : i32
      %dma_start3A_302 = arith.constant 0 : i32
      %dma_start3A_303 = tpu.memref_slice %arg2[%dma_start3A_301, %dma_start3A_302] : memref<10000x128xf32, #tpu.memory_space<hbm>> -> memref<10000x128xf32, #tpu.memory_space<hbm>>
      tpu.enqueue_indirect_dma source(%dma_start3A_303 : memref<10000x128xf32, #tpu.memory_space<hbm>>) target(%arg28 : memref<64x128xf32, #tpu.memory_space<vmem>>) offsets(%arg16 : memref<64xi32, #tpu.memory_space<vmem>>) semaphore(%arg40 : memref<!tpu.dma_semaphore, #tpu.memory_space<semaphore_mem>>)
      %dma_wait3A_304 = arith.constant 0 : i32
      %dma_wait3A_305 = arith.constant 0 : i32
      %dma_wait3A_306 = tpu.memref_slice %arg2[%dma_wait3A_304, %dma_wait3A_305] : memref<10000x128xf32, #tpu.memory_space<hbm>> -> memref<10000x128xf32, #tpu.memory_space<hbm>>
      tpu.wait_indirect_dma semaphore(%arg37 : memref<!tpu.dma_semaphore, #tpu.memory_space<semaphore_mem>>) src(%dma_wait3A_306 : memref<10000x128xf32, #tpu.memory_space<hbm>>) dst(%arg25 : memref<64x128xf32, #tpu.memory_space<vmem>>)
      %dma_start3A_307 = arith.constant 0 : i32
      %dma_start3A_308 = arith.constant 0 : i32
      %dma_start3A_309 = tpu.memref_slice %arg8[%dma_start3A_307, %dma_start3A_308] : memref<10000x128xf32, #tpu.memory_space<vmem_shared>> -> memref<10000x128xf32, #tpu.memory_space<vmem_shared>>
      tpu.enqueue_indirect_dma source(%arg25 : memref<64x128xf32, #tpu.memory_space<vmem>>) target(%dma_start3A_309 : memref<10000x128xf32, #tpu.memory_space<vmem_shared>>) offsets(%arg19 : memref<64xi32, #tpu.memory_space<vmem>>) semaphore(%arg43 : memref<!tpu.dma_semaphore, #tpu.memory_space<semaphore_mem>>) {add = true}
      %add3A_310 = arith.constant 1 : i32
      %add3A_311 = arith.addi %add3A_270, %add3A_310 : i32
      %dma_wait3A_312 = arith.constant 0 : i32
      %dma_wait3A_313 = arith.constant 0 : i32
      %dma_wait3A_314 = tpu.memref_slice %arg8[%dma_wait3A_312, %dma_wait3A_313] : memref<10000x128xf32, #tpu.memory_space<vmem_shared>> -> memref<10000x128xf32, #tpu.memory_space<vmem_shared>>
      tpu.wait_indirect_dma semaphore(%arg42 : memref<!tpu.dma_semaphore, #tpu.memory_space<semaphore_mem>>) src(%arg24 : memref<64x128xf32, #tpu.memory_space<vmem>>) dst(%dma_wait3A_314 : memref<10000x128xf32, #tpu.memory_space<vmem_shared>>)
      %dma_start3A_315 = arith.constant 0 : i32
      %dma_start3A_316 = tpu.memref_slice %arg3[%add3A, %add3A_311, %dma_start3A_315] : memref<32x156x64xi32, #tpu.memory_space<hbm>> -> memref<1x1x64xi32, #tpu.memory_space<hbm>>
      %dma_start3A_317 = tpu.memref_squeeze %dma_start3A_316 : memref<1x1x64xi32, #tpu.memory_space<hbm>> -> memref<64xi32, #tpu.memory_space<hbm>>
      %dma_start3A_318 = arith.constant 0 : i32
      %dma_start3A_319 = tpu.memref_slice %arg3[%add3A, %add3A_311, %dma_start3A_318] : memref<32x156x64xi32, #tpu.memory_space<hbm>> -> memref<1x1x64xi32, #tpu.memory_space<hbm>>
      %dma_start3A_320 = tpu.memref_squeeze %dma_start3A_319 : memref<1x1x64xi32, #tpu.memory_space<hbm>> -> memref<64xi32, #tpu.memory_space<hbm>>
      tpu.enqueue_dma source(%dma_start3A_320 : memref<64xi32, #tpu.memory_space<hbm>>) target(%arg12 : memref<64xi32, #tpu.memory_space<vmem>>) target_semaphore(%arg30 : memref<!tpu.dma_semaphore, #tpu.memory_space<semaphore_mem>>)
      %dma_start3A_321 = arith.constant 0 : i32
      %dma_start3A_322 = tpu.memref_slice %arg4[%add3A, %add3A_311, %dma_start3A_321] : memref<32x156x64xi32, #tpu.memory_space<hbm>> -> memref<1x1x64xi32, #tpu.memory_space<hbm>>
      %dma_start3A_323 = tpu.memref_squeeze %dma_start3A_322 : memref<1x1x64xi32, #tpu.memory_space<hbm>> -> memref<64xi32, #tpu.memory_space<hbm>>
      %dma_start3A_324 = arith.constant 0 : i32
      %dma_start3A_325 = tpu.memref_slice %arg4[%add3A, %add3A_311, %dma_start3A_324] : memref<32x156x64xi32, #tpu.memory_space<hbm>> -> memref<1x1x64xi32, #tpu.memory_space<hbm>>
      %dma_start3A_326 = tpu.memref_squeeze %dma_start3A_325 : memref<1x1x64xi32, #tpu.memory_space<hbm>> -> memref<64xi32, #tpu.memory_space<hbm>>
      tpu.enqueue_dma source(%dma_start3A_326 : memref<64xi32, #tpu.memory_space<hbm>>) target(%arg18 : memref<64xi32, #tpu.memory_space<vmem>>) target_semaphore(%arg30 : memref<!tpu.dma_semaphore, #tpu.memory_space<semaphore_mem>>)
      %sub3A_327 = arith.constant 1 : i32
      %sub3A_328 = arith.subi %add3A_311, %sub3A_327 : i32
      %dma_wait3A_329 = arith.constant 0 : i32
      %dma_wait3A_330 = tpu.memref_slice %arg3[%add3A, %sub3A_328, %dma_wait3A_329] : memref<32x156x64xi32, #tpu.memory_space<hbm>> -> memref<1x1x64xi32, #tpu.memory_space<hbm>>
      %dma_wait3A_331 = tpu.memref_squeeze %dma_wait3A_330 : memref<1x1x64xi32, #tpu.memory_space<hbm>> -> memref<64xi32, #tpu.memory_space<hbm>>
      %dma_wait3A_332 = arith.constant 0 : i32
      %dma_wait3A_333 = tpu.memref_slice %arg3[%add3A, %sub3A_328, %dma_wait3A_332] : memref<32x156x64xi32, #tpu.memory_space<hbm>> -> memref<1x1x64xi32, #tpu.memory_space<hbm>>
      %dma_wait3A_334 = tpu.memref_squeeze %dma_wait3A_333 : memref<1x1x64xi32, #tpu.memory_space<hbm>> -> memref<64xi32, #tpu.memory_space<hbm>>
      tpu.wait_dma2 semaphore(%arg29 : memref<!tpu.dma_semaphore, #tpu.memory_space<semaphore_mem>>) src(%dma_wait3A_334 : memref<64xi32, #tpu.memory_space<hbm>>) dst(%arg11 : memref<64xi32, #tpu.memory_space<vmem>>)
      %dma_wait3A_335 = arith.constant 0 : i32
      %dma_wait3A_336 = tpu.memref_slice %arg4[%add3A, %sub3A_328, %dma_wait3A_335] : memref<32x156x64xi32, #tpu.memory_space<hbm>> -> memref<1x1x64xi32, #tpu.memory_space<hbm>>
      %dma_wait3A_337 = tpu.memref_squeeze %dma_wait3A_336 : memref<1x1x64xi32, #tpu.memory_space<hbm>> -> memref<64xi32, #tpu.memory_space<hbm>>
      %dma_wait3A_338 = arith.constant 0 : i32
      %dma_wait3A_339 = tpu.memref_slice %arg4[%add3A, %sub3A_328, %dma_wait3A_338] : memref<32x156x64xi32, #tpu.memory_space<hbm>> -> memref<1x1x64xi32, #tpu.memory_space<hbm>>
      %dma_wait3A_340 = tpu.memref_squeeze %dma_wait3A_339 : memref<1x1x64xi32, #tpu.memory_space<hbm>> -> memref<64xi32, #tpu.memory_space<hbm>>
      tpu.wait_dma2 semaphore(%arg29 : memref<!tpu.dma_semaphore, #tpu.memory_space<semaphore_mem>>) src(%dma_wait3A_340 : memref<64xi32, #tpu.memory_space<hbm>>) dst(%arg17 : memref<64xi32, #tpu.memory_space<vmem>>)
      %dma_start3A_341 = arith.constant 0 : i32
      %dma_start3A_342 = arith.constant 0 : i32
      %dma_start3A_343 = tpu.memref_slice %arg2[%dma_start3A_341, %dma_start3A_342] : memref<10000x128xf32, #tpu.memory_space<hbm>> -> memref<10000x128xf32, #tpu.memory_space<hbm>>
      tpu.enqueue_indirect_dma source(%dma_start3A_343 : memref<10000x128xf32, #tpu.memory_space<hbm>>) target(%arg23 : memref<64x128xf32, #tpu.memory_space<vmem>>) offsets(%arg11 : memref<64xi32, #tpu.memory_space<vmem>>) semaphore(%arg35 : memref<!tpu.dma_semaphore, #tpu.memory_space<semaphore_mem>>)
      %dma_wait3A_344 = arith.constant 0 : i32
      %dma_wait3A_345 = arith.constant 0 : i32
      %dma_wait3A_346 = tpu.memref_slice %arg2[%dma_wait3A_344, %dma_wait3A_345] : memref<10000x128xf32, #tpu.memory_space<hbm>> -> memref<10000x128xf32, #tpu.memory_space<hbm>>
      tpu.wait_indirect_dma semaphore(%arg38 : memref<!tpu.dma_semaphore, #tpu.memory_space<semaphore_mem>>) src(%dma_wait3A_346 : memref<10000x128xf32, #tpu.memory_space<hbm>>) dst(%arg26 : memref<64x128xf32, #tpu.memory_space<vmem>>)
      %dma_start3A_347 = arith.constant 0 : i32
      %dma_start3A_348 = arith.constant 0 : i32
      %dma_start3A_349 = tpu.memref_slice %arg8[%dma_start3A_347, %dma_start3A_348] : memref<10000x128xf32, #tpu.memory_space<vmem_shared>> -> memref<10000x128xf32, #tpu.memory_space<vmem_shared>>
      tpu.enqueue_indirect_dma source(%arg26 : memref<64x128xf32, #tpu.memory_space<vmem>>) target(%dma_start3A_349 : memref<10000x128xf32, #tpu.memory_space<vmem_shared>>) offsets(%arg20 : memref<64xi32, #tpu.memory_space<vmem>>) semaphore(%arg44 : memref<!tpu.dma_semaphore, #tpu.memory_space<semaphore_mem>>) {add = true}
      %add3A_350 = arith.constant 2 : i32
      %add3A_351 = arith.addi %add3A_270, %add3A_350 : i32
      %dma_wait3A_352 = arith.constant 0 : i32
      %dma_wait3A_353 = arith.constant 0 : i32
      %dma_wait3A_354 = tpu.memref_slice %arg8[%dma_wait3A_352, %dma_wait3A_353] : memref<10000x128xf32, #tpu.memory_space<vmem_shared>> -> memref<10000x128xf32, #tpu.memory_space<vmem_shared>>
      tpu.wait_indirect_dma semaphore(%arg43 : memref<!tpu.dma_semaphore, #tpu.memory_space<semaphore_mem>>) src(%arg25 : memref<64x128xf32, #tpu.memory_space<vmem>>) dst(%dma_wait3A_354 : memref<10000x128xf32, #tpu.memory_space<vmem_shared>>)
      %dma_start3A_355 = arith.constant 0 : i32
      %dma_start3A_356 = tpu.memref_slice %arg3[%add3A, %add3A_351, %dma_start3A_355] : memref<32x156x64xi32, #tpu.memory_space<hbm>> -> memref<1x1x64xi32, #tpu.memory_space<hbm>>
      %dma_start3A_357 = tpu.memref_squeeze %dma_start3A_356 : memref<1x1x64xi32, #tpu.memory_space<hbm>> -> memref<64xi32, #tpu.memory_space<hbm>>
      %dma_start3A_358 = arith.constant 0 : i32
      %dma_start3A_359 = tpu.memref_slice %arg3[%add3A, %add3A_351, %dma_start3A_358] : memref<32x156x64xi32, #tpu.memory_space<hbm>> -> memref<1x1x64xi32, #tpu.memory_space<hbm>>
      %dma_start3A_360 = tpu.memref_squeeze %dma_start3A_359 : memref<1x1x64xi32, #tpu.memory_space<hbm>> -> memref<64xi32, #tpu.memory_space<hbm>>
      tpu.enqueue_dma source(%dma_start3A_360 : memref<64xi32, #tpu.memory_space<hbm>>) target(%arg13 : memref<64xi32, #tpu.memory_space<vmem>>) target_semaphore(%arg31 : memref<!tpu.dma_semaphore, #tpu.memory_space<semaphore_mem>>)
      %dma_start3A_361 = arith.constant 0 : i32
      %dma_start3A_362 = tpu.memref_slice %arg4[%add3A, %add3A_351, %dma_start3A_361] : memref<32x156x64xi32, #tpu.memory_space<hbm>> -> memref<1x1x64xi32, #tpu.memory_space<hbm>>
      %dma_start3A_363 = tpu.memref_squeeze %dma_start3A_362 : memref<1x1x64xi32, #tpu.memory_space<hbm>> -> memref<64xi32, #tpu.memory_space<hbm>>
      %dma_start3A_364 = arith.constant 0 : i32
      %dma_start3A_365 = tpu.memref_slice %arg4[%add3A, %add3A_351, %dma_start3A_364] : memref<32x156x64xi32, #tpu.memory_space<hbm>> -> memref<1x1x64xi32, #tpu.memory_space<hbm>>
      %dma_start3A_366 = tpu.memref_squeeze %dma_start3A_365 : memref<1x1x64xi32, #tpu.memory_space<hbm>> -> memref<64xi32, #tpu.memory_space<hbm>>
      tpu.enqueue_dma source(%dma_start3A_366 : memref<64xi32, #tpu.memory_space<hbm>>) target(%arg19 : memref<64xi32, #tpu.memory_space<vmem>>) target_semaphore(%arg31 : memref<!tpu.dma_semaphore, #tpu.memory_space<semaphore_mem>>)
      %sub3A_367 = arith.constant 1 : i32
      %sub3A_368 = arith.subi %add3A_351, %sub3A_367 : i32
      %dma_wait3A_369 = arith.constant 0 : i32
      %dma_wait3A_370 = tpu.memref_slice %arg3[%add3A, %sub3A_368, %dma_wait3A_369] : memref<32x156x64xi32, #tpu.memory_space<hbm>> -> memref<1x1x64xi32, #tpu.memory_space<hbm>>
      %dma_wait3A_371 = tpu.memref_squeeze %dma_wait3A_370 : memref<1x1x64xi32, #tpu.memory_space<hbm>> -> memref<64xi32, #tpu.memory_space<hbm>>
      %dma_wait3A_372 = arith.constant 0 : i32
      %dma_wait3A_373 = tpu.memref_slice %arg3[%add3A, %sub3A_368, %dma_wait3A_372] : memref<32x156x64xi32, #tpu.memory_space<hbm>> -> memref<1x1x64xi32, #tpu.memory_space<hbm>>
      %dma_wait3A_374 = tpu.memref_squeeze %dma_wait3A_373 : memref<1x1x64xi32, #tpu.memory_space<hbm>> -> memref<64xi32, #tpu.memory_space<hbm>>
      tpu.wait_dma2 semaphore(%arg30 : memref<!tpu.dma_semaphore, #tpu.memory_space<semaphore_mem>>) src(%dma_wait3A_374 : memref<64xi32, #tpu.memory_space<hbm>>) dst(%arg12 : memref<64xi32, #tpu.memory_space<vmem>>)
      %dma_wait3A_375 = arith.constant 0 : i32
      %dma_wait3A_376 = tpu.memref_slice %arg4[%add3A, %sub3A_368, %dma_wait3A_375] : memref<32x156x64xi32, #tpu.memory_space<hbm>> -> memref<1x1x64xi32, #tpu.memory_space<hbm>>
      %dma_wait3A_377 = tpu.memref_squeeze %dma_wait3A_376 : memref<1x1x64xi32, #tpu.memory_space<hbm>> -> memref<64xi32, #tpu.memory_space<hbm>>
      %dma_wait3A_378 = arith.constant 0 : i32
      %dma_wait3A_379 = tpu.memref_slice %arg4[%add3A, %sub3A_368, %dma_wait3A_378] : memref<32x156x64xi32, #tpu.memory_space<hbm>> -> memref<1x1x64xi32, #tpu.memory_space<hbm>>
      %dma_wait3A_380 = tpu.memref_squeeze %dma_wait3A_379 : memref<1x1x64xi32, #tpu.memory_space<hbm>> -> memref<64xi32, #tpu.memory_space<hbm>>
      tpu.wait_dma2 semaphore(%arg30 : memref<!tpu.dma_semaphore, #tpu.memory_space<semaphore_mem>>) src(%dma_wait3A_380 : memref<64xi32, #tpu.memory_space<hbm>>) dst(%arg18 : memref<64xi32, #tpu.memory_space<vmem>>)
      %dma_start3A_381 = arith.constant 0 : i32
      %dma_start3A_382 = arith.constant 0 : i32
      %dma_start3A_383 = tpu.memref_slice %arg2[%dma_start3A_381, %dma_start3A_382] : memref<10000x128xf32, #tpu.memory_space<hbm>> -> memref<10000x128xf32, #tpu.memory_space<hbm>>
      tpu.enqueue_indirect_dma source(%dma_start3A_383 : memref<10000x128xf32, #tpu.memory_space<hbm>>) target(%arg24 : memref<64x128xf32, #tpu.memory_space<vmem>>) offsets(%arg12 : memref<64xi32, #tpu.memory_space<vmem>>) semaphore(%arg36 : memref<!tpu.dma_semaphore, #tpu.memory_space<semaphore_mem>>)
      %dma_wait3A_384 = arith.constant 0 : i32
      %dma_wait3A_385 = arith.constant 0 : i32
      %dma_wait3A_386 = tpu.memref_slice %arg2[%dma_wait3A_384, %dma_wait3A_385] : memref<10000x128xf32, #tpu.memory_space<hbm>> -> memref<10000x128xf32, #tpu.memory_space<hbm>>
      tpu.wait_indirect_dma semaphore(%arg39 : memref<!tpu.dma_semaphore, #tpu.memory_space<semaphore_mem>>) src(%dma_wait3A_386 : memref<10000x128xf32, #tpu.memory_space<hbm>>) dst(%arg27 : memref<64x128xf32, #tpu.memory_space<vmem>>)
      %dma_start3A_387 = arith.constant 0 : i32
      %dma_start3A_388 = arith.constant 0 : i32
      %dma_start3A_389 = tpu.memref_slice %arg8[%dma_start3A_387, %dma_start3A_388] : memref<10000x128xf32, #tpu.memory_space<vmem_shared>> -> memref<10000x128xf32, #tpu.memory_space<vmem_shared>>
      tpu.enqueue_indirect_dma source(%arg27 : memref<64x128xf32, #tpu.memory_space<vmem>>) target(%dma_start3A_389 : memref<10000x128xf32, #tpu.memory_space<vmem_shared>>) offsets(%arg21 : memref<64xi32, #tpu.memory_space<vmem>>) semaphore(%arg45 : memref<!tpu.dma_semaphore, #tpu.memory_space<semaphore_mem>>) {add = true}
      %add3A_390 = arith.constant 3 : i32
      %add3A_391 = arith.addi %add3A_270, %add3A_390 : i32
      %dma_wait3A_392 = arith.constant 0 : i32
      %dma_wait3A_393 = arith.constant 0 : i32
      %dma_wait3A_394 = tpu.memref_slice %arg8[%dma_wait3A_392, %dma_wait3A_393] : memref<10000x128xf32, #tpu.memory_space<vmem_shared>> -> memref<10000x128xf32, #tpu.memory_space<vmem_shared>>
      tpu.wait_indirect_dma semaphore(%arg44 : memref<!tpu.dma_semaphore, #tpu.memory_space<semaphore_mem>>) src(%arg26 : memref<64x128xf32, #tpu.memory_space<vmem>>) dst(%dma_wait3A_394 : memref<10000x128xf32, #tpu.memory_space<vmem_shared>>)
      %dma_start3A_395 = arith.constant 0 : i32
      %dma_start3A_396 = tpu.memref_slice %arg3[%add3A, %add3A_391, %dma_start3A_395] : memref<32x156x64xi32, #tpu.memory_space<hbm>> -> memref<1x1x64xi32, #tpu.memory_space<hbm>>
      %dma_start3A_397 = tpu.memref_squeeze %dma_start3A_396 : memref<1x1x64xi32, #tpu.memory_space<hbm>> -> memref<64xi32, #tpu.memory_space<hbm>>
      %dma_start3A_398 = arith.constant 0 : i32
      %dma_start3A_399 = tpu.memref_slice %arg3[%add3A, %add3A_391, %dma_start3A_398] : memref<32x156x64xi32, #tpu.memory_space<hbm>> -> memref<1x1x64xi32, #tpu.memory_space<hbm>>
      %dma_start3A_400 = tpu.memref_squeeze %dma_start3A_399 : memref<1x1x64xi32, #tpu.memory_space<hbm>> -> memref<64xi32, #tpu.memory_space<hbm>>
      tpu.enqueue_dma source(%dma_start3A_400 : memref<64xi32, #tpu.memory_space<hbm>>) target(%arg14 : memref<64xi32, #tpu.memory_space<vmem>>) target_semaphore(%arg32 : memref<!tpu.dma_semaphore, #tpu.memory_space<semaphore_mem>>)
      %dma_start3A_401 = arith.constant 0 : i32
      %dma_start3A_402 = tpu.memref_slice %arg4[%add3A, %add3A_391, %dma_start3A_401] : memref<32x156x64xi32, #tpu.memory_space<hbm>> -> memref<1x1x64xi32, #tpu.memory_space<hbm>>
      %dma_start3A_403 = tpu.memref_squeeze %dma_start3A_402 : memref<1x1x64xi32, #tpu.memory_space<hbm>> -> memref<64xi32, #tpu.memory_space<hbm>>
      %dma_start3A_404 = arith.constant 0 : i32
      %dma_start3A_405 = tpu.memref_slice %arg4[%add3A, %add3A_391, %dma_start3A_404] : memref<32x156x64xi32, #tpu.memory_space<hbm>> -> memref<1x1x64xi32, #tpu.memory_space<hbm>>
      %dma_start3A_406 = tpu.memref_squeeze %dma_start3A_405 : memref<1x1x64xi32, #tpu.memory_space<hbm>> -> memref<64xi32, #tpu.memory_space<hbm>>
      tpu.enqueue_dma source(%dma_start3A_406 : memref<64xi32, #tpu.memory_space<hbm>>) target(%arg20 : memref<64xi32, #tpu.memory_space<vmem>>) target_semaphore(%arg32 : memref<!tpu.dma_semaphore, #tpu.memory_space<semaphore_mem>>)
      %sub3A_407 = arith.constant 1 : i32
      %sub3A_408 = arith.subi %add3A_391, %sub3A_407 : i32
      %dma_wait3A_409 = arith.constant 0 : i32
      %dma_wait3A_410 = tpu.memref_slice %arg3[%add3A, %sub3A_408, %dma_wait3A_409] : memref<32x156x64xi32, #tpu.memory_space<hbm>> -> memref<1x1x64xi32, #tpu.memory_space<hbm>>
      %dma_wait3A_411 = tpu.memref_squeeze %dma_wait3A_410 : memref<1x1x64xi32, #tpu.memory_space<hbm>> -> memref<64xi32, #tpu.memory_space<hbm>>
      %dma_wait3A_412 = arith.constant 0 : i32
      %dma_wait3A_413 = tpu.memref_slice %arg3[%add3A, %sub3A_408, %dma_wait3A_412] : memref<32x156x64xi32, #tpu.memory_space<hbm>> -> memref<1x1x64xi32, #tpu.memory_space<hbm>>
      %dma_wait3A_414 = tpu.memref_squeeze %dma_wait3A_413 : memref<1x1x64xi32, #tpu.memory_space<hbm>> -> memref<64xi32, #tpu.memory_space<hbm>>
      tpu.wait_dma2 semaphore(%arg31 : memref<!tpu.dma_semaphore, #tpu.memory_space<semaphore_mem>>) src(%dma_wait3A_414 : memref<64xi32, #tpu.memory_space<hbm>>) dst(%arg13 : memref<64xi32, #tpu.memory_space<vmem>>)
      %dma_wait3A_415 = arith.constant 0 : i32
      %dma_wait3A_416 = tpu.memref_slice %arg4[%add3A, %sub3A_408, %dma_wait3A_415] : memref<32x156x64xi32, #tpu.memory_space<hbm>> -> memref<1x1x64xi32, #tpu.memory_space<hbm>>
      %dma_wait3A_417 = tpu.memref_squeeze %dma_wait3A_416 : memref<1x1x64xi32, #tpu.memory_space<hbm>> -> memref<64xi32, #tpu.memory_space<hbm>>
      %dma_wait3A_418 = arith.constant 0 : i32
      %dma_wait3A_419 = tpu.memref_slice %arg4[%add3A, %sub3A_408, %dma_wait3A_418] : memref<32x156x64xi32, #tpu.memory_space<hbm>> -> memref<1x1x64xi32, #tpu.memory_space<hbm>>
      %dma_wait3A_420 = tpu.memref_squeeze %dma_wait3A_419 : memref<1x1x64xi32, #tpu.memory_space<hbm>> -> memref<64xi32, #tpu.memory_space<hbm>>
      tpu.wait_dma2 semaphore(%arg31 : memref<!tpu.dma_semaphore, #tpu.memory_space<semaphore_mem>>) src(%dma_wait3A_420 : memref<64xi32, #tpu.memory_space<hbm>>) dst(%arg19 : memref<64xi32, #tpu.memory_space<vmem>>)
      %dma_start3A_421 = arith.constant 0 : i32
      %dma_start3A_422 = arith.constant 0 : i32
      %dma_start3A_423 = tpu.memref_slice %arg2[%dma_start3A_421, %dma_start3A_422] : memref<10000x128xf32, #tpu.memory_space<hbm>> -> memref<10000x128xf32, #tpu.memory_space<hbm>>
      tpu.enqueue_indirect_dma source(%dma_start3A_423 : memref<10000x128xf32, #tpu.memory_space<hbm>>) target(%arg25 : memref<64x128xf32, #tpu.memory_space<vmem>>) offsets(%arg13 : memref<64xi32, #tpu.memory_space<vmem>>) semaphore(%arg37 : memref<!tpu.dma_semaphore, #tpu.memory_space<semaphore_mem>>)
      %dma_wait3A_424 = arith.constant 0 : i32
      %dma_wait3A_425 = arith.constant 0 : i32
      %dma_wait3A_426 = tpu.memref_slice %arg2[%dma_wait3A_424, %dma_wait3A_425] : memref<10000x128xf32, #tpu.memory_space<hbm>> -> memref<10000x128xf32, #tpu.memory_space<hbm>>
      tpu.wait_indirect_dma semaphore(%arg40 : memref<!tpu.dma_semaphore, #tpu.memory_space<semaphore_mem>>) src(%dma_wait3A_426 : memref<10000x128xf32, #tpu.memory_space<hbm>>) dst(%arg28 : memref<64x128xf32, #tpu.memory_space<vmem>>)
      %dma_start3A_427 = arith.constant 0 : i32
      %dma_start3A_428 = arith.constant 0 : i32
      %dma_start3A_429 = tpu.memref_slice %arg8[%dma_start3A_427, %dma_start3A_428] : memref<10000x128xf32, #tpu.memory_space<vmem_shared>> -> memref<10000x128xf32, #tpu.memory_space<vmem_shared>>
      tpu.enqueue_indirect_dma source(%arg28 : memref<64x128xf32, #tpu.memory_space<vmem>>) target(%dma_start3A_429 : memref<10000x128xf32, #tpu.memory_space<vmem_shared>>) offsets(%arg22 : memref<64xi32, #tpu.memory_space<vmem>>) semaphore(%arg46 : memref<!tpu.dma_semaphore, #tpu.memory_space<semaphore_mem>>) {add = true}
      %add3A_430 = arith.constant 4 : i32
      %add3A_431 = arith.addi %add3A_270, %add3A_430 : i32
      %dma_wait3A_432 = arith.constant 0 : i32
      %dma_wait3A_433 = arith.constant 0 : i32
      %dma_wait3A_434 = tpu.memref_slice %arg8[%dma_wait3A_432, %dma_wait3A_433] : memref<10000x128xf32, #tpu.memory_space<vmem_shared>> -> memref<10000x128xf32, #tpu.memory_space<vmem_shared>>
      tpu.wait_indirect_dma semaphore(%arg45 : memref<!tpu.dma_semaphore, #tpu.memory_space<semaphore_mem>>) src(%arg27 : memref<64x128xf32, #tpu.memory_space<vmem>>) dst(%dma_wait3A_434 : memref<10000x128xf32, #tpu.memory_space<vmem_shared>>)
      %dma_start3A_435 = arith.constant 0 : i32
      %dma_start3A_436 = tpu.memref_slice %arg3[%add3A, %add3A_431, %dma_start3A_435] : memref<32x156x64xi32, #tpu.memory_space<hbm>> -> memref<1x1x64xi32, #tpu.memory_space<hbm>>
      %dma_start3A_437 = tpu.memref_squeeze %dma_start3A_436 : memref<1x1x64xi32, #tpu.memory_space<hbm>> -> memref<64xi32, #tpu.memory_space<hbm>>
      %dma_start3A_438 = arith.constant 0 : i32
      %dma_start3A_439 = tpu.memref_slice %arg3[%add3A, %add3A_431, %dma_start3A_438] : memref<32x156x64xi32, #tpu.memory_space<hbm>> -> memref<1x1x64xi32, #tpu.memory_space<hbm>>
      %dma_start3A_440 = tpu.memref_squeeze %dma_start3A_439 : memref<1x1x64xi32, #tpu.memory_space<hbm>> -> memref<64xi32, #tpu.memory_space<hbm>>
      tpu.enqueue_dma source(%dma_start3A_440 : memref<64xi32, #tpu.memory_space<hbm>>) target(%arg15 : memref<64xi32, #tpu.memory_space<vmem>>) target_semaphore(%arg33 : memref<!tpu.dma_semaphore, #tpu.memory_space<semaphore_mem>>)
      %dma_start3A_441 = arith.constant 0 : i32
      %dma_start3A_442 = tpu.memref_slice %arg4[%add3A, %add3A_431, %dma_start3A_441] : memref<32x156x64xi32, #tpu.memory_space<hbm>> -> memref<1x1x64xi32, #tpu.memory_space<hbm>>
      %dma_start3A_443 = tpu.memref_squeeze %dma_start3A_442 : memref<1x1x64xi32, #tpu.memory_space<hbm>> -> memref<64xi32, #tpu.memory_space<hbm>>
      %dma_start3A_444 = arith.constant 0 : i32
      %dma_start3A_445 = tpu.memref_slice %arg4[%add3A, %add3A_431, %dma_start3A_444] : memref<32x156x64xi32, #tpu.memory_space<hbm>> -> memref<1x1x64xi32, #tpu.memory_space<hbm>>
      %dma_start3A_446 = tpu.memref_squeeze %dma_start3A_445 : memref<1x1x64xi32, #tpu.memory_space<hbm>> -> memref<64xi32, #tpu.memory_space<hbm>>
      tpu.enqueue_dma source(%dma_start3A_446 : memref<64xi32, #tpu.memory_space<hbm>>) target(%arg21 : memref<64xi32, #tpu.memory_space<vmem>>) target_semaphore(%arg33 : memref<!tpu.dma_semaphore, #tpu.memory_space<semaphore_mem>>)
      %sub3A_447 = arith.constant 1 : i32
      %sub3A_448 = arith.subi %add3A_431, %sub3A_447 : i32
      %dma_wait3A_449 = arith.constant 0 : i32
      %dma_wait3A_450 = tpu.memref_slice %arg3[%add3A, %sub3A_448, %dma_wait3A_449] : memref<32x156x64xi32, #tpu.memory_space<hbm>> -> memref<1x1x64xi32, #tpu.memory_space<hbm>>
      %dma_wait3A_451 = tpu.memref_squeeze %dma_wait3A_450 : memref<1x1x64xi32, #tpu.memory_space<hbm>> -> memref<64xi32, #tpu.memory_space<hbm>>
      %dma_wait3A_452 = arith.constant 0 : i32
      %dma_wait3A_453 = tpu.memref_slice %arg3[%add3A, %sub3A_448, %dma_wait3A_452] : memref<32x156x64xi32, #tpu.memory_space<hbm>> -> memref<1x1x64xi32, #tpu.memory_space<hbm>>
      %dma_wait3A_454 = tpu.memref_squeeze %dma_wait3A_453 : memref<1x1x64xi32, #tpu.memory_space<hbm>> -> memref<64xi32, #tpu.memory_space<hbm>>
      tpu.wait_dma2 semaphore(%arg32 : memref<!tpu.dma_semaphore, #tpu.memory_space<semaphore_mem>>) src(%dma_wait3A_454 : memref<64xi32, #tpu.memory_space<hbm>>) dst(%arg14 : memref<64xi32, #tpu.memory_space<vmem>>)
      %dma_wait3A_455 = arith.constant 0 : i32
      %dma_wait3A_456 = tpu.memref_slice %arg4[%add3A, %sub3A_448, %dma_wait3A_455] : memref<32x156x64xi32, #tpu.memory_space<hbm>> -> memref<1x1x64xi32, #tpu.memory_space<hbm>>
      %dma_wait3A_457 = tpu.memref_squeeze %dma_wait3A_456 : memref<1x1x64xi32, #tpu.memory_space<hbm>> -> memref<64xi32, #tpu.memory_space<hbm>>
      %dma_wait3A_458 = arith.constant 0 : i32
      %dma_wait3A_459 = tpu.memref_slice %arg4[%add3A, %sub3A_448, %dma_wait3A_458] : memref<32x156x64xi32, #tpu.memory_space<hbm>> -> memref<1x1x64xi32, #tpu.memory_space<hbm>>
      %dma_wait3A_460 = tpu.memref_squeeze %dma_wait3A_459 : memref<1x1x64xi32, #tpu.memory_space<hbm>> -> memref<64xi32, #tpu.memory_space<hbm>>
      tpu.wait_dma2 semaphore(%arg32 : memref<!tpu.dma_semaphore, #tpu.memory_space<semaphore_mem>>) src(%dma_wait3A_460 : memref<64xi32, #tpu.memory_space<hbm>>) dst(%arg20 : memref<64xi32, #tpu.memory_space<vmem>>)
      %dma_start3A_461 = arith.constant 0 : i32
      %dma_start3A_462 = arith.constant 0 : i32
      %dma_start3A_463 = tpu.memref_slice %arg2[%dma_start3A_461, %dma_start3A_462] : memref<10000x128xf32, #tpu.memory_space<hbm>> -> memref<10000x128xf32, #tpu.memory_space<hbm>>
      tpu.enqueue_indirect_dma source(%dma_start3A_463 : memref<10000x128xf32, #tpu.memory_space<hbm>>) target(%arg26 : memref<64x128xf32, #tpu.memory_space<vmem>>) offsets(%arg14 : memref<64xi32, #tpu.memory_space<vmem>>) semaphore(%arg38 : memref<!tpu.dma_semaphore, #tpu.memory_space<semaphore_mem>>)
      %dma_wait3A_464 = arith.constant 0 : i32
      %dma_wait3A_465 = arith.constant 0 : i32
      %dma_wait3A_466 = tpu.memref_slice %arg2[%dma_wait3A_464, %dma_wait3A_465] : memref<10000x128xf32, #tpu.memory_space<hbm>> -> memref<10000x128xf32, #tpu.memory_space<hbm>>
      tpu.wait_indirect_dma semaphore(%arg35 : memref<!tpu.dma_semaphore, #tpu.memory_space<semaphore_mem>>) src(%dma_wait3A_466 : memref<10000x128xf32, #tpu.memory_space<hbm>>) dst(%arg23 : memref<64x128xf32, #tpu.memory_space<vmem>>)
      %dma_start3A_467 = arith.constant 0 : i32
      %dma_start3A_468 = arith.constant 0 : i32
      %dma_start3A_469 = tpu.memref_slice %arg8[%dma_start3A_467, %dma_start3A_468] : memref<10000x128xf32, #tpu.memory_space<vmem_shared>> -> memref<10000x128xf32, #tpu.memory_space<vmem_shared>>
      tpu.enqueue_indirect_dma source(%arg23 : memref<64x128xf32, #tpu.memory_space<vmem>>) target(%dma_start3A_469 : memref<10000x128xf32, #tpu.memory_space<vmem_shared>>) offsets(%arg17 : memref<64xi32, #tpu.memory_space<vmem>>) semaphore(%arg41 : memref<!tpu.dma_semaphore, #tpu.memory_space<semaphore_mem>>) {add = true}
      %add3A_470 = arith.constant 5 : i32
      %add3A_471 = arith.addi %add3A_270, %add3A_470 : i32
      %dma_wait3A_472 = arith.constant 0 : i32
      %dma_wait3A_473 = arith.constant 0 : i32
      %dma_wait3A_474 = tpu.memref_slice %arg8[%dma_wait3A_472, %dma_wait3A_473] : memref<10000x128xf32, #tpu.memory_space<vmem_shared>> -> memref<10000x128xf32, #tpu.memory_space<vmem_shared>>
      tpu.wait_indirect_dma semaphore(%arg46 : memref<!tpu.dma_semaphore, #tpu.memory_space<semaphore_mem>>) src(%arg28 : memref<64x128xf32, #tpu.memory_space<vmem>>) dst(%dma_wait3A_474 : memref<10000x128xf32, #tpu.memory_space<vmem_shared>>)
      %dma_start3A_475 = arith.constant 0 : i32
      %dma_start3A_476 = tpu.memref_slice %arg3[%add3A, %add3A_471, %dma_start3A_475] : memref<32x156x64xi32, #tpu.memory_space<hbm>> -> memref<1x1x64xi32, #tpu.memory_space<hbm>>
      %dma_start3A_477 = tpu.memref_squeeze %dma_start3A_476 : memref<1x1x64xi32, #tpu.memory_space<hbm>> -> memref<64xi32, #tpu.memory_space<hbm>>
      %dma_start3A_478 = arith.constant 0 : i32
      %dma_start3A_479 = tpu.memref_slice %arg3[%add3A, %add3A_471, %dma_start3A_478] : memref<32x156x64xi32, #tpu.memory_space<hbm>> -> memref<1x1x64xi32, #tpu.memory_space<hbm>>
      %dma_start3A_480 = tpu.memref_squeeze %dma_start3A_479 : memref<1x1x64xi32, #tpu.memory_space<hbm>> -> memref<64xi32, #tpu.memory_space<hbm>>
      tpu.enqueue_dma source(%dma_start3A_480 : memref<64xi32, #tpu.memory_space<hbm>>) target(%arg16 : memref<64xi32, #tpu.memory_space<vmem>>) target_semaphore(%arg34 : memref<!tpu.dma_semaphore, #tpu.memory_space<semaphore_mem>>)
      %dma_start3A_481 = arith.constant 0 : i32
      %dma_start3A_482 = tpu.memref_slice %arg4[%add3A, %add3A_471, %dma_start3A_481] : memref<32x156x64xi32, #tpu.memory_space<hbm>> -> memref<1x1x64xi32, #tpu.memory_space<hbm>>
      %dma_start3A_483 = tpu.memref_squeeze %dma_start3A_482 : memref<1x1x64xi32, #tpu.memory_space<hbm>> -> memref<64xi32, #tpu.memory_space<hbm>>
      %dma_start3A_484 = arith.constant 0 : i32
      %dma_start3A_485 = tpu.memref_slice %arg4[%add3A, %add3A_471, %dma_start3A_484] : memref<32x156x64xi32, #tpu.memory_space<hbm>> -> memref<1x1x64xi32, #tpu.memory_space<hbm>>
      %dma_start3A_486 = tpu.memref_squeeze %dma_start3A_485 : memref<1x1x64xi32, #tpu.memory_space<hbm>> -> memref<64xi32, #tpu.memory_space<hbm>>
      tpu.enqueue_dma source(%dma_start3A_486 : memref<64xi32, #tpu.memory_space<hbm>>) target(%arg22 : memref<64xi32, #tpu.memory_space<vmem>>) target_semaphore(%arg34 : memref<!tpu.dma_semaphore, #tpu.memory_space<semaphore_mem>>)
      %sub3A_487 = arith.constant 1 : i32
      %sub3A_488 = arith.subi %add3A_471, %sub3A_487 : i32
      %dma_wait3A_489 = arith.constant 0 : i32
      %dma_wait3A_490 = tpu.memref_slice %arg3[%add3A, %sub3A_488, %dma_wait3A_489] : memref<32x156x64xi32, #tpu.memory_space<hbm>> -> memref<1x1x64xi32, #tpu.memory_space<hbm>>
      %dma_wait3A_491 = tpu.memref_squeeze %dma_wait3A_490 : memref<1x1x64xi32, #tpu.memory_space<hbm>> -> memref<64xi32, #tpu.memory_space<hbm>>
      %dma_wait3A_492 = arith.constant 0 : i32
      %dma_wait3A_493 = tpu.memref_slice %arg3[%add3A, %sub3A_488, %dma_wait3A_492] : memref<32x156x64xi32, #tpu.memory_space<hbm>> -> memref<1x1x64xi32, #tpu.memory_space<hbm>>
      %dma_wait3A_494 = tpu.memref_squeeze %dma_wait3A_493 : memref<1x1x64xi32, #tpu.memory_space<hbm>> -> memref<64xi32, #tpu.memory_space<hbm>>
      tpu.wait_dma2 semaphore(%arg33 : memref<!tpu.dma_semaphore, #tpu.memory_space<semaphore_mem>>) src(%dma_wait3A_494 : memref<64xi32, #tpu.memory_space<hbm>>) dst(%arg15 : memref<64xi32, #tpu.memory_space<vmem>>)
      %dma_wait3A_495 = arith.constant 0 : i32
      %dma_wait3A_496 = tpu.memref_slice %arg4[%add3A, %sub3A_488, %dma_wait3A_495] : memref<32x156x64xi32, #tpu.memory_space<hbm>> -> memref<1x1x64xi32, #tpu.memory_space<hbm>>
      %dma_wait3A_497 = tpu.memref_squeeze %dma_wait3A_496 : memref<1x1x64xi32, #tpu.memory_space<hbm>> -> memref<64xi32, #tpu.memory_space<hbm>>
      %dma_wait3A_498 = arith.constant 0 : i32
      %dma_wait3A_499 = tpu.memref_slice %arg4[%add3A, %sub3A_488, %dma_wait3A_498] : memref<32x156x64xi32, #tpu.memory_space<hbm>> -> memref<1x1x64xi32, #tpu.memory_space<hbm>>
      %dma_wait3A_500 = tpu.memref_squeeze %dma_wait3A_499 : memref<1x1x64xi32, #tpu.memory_space<hbm>> -> memref<64xi32, #tpu.memory_space<hbm>>
      tpu.wait_dma2 semaphore(%arg33 : memref<!tpu.dma_semaphore, #tpu.memory_space<semaphore_mem>>) src(%dma_wait3A_500 : memref<64xi32, #tpu.memory_space<hbm>>) dst(%arg21 : memref<64xi32, #tpu.memory_space<vmem>>)
      %dma_start3A_501 = arith.constant 0 : i32
      %dma_start3A_502 = arith.constant 0 : i32
      %dma_start3A_503 = tpu.memref_slice %arg2[%dma_start3A_501, %dma_start3A_502] : memref<10000x128xf32, #tpu.memory_space<hbm>> -> memref<10000x128xf32, #tpu.memory_space<hbm>>
      tpu.enqueue_indirect_dma source(%dma_start3A_503 : memref<10000x128xf32, #tpu.memory_space<hbm>>) target(%arg27 : memref<64x128xf32, #tpu.memory_space<vmem>>) offsets(%arg15 : memref<64xi32, #tpu.memory_space<vmem>>) semaphore(%arg39 : memref<!tpu.dma_semaphore, #tpu.memory_space<semaphore_mem>>)
      %dma_wait3A_504 = arith.constant 0 : i32
      %dma_wait3A_505 = arith.constant 0 : i32
      %dma_wait3A_506 = tpu.memref_slice %arg2[%dma_wait3A_504, %dma_wait3A_505] : memref<10000x128xf32, #tpu.memory_space<hbm>> -> memref<10000x128xf32, #tpu.memory_space<hbm>>
      tpu.wait_indirect_dma semaphore(%arg36 : memref<!tpu.dma_semaphore, #tpu.memory_space<semaphore_mem>>) src(%dma_wait3A_506 : memref<10000x128xf32, #tpu.memory_space<hbm>>) dst(%arg24 : memref<64x128xf32, #tpu.memory_space<vmem>>)
      %dma_start3A_507 = arith.constant 0 : i32
      %dma_start3A_508 = arith.constant 0 : i32
      %dma_start3A_509 = tpu.memref_slice %arg8[%dma_start3A_507, %dma_start3A_508] : memref<10000x128xf32, #tpu.memory_space<vmem_shared>> -> memref<10000x128xf32, #tpu.memory_space<vmem_shared>>
      tpu.enqueue_indirect_dma source(%arg24 : memref<64x128xf32, #tpu.memory_space<vmem>>) target(%dma_start3A_509 : memref<10000x128xf32, #tpu.memory_space<vmem_shared>>) offsets(%arg18 : memref<64xi32, #tpu.memory_space<vmem>>) semaphore(%arg42 : memref<!tpu.dma_semaphore, #tpu.memory_space<semaphore_mem>>) {add = true}
    }
    %scan3A_188 = arith.constant 25 : i32
    %dma_wait3A_189 = arith.constant 155 : i32
    %dma_wait3A_190 = arith.constant 0 : i32
    %dma_wait3A_191 = tpu.memref_slice %arg3[%add3A, %dma_wait3A_189, %dma_wait3A_190] : memref<32x156x64xi32, #tpu.memory_space<hbm>> -> memref<1x1x64xi32, #tpu.memory_space<hbm>>
    %dma_wait3A_192 = tpu.memref_squeeze %dma_wait3A_191 : memref<1x1x64xi32, #tpu.memory_space<hbm>> -> memref<64xi32, #tpu.memory_space<hbm>>
    %dma_wait3A_193 = arith.constant 0 : i32
    %dma_wait3A_194 = tpu.memref_slice %arg3[%add3A, %dma_wait3A_189, %dma_wait3A_193] : memref<32x156x64xi32, #tpu.memory_space<hbm>> -> memref<1x1x64xi32, #tpu.memory_space<hbm>>
    %dma_wait3A_195 = tpu.memref_squeeze %dma_wait3A_194 : memref<1x1x64xi32, #tpu.memory_space<hbm>> -> memref<64xi32, #tpu.memory_space<hbm>>
    tpu.wait_dma2 semaphore(%arg34 : memref<!tpu.dma_semaphore, #tpu.memory_space<semaphore_mem>>) src(%dma_wait3A_195 : memref<64xi32, #tpu.memory_space<hbm>>) dst(%arg16 : memref<64xi32, #tpu.memory_space<vmem>>)
    %dma_wait3A_196 = arith.constant 155 : i32
    %dma_wait3A_197 = arith.constant 0 : i32
    %dma_wait3A_198 = tpu.memref_slice %arg4[%add3A, %dma_wait3A_196, %dma_wait3A_197] : memref<32x156x64xi32, #tpu.memory_space<hbm>> -> memref<1x1x64xi32, #tpu.memory_space<hbm>>
    %dma_wait3A_199 = tpu.memref_squeeze %dma_wait3A_198 : memref<1x1x64xi32, #tpu.memory_space<hbm>> -> memref<64xi32, #tpu.memory_space<hbm>>
    %dma_wait3A_200 = arith.constant 0 : i32
    %dma_wait3A_201 = tpu.memref_slice %arg4[%add3A, %dma_wait3A_196, %dma_wait3A_200] : memref<32x156x64xi32, #tpu.memory_space<hbm>> -> memref<1x1x64xi32, #tpu.memory_space<hbm>>
    %dma_wait3A_202 = tpu.memref_squeeze %dma_wait3A_201 : memref<1x1x64xi32, #tpu.memory_space<hbm>> -> memref<64xi32, #tpu.memory_space<hbm>>
    tpu.wait_dma2 semaphore(%arg34 : memref<!tpu.dma_semaphore, #tpu.memory_space<semaphore_mem>>) src(%dma_wait3A_202 : memref<64xi32, #tpu.memory_space<hbm>>) dst(%arg22 : memref<64xi32, #tpu.memory_space<vmem>>)
    %dma_start3A_203 = arith.constant 0 : i32
    %dma_start3A_204 = arith.constant 0 : i32
    %dma_start3A_205 = tpu.memref_slice %arg2[%dma_start3A_203, %dma_start3A_204] : memref<10000x128xf32, #tpu.memory_space<hbm>> -> memref<10000x128xf32, #tpu.memory_space<hbm>>
    tpu.enqueue_indirect_dma source(%dma_start3A_205 : memref<10000x128xf32, #tpu.memory_space<hbm>>) target(%arg28 : memref<64x128xf32, #tpu.memory_space<vmem>>) offsets(%arg16 : memref<64xi32, #tpu.memory_space<vmem>>) semaphore(%arg40 : memref<!tpu.dma_semaphore, #tpu.memory_space<semaphore_mem>>)
    %dma_wait3A_206 = arith.constant 0 : i32
    %dma_wait3A_207 = arith.constant 0 : i32
    %dma_wait3A_208 = tpu.memref_slice %arg2[%dma_wait3A_206, %dma_wait3A_207] : memref<10000x128xf32, #tpu.memory_space<hbm>> -> memref<10000x128xf32, #tpu.memory_space<hbm>>
    tpu.wait_indirect_dma semaphore(%arg37 : memref<!tpu.dma_semaphore, #tpu.memory_space<semaphore_mem>>) src(%dma_wait3A_208 : memref<10000x128xf32, #tpu.memory_space<hbm>>) dst(%arg25 : memref<64x128xf32, #tpu.memory_space<vmem>>)
    %dma_start3A_209 = arith.constant 0 : i32
    %dma_start3A_210 = arith.constant 0 : i32
    %dma_start3A_211 = tpu.memref_slice %arg8[%dma_start3A_209, %dma_start3A_210] : memref<10000x128xf32, #tpu.memory_space<vmem_shared>> -> memref<10000x128xf32, #tpu.memory_space<vmem_shared>>
    tpu.enqueue_indirect_dma source(%arg25 : memref<64x128xf32, #tpu.memory_space<vmem>>) target(%dma_start3A_211 : memref<10000x128xf32, #tpu.memory_space<vmem_shared>>) offsets(%arg19 : memref<64xi32, #tpu.memory_space<vmem>>) semaphore(%arg43 : memref<!tpu.dma_semaphore, #tpu.memory_space<semaphore_mem>>) {add = true}
    %dma_wait3A_212 = arith.constant 0 : i32
    %dma_wait3A_213 = arith.constant 0 : i32
    %dma_wait3A_214 = tpu.memref_slice %arg2[%dma_wait3A_212, %dma_wait3A_213] : memref<10000x128xf32, #tpu.memory_space<hbm>> -> memref<10000x128xf32, #tpu.memory_space<hbm>>
    tpu.wait_indirect_dma semaphore(%arg38 : memref<!tpu.dma_semaphore, #tpu.memory_space<semaphore_mem>>) src(%dma_wait3A_214 : memref<10000x128xf32, #tpu.memory_space<hbm>>) dst(%arg26 : memref<64x128xf32, #tpu.memory_space<vmem>>)
    %dma_start3A_215 = arith.constant 0 : i32
    %dma_start3A_216 = arith.constant 0 : i32
    %dma_start3A_217 = tpu.memref_slice %arg8[%dma_start3A_215, %dma_start3A_216] : memref<10000x128xf32, #tpu.memory_space<vmem_shared>> -> memref<10000x128xf32, #tpu.memory_space<vmem_shared>>
    tpu.enqueue_indirect_dma source(%arg26 : memref<64x128xf32, #tpu.memory_space<vmem>>) target(%dma_start3A_217 : memref<10000x128xf32, #tpu.memory_space<vmem_shared>>) offsets(%arg20 : memref<64xi32, #tpu.memory_space<vmem>>) semaphore(%arg44 : memref<!tpu.dma_semaphore, #tpu.memory_space<semaphore_mem>>) {add = true}
    %dma_wait3A_218 = arith.constant 0 : i32
    %dma_wait3A_219 = arith.constant 0 : i32
    %dma_wait3A_220 = tpu.memref_slice %arg2[%dma_wait3A_218, %dma_wait3A_219] : memref<10000x128xf32, #tpu.memory_space<hbm>> -> memref<10000x128xf32, #tpu.memory_space<hbm>>
    tpu.wait_indirect_dma semaphore(%arg39 : memref<!tpu.dma_semaphore, #tpu.memory_space<semaphore_mem>>) src(%dma_wait3A_220 : memref<10000x128xf32, #tpu.memory_space<hbm>>) dst(%arg27 : memref<64x128xf32, #tpu.memory_space<vmem>>)
    %dma_start3A_221 = arith.constant 0 : i32
    %dma_start3A_222 = arith.constant 0 : i32
    %dma_start3A_223 = tpu.memref_slice %arg8[%dma_start3A_221, %dma_start3A_222] : memref<10000x128xf32, #tpu.memory_space<vmem_shared>> -> memref<10000x128xf32, #tpu.memory_space<vmem_shared>>
    tpu.enqueue_indirect_dma source(%arg27 : memref<64x128xf32, #tpu.memory_space<vmem>>) target(%dma_start3A_223 : memref<10000x128xf32, #tpu.memory_space<vmem_shared>>) offsets(%arg21 : memref<64xi32, #tpu.memory_space<vmem>>) semaphore(%arg45 : memref<!tpu.dma_semaphore, #tpu.memory_space<semaphore_mem>>) {add = true}
    %dma_wait3A_224 = arith.constant 0 : i32
    %dma_wait3A_225 = arith.constant 0 : i32
    %dma_wait3A_226 = tpu.memref_slice %arg2[%dma_wait3A_224, %dma_wait3A_225] : memref<10000x128xf32, #tpu.memory_space<hbm>> -> memref<10000x128xf32, #tpu.memory_space<hbm>>
    tpu.wait_indirect_dma semaphore(%arg40 : memref<!tpu.dma_semaphore, #tpu.memory_space<semaphore_mem>>) src(%dma_wait3A_226 : memref<10000x128xf32, #tpu.memory_space<hbm>>) dst(%arg28 : memref<64x128xf32, #tpu.memory_space<vmem>>)
    %dma_start3A_227 = arith.constant 0 : i32
    %dma_start3A_228 = arith.constant 0 : i32
    %dma_start3A_229 = tpu.memref_slice %arg8[%dma_start3A_227, %dma_start3A_228] : memref<10000x128xf32, #tpu.memory_space<vmem_shared>> -> memref<10000x128xf32, #tpu.memory_space<vmem_shared>>
    tpu.enqueue_indirect_dma source(%arg28 : memref<64x128xf32, #tpu.memory_space<vmem>>) target(%dma_start3A_229 : memref<10000x128xf32, #tpu.memory_space<vmem_shared>>) offsets(%arg22 : memref<64xi32, #tpu.memory_space<vmem>>) semaphore(%arg46 : memref<!tpu.dma_semaphore, #tpu.memory_space<semaphore_mem>>) {add = true}
    %dma_wait3A_230 = arith.constant 0 : i32
    %dma_wait3A_231 = arith.constant 0 : i32
    %dma_wait3A_232 = tpu.memref_slice %arg8[%dma_wait3A_230, %dma_wait3A_231] : memref<10000x128xf32, #tpu.memory_space<vmem_shared>> -> memref<10000x128xf32, #tpu.memory_space<vmem_shared>>
    tpu.wait_indirect_dma semaphore(%arg41 : memref<!tpu.dma_semaphore, #tpu.memory_space<semaphore_mem>>) src(%arg23 : memref<64x128xf32, #tpu.memory_space<vmem>>) dst(%dma_wait3A_232 : memref<10000x128xf32, #tpu.memory_space<vmem_shared>>)
    %dma_wait3A_233 = arith.constant 0 : i32
    %dma_wait3A_234 = arith.constant 0 : i32
    %dma_wait3A_235 = tpu.memref_slice %arg8[%dma_wait3A_233, %dma_wait3A_234] : memref<10000x128xf32, #tpu.memory_space<vmem_shared>> -> memref<10000x128xf32, #tpu.memory_space<vmem_shared>>
    tpu.wait_indirect_dma semaphore(%arg42 : memref<!tpu.dma_semaphore, #tpu.memory_space<semaphore_mem>>) src(%arg24 : memref<64x128xf32, #tpu.memory_space<vmem>>) dst(%dma_wait3A_235 : memref<10000x128xf32, #tpu.memory_space<vmem_shared>>)
    %dma_wait3A_236 = arith.constant 0 : i32
    %dma_wait3A_237 = arith.constant 0 : i32
    %dma_wait3A_238 = tpu.memref_slice %arg8[%dma_wait3A_236, %dma_wait3A_237] : memref<10000x128xf32, #tpu.memory_space<vmem_shared>> -> memref<10000x128xf32, #tpu.memory_space<vmem_shared>>
    tpu.wait_indirect_dma semaphore(%arg43 : memref<!tpu.dma_semaphore, #tpu.memory_space<semaphore_mem>>) src(%arg25 : memref<64x128xf32, #tpu.memory_space<vmem>>) dst(%dma_wait3A_238 : memref<10000x128xf32, #tpu.memory_space<vmem_shared>>)
    %dma_wait3A_239 = arith.constant 0 : i32
    %dma_wait3A_240 = arith.constant 0 : i32
    %dma_wait3A_241 = tpu.memref_slice %arg8[%dma_wait3A_239, %dma_wait3A_240] : memref<10000x128xf32, #tpu.memory_space<vmem_shared>> -> memref<10000x128xf32, #tpu.memory_space<vmem_shared>>
    tpu.wait_indirect_dma semaphore(%arg44 : memref<!tpu.dma_semaphore, #tpu.memory_space<semaphore_mem>>) src(%arg26 : memref<64x128xf32, #tpu.memory_space<vmem>>) dst(%dma_wait3A_241 : memref<10000x128xf32, #tpu.memory_space<vmem_shared>>)
    %dma_wait3A_242 = arith.constant 0 : i32
    %dma_wait3A_243 = arith.constant 0 : i32
    %dma_wait3A_244 = tpu.memref_slice %arg8[%dma_wait3A_242, %dma_wait3A_243] : memref<10000x128xf32, #tpu.memory_space<vmem_shared>> -> memref<10000x128xf32, #tpu.memory_space<vmem_shared>>
    tpu.wait_indirect_dma semaphore(%arg45 : memref<!tpu.dma_semaphore, #tpu.memory_space<semaphore_mem>>) src(%arg27 : memref<64x128xf32, #tpu.memory_space<vmem>>) dst(%dma_wait3A_244 : memref<10000x128xf32, #tpu.memory_space<vmem_shared>>)
    %dma_wait3A_245 = arith.constant 0 : i32
    %dma_wait3A_246 = arith.constant 0 : i32
    %dma_wait3A_247 = tpu.memref_slice %arg8[%dma_wait3A_245, %dma_wait3A_246] : memref<10000x128xf32, #tpu.memory_space<vmem_shared>> -> memref<10000x128xf32, #tpu.memory_space<vmem_shared>>
    tpu.wait_indirect_dma semaphore(%arg46 : memref<!tpu.dma_semaphore, #tpu.memory_space<semaphore_mem>>) src(%arg28 : memref<64x128xf32, #tpu.memory_space<vmem>>) dst(%dma_wait3A_247 : memref<10000x128xf32, #tpu.memory_space<vmem_shared>>)
    %dma_start3A_248 = arith.constant 0 : i32
    %dma_start3A_249 = arith.constant 0 : i32
    %dma_start3A_250 = tpu.memref_slice %arg23[%dma_start3A_248, %dma_start3A_249] : memref<64x128xf32, #tpu.memory_space<vmem>> -> memref<16x128xf32, #tpu.memory_space<vmem>>
    %dma_start3A_251 = arith.constant 0 : i32
    %dma_start3A_252 = arith.constant 0 : i32
    %dma_start3A_253 = tpu.memref_slice %arg2[%dma_start3A_251, %dma_start3A_252] : memref<10000x128xf32, #tpu.memory_space<hbm>> -> memref<10000x128xf32, #tpu.memory_space<hbm>>
    tpu.enqueue_indirect_dma source(%dma_start3A_253 : memref<10000x128xf32, #tpu.memory_space<hbm>>) target(%dma_start3A_250 : memref<16x128xf32, #tpu.memory_space<vmem>>) offsets(%arg9 : memref<16xi32, #tpu.memory_space<vmem>>) semaphore(%arg35 : memref<!tpu.dma_semaphore, #tpu.memory_space<semaphore_mem>>)
    %dma_wait3A_254 = arith.constant 0 : i32
    %dma_wait3A_255 = arith.constant 0 : i32
    %dma_wait3A_256 = tpu.memref_slice %arg23[%dma_wait3A_254, %dma_wait3A_255] : memref<64x128xf32, #tpu.memory_space<vmem>> -> memref<16x128xf32, #tpu.memory_space<vmem>>
    %dma_wait3A_257 = arith.constant 0 : i32
    %dma_wait3A_258 = arith.constant 0 : i32
    %dma_wait3A_259 = tpu.memref_slice %arg2[%dma_wait3A_257, %dma_wait3A_258] : memref<10000x128xf32, #tpu.memory_space<hbm>> -> memref<10000x128xf32, #tpu.memory_space<hbm>>
    tpu.wait_indirect_dma semaphore(%arg35 : memref<!tpu.dma_semaphore, #tpu.memory_space<semaphore_mem>>) src(%dma_wait3A_259 : memref<10000x128xf32, #tpu.memory_space<hbm>>) dst(%dma_wait3A_256 : memref<16x128xf32, #tpu.memory_space<vmem>>)
    "tpu.region"() ({
      %run_scoped3A = tpu.sem_alloc : memref<!tpu.dma_semaphore, #tpu.memory_space<semaphore_mem>>
      %dma_start3A_266 = arith.constant 0 : i32
      %dma_start3A_267 = arith.constant 0 : i32
      %dma_start3A_268 = tpu.memref_slice %arg23[%dma_start3A_266, %dma_start3A_267] : memref<64x128xf32, #tpu.memory_space<vmem>> -> memref<16x128xf32, #tpu.memory_space<vmem>>
      %dma_start3A_269 = arith.constant 0 : i32
      %dma_start3A_270 = arith.constant 0 : i32
      %dma_start3A_271 = tpu.memref_slice %arg8[%dma_start3A_269, %dma_start3A_270] : memref<10000x128xf32, #tpu.memory_space<vmem_shared>> -> memref<10000x128xf32, #tpu.memory_space<vmem_shared>>
      tpu.enqueue_indirect_dma source(%dma_start3A_268 : memref<16x128xf32, #tpu.memory_space<vmem>>) target(%dma_start3A_271 : memref<10000x128xf32, #tpu.memory_space<vmem_shared>>) offsets(%arg10 : memref<16xi32, #tpu.memory_space<vmem>>) semaphore(%run_scoped3A : memref<!tpu.dma_semaphore, #tpu.memory_space<semaphore_mem>>) {add = true}
      %dma_wait3A_272 = arith.constant 0 : i32
      %dma_wait3A_273 = arith.constant 0 : i32
      %dma_wait3A_274 = tpu.memref_slice %arg23[%dma_wait3A_272, %dma_wait3A_273] : memref<64x128xf32, #tpu.memory_space<vmem>> -> memref<16x128xf32, #tpu.memory_space<vmem>>
      %dma_wait3A_275 = arith.constant 0 : i32
      %dma_wait3A_276 = arith.constant 0 : i32
      %dma_wait3A_277 = tpu.memref_slice %arg8[%dma_wait3A_275, %dma_wait3A_276] : memref<10000x128xf32, #tpu.memory_space<vmem_shared>> -> memref<10000x128xf32, #tpu.memory_space<vmem_shared>>
      tpu.wait_indirect_dma semaphore(%run_scoped3A : memref<!tpu.dma_semaphore, #tpu.memory_space<semaphore_mem>>) src(%dma_wait3A_274 : memref<16x128xf32, #tpu.memory_space<vmem>>) dst(%dma_wait3A_277 : memref<10000x128xf32, #tpu.memory_space<vmem_shared>>)
      tpu.yield
    }) : () -> ()
    %barrier3A_260 = arith.constant 0 : index
    tpu.barrier barrier_id(%barrier3A_260)
    "tpu.region"() ({
      %run_scoped3A = tpu.sem_alloc : memref<!tpu.dma_semaphore, #tpu.memory_space<semaphore_mem>>
      %dma_start3A_266 = arith.constant 0 : i32
      %dma_start3A_267 = tpu.memref_slice %arg7[%arg0, %multiple_of3A, %dma_start3A_266] : memref<2x10000x128xf32, #tpu.memory_space<hbm>> -> memref<1x624x128xf32, #tpu.memory_space<hbm>>
      %dma_start3A_268 = tpu.memref_squeeze %dma_start3A_267 : memref<1x624x128xf32, #tpu.memory_space<hbm>> -> memref<624x128xf32, #tpu.memory_space<hbm>>
      %dma_start3A_269 = arith.constant 0 : i32
      %dma_start3A_270 = tpu.memref_slice %arg8[%multiple_of3A, %dma_start3A_269] : memref<10000x128xf32, #tpu.memory_space<vmem_shared>> -> memref<624x128xf32, #tpu.memory_space<vmem_shared>>
      tpu.enqueue_dma source(%dma_start3A_270 : memref<624x128xf32, #tpu.memory_space<vmem_shared>>) target(%dma_start3A_268 : memref<624x128xf32, #tpu.memory_space<hbm>>) target_semaphore(%run_scoped3A : memref<!tpu.dma_semaphore, #tpu.memory_space<semaphore_mem>>)
      %dma_wait3A_271 = arith.constant 0 : i32
      %dma_wait3A_272 = tpu.memref_slice %arg7[%arg0, %multiple_of3A, %dma_wait3A_271] : memref<2x10000x128xf32, #tpu.memory_space<hbm>> -> memref<1x624x128xf32, #tpu.memory_space<hbm>>
      %dma_wait3A_273 = tpu.memref_squeeze %dma_wait3A_272 : memref<1x624x128xf32, #tpu.memory_space<hbm>> -> memref<624x128xf32, #tpu.memory_space<hbm>>
      %dma_wait3A_274 = arith.constant 0 : i32
      %dma_wait3A_275 = tpu.memref_slice %arg8[%multiple_of3A, %dma_wait3A_274] : memref<10000x128xf32, #tpu.memory_space<vmem_shared>> -> memref<624x128xf32, #tpu.memory_space<vmem_shared>>
      tpu.wait_dma2 semaphore(%run_scoped3A : memref<!tpu.dma_semaphore, #tpu.memory_space<semaphore_mem>>) src(%dma_wait3A_275 : memref<624x128xf32, #tpu.memory_space<vmem_shared>>) dst(%dma_wait3A_273 : memref<624x128xf32, #tpu.memory_space<hbm>>)
      tpu.yield
    }) : () -> ()
    %eq3A_261 = arith.constant 0 : i32
    %eq3A_262 = arith.cmpi eq, %arg1, %eq3A_261 : i32
    %convert_element_type3A_263 = arith.extui %eq3A_262 : i1 to i32
    %cond3A_264 = arith.constant 0 : i32
    %cond3A_265 = arith.cmpi ne, %convert_element_type3A_263, %cond3A_264 : i32
    scf.if %cond3A_265 {
      "tpu.region"() ({
        %run_scoped3A = tpu.sem_alloc : memref<!tpu.dma_semaphore, #tpu.memory_space<semaphore_mem>>
        %dma_start3A_266 = arith.constant 9984 : i32
        %dma_start3A_267 = arith.constant 0 : i32
        %dma_start3A_268 = tpu.memref_slice %arg7[%arg0, %dma_start3A_266, %dma_start3A_267] : memref<2x10000x128xf32, #tpu.memory_space<hbm>> -> memref<1x16x128xf32, #tpu.memory_space<hbm>>
        %dma_start3A_269 = tpu.memref_squeeze %dma_start3A_268 : memref<1x16x128xf32, #tpu.memory_space<hbm>> -> memref<16x128xf32, #tpu.memory_space<hbm>>
        %dma_start3A_270 = arith.constant 9984 : i32
        %dma_start3A_271 = arith.constant 0 : i32
        %dma_start3A_272 = tpu.memref_slice %arg8[%dma_start3A_270, %dma_start3A_271] : memref<10000x128xf32, #tpu.memory_space<vmem_shared>> -> memref<16x128xf32, #tpu.memory_space<vmem_shared>>
        tpu.enqueue_dma source(%dma_start3A_272 : memref<16x128xf32, #tpu.memory_space<vmem_shared>>) target(%dma_start3A_269 : memref<16x128xf32, #tpu.memory_space<hbm>>) target_semaphore(%run_scoped3A : memref<!tpu.dma_semaphore, #tpu.memory_space<semaphore_mem>>)
        %dma_wait3A_273 = arith.constant 9984 : i32
        %dma_wait3A_274 = arith.constant 0 : i32
        %dma_wait3A_275 = tpu.memref_slice %arg7[%arg0, %dma_wait3A_273, %dma_wait3A_274] : memref<2x10000x128xf32, #tpu.memory_space<hbm>> -> memref<1x16x128xf32, #tpu.memory_space<hbm>>
        %dma_wait3A_276 = tpu.memref_squeeze %dma_wait3A_275 : memref<1x16x128xf32, #tpu.memory_space<hbm>> -> memref<16x128xf32, #tpu.memory_space<hbm>>
        %dma_wait3A_277 = arith.constant 9984 : i32
        %dma_wait3A_278 = arith.constant 0 : i32
        %dma_wait3A_279 = tpu.memref_slice %arg8[%dma_wait3A_277, %dma_wait3A_278] : memref<10000x128xf32, #tpu.memory_space<vmem_shared>> -> memref<16x128xf32, #tpu.memory_space<vmem_shared>>
        tpu.wait_dma2 semaphore(%run_scoped3A : memref<!tpu.dma_semaphore, #tpu.memory_space<semaphore_mem>>) src(%dma_wait3A_279 : memref<16x128xf32, #tpu.memory_space<vmem_shared>>) dst(%dma_wait3A_276 : memref<16x128xf32, #tpu.memory_space<hbm>>)
        tpu.yield
      }) : () -> ()
    } else {
    }
    return
  }
}

module attributes {stable_mosaic.version = 14 : i64} {
  func.func @_dinv_body(%arg0: memref<32x80x128xf32, #tpu.memory_space<vmem>>, %arg1: memref<80x128xf32, #tpu.memory_space<vmem>>) attributes {dimension_semantics = [], scalar_prefetch = 0 : i64, scratch_operands = 0 : i64, tpu.core_type = #tpu.core_type<tc>} {
    %get3A = arith.constant 0 : index
    %get3A_0 = arith.constant 0 : index
    %get3A_1 = arith.constant 0 : index
    %get3A_2 = vector.load %arg0[%get3A, %get3A_0, %get3A_1] : memref<32x80x128xf32, #tpu.memory_space<vmem>>, vector<32x80x128xf32>
    %reduce_sum3A = arith.constant dense<0.000000e+00> : vector<80x128xf32>
    %reduce_sum3A_3 = vector.multi_reduction <add>, %get3A_2, %reduce_sum3A [0] : vector<32x80x128xf32> to vector<80x128xf32>
    %add3A = arith.constant 1.000000e+00 : f32
    %add3A_4 = vector.broadcast %add3A : f32 to vector<80x128xf32>
    %add3A_5 = arith.addf %reduce_sum3A_3, %add3A_4 : vector<80x128xf32>
    %rsqrt3A = math.rsqrt %add3A_5 : vector<80x128xf32>
    %swap3A = arith.constant 0 : index
    %swap3A_6 = arith.constant 0 : index
    %swap3A_7 = vector.load %arg1[%swap3A, %swap3A_6] : memref<80x128xf32, #tpu.memory_space<vmem>>, vector<80x128xf32>
    tpu.vector_store %arg1[%swap3A, %swap3A_6], %rsqrt3A {strides = array<i32>} : memref<80x128xf32, #tpu.memory_space<vmem>>, vector<80x128xf32>,
    return
  }
}

module attributes {stable_mosaic.version = 14 : i64} {
  func.func @_mm_body(%arg0: i32, %arg1: memref<2000x128xf32, #tpu.memory_space<vmem>>, %arg2: memref<128x128xf32, #tpu.memory_space<vmem>>, %arg3: memref<2000x1xf32, #tpu.memory_space<vmem>>, %arg4: memref<2000x128xf32, #tpu.memory_space<vmem>>) attributes {dimension_semantics = [#tpu.dimension_semantics<arbitrary>], iteration_bounds = array<i64: 5>, scalar_prefetch = 0 : i64, scratch_operands = 0 : i64, tpu.core_type = #tpu.core_type<tc>, window_params = [{transform_indices = @transform_0, window_bounds = array<i64: 2000, 128>}, {pipeline_mode = #tpu.pipeline_mode<synchronous>, transform_indices = @transform_1, window_bounds = array<i64: 128, 128>}, {transform_indices = @transform_2, window_bounds = array<i64: 2000, 1>}, {transform_indices = @transform_3, window_bounds = array<i64: 2000, 128>}]} {
    %get3A = arith.constant 0 : index
    %get3A_0 = arith.constant 0 : index
    %get3A_1 = vector.load %arg1[%get3A, %get3A_0] : memref<2000x128xf32, #tpu.memory_space<vmem>>, vector<2000x128xf32>
    %get3A_2 = arith.constant 0 : index
    %get3A_3 = arith.constant 0 : index
    %get3A_4 = vector.load %arg2[%get3A_2, %get3A_3] : memref<128x128xf32, #tpu.memory_space<vmem>>, vector<128x128xf32>
    %dot_general3A = arith.constant dense<0.000000e+00> : vector<2000x128xf32>
    %dot_general3A_5 = tpu.matmul %get3A_1, %get3A_4, %dot_general3A {dimension_numbers = #tpu.dot_dimension_numbers<[1], [0], [0], [1], [0, 0, 1, 1], [], []>, transpose_lhs_hint = false} : vector<2000x128xf32>, vector<128x128xf32>, vector<2000x128xf32> -> vector<2000x128xf32>
    %get3A_6 = arith.constant 0 : index
    %get3A_7 = arith.constant 0 : index
    %get3A_8 = vector.load %arg3[%get3A_6, %get3A_7] : memref<2000x1xf32, #tpu.memory_space<vmem>>, vector<2000x1xf32>
    %mul3A = vector.broadcast %get3A_8 : vector<2000x1xf32> to vector<2000x128xf32>
    %mul3A_9 = arith.mulf %dot_general3A_5, %mul3A : vector<2000x128xf32>
    %swap3A = arith.constant 0 : index
    %swap3A_10 = arith.constant 0 : index
    %swap3A_11 = vector.load %arg4[%swap3A, %swap3A_10] : memref<2000x128xf32, #tpu.memory_space<vmem>>, vector<2000x128xf32>
    tpu.vector_store %arg4[%swap3A, %swap3A_10], %mul3A_9 {strides = array<i32>} : memref<2000x128xf32, #tpu.memory_space<vmem>>, vector<2000x128xf32>,
    return
  }
  func.func @transform_0(%arg0: i32) -> (i32, i32) {
    %c0_i32 = arith.constant 0 : i32
    %c0_i32_0 = arith.constant 0 : i32
    return %arg0, %c0_i32 : i32, i32
  }
  func.func @transform_1(%arg0: i32) -> (i32, i32) {
    %c0_i32 = arith.constant 0 : i32
    %c0_i32_0 = arith.constant 0 : i32
    %c0_i32_1 = arith.constant 0 : i32
    return %c0_i32, %c0_i32_0 : i32, i32
  }
  func.func @transform_2(%arg0: i32) -> (i32, i32) {
    %c0_i32 = arith.constant 0 : i32
    %c0_i32_0 = arith.constant 0 : i32
    return %arg0, %c0_i32 : i32, i32
  }
  func.func @transform_3(%arg0: i32) -> (i32, i32) {
    %c0_i32 = arith.constant 0 : i32
    %c0_i32_0 = arith.constant 0 : i32
    return %arg0, %c0_i32 : i32, i32
  }
}

module attributes {stable_mosaic.version = 14 : i64} {
  func.func @_fused_body(%arg0: i32, %arg1: memref<2000x128xf32, #tpu.memory_space<vmem>>, %arg2: memref<2000x128xf32, #tpu.memory_space<vmem>>, %arg3: memref<2000x128xf32, #tpu.memory_space<vmem>>, %arg4: memref<2000x1xf32, #tpu.memory_space<vmem>>, %arg5: memref<2000x128xf32, #tpu.memory_space<vmem>>, %arg6: memref<1x128xf32, #tpu.memory_space<vmem>>, %arg7: memref<1x128xf32, #tpu.memory_space<vmem>>, %arg8: memref<1x128xf32, #tpu.memory_space<vmem>>, %arg9: memref<128x128xf32, #tpu.memory_space<vmem>>, %arg10: memref<2000x128xf32, #tpu.memory_space<vmem>>, %arg11: memref<2000x128xf32, #tpu.memory_space<vmem>>) attributes {dimension_semantics = [#tpu.dimension_semantics<arbitrary>], iteration_bounds = array<i64: 5>, scalar_prefetch = 0 : i64, scratch_operands = 0 : i64, tpu.core_type = #tpu.core_type<tc>, window_params = [{transform_indices = @transform_0, window_bounds = array<i64: 2000, 128>}, {transform_indices = @transform_1, window_bounds = array<i64: 2000, 128>}, {transform_indices = @transform_2, window_bounds = array<i64: 2000, 128>}, {transform_indices = @transform_3, window_bounds = array<i64: 2000, 1>}, {transform_indices = @transform_4, window_bounds = array<i64: 2000, 128>}, {pipeline_mode = #tpu.pipeline_mode<synchronous>, transform_indices = @transform_5, window_bounds = array<i64: 1, 128>}, {pipeline_mode = #tpu.pipeline_mode<synchronous>, transform_indices = @transform_6, window_bounds = array<i64: 1, 128>}, {pipeline_mode = #tpu.pipeline_mode<synchronous>, transform_indices = @transform_7, window_bounds = array<i64: 1, 128>}, {pipeline_mode = #tpu.pipeline_mode<synchronous>, transform_indices = @transform_8, window_bounds = array<i64: 128, 128>}, {transform_indices = @transform_9, window_bounds = array<i64: 2000, 128>}, {transform_indices = @transform_10, window_bounds = array<i64: 2000, 128>}]} {
    %get3A = arith.constant 0 : index
    %get3A_0 = arith.constant 0 : index
    %get3A_1 = vector.load %arg1[%get3A, %get3A_0] : memref<2000x128xf32, #tpu.memory_space<vmem>>, vector<2000x128xf32>
    %get3A_2 = arith.constant 0 : index
    %get3A_3 = arith.constant 0 : index
    %get3A_4 = vector.load %arg2[%get3A_2, %get3A_3] : memref<2000x128xf32, #tpu.memory_space<vmem>>, vector<2000x128xf32>
    %add3A = arith.addf %get3A_1, %get3A_4 : vector<2000x128xf32>
    %get3A_5 = arith.constant 0 : index
    %get3A_6 = arith.constant 0 : index
    %get3A_7 = vector.load %arg3[%get3A_5, %get3A_6] : memref<2000x128xf32, #tpu.memory_space<vmem>>, vector<2000x128xf32>
    %sub3A = arith.subf %add3A, %get3A_7 : vector<2000x128xf32>
    %get3A_8 = arith.constant 0 : index
    %get3A_9 = arith.constant 0 : index
    %get3A_10 = vector.load %arg4[%get3A_8, %get3A_9] : memref<2000x1xf32, #tpu.memory_space<vmem>>, vector<2000x1xf32>
    %mul3A = vector.broadcast %get3A_10 : vector<2000x1xf32> to vector<2000x128xf32>
    %mul3A_11 = arith.mulf %sub3A, %mul3A : vector<2000x128xf32>
    %get3A_12 = arith.constant 0 : index
    %get3A_13 = arith.constant 0 : index
    %get3A_14 = vector.load %arg6[%get3A_12, %get3A_13] : memref<1x128xf32, #tpu.memory_space<vmem>>, vector<1x128xf32>
    %add3A_15 = vector.broadcast %get3A_14 : vector<1x128xf32> to vector<2000x128xf32>
    %add3A_16 = arith.addf %mul3A_11, %add3A_15 : vector<2000x128xf32>
    %max3A = arith.constant 0.000000e+00 : f32
    %max3A_17 = vector.broadcast %max3A : f32 to vector<2000x128xf32>
    %max3A_18 = arith.maximumf %add3A_16, %max3A_17 : vector<2000x128xf32>
    %get3A_19 = arith.constant 0 : index
    %get3A_20 = arith.constant 0 : index
    %get3A_21 = vector.load %arg5[%get3A_19, %get3A_20] : memref<2000x128xf32, #tpu.memory_space<vmem>>, vector<2000x128xf32>
    %add3A_22 = arith.addf %max3A_18, %get3A_21 : vector<2000x128xf32>
    %reduce_sum3A = arith.constant dense<0.000000e+00> : vector<2000xf32>
    %reduce_sum3A_23 = vector.multi_reduction <add>, %add3A_22, %reduce_sum3A [1] : vector<2000x128xf32> to vector<2000xf32>
    %broadcast_in_dim3A = vector.shape_cast %reduce_sum3A_23 : vector<2000xf32> to vector<2000x1xf32>
    %div3A = arith.constant 1.280000e+02 : f32
    %div3A_24 = vector.broadcast %div3A : f32 to vector<2000x1xf32>
    %div3A_25 = arith.divf %broadcast_in_dim3A, %div3A_24 : vector<2000x1xf32>
    %sub3A_26 = vector.broadcast %div3A_25 : vector<2000x1xf32> to vector<2000x128xf32>
    %sub3A_27 = arith.subf %add3A_22, %sub3A_26 : vector<2000x128xf32>
    %mul3A_28 = arith.mulf %sub3A_27, %sub3A_27 : vector<2000x128xf32>
    %reduce_sum3A_29 = arith.constant dense<0.000000e+00> : vector<2000xf32>
    %reduce_sum3A_30 = vector.multi_reduction <add>, %mul3A_28, %reduce_sum3A_29 [1] : vector<2000x128xf32> to vector<2000xf32>
    %broadcast_in_dim3A_31 = vector.shape_cast %reduce_sum3A_30 : vector<2000xf32> to vector<2000x1xf32>
    %div3A_32 = arith.constant 1.280000e+02 : f32
    %div3A_33 = vector.broadcast %div3A_32 : f32 to vector<2000x1xf32>
    %div3A_34 = arith.divf %broadcast_in_dim3A_31, %div3A_33 : vector<2000x1xf32>
    %add3A_35 = arith.constant 9.99999974E-6 : f32
    %add3A_36 = vector.broadcast %add3A_35 : f32 to vector<2000x1xf32>
    %add3A_37 = arith.addf %div3A_34, %add3A_36 : vector<2000x1xf32>
    %rsqrt3A = math.rsqrt %add3A_37 : vector<2000x1xf32>
    %mul3A_38 = vector.broadcast %rsqrt3A : vector<2000x1xf32> to vector<2000x128xf32>
    %mul3A_39 = arith.mulf %sub3A_27, %mul3A_38 : vector<2000x128xf32>
    %get3A_40 = arith.constant 0 : index
    %get3A_41 = arith.constant 0 : index
    %get3A_42 = vector.load %arg7[%get3A_40, %get3A_41] : memref<1x128xf32, #tpu.memory_space<vmem>>, vector<1x128xf32>
    %mul3A_43 = vector.broadcast %get3A_42 : vector<1x128xf32> to vector<2000x128xf32>
    %mul3A_44 = arith.mulf %mul3A_39, %mul3A_43 : vector<2000x128xf32>
    %get3A_45 = arith.constant 0 : index
    %get3A_46 = arith.constant 0 : index
    %get3A_47 = vector.load %arg8[%get3A_45, %get3A_46] : memref<1x128xf32, #tpu.memory_space<vmem>>, vector<1x128xf32>
    %add3A_48 = vector.broadcast %get3A_47 : vector<1x128xf32> to vector<2000x128xf32>
    %add3A_49 = arith.addf %mul3A_44, %add3A_48 : vector<2000x128xf32>
    %swap3A = arith.constant 0 : index
    %swap3A_50 = arith.constant 0 : index
    %swap3A_51 = vector.load %arg10[%swap3A, %swap3A_50] : memref<2000x128xf32, #tpu.memory_space<vmem>>, vector<2000x128xf32>
    tpu.vector_store %arg10[%swap3A, %swap3A_50], %add3A_49 {strides = array<i32>} : memref<2000x128xf32, #tpu.memory_space<vmem>>, vector<2000x128xf32>,
    %get3A_52 = arith.constant 0 : index
    %get3A_53 = arith.constant 0 : index
    %get3A_54 = vector.load %arg9[%get3A_52, %get3A_53] : memref<128x128xf32, #tpu.memory_space<vmem>>, vector<128x128xf32>
    %dot_general3A = arith.constant dense<0.000000e+00> : vector<2000x128xf32>
    %dot_general3A_55 = tpu.matmul %add3A_49, %get3A_54, %dot_general3A {dimension_numbers = #tpu.dot_dimension_numbers<[1], [0], [0], [1], [0, 0, 1, 1], [], []>, transpose_lhs_hint = false} : vector<2000x128xf32>, vector<128x128xf32>, vector<2000x128xf32> -> vector<2000x128xf32>
    %get3A_56 = arith.constant 0 : index
    %get3A_57 = arith.constant 0 : index
    %get3A_58 = vector.load %arg4[%get3A_56, %get3A_57] : memref<2000x1xf32, #tpu.memory_space<vmem>>, vector<2000x1xf32>
    %mul3A_59 = vector.broadcast %get3A_58 : vector<2000x1xf32> to vector<2000x128xf32>
    %mul3A_60 = arith.mulf %dot_general3A_55, %mul3A_59 : vector<2000x128xf32>
    %swap3A_61 = arith.constant 0 : index
    %swap3A_62 = arith.constant 0 : index
    %swap3A_63 = vector.load %arg11[%swap3A_61, %swap3A_62] : memref<2000x128xf32, #tpu.memory_space<vmem>>, vector<2000x128xf32>
    tpu.vector_store %arg11[%swap3A_61, %swap3A_62], %mul3A_60 {strides = array<i32>} : memref<2000x128xf32, #tpu.memory_space<vmem>>, vector<2000x128xf32>,
    return
  }
  func.func @transform_0(%arg0: i32) -> (i32, i32) {
    %c0_i32 = arith.constant 0 : i32
    %c0_i32_0 = arith.constant 0 : i32
    return %arg0, %c0_i32 : i32, i32
  }
  func.func @transform_1(%arg0: i32) -> (i32, i32) {
    %c0_i32 = arith.constant 0 : i32
    %c0_i32_0 = arith.constant 0 : i32
    return %arg0, %c0_i32 : i32, i32
  }
  func.func @transform_2(%arg0: i32) -> (i32, i32) {
    %c0_i32 = arith.constant 0 : i32
    %c0_i32_0 = arith.constant 0 : i32
    return %arg0, %c0_i32 : i32, i32
  }
  func.func @transform_3(%arg0: i32) -> (i32, i32) {
    %c0_i32 = arith.constant 0 : i32
    %c0_i32_0 = arith.constant 0 : i32
    return %arg0, %c0_i32 : i32, i32
  }
  func.func @transform_4(%arg0: i32) -> (i32, i32) {
    %c0_i32 = arith.constant 0 : i32
    %c0_i32_0 = arith.constant 0 : i32
    return %arg0, %c0_i32 : i32, i32
  }
  func.func @transform_5(%arg0: i32) -> (i32, i32) {
    %c0_i32 = arith.constant 0 : i32
    %c0_i32_0 = arith.constant 0 : i32
    %c0_i32_1 = arith.constant 0 : i32
    return %c0_i32, %c0_i32_0 : i32, i32
  }
  func.func @transform_6(%arg0: i32) -> (i32, i32) {
    %c0_i32 = arith.constant 0 : i32
    %c0_i32_0 = arith.constant 0 : i32
    %c0_i32_1 = arith.constant 0 : i32
    return %c0_i32, %c0_i32_0 : i32, i32
  }
  func.func @transform_7(%arg0: i32) -> (i32, i32) {
    %c0_i32 = arith.constant 0 : i32
    %c0_i32_0 = arith.constant 0 : i32
    %c0_i32_1 = arith.constant 0 : i32
    return %c0_i32, %c0_i32_0 : i32, i32
  }
  func.func @transform_8(%arg0: i32) -> (i32, i32) {
    %c0_i32 = arith.constant 0 : i32
    %c0_i32_0 = arith.constant 0 : i32
    %c0_i32_1 = arith.constant 0 : i32
    return %c0_i32, %c0_i32_0 : i32, i32
  }
  func.func @transform_9(%arg0: i32) -> (i32, i32) {
    %c0_i32 = arith.constant 0 : i32
    %c0_i32_0 = arith.constant 0 : i32
    return %arg0, %c0_i32 : i32, i32
  }
  func.func @transform_10(%arg0: i32) -> (i32, i32) {
    %c0_i32 = arith.constant 0 : i32
    %c0_i32_0 = arith.constant 0 : i32
    return %arg0, %c0_i32 : i32, i32
  }
}

module attributes {stable_mosaic.version = 14 : i64} {
  func.func @_post_body(%arg0: i32, %arg1: memref<2000x128xf32, #tpu.memory_space<vmem>>, %arg2: memref<2000x128xf32, #tpu.memory_space<vmem>>, %arg3: memref<2000x128xf32, #tpu.memory_space<vmem>>, %arg4: memref<2000x1xf32, #tpu.memory_space<vmem>>, %arg5: memref<2000x128xf32, #tpu.memory_space<vmem>>, %arg6: memref<1x128xf32, #tpu.memory_space<vmem>>, %arg7: memref<1x128xf32, #tpu.memory_space<vmem>>, %arg8: memref<1x128xf32, #tpu.memory_space<vmem>>, %arg9: memref<2000x128xf32, #tpu.memory_space<vmem>>) attributes {dimension_semantics = [#tpu.dimension_semantics<arbitrary>], iteration_bounds = array<i64: 5>, scalar_prefetch = 0 : i64, scratch_operands = 0 : i64, tpu.core_type = #tpu.core_type<tc>, window_params = [{transform_indices = @transform_0, window_bounds = array<i64: 2000, 128>}, {transform_indices = @transform_1, window_bounds = array<i64: 2000, 128>}, {transform_indices = @transform_2, window_bounds = array<i64: 2000, 128>}, {transform_indices = @transform_3, window_bounds = array<i64: 2000, 1>}, {transform_indices = @transform_4, window_bounds = array<i64: 2000, 128>}, {pipeline_mode = #tpu.pipeline_mode<synchronous>, transform_indices = @transform_5, window_bounds = array<i64: 1, 128>}, {pipeline_mode = #tpu.pipeline_mode<synchronous>, transform_indices = @transform_6, window_bounds = array<i64: 1, 128>}, {pipeline_mode = #tpu.pipeline_mode<synchronous>, transform_indices = @transform_7, window_bounds = array<i64: 1, 128>}, {transform_indices = @transform_8, window_bounds = array<i64: 2000, 128>}]} {
    %get3A = arith.constant 0 : index
    %get3A_0 = arith.constant 0 : index
    %get3A_1 = vector.load %arg1[%get3A, %get3A_0] : memref<2000x128xf32, #tpu.memory_space<vmem>>, vector<2000x128xf32>
    %get3A_2 = arith.constant 0 : index
    %get3A_3 = arith.constant 0 : index
    %get3A_4 = vector.load %arg2[%get3A_2, %get3A_3] : memref<2000x128xf32, #tpu.memory_space<vmem>>, vector<2000x128xf32>
    %add3A = arith.addf %get3A_1, %get3A_4 : vector<2000x128xf32>
    %get3A_5 = arith.constant 0 : index
    %get3A_6 = arith.constant 0 : index
    %get3A_7 = vector.load %arg3[%get3A_5, %get3A_6] : memref<2000x128xf32, #tpu.memory_space<vmem>>, vector<2000x128xf32>
    %sub3A = arith.subf %add3A, %get3A_7 : vector<2000x128xf32>
    %get3A_8 = arith.constant 0 : index
    %get3A_9 = arith.constant 0 : index
    %get3A_10 = vector.load %arg4[%get3A_8, %get3A_9] : memref<2000x1xf32, #tpu.memory_space<vmem>>, vector<2000x1xf32>
    %mul3A = vector.broadcast %get3A_10 : vector<2000x1xf32> to vector<2000x128xf32>
    %mul3A_11 = arith.mulf %sub3A, %mul3A : vector<2000x128xf32>
    %get3A_12 = arith.constant 0 : index
    %get3A_13 = arith.constant 0 : index
    %get3A_14 = vector.load %arg6[%get3A_12, %get3A_13] : memref<1x128xf32, #tpu.memory_space<vmem>>, vector<1x128xf32>
    %add3A_15 = vector.broadcast %get3A_14 : vector<1x128xf32> to vector<2000x128xf32>
    %add3A_16 = arith.addf %mul3A_11, %add3A_15 : vector<2000x128xf32>
    %max3A = arith.constant 0.000000e+00 : f32
    %max3A_17 = vector.broadcast %max3A : f32 to vector<2000x128xf32>
    %max3A_18 = arith.maximumf %add3A_16, %max3A_17 : vector<2000x128xf32>
    %get3A_19 = arith.constant 0 : index
    %get3A_20 = arith.constant 0 : index
    %get3A_21 = vector.load %arg5[%get3A_19, %get3A_20] : memref<2000x128xf32, #tpu.memory_space<vmem>>, vector<2000x128xf32>
    %add3A_22 = arith.addf %max3A_18, %get3A_21 : vector<2000x128xf32>
    %reduce_sum3A = arith.constant dense<0.000000e+00> : vector<2000xf32>
    %reduce_sum3A_23 = vector.multi_reduction <add>, %add3A_22, %reduce_sum3A [1] : vector<2000x128xf32> to vector<2000xf32>
    %broadcast_in_dim3A = vector.shape_cast %reduce_sum3A_23 : vector<2000xf32> to vector<2000x1xf32>
    %div3A = arith.constant 1.280000e+02 : f32
    %div3A_24 = vector.broadcast %div3A : f32 to vector<2000x1xf32>
    %div3A_25 = arith.divf %broadcast_in_dim3A, %div3A_24 : vector<2000x1xf32>
    %sub3A_26 = vector.broadcast %div3A_25 : vector<2000x1xf32> to vector<2000x128xf32>
    %sub3A_27 = arith.subf %add3A_22, %sub3A_26 : vector<2000x128xf32>
    %mul3A_28 = arith.mulf %sub3A_27, %sub3A_27 : vector<2000x128xf32>
    %reduce_sum3A_29 = arith.constant dense<0.000000e+00> : vector<2000xf32>
    %reduce_sum3A_30 = vector.multi_reduction <add>, %mul3A_28, %reduce_sum3A_29 [1] : vector<2000x128xf32> to vector<2000xf32>
    %broadcast_in_dim3A_31 = vector.shape_cast %reduce_sum3A_30 : vector<2000xf32> to vector<2000x1xf32>
    %div3A_32 = arith.constant 1.280000e+02 : f32
    %div3A_33 = vector.broadcast %div3A_32 : f32 to vector<2000x1xf32>
    %div3A_34 = arith.divf %broadcast_in_dim3A_31, %div3A_33 : vector<2000x1xf32>
    %add3A_35 = arith.constant 9.99999974E-6 : f32
    %add3A_36 = vector.broadcast %add3A_35 : f32 to vector<2000x1xf32>
    %add3A_37 = arith.addf %div3A_34, %add3A_36 : vector<2000x1xf32>
    %rsqrt3A = math.rsqrt %add3A_37 : vector<2000x1xf32>
    %mul3A_38 = vector.broadcast %rsqrt3A : vector<2000x1xf32> to vector<2000x128xf32>
    %mul3A_39 = arith.mulf %sub3A_27, %mul3A_38 : vector<2000x128xf32>
    %get3A_40 = arith.constant 0 : index
    %get3A_41 = arith.constant 0 : index
    %get3A_42 = vector.load %arg7[%get3A_40, %get3A_41] : memref<1x128xf32, #tpu.memory_space<vmem>>, vector<1x128xf32>
    %mul3A_43 = vector.broadcast %get3A_42 : vector<1x128xf32> to vector<2000x128xf32>
    %mul3A_44 = arith.mulf %mul3A_39, %mul3A_43 : vector<2000x128xf32>
    %get3A_45 = arith.constant 0 : index
    %get3A_46 = arith.constant 0 : index
    %get3A_47 = vector.load %arg8[%get3A_45, %get3A_46] : memref<1x128xf32, #tpu.memory_space<vmem>>, vector<1x128xf32>
    %add3A_48 = vector.broadcast %get3A_47 : vector<1x128xf32> to vector<2000x128xf32>
    %add3A_49 = arith.addf %mul3A_44, %add3A_48 : vector<2000x128xf32>
    %swap3A = arith.constant 0 : index
    %swap3A_50 = arith.constant 0 : index
    %swap3A_51 = vector.load %arg9[%swap3A, %swap3A_50] : memref<2000x128xf32, #tpu.memory_space<vmem>>, vector<2000x128xf32>
    tpu.vector_store %arg9[%swap3A, %swap3A_50], %add3A_49 {strides = array<i32>} : memref<2000x128xf32, #tpu.memory_space<vmem>>, vector<2000x128xf32>,
    return
  }
  func.func @transform_0(%arg0: i32) -> (i32, i32) {
    %c0_i32 = arith.constant 0 : i32
    %c0_i32_0 = arith.constant 0 : i32
    return %arg0, %c0_i32 : i32, i32
  }
  func.func @transform_1(%arg0: i32) -> (i32, i32) {
    %c0_i32 = arith.constant 0 : i32
    %c0_i32_0 = arith.constant 0 : i32
    return %arg0, %c0_i32 : i32, i32
  }
  func.func @transform_2(%arg0: i32) -> (i32, i32) {
    %c0_i32 = arith.constant 0 : i32
    %c0_i32_0 = arith.constant 0 : i32
    return %arg0, %c0_i32 : i32, i32
  }
  func.func @transform_3(%arg0: i32) -> (i32, i32) {
    %c0_i32 = arith.constant 0 : i32
    %c0_i32_0 = arith.constant 0 : i32
    return %arg0, %c0_i32 : i32, i32
  }
  func.func @transform_4(%arg0: i32) -> (i32, i32) {
    %c0_i32 = arith.constant 0 : i32
    %c0_i32_0 = arith.constant 0 : i32
    return %arg0, %c0_i32 : i32, i32
  }
  func.func @transform_5(%arg0: i32) -> (i32, i32) {
    %c0_i32 = arith.constant 0 : i32
    %c0_i32_0 = arith.constant 0 : i32
    %c0_i32_1 = arith.constant 0 : i32
    return %c0_i32, %c0_i32_0 : i32, i32
  }
  func.func @transform_6(%arg0: i32) -> (i32, i32) {
    %c0_i32 = arith.constant 0 : i32
    %c0_i32_0 = arith.constant 0 : i32
    %c0_i32_1 = arith.constant 0 : i32
    return %c0_i32, %c0_i32_0 : i32, i32
  }
  func.func @transform_7(%arg0: i32) -> (i32, i32) {
    %c0_i32 = arith.constant 0 : i32
    %c0_i32_0 = arith.constant 0 : i32
    %c0_i32_1 = arith.constant 0 : i32
    return %c0_i32, %c0_i32_0 : i32, i32
  }
  func.func @transform_8(%arg0: i32) -> (i32, i32) {
    %c0_i32 = arith.constant 0 : i32
    %c0_i32_0 = arith.constant 0 : i32
    return %arg0, %c0_i32 : i32, i32
  }
}

</mosaic_0001>

<sc_bundles>
// kernel: _run.11.cloned.1.call-start
scs
__scs_entry_jumppad:
0x0: {  	(pc) =	sbr.rel $0x88, $3  }
0x1: {  	(tag) =	ssettag $0x0;
	lr =	simm.s32 $0x1  }
0x2: {  	[smem:$0x3F9B] =	sst lr;
	_ =	strace $0xD0000000  }
0x3: {  	_ = 	snop  }
0x4: {  	_ = 	snop  }
0x5: {  	_ = 	snop  }
0x6: {  	_ = 	snop  }
0x7: {  	_ = 	snop  }
__scs_overlays_trampoline_lowered:
0x8: {  	[smem:$0x3FAA] =	sst s0  }
0x9: {  	[smem:$0x3FAB] =	sst s1  }
0xa: {  	[smem:$0x3FAC] =	sst s2  }
0xb: {  	[smem:$0x3FAD] =	sst s3  }
0xc: {  	[smem:$0x3FAE] =	sst s4  }
0xd: {  	[smem:$0x3FAF] =	sst s5  }
0xe: {  	[smem:$0x3FB0] =	sst s6  }
0xf: {  	[smem:$0x3FB1] =	sst s7  }
0x10: {  	[smem:$0x3FB2] =	sst s8  }
0x11: {  	[smem:$0x3FB3] =	sst s9;
	s0 =	simm.s32 @!p0 $0x0  }
0x12: {  	s1 =	sld [smem:$0x3F99];
	s0 =	simm.s32 @p0 $0x1  }
0x13: {  	[smem:$0x3FB4] =	sst s0;
	s0 =	simm.s32 @!p1 $0x0  }
0x14: {  	s2 =	sld [smem:$0x3F98];
	s0 =	simm.s32 @p1 $0x1  }
0x15: {  	[smem:$0x3FB5] =	sst s0;
	s0 =	simm.s32 @!p2 $0x0  }
0x16: {  	s3 =	sld [smem:$0x3FDB];
	s0 =	simm.s32 @p2 $0x1  }
0x17: {  	s4 =	simm.s32 $0x1BF5;
	[smem:$0x3FB7] =	sst s0  }
0x18: {  	s0 =	sld [smem:$0x3F9A];
	_ =	swait.ge [sflag:s4], $0x0  }
0x19: {  	s7 =	sld [smem:$0x3F9B]  }
0x1a: {  	s8 =	sadd.s32 $0xFFFFE003, lr  }
0x1b: {  	s9 =	sadd.s32 $0xFFFFFEF7, lr;
	s5 =	simm.s32 $0xFFFFFFFF;
	p2 =	slt.u32 s8, $0xFFFFF086  }
0x1c: {  	p1 =	slt.u32 s9, $0xF7A;
	s5 =	simm.s32 @!p2 $0x0  }
0x1d: {  	s5 =	simm.s32 @p1 $0x1;
	p0 =	seq.s32 s7, s2  }
0x1e: {  	s7 =	smul.u32 @!p0 $0xF7A, s2;
	p2 =	seq.s32 @!p0 s5, $0x0  }
0x1f: {  	s9 =	smul.u32 $0xF7A, s1;
	s8 =	simm.s32 @!p0 $0x1BF5;
	p2 =	por !p2, p0  }
0x20: {  	[sflag:s8] =	ssyncset.s32 @!p0 $0xFFFFF086;
	s6 =	sadd.s32 @!p0 s3, s7;
	s7 =	simm.s32 @!p0 $0x108  }
0x21: {  	s3 =	sadd.s32 s3, s9;
	s6 =	sadd.s32 @!p0 $0x88, s6;
	s7 =	simm.s32 @p2 $0x1082  }
0x22: {  	[simem:s7], [sflag:s8] =	dma.local @!p0 [hbm:s6], $0xF7A  }
0x23: {  	s9 =	sor.u32 $0xD0000000, s2;
	s6 =	simm.s32 $0x108;
	_ =	swait.ge @!p0 [sflag:s8], $0x0  }
0x24: {  	s3 =	sadd.s32 $0x88, s3;
	s6 =	simm.s32 @!p1 $0x1082;
	[sflag:s4] =	ssyncset.s32 $0xFFFFF086  }
0x25: {  	[simem:s6], [sflag:s4] =	dma.local [hbm:s3], $0xF7A  }
0x26: {  	[smem:$0x3F9B] =	sst s1;
	(tag) =	ssettag s2;
	_ =	strace s9  }
0x27: {  	s1 =	sld [smem:$0x3FAB]  }
0x28: {  	s2 =	sld [smem:$0x3FAC]  }
0x29: {  	s4 =	sld [smem:$0x3FAE]  }
0x2a: {  	p0 =	seq.s32 s5, $0x0;
	s5 =	sld [smem:$0x3FAF]  }
0x2b: {  	s6 =	sld [smem:$0x3FB0]  }
0x2c: {  	s7 =	sld [smem:$0x3FB1]  }
0x2d: {  	s3 =	simm.s32 $0x108;
	s8 =	sld [smem:$0x3FB2]  }
0x2e: {  	s3 =	simm.s32 @!p0 $0x1082;
	s9 =	sld [smem:$0x3FB3]  }
0x2f: {  	lr =	sadd.s32 s0, s3;
	s0 =	sld [smem:$0x3FAA]  }
0x30: {  	s3 =	sld [smem:$0x3FAD]  }
0x31: {  	[smem:$0x3FB6] =	sst s10  }
0x32: {  	s10 =	sld [smem:$0x3FB4];
	_ =	sdelay $0x3  }
0x33: {  	p0 =	seq.s32 s10, $0x1;
	s10 =	sld [smem:$0x3FB6];
	_ =	sdelay $0x3  }
0x34: {  	[smem:$0x3FB6] =	sst s10  }
0x35: {  	s10 =	sld [smem:$0x3FB5];
	_ =	sdelay $0x3  }
0x36: {  	p1 =	seq.s32 s10, $0x1;
	s10 =	sld [smem:$0x3FB6];
	_ =	sdelay $0x3  }
0x37: {  	[smem:$0x3FB6] =	sst s10  }
0x38: {  	s10 =	sld [smem:$0x3FB7]  }
0x39: {  	_ = 	snop;
	(pc) =	sbr.ind lr, $3  }
0x3a: {  	_ = 	snop  }
0x3b: {  	_ = 	snop  }
0x3c: {  	p2 =	seq.s32 s10, $0x1;
	s10 =	sld [smem:$0x3FB6]  }
0x3d: {  	_ =	shalt  }
0x3e: {  	_ =	shalt  }
0x3f: {  	_ =	shalt  }
0x40: {  	_ =	shalt  }
0x41: {  	_ =	shalt  }
0x42: {  	_ =	shalt  }
0x43: {  	_ =	shalt  }
0x44: {  	_ =	shalt  }
0x45: {  	_ =	shalt  }
0x46: {  	_ =	shalt  }
0x47: {  	_ =	shalt  }
0x48: {  	_ =	shalt  }
0x49: {  	_ =	shalt  }
0x4a: {  	_ =	shalt  }
0x4b: {  	_ =	shalt  }
0x4c: {  	_ =	shalt  }
0x4d: {  	_ =	shalt  }
0x4e: {  	_ =	shalt  }
0x4f: {  	_ =	shalt  }
0x50: {  	_ =	shalt  }
0x51: {  	_ =	shalt  }
0x52: {  	_ =	shalt  }
0x53: {  	_ =	shalt  }
0x54: {  	_ =	shalt  }
0x55: {  	_ =	shalt  }
0x56: {  	_ =	shalt  }
0x57: {  	_ =	shalt  }
0x58: {  	_ =	shalt  }
0x59: {  	_ =	shalt  }
0x5a: {  	_ =	shalt  }
0x5b: {  	_ =	shalt  }
0x5c: {  	_ =	shalt  }
0x5d: {  	_ =	shalt  }
0x5e: {  	_ =	shalt  }
0x5f: {  	_ =	shalt  }
0x60: {  	_ =	shalt  }
0x61: {  	_ =	shalt  }
0x62: {  	_ =	shalt  }
0x63: {  	_ =	shalt  }
0x64: {  	_ =	shalt  }
0x65: {  	_ =	shalt  }
0x66: {  	_ =	shalt  }
0x67: {  	_ =	shalt  }
0x68: {  	_ =	shalt  }
0x69: {  	_ =	shalt  }
0x6a: {  	_ =	shalt  }
0x6b: {  	_ =	shalt  }
0x6c: {  	_ =	shalt  }
0x6d: {  	_ =	shalt  }
0x6e: {  	_ =	shalt  }
0x6f: {  	_ =	shalt  }
0x70: {  	_ =	shalt  }
0x71: {  	_ =	shalt  }
0x72: {  	_ =	shalt  }
0x73: {  	_ =	shalt  }
0x74: {  	_ =	shalt  }
0x75: {  	_ =	shalt  }
0x76: {  	_ =	shalt  }
0x77: {  	_ =	shalt  }
0x78: {  	_ =	shalt  }
0x79: {  	_ =	shalt  }
0x7a: {  	_ =	shalt  }
0x7b: {  	_ =	shalt  }
0x7c: {  	_ =	shalt  }
0x7d: {  	_ =	shalt  }
0x7e: {  	_ =	shalt  }
0x7f: {  	_ =	shalt  }
0x80: {  	_ =	shalt  }
0x81: {  	_ =	shalt  }
0x82: {  	_ =	shalt  }
0x83: {  	_ =	shalt  }
0x84: {  	_ =	shalt  }
0x85: {  	_ =	shalt  }
0x86: {  	_ =	shalt  }
0x87: {  	_ =	shalt  }
.Lfunc_end0:
.L_simem_size_0:
called_computation_lowered:
.L_overlay_start_0:
0x88: {  	s2 =	sld [smem:$0x3FD9]  }
0x89: {  	s3 =	sld [smem:$0x3FFE];
	_ =	sdelay $0x1  }
0x8a: {  	s1 =	srdreg.scid  }
0x8b: {  	s0 =	sand.u32 $0x1, s1  }
0x8c: {  	s17 =	sshll.u32 s0, $0xA;
	s2 =	sadd.s32 s3, s2  }
0x8d: {  	s2 =	sadd.s32 s2, s17  }
0x8e: {  	[smem:$0x3FC2] =	sst s2  }
0x8f: {  	_ = 	snop  }
0x90: {  	s2 =	sld [smem:$0x3FD0];
	(tm) =	ssettm $0x1  }
0x91: {  	s18 =	sld [smem:$0x3FFB];
	_ =	sdelay $0x3  }
0x92: {  	_ =	strace s18  }
0x93: {  	s3 =	sld [smem:$0x3FFC];
	_ =	sdelay $0x3  }
0x94: {  	_ =	strace s3  }
0x95: {  	s3 =	sld [smem:$0x3FFD];
	_ =	sdelay $0x3  }
0x96: {  	_ =	strace s3  }
0x97: {  	_ =	strace $0x8FFFFFFF  }
0x98: {  	s19 =	sld [smem:$0x3FDB];
	_ =	sdelay $0x1  }
0x99: {  	s4 =	simm.s32 $_scs_section_size  }
0x9a: {  	s5 =	simm.s32 $_size__tile_overlayer_lowered;
	s6 =	simm.s32 $_tile_overlayer_lowered  }
0x9b: {  	s22 =	simm.s32 $0x1BFF;
	s21 =	sshll.u32 s6, $0x1;
	s3 =	sadd.s32 s4, s19  }
0x9c: {  	s7 =	simm.s32 $0x0;
	s20 =	sshll.u32 s5, $0x1;
	s5 =	sadd.s32 s21, s3  }
0x9d: {  	[timem:s7], [sflag:s22] =	dma.local [hbm:s5], s20  }
0x9e: {  	_ =	swait.ge [sflag:s22], s20  }
0x9f: {  	s4 =	ssub.s32 $0x0, s20;
	[sflag:s22] =	ssyncset.done $0x0  }
0xa0: {  	[sflag:s22] =	ssyncadd.s32 s4;
	_ =	sdelay $0x1  }
0xa1: {  	s23 =	simm.s32 $0x1B8B  }
0xa2: {  	_ =	swait.ge [sflag:s23], $0x1  }
0xa3: {  	[sflag:s23] =	ssyncset.done $0x0  }
0xa4: {  	s25 =	simm.s32 $0x1B8E;
	s24 =	sld [smem:$0x3FFE];
	[sflag:s23] =	ssyncadd.s32 $0xFFFFFFFF  }
0xa5: {  	s26 =	simm.s32 $execute0_lowered;
	[smem:$0x3FD2] =	sst s25  }
0xa6: {  	s5 =	sshll.u32 s26, $0x1;
	_ =	strace $0x80000046;
	[dreg:$0x1] =	wrdreg $0xFFFFFFFF  }
0xa7: {  	s28 =	simm.s32 $_size_execute0_lowered;
	s3 =	sadd.s32 s3, s5;
	[dreg:$0x0] =	wrdreg $0x0  }
0xa8: {  	s5 =	sshll.u32 s28, $0x1;
	[dreg:$0x2] =	wrdreg s3  }
0xa9: {  	[dreg:$0x3] =	wrdreg s5  }
0xaa: {  	[dreg:$0x4] =	wrdreg $0xC0  }
0xab: {  	_ =	task [dreg:s7], $0x5FFFF  }
0xac: {  	[dreg:$0x1] =	wrdreg $0xFFFFFFFF  }
0xad: {  	[dreg:$0x0] =	wrdreg $0x60  }
0xae: {  	[dreg:$0x2] =	wrdreg s24  }
0xaf: {  	[dreg:$0x3] =	wrdreg s2  }
0xb0: {  	[dreg:$0x4] =	wrdreg $0x9  }
0xb1: {  	_ =	task.clear_ibuf [dreg:s7], $0x5FFFF;
	_ =	strace $0x90000046  }
0xb2: {  	s29 =	simm.s32 $0x9;
	_ =	strace $0x80000048  }
0xb3: {  	_ =	swait.ge [sflag:s29], $0x1  }
0xb4: {  	[sflag:s29] =	ssyncadd.s32 $0xFFFFFFFF  }
0xb5: {  	_ =	strace $0x90000048  }
0xb6: {  	_ =	sfence  }
0xb7: {  	s30 =	sld [smem:$0x0];
	_ =	sdelay $0x2  }
0xb8: {  	s31 =	sshll.u32 s1, $0xD;
	s1 =	sshrl.u32 s1, $0x2  }
0xb9: {  	s3 =	sand.u32 $0x4000, s31;
	s1 =	sadd.s32 s1, s30  }
0xba: {  	s0 =	sor.u32 s3, s0;
	s1 =	sshll.u32 s1, $0x11  }
0xbb: {  	s0 =	sor.u32 s1, s0  }
0xbc: {  	s0 =	sadd.s32 $0x8F2B, s0  }
0xbd: {  	[sflag:s0] =	ssyncadd.remote.s32 $0x1  }
0xbe: {  	_ =	sfence.sel $0xFFFF  }
0xbf: {  	[dreg:$0x0] =	wrdreg $0xFFFFFFFF;
	(pc) =	sbr.abs _section_cstart, $3  }
0xc0: {  	[dreg:$0x1] =	wrdreg $0xFFFFFFFF  }
0xc1: {  	_ =	task.clear_ibuf [dreg:s7], $0x2FFFF;
	_ =	strace $0x9FFFFFFF  }
0xc2: {  	(tm) =	ssettm $0x7FFFFFFF  }
0xc3: {  	_ =	shalt  }
tec
execute0_lowered:
.L_overlay_start_1:
0x0: {  	(tag) =	ssettag $0x1  }
0x1: {  	s3 =	rddreg [dreg:$0x0]  }
0x2: {  	s1 =	srdreg.scid;
	s0 =	stileid.u32  }
0x3: {  	s4 =	rddreg [dreg:$0x1];
	s9 =	simm.s32 $0x400;
	s10 =	simm.s32 $0x0  }
0x4: {  	s5 =	sand.u32 $0x1, s1;
	s2 =	sshll.u32 s0, $0x1;
	s1 =	rddreg [dreg:$0x2]  }
0x5: {  	s7 =	sshrl.u32 s0, $0x2;
	s6 =	sor.u32 s5, s2;
	s2 =	simm.s32 $0x0  }
0x6: {  	s7 =	smul.u32 $0x14000, s7;
	s5 =	ssub.s32 $0x2, s5;
	s8 =	sshll.u32 s6, $0x7  }
0x7: {  	[smem:$0x7FF] =	sst s2;
	s6 =	smul.u32 $0x4E2, s6;
	s31 =	sshrl.u32 s5, $0x1  }
0x8: {  	s8 =	sand.u32 $0x380, s8;
	_ =	strace $0x80000047;
	s5 =	ssub.s32 s5, s31  }
0x9: {  	s7 =	sor.u32 s7, s8;
	s3 =	sadd.s32 s6, s3;
	s5 =	smax.u32 s5, $0x1  }
0xa: {  	s6 =	simm.s32 $0x2800;
	s8 =	simm.s32 $0x80;
	s7 =	sshrl.u32 s7, $0x3  }
0xb: {  	v0 =	vimm.f32 $0.0e+00;
	v1 =	vimm.f32 $1.000000000e+00;
	s3 =	sadd.s32 $0x4000, s3;
	s4 =	sadd.s32 s4, s7;
	s7 =	simm.s32 $0x1  }
.LBB2_1:
0xc: {  	s11 =	simm.s32 $0x40;
	s12 =	simm.s32 $0x0  }
.LBB2_2:
0xd: {  	p0 =	sne.s32 s11, $0x9FC0;
	[tilespmem:s12+$0x0] =	vst v0;
	s12 =	smov.u32 s11;
	s11 =	sadd.s32 $0x40, s11  }
.Ltmp0:
0xe: {  	(pc) =	sbr.rel @p0 .LBB2_2-.Ltmp0, $2  }
0xf: {  	_ =	sdelay $0x2  }
0x10: {  	s12 =	sshra.s32 s12, $0x2  }
0x11: {  	[tilespmem:s12+$0x0] =	vst v0;
	s11 =	simm.s32 $0x0  }
0x12: {  	[tilespmem:s6], [sflag:$0x1] =	stream.linear.gather [hbm4b:s3+s11], $0x2710, $0x38;
	[tilespmem:$0x4F80] =	vst v63  }
0x13: {  	_ =	swait.ge [sflag:s7], $0x2710  }
0x14: {  	[sflag:s7] =	ssyncset.done $0x0  }
0x15: {  	s12 =	simm.s32 $0x0;
	s11 =	simm.s32 $0x40;
	[sflag:s7] =	ssyncadd.s32 $0xFFFFD8F0  }
.LBB2_4:
0x16: {  	p0 =	sne.s32 s11, $0x9C00;
	v2 =	vld [tilespmem:s12+$0x2800];
	_ =	sdelay $0x3  }
.Ltmp1:
0x17: {  	(pc) =	sbr.rel @p0 .LBB2_4-.Ltmp1, $2  }
0x18: {  	_ =	sdelay $0x2  }
0x19: {  	s12 =	sshra.s32 s11, $0x2;
	s11 =	sadd.s32 $0x40, s11;
	[tilespmem:v2+s2+$0x0] =	vst.idx.add.f32.msk $0xffff, v1  }
0x1a: {  	v2 =	vld [tilespmem:s12+$0x2800];
	_ =	sdelay $0x5  }
0x1b: {  	s10 =	sadd.s32 $0x1, s10  }
0x1c: {  	p0 =	sne.s32 s10, s5  }
.Ltmp2:
0x1d: {  	[tilespmem:v2+s2+$0x0] =	vst.idx.add.f32.msk $0xffff, v1;
	(pc) =	sbr.rel @p0 .LBB2_1-.Ltmp2, $4  }
0x1e: {  	[hbm4b:s4+s8] =	stream.strided.scatter [tilespmem:s2], [sflag:$0x1], $0x2800, s9, s8, $0x38;
	[tilespmem:$0x4F80] =	vst v63  }
0x1f: {  	_ =	swait.ge [sflag:s7], $0x2800  }
0x20: {  	[sflag:s7] =	ssyncset.done $0x0  }
0x21: {  	[sflag:s7] =	ssyncadd.s32 $0xFFFFD800  }
0x22: {  	_ =	sfence.sel $0x180000  }
0x23: {  	[bflag:$0x0] =	sbarrier.arrive $0xFFFF  }
0x24: {  	p0 =	sne.s32 s0, $0x0;
	_ =	strace $0x90000047  }
0x25: {  	s0 =	sadd.s32 @!p0 $0x100000, s1;
	[bflag:$0x2] =	sbarrier.arrive $0xFFFF  }
0x26: {  	[sflag:s0] =	ssyncadd.tile.s32 @!p0 $0x1;
	_ =	shalt  }
.Lfunc_end2:
_tile_overlayer_lowered:
.L_overlay_start_2:
0x27: {  	(tag) =	ssettag $0x2  }
0x28: {  	s0 =	rddreg [dreg:$0x0];
	s2 =	stileid.u32  }
0x29: {  	s1 =	rddreg [dreg:$0x1];
	p0 =	sne.s32 s2, $0x0  }
0x2a: {  	s3 =	rddreg [dreg:$0x2];
	[bflag:$0x3] =	sbarrier.arrive $0xFFFF;
	s2 =	simm.s32 @!p0 $0x1C01  }
0x2b: {  	[timem:s3], [sflag:s2] =	dma.local @!p0 [hbm:s0], s1  }
0x2c: {  	s0 =	simm.s32 @!p0 $0x1  }
0x2d: {  	_ =	swait.ge @!p0 [sflag:s0], s1  }
0x2e: {  	s1 =	ssub.s32 @!p0 $0x0, s1;
	[sflag:s0] =	ssyncset.done @!p0 $0x0  }
0x2f: {  	[sflag:s0] =	ssyncadd.s32 @!p0 s1  }
0x30: {  	[bflag:$0x3] =	sbarrier.arrive $0xFFFF  }
0x31: {  	_ =	shalt  }

// kernel: _run.14.cloned.1.call-start
scs
__scs_entry_jumppad:
0x0: {  	(pc) =	sbr.rel $0x88, $3  }
0x1: {  	(tag) =	ssettag $0x0;
	lr =	simm.s32 $0x1  }
0x2: {  	[smem:$0x3F9B] =	sst lr;
	_ =	strace $0xD0000000  }
0x3: {  	_ = 	snop  }
0x4: {  	_ = 	snop  }
0x5: {  	_ = 	snop  }
0x6: {  	_ = 	snop  }
0x7: {  	_ = 	snop  }
__scs_overlays_trampoline_lowered:
0x8: {  	[smem:$0x3FAA] =	sst s0  }
0x9: {  	[smem:$0x3FAB] =	sst s1  }
0xa: {  	[smem:$0x3FAC] =	sst s2  }
0xb: {  	[smem:$0x3FAD] =	sst s3  }
0xc: {  	[smem:$0x3FAE] =	sst s4  }
0xd: {  	[smem:$0x3FAF] =	sst s5  }
0xe: {  	[smem:$0x3FB0] =	sst s6  }
0xf: {  	[smem:$0x3FB1] =	sst s7  }
0x10: {  	[smem:$0x3FB2] =	sst s8  }
0x11: {  	[smem:$0x3FB3] =	sst s9;
	s0 =	simm.s32 @!p0 $0x0  }
0x12: {  	s1 =	sld [smem:$0x3F99];
	s0 =	simm.s32 @p0 $0x1  }
0x13: {  	[smem:$0x3FB4] =	sst s0;
	s0 =	simm.s32 @!p1 $0x0  }
0x14: {  	s2 =	sld [smem:$0x3F98];
	s0 =	simm.s32 @p1 $0x1  }
0x15: {  	[smem:$0x3FB5] =	sst s0;
	s0 =	simm.s32 @!p2 $0x0  }
0x16: {  	s3 =	sld [smem:$0x3FDB];
	s0 =	simm.s32 @p2 $0x1  }
0x17: {  	s4 =	simm.s32 $0x1BF5;
	[smem:$0x3FB7] =	sst s0  }
0x18: {  	s0 =	sld [smem:$0x3F9A];
	_ =	swait.ge [sflag:s4], $0x0  }
0x19: {  	s7 =	sld [smem:$0x3F9B]  }
0x1a: {  	s8 =	sadd.s32 $0xFFFFE003, lr  }
0x1b: {  	s9 =	sadd.s32 $0xFFFFFEF7, lr;
	s5 =	simm.s32 $0xFFFFFFFF;
	p2 =	slt.u32 s8, $0xFFFFF086  }
0x1c: {  	p1 =	slt.u32 s9, $0xF7A;
	s5 =	simm.s32 @!p2 $0x0  }
0x1d: {  	s5 =	simm.s32 @p1 $0x1;
	p0 =	seq.s32 s7, s2  }
0x1e: {  	s7 =	smul.u32 @!p0 $0xF7A, s2;
	p2 =	seq.s32 @!p0 s5, $0x0  }
0x1f: {  	s9 =	smul.u32 $0xF7A, s1;
	s8 =	simm.s32 @!p0 $0x1BF5;
	p2 =	por !p2, p0  }
0x20: {  	[sflag:s8] =	ssyncset.s32 @!p0 $0xFFFFF086;
	s6 =	sadd.s32 @!p0 s3, s7;
	s7 =	simm.s32 @!p0 $0x108  }
0x21: {  	s3 =	sadd.s32 s3, s9;
	s6 =	sadd.s32 @!p0 $0x88, s6;
	s7 =	simm.s32 @p2 $0x1082  }
0x22: {  	[simem:s7], [sflag:s8] =	dma.local @!p0 [hbm:s6], $0xF7A  }
0x23: {  	s9 =	sor.u32 $0xD0000000, s2;
	s6 =	simm.s32 $0x108;
	_ =	swait.ge @!p0 [sflag:s8], $0x0  }
0x24: {  	s3 =	sadd.s32 $0x88, s3;
	s6 =	simm.s32 @!p1 $0x1082;
	[sflag:s4] =	ssyncset.s32 $0xFFFFF086  }
0x25: {  	[simem:s6], [sflag:s4] =	dma.local [hbm:s3], $0xF7A  }
0x26: {  	[smem:$0x3F9B] =	sst s1;
	(tag) =	ssettag s2;
	_ =	strace s9  }
0x27: {  	s1 =	sld [smem:$0x3FAB]  }
0x28: {  	s2 =	sld [smem:$0x3FAC]  }
0x29: {  	s4 =	sld [smem:$0x3FAE]  }
0x2a: {  	p0 =	seq.s32 s5, $0x0;
	s5 =	sld [smem:$0x3FAF]  }
0x2b: {  	s6 =	sld [smem:$0x3FB0]  }
0x2c: {  	s7 =	sld [smem:$0x3FB1]  }
0x2d: {  	s3 =	simm.s32 $0x108;
	s8 =	sld [smem:$0x3FB2]  }
0x2e: {  	s3 =	simm.s32 @!p0 $0x1082;
	s9 =	sld [smem:$0x3FB3]  }
0x2f: {  	lr =	sadd.s32 s0, s3;
	s0 =	sld [smem:$0x3FAA]  }
0x30: {  	s3 =	sld [smem:$0x3FAD]  }
0x31: {  	[smem:$0x3FB6] =	sst s10  }
0x32: {  	s10 =	sld [smem:$0x3FB4];
	_ =	sdelay $0x3  }
0x33: {  	p0 =	seq.s32 s10, $0x1;
	s10 =	sld [smem:$0x3FB6];
	_ =	sdelay $0x3  }
0x34: {  	[smem:$0x3FB6] =	sst s10  }
0x35: {  	s10 =	sld [smem:$0x3FB5];
	_ =	sdelay $0x3  }
0x36: {  	p1 =	seq.s32 s10, $0x1;
	s10 =	sld [smem:$0x3FB6];
	_ =	sdelay $0x3  }
0x37: {  	[smem:$0x3FB6] =	sst s10  }
0x38: {  	s10 =	sld [smem:$0x3FB7]  }
0x39: {  	_ = 	snop;
	(pc) =	sbr.ind lr, $3  }
0x3a: {  	_ = 	snop  }
0x3b: {  	_ = 	snop  }
0x3c: {  	p2 =	seq.s32 s10, $0x1;
	s10 =	sld [smem:$0x3FB6]  }
0x3d: {  	_ =	shalt  }
0x3e: {  	_ =	shalt  }
0x3f: {  	_ =	shalt  }
0x40: {  	_ =	shalt  }
0x41: {  	_ =	shalt  }
0x42: {  	_ =	shalt  }
0x43: {  	_ =	shalt  }
0x44: {  	_ =	shalt  }
0x45: {  	_ =	shalt  }
0x46: {  	_ =	shalt  }
0x47: {  	_ =	shalt  }
0x48: {  	_ =	shalt  }
0x49: {  	_ =	shalt  }
0x4a: {  	_ =	shalt  }
0x4b: {  	_ =	shalt  }
0x4c: {  	_ =	shalt  }
0x4d: {  	_ =	shalt  }
0x4e: {  	_ =	shalt  }
0x4f: {  	_ =	shalt  }
0x50: {  	_ =	shalt  }
0x51: {  	_ =	shalt  }
0x52: {  	_ =	shalt  }
0x53: {  	_ =	shalt  }
0x54: {  	_ =	shalt  }
0x55: {  	_ =	shalt  }
0x56: {  	_ =	shalt  }
0x57: {  	_ =	shalt  }
0x58: {  	_ =	shalt  }
0x59: {  	_ =	shalt  }
0x5a: {  	_ =	shalt  }
0x5b: {  	_ =	shalt  }
0x5c: {  	_ =	shalt  }
0x5d: {  	_ =	shalt  }
0x5e: {  	_ =	shalt  }
0x5f: {  	_ =	shalt  }
0x60: {  	_ =	shalt  }
0x61: {  	_ =	shalt  }
0x62: {  	_ =	shalt  }
0x63: {  	_ =	shalt  }
0x64: {  	_ =	shalt  }
0x65: {  	_ =	shalt  }
0x66: {  	_ =	shalt  }
0x67: {  	_ =	shalt  }
0x68: {  	_ =	shalt  }
0x69: {  	_ =	shalt  }
0x6a: {  	_ =	shalt  }
0x6b: {  	_ =	shalt  }
0x6c: {  	_ =	shalt  }
0x6d: {  	_ =	shalt  }
0x6e: {  	_ =	shalt  }
0x6f: {  	_ =	shalt  }
0x70: {  	_ =	shalt  }
0x71: {  	_ =	shalt  }
0x72: {  	_ =	shalt  }
0x73: {  	_ =	shalt  }
0x74: {  	_ =	shalt  }
0x75: {  	_ =	shalt  }
0x76: {  	_ =	shalt  }
0x77: {  	_ =	shalt  }
0x78: {  	_ =	shalt  }
0x79: {  	_ =	shalt  }
0x7a: {  	_ =	shalt  }
0x7b: {  	_ =	shalt  }
0x7c: {  	_ =	shalt  }
0x7d: {  	_ =	shalt  }
0x7e: {  	_ =	shalt  }
0x7f: {  	_ =	shalt  }
0x80: {  	_ =	shalt  }
0x81: {  	_ =	shalt  }
0x82: {  	_ =	shalt  }
0x83: {  	_ =	shalt  }
0x84: {  	_ =	shalt  }
0x85: {  	_ =	shalt  }
0x86: {  	_ =	shalt  }
0x87: {  	_ =	shalt  }
.Lfunc_end0:
.L_simem_size_0:
called_computation.1_lowered:
.L_overlay_start_0:
0x88: {  	s2 =	sld [smem:$0x3FD9]  }
0x89: {  	s3 =	sld [smem:$0x3FFE];
	_ =	sdelay $0x1  }
0x8a: {  	s1 =	srdreg.scid  }
0x8b: {  	s0 =	sand.u32 $0x1, s1  }
0x8c: {  	s17 =	sshll.u32 s0, $0xA;
	s2 =	sadd.s32 s3, s2  }
0x8d: {  	s2 =	sadd.s32 s2, s17  }
0x8e: {  	[smem:$0x3FC2] =	sst s2  }
0x8f: {  	_ = 	snop  }
0x90: {  	s2 =	sld [smem:$0x3FD0];
	(tm) =	ssettm $0x1  }
0x91: {  	s18 =	sld [smem:$0x3FFB];
	_ =	sdelay $0x3  }
0x92: {  	_ =	strace s18  }
0x93: {  	s3 =	sld [smem:$0x3FFC];
	_ =	sdelay $0x3  }
0x94: {  	_ =	strace s3  }
0x95: {  	s3 =	sld [smem:$0x3FFD];
	_ =	sdelay $0x3  }
0x96: {  	_ =	strace s3  }
0x97: {  	_ =	strace $0x8FFFFFFF  }
0x98: {  	s19 =	sld [smem:$0x3FDB];
	_ =	sdelay $0x1  }
0x99: {  	s4 =	simm.s32 $_scs_section_size  }
0x9a: {  	s5 =	simm.s32 $_size__tile_overlayer_lowered;
	s6 =	simm.s32 $_tile_overlayer_lowered  }
0x9b: {  	s22 =	simm.s32 $0x1BFF;
	s21 =	sshll.u32 s6, $0x1;
	s3 =	sadd.s32 s4, s19  }
0x9c: {  	s7 =	simm.s32 $0x0;
	s20 =	sshll.u32 s5, $0x1;
	s5 =	sadd.s32 s21, s3  }
0x9d: {  	[timem:s7], [sflag:s22] =	dma.local [hbm:s5], s20  }
0x9e: {  	_ =	swait.ge [sflag:s22], s20  }
0x9f: {  	s4 =	ssub.s32 $0x0, s20;
	[sflag:s22] =	ssyncset.done $0x0  }
0xa0: {  	[sflag:s22] =	ssyncadd.s32 s4;
	_ =	sdelay $0x1  }
0xa1: {  	s23 =	simm.s32 $0x1B8B  }
0xa2: {  	_ =	swait.ge [sflag:s23], $0x1  }
0xa3: {  	[sflag:s23] =	ssyncset.done $0x0  }
0xa4: {  	s25 =	simm.s32 $0x1B8E;
	s24 =	sld [smem:$0x3FFE];
	[sflag:s23] =	ssyncadd.s32 $0xFFFFFFFF  }
0xa5: {  	s26 =	simm.s32 $execute0_lowered;
	[smem:$0x3FD2] =	sst s25  }
0xa6: {  	s5 =	sshll.u32 s26, $0x1;
	_ =	strace $0x80000049;
	[dreg:$0x1] =	wrdreg $0xFFFFFFFF  }
0xa7: {  	s28 =	simm.s32 $_size_execute0_lowered;
	s3 =	sadd.s32 s3, s5;
	[dreg:$0x0] =	wrdreg $0x0  }
0xa8: {  	s5 =	sshll.u32 s28, $0x1;
	[dreg:$0x2] =	wrdreg s3  }
0xa9: {  	[dreg:$0x3] =	wrdreg s5  }
0xaa: {  	[dreg:$0x4] =	wrdreg $0xC0  }
0xab: {  	_ =	task [dreg:s7], $0x5FFFF  }
0xac: {  	[dreg:$0x1] =	wrdreg $0xFFFFFFFF  }
0xad: {  	[dreg:$0x0] =	wrdreg $0x60  }
0xae: {  	[dreg:$0x2] =	wrdreg s2  }
0xaf: {  	[dreg:$0x3] =	wrdreg s24  }
0xb0: {  	[dreg:$0x4] =	wrdreg $0x0  }
0xb1: {  	[dreg:$0x5] =	wrdreg $0x9  }
0xb2: {  	_ =	task.clear_ibuf [dreg:s7], $0x6FFFF;
	_ =	strace $0x90000049  }
0xb3: {  	s29 =	simm.s32 $0x9;
	_ =	strace $0x8000004B  }
0xb4: {  	_ =	swait.ge [sflag:s29], $0x1  }
0xb5: {  	[sflag:s29] =	ssyncadd.s32 $0xFFFFFFFF  }
0xb6: {  	_ =	strace $0x9000004B  }
0xb7: {  	_ =	sfence  }
0xb8: {  	s30 =	sld [smem:$0x0];
	_ =	sdelay $0x2  }
0xb9: {  	s31 =	sshll.u32 s1, $0xD;
	s1 =	sshrl.u32 s1, $0x2  }
0xba: {  	s3 =	sand.u32 $0x4000, s31;
	s1 =	sadd.s32 s1, s30  }
0xbb: {  	s0 =	sor.u32 s3, s0;
	s1 =	sshll.u32 s1, $0x11  }
0xbc: {  	s0 =	sor.u32 s1, s0  }
0xbd: {  	s0 =	sadd.s32 $0x8F2B, s0  }
0xbe: {  	[sflag:s0] =	ssyncadd.remote.s32 $0x1  }
0xbf: {  	_ =	sfence.sel $0xFFFF  }
0xc0: {  	[dreg:$0x0] =	wrdreg $0xFFFFFFFF;
	(pc) =	sbr.abs _section_cstart, $3  }
0xc1: {  	[dreg:$0x1] =	wrdreg $0xFFFFFFFF  }
0xc2: {  	_ =	task.clear_ibuf [dreg:s7], $0x2FFFF;
	_ =	strace $0x9FFFFFFF  }
0xc3: {  	(tm) =	ssettm $0x7FFFFFFF  }
tec
execute0_lowered:
.L_overlay_start_1:
0x0: {  	(tag) =	ssettag $0x1  }
0x1: {  	s1 =	rddreg [dreg:$0x0]  }
0x2: {  	s0 =	rddreg [dreg:$0x1]  }
0x3: {  	s2 =	rddreg [dreg:$0x2]  }
0x4: {  	s3 =	simm.s32 $0x0;
	s6 =	srdreg.scid;
	s7 =	stileid.u32  }
0x5: {  	s28 =	simm.s32 $0x13900;
	s31 =	simm.s32 $0x3;
	s29 =	simm.s32 $0x5  }
0x6: {  	[smem:$0x7FF] =	sst s3;
	s4 =	sadd.s32 $0x22200, s0;
	s5 =	sadd.s32 $0xE200, s0  }
0x7: {  	s8 =	sand.u32 $0x1, s6;
	s16 =	sshll.u32 s7, $0x1;
	s10 =	smul.u32 $0x4E000, s7  }
0x8: {  	s13 =	smul.u32 $0x13800, s7;
	s19 =	sshll.u32 s7, $0x6;
	p0 =	sne.s32 s7, $0x0  }
0x9: {  	_ =	strace $0x8000004A;
	s6 =	sor.u32 s8, s16;
	s9 =	ssub.s32 $0x2, s8  }
0xa: {  	s22 =	sor.u32 $0x1C13, s19;
	s11 =	sshll.u32 s6, $0x4;
	s10 =	sshrl.u32 s10, $0x2  }
0xb: {  	s17 =	sshrl.u32 s13, $0x3;
	[dreg:$0x7] =	wrdreg s22;
	s10 =	sadd.s32 s10, s2  }
0xc: {  	s11 =	sadd.s32 s11, s0;
	s18 =	sadd.s32 s1, s17;
	[dreg:$0x5] =	wrdreg s10  }
0xd: {  	s6 =	smul.u32 $0x5000, s6;
	[dreg:$0x6] =	wrdreg s18;
	s20 =	sadd.s32 $0xDE00, s11  }
0xe: {  	s8 =	smul.u32 $0x138800, s8;
	s11 =	sadd.s32 $0xE000, s11;
	[dreg:$0x8] =	wrdreg s20  }
0xf: {  	s10 =	sshrl.u32 s6, $0x3;
	s16 =	sor.u32 $0x400, s6;
	[dreg:$0x9] =	wrdreg s11  }
0x10: {  	s12 =	sshrl.u32 s9, $0x1;
	s21 =	sadd.s32 s4, s10;
	[dreg:$0x4] =	wrdreg s16  }
0x11: {  	s23 =	sor.u32 $0x10, s10;
	s24 =	sadd.s32 s5, s10;
	[dreg:$0xa] =	wrdreg s21  }
0x12: {  	s0 =	sadd.s32 $0x5D400, s0;
	[dreg:$0xb] =	wrdreg s24;
	s25 =	sadd.s32 s4, s23  }
0x13: {  	s26 =	sor.u32 $0x20, s10;
	s11 =	sadd.s32 s5, s23;
	[dreg:$0xc] =	wrdreg s25  }
0x14: {  	s9 =	ssub.s32 s9, s12;
	s30 =	sadd.s32 s4, s26;
	[dreg:$0xd] =	wrdreg s11  }
0x15: {  	s15 =	sor.u32 $0x30, s10;
	s14 =	sadd.s32 s5, s26;
	[dreg:$0xe] =	wrdreg s30  }
0x16: {  	s20 =	sor.u32 $0x40, s10;
	s17 =	sadd.s32 s4, s15;
	[dreg:$0xf] =	wrdreg s14  }
0x17: {  	s18 =	sadd.s32 s13, s8;
	s21 =	sadd.s32 s4, s20;
	[dreg:$0x10] =	wrdreg s17  }
0x18: {  	s8 =	sshrl.u32 s8, $0x3;
	s26 =	sadd.s32 $0x138000, s2;
	[dreg:$0x13] =	wrdreg s21  }
0x19: {  	s23 =	sor.u32 $0x50, s10;
	s11 =	sadd.s32 s5, s15;
	[dreg:$0x19] =	wrdreg s26  }
0x1a: {  	s13 =	simm.s32 $0x40;
	s24 =	sadd.s32 s4, s23;
	[dreg:$0x11] =	wrdreg s11  }
0x1b: {  	s19 =	sshrl.u32 s18, $0x3;
	s7 =	sadd.s32 s5, s23;
	[dreg:$0x15] =	wrdreg s24  }
0x1c: {  	s25 =	smax.u32 s9, $0x1;
	s30 =	sadd.s32 $0x27000, s1;
	[dreg:$0x16] =	wrdreg s7  }
0x1d: {  	s26 =	simm.s32 $0x13880;
	s17 =	simm.s32 $0x2;
	[dreg:$0x18] =	wrdreg s25  }
0x1e: {  	s23 =	simm.s32 $0x4;
	s11 =	sadd.s32 s0, s19;
	[dreg:$0x1a] =	wrdreg s30  }
0x1f: {  	s0 =	sadd.s32 s0, s8;
	s8 =	sadd.s32 s5, s20;
	[dreg:$0x12] =	wrdreg s11  }
0x20: {  	s24 =	simm.s32 $0x13;
	[dreg:$0x14] =	wrdreg s8;
	s0 =	sadd.s32 $0x27000, s0  }
0x21: {  	s8 =	simm.s32 $0x6;
	[dreg:$0x17] =	wrdreg s0;
	s0 =	simm.s32 $0x0  }
.LBB2_1:
0x22: {  	[dreg:$0x1b] =	wrdreg s0  }
0x23: {  	s9 =	rddreg [dreg:$0x5]  }
0x24: {  	s7 =	rddreg [dreg:$0x6];
	s2 =	sshrl.u32 s9, $0x3  }
0x25: {  	[dreg:$0x1c] =	wrdreg s2  }
0x26: {  	[spmem:s2], [sflag:s22] =	dma.local [hbm:s7], $0x2700  }
0x27: {  	_ =	swait.ge [sflag:s24], $0x2700  }
0x28: {  	s9 =	rddreg [dreg:$0x19]  }
0x29: {  	[sflag:s24] =	ssyncset.done $0x0;
	s0 =	sshrl.u32 @!p0 s9, $0x3;
	s9 =	rddreg [dreg:$0x1a]  }
0x2a: {  	[sflag:s24] =	ssyncadd.s32 $0xFFFFD900;
	[dreg:$0x1d] =	wrdreg s0  }
0x2b: {  	[spmem:s0], [sflag:s22] =	dma.local @!p0 [hbm:s9], $0x100  }
0x2c: {  	s9 =	simm.s32 @!p0 $0x13  }
0x2d: {  	_ =	swait.ge @!p0 [sflag:s9], $0x100  }
0x2e: {  	[sflag:s9] =	ssyncset.done @!p0 $0x0  }
0x2f: {  	s10 =	rddreg [dreg:$0x8];
	[sflag:s9] =	ssyncadd.s32 @!p0 $0xFFFFFF00  }
0x30: {  	[tilespmem:s26], [sflag:$0x13] =	stream.linear.gather [hbm4b:s10+s3], $0x80, $0x38;
	[tilespmem:$0x1FF80] =	vst v63  }
0x31: {  	_ =	swait.ge [sflag:s24], $0x80  }
0x32: {  	[sflag:s24] =	ssyncset.done $0x0  }
0x33: {  	s11 =	rddreg [dreg:$0x9];
	[sflag:s24] =	ssyncadd.s32 $0xFFFFFF80  }
0x34: {  	[tilespmem:s28], [sflag:$0x13] =	stream.linear.gather [hbm4b:s11+s3], $0x80, $0x38;
	[tilespmem:$0x1FF80] =	vst v63  }
0x35: {  	_ =	swait.ge [sflag:s24], $0x80  }
0x36: {  	[sflag:s24] =	ssyncset.done $0x0  }
0x37: {  	[sflag:s24] =	ssyncadd.s32 $0xFFFFFF80  }
0x38: {  	[bflag:$0x0] =	sbarrier.arrive $0xFFFF  }
0x39: {  	s10 =	simm.s32 $0x13980;
	s12 =	rddreg [dreg:$0xa]  }
0x3a: {  	[tilespmem:s10], [sflag:$0x1] =	stream.linear.gather [hbm4b:s12+s3], $0x80, $0x38;
	[tilespmem:$0x1FF80] =	vst v63  }
0x3b: {  	s15 =	simm.s32 $0x13C80;
	s14 =	rddreg [dreg:$0xb]  }
0x3c: {  	[tilespmem:s15], [sflag:$0x1] =	stream.linear.gather [hbm4b:s14+s3], $0x80, $0x38;
	[tilespmem:$0x1FF80] =	vst v63  }
0x3d: {  	s26 =	simm.s32 $0x13A00;
	s16 =	rddreg [dreg:$0xc]  }
0x3e: {  	[tilespmem:s26], [sflag:$0x2] =	stream.linear.gather [hbm4b:s16+s3], $0x80, $0x38;
	[tilespmem:$0x1FF80] =	vst v63  }
0x3f: {  	s24 =	simm.s32 $0x13D00;
	s18 =	rddreg [dreg:$0xd];
	s12 =	simm.s32 $0x1  }
0x40: {  	[tilespmem:s24], [sflag:$0x2] =	stream.linear.gather [hbm4b:s18+s3], $0x80, $0x38;
	[tilespmem:$0x1FF80] =	vst v63  }
0x41: {  	_ =	swait.ge [sflag:s12], $0x80  }
0x42: {  	[sflag:s12] =	ssyncset.done $0x0  }
0x43: {  	[sflag:s12] =	ssyncadd.s32 $0xFFFFFF80  }
0x44: {  	_ =	swait.ge [sflag:s12], $0x80  }
0x45: {  	[sflag:s12] =	ssyncset.done $0x0  }
0x46: {  	[sflag:s12] =	ssyncadd.s32 $0xFFFFFF80  }
0x47: {  	s25 =	simm.s32 $0x13F80;
	s1 =	rddreg [dreg:$0x0]  }
0x48: {  	[tilespmem:s25], [sflag:$0x7] =	stream.indirect.gather [hbm4b:s1+s13], $0x80, s10, s13, $0xb8;
	[tilespmem:$0x1FF80] =	vst v63  }
0x49: {  	s28 =	simm.s32 $0x13A80;
	s19 =	rddreg [dreg:$0xe]  }
0x4a: {  	[tilespmem:s28], [sflag:$0x3] =	stream.linear.gather [hbm4b:s19+s3], $0x80, $0x38;
	[tilespmem:$0x1FF80] =	vst v63  }
0x4b: {  	s30 =	simm.s32 $0x13D80;
	s20 =	rddreg [dreg:$0xf]  }
0x4c: {  	[tilespmem:s30], [sflag:$0x3] =	stream.linear.gather [hbm4b:s20+s3], $0x80, $0x38;
	[tilespmem:$0x1FF80] =	vst v63  }
0x4d: {  	_ =	swait.ge [sflag:s17], $0x80  }
0x4e: {  	[sflag:s17] =	ssyncset.done $0x0  }
0x4f: {  	[sflag:s17] =	ssyncadd.s32 $0xFFFFFF80  }
0x50: {  	_ =	swait.ge [sflag:s17], $0x80  }
0x51: {  	[sflag:s17] =	ssyncset.done $0x0  }
0x52: {  	s11 =	simm.s32 $0x15F80;
	[sflag:s17] =	ssyncadd.s32 $0xFFFFFF80  }
0x53: {  	[tilespmem:s11], [sflag:$0x8] =	stream.indirect.gather [hbm4b:s1+s13], $0x80, s26, s13, $0xb8;
	[tilespmem:$0x1FF80] =	vst v63  }
0x54: {  	s14 =	simm.s32 $0x13B00;
	s21 =	rddreg [dreg:$0x10]  }
0x55: {  	[tilespmem:s14], [sflag:$0x4] =	stream.linear.gather [hbm4b:s21+s3], $0x80, $0x38;
	[tilespmem:$0x1FF80] =	vst v63  }
0x56: {  	s16 =	simm.s32 $0x13E00;
	s22 =	rddreg [dreg:$0x11]  }
0x57: {  	[tilespmem:s16], [sflag:$0x4] =	stream.linear.gather [hbm4b:s22+s3], $0x80, $0x38;
	[tilespmem:$0x1FF80] =	vst v63  }
0x58: {  	_ =	swait.ge [sflag:s31], $0x80  }
0x59: {  	[sflag:s31] =	ssyncset.done $0x0  }
0x5a: {  	[sflag:s31] =	ssyncadd.s32 $0xFFFFFF80  }
0x5b: {  	_ =	swait.ge [sflag:s31], $0x80  }
0x5c: {  	[sflag:s31] =	ssyncset.done $0x0  }
0x5d: {  	s18 =	simm.s32 $0x17F80;
	[sflag:s31] =	ssyncadd.s32 $0xFFFFFF80  }
0x5e: {  	[tilespmem:s18], [sflag:$0x9] =	stream.indirect.gather [hbm4b:s1+s13], $0x80, s28, s13, $0xb8;
	[tilespmem:$0x1FF80] =	vst v63  }
0x5f: {  	s20 =	simm.s32 $0x13B80;
	s0 =	rddreg [dreg:$0x13]  }
0x60: {  	[tilespmem:s20], [sflag:$0x5] =	stream.linear.gather [hbm4b:s0+s3], $0x80, $0x38;
	[tilespmem:$0x1FF80] =	vst v63  }
0x61: {  	s7 =	simm.s32 $0x13E80;
	s2 =	rddreg [dreg:$0x14]  }
0x62: {  	[tilespmem:s7], [sflag:$0x5] =	stream.linear.gather [hbm4b:s2+s3], $0x80, $0x38;
	[tilespmem:$0x1FF80] =	vst v63  }
0x63: {  	_ =	swait.ge [sflag:s23], $0x80  }
0x64: {  	[sflag:s23] =	ssyncset.done $0x0  }
0x65: {  	[sflag:s23] =	ssyncadd.s32 $0xFFFFFF80  }
0x66: {  	_ =	swait.ge [sflag:s23], $0x80  }
0x67: {  	[sflag:s23] =	ssyncset.done $0x0  }
0x68: {  	s9 =	simm.s32 $0x19F80;
	s19 =	simm.s32 $0x7;
	[sflag:s23] =	ssyncadd.s32 $0xFFFFFF80  }
0x69: {  	[tilespmem:s9], [sflag:$0xA] =	stream.indirect.gather [hbm4b:s1+s13], $0x80, s14, s13, $0xb8;
	[tilespmem:$0x1FF80] =	vst v63  }
0x6a: {  	_ =	swait.ge [sflag:s19], $0x2000  }
0x6b: {  	[sflag:s19] =	ssyncset.done $0x0  }
0x6c: {  	[sflag:s19] =	ssyncadd.s32 $0xFFFFE000  }
0x6d: {  	s21 =	simm.s32 $0x13C80;
	s2 =	rddreg [dreg:$0x2]  }
0x6e: {  	[spmem:s2] =	stream.indirect.scatter.add.f32 [tilespmem:s25], [sflag:$0xD], $0x80, s21, s13, $0xb8;
	[tilespmem:$0x1FF80] =	vst v63  }
0x6f: {  	s22 =	simm.s32 $0x13C00;
	s15 =	rddreg [dreg:$0x15]  }
0x70: {  	[tilespmem:s22], [sflag:$0x6] =	stream.linear.gather [hbm4b:s15+s3], $0x80, $0x38;
	[tilespmem:$0x1FF80] =	vst v63  }
0x71: {  	s0 =	rddreg [dreg:$0x16];
	s15 =	simm.s32 $0x13F00  }
0x72: {  	[tilespmem:s15], [sflag:$0x6] =	stream.linear.gather [hbm4b:s0+s3], $0x80, $0x38;
	[tilespmem:$0x1FF80] =	vst v63  }
0x73: {  	_ =	swait.ge [sflag:s29], $0x80  }
0x74: {  	[sflag:s29] =	ssyncset.done $0x0  }
0x75: {  	[sflag:s29] =	ssyncadd.s32 $0xFFFFFF80  }
0x76: {  	_ =	swait.ge [sflag:s29], $0x80  }
0x77: {  	[sflag:s29] =	ssyncset.done $0x0  }
0x78: {  	s22 =	simm.s32 $0x8;
	s15 =	simm.s32 $0x1BF80;
	[sflag:s29] =	ssyncadd.s32 $0xFFFFFF80  }
0x79: {  	[tilespmem:s15], [sflag:$0xB] =	stream.indirect.gather [hbm4b:s1+s13], $0x80, s20, s13, $0xb8;
	[tilespmem:$0x1FF80] =	vst v63  }
0x7a: {  	s9 =	simm.s32 $0x300;
	_ =	swait.ge [sflag:s22], $0x2000  }
0x7b: {  	s0 =	sand.u32 $0xFC00, s9;
	s9 =	sand.u32 $0x300, s9;
	[sflag:s22] =	ssyncset.done $0x0  }
0x7c: {  	[sflag:s22] =	ssyncadd.s32 $0xFFFFE000;
	s22 =	sadd.s32 s6, s0;
	s0 =	simm.s32 $0xD  }
0x7d: {  	[spmem:s2] =	stream.indirect.scatter.add.f32 [tilespmem:s11], [sflag:$0xE], $0x80, s24, s13, $0xb8;
	[tilespmem:$0x1FF80] =	vst v63  }
0x7e: {  	s9 =	sor.u32 s9, s22;
	_ =	swait.ge [sflag:s0], $0x2000  }
0x7f: {  	s9 =	sshrl.u32 s9, $0x3;
	[sflag:s0] =	ssyncset.done $0x0  }
0x80: {  	s22 =	sadd.s32 s4, s9;
	[sflag:s0] =	ssyncadd.s32 $0xFFFFE000  }
0x81: {  	[tilespmem:s10], [sflag:$0x1] =	stream.linear.gather [hbm4b:s22+s3], $0x80, $0x38;
	[tilespmem:$0x1FF80] =	vst v63  }
0x82: {  	s9 =	sadd.s32 s5, s9  }
0x83: {  	[tilespmem:s21], [sflag:$0x1] =	stream.linear.gather [hbm4b:s9+s3], $0x80, $0x38;
	[tilespmem:$0x1FF80] =	vst v63  }
0x84: {  	_ =	swait.ge [sflag:s8], $0x80  }
0x85: {  	[sflag:s8] =	ssyncset.done $0x0  }
0x86: {  	[sflag:s8] =	ssyncadd.s32 $0xFFFFFF80  }
0x87: {  	_ =	swait.ge [sflag:s8], $0x80  }
0x88: {  	s7 =	simm.s32 $0x13C00;
	s0 =	simm.s32 $0x1DF80;
	[sflag:s8] =	ssyncset.done $0x0  }
0x89: {  	s9 =	simm.s32 $0x380;
	s21 =	simm.s32 $0x9;
	[sflag:s8] =	ssyncadd.s32 $0xFFFFFF80  }
0x8a: {  	[tilespmem:s0], [sflag:$0xC] =	stream.indirect.gather [hbm4b:s1+s13], $0x80, s7, s13, $0xb8;
	[tilespmem:$0x1FF80] =	vst v63  }
0x8b: {  	s7 =	sand.u32 $0xFC00, s9;
	_ =	swait.ge [sflag:s21], $0x2000  }
0x8c: {  	s9 =	sand.u32 $0x380, s9;
	s22 =	sadd.s32 s6, s7;
	[sflag:s21] =	ssyncset.done $0x0  }
0x8d: {  	s9 =	sor.u32 s9, s22;
	s22 =	simm.s32 $0xE;
	[sflag:s21] =	ssyncadd.s32 $0xFFFFE000  }
0x8e: {  	[spmem:s2] =	stream.indirect.scatter.add.f32 [tilespmem:s18], [sflag:$0xF], $0x80, s30, s13, $0xb8;
	[tilespmem:$0x1FF80] =	vst v63  }
0x8f: {  	_ =	swait.ge [sflag:s22], $0x2000  }
0x90: {  	s9 =	sshrl.u32 s9, $0x3;
	[sflag:s22] =	ssyncset.done $0x0  }
0x91: {  	s7 =	sadd.s32 s4, s9;
	[sflag:s22] =	ssyncadd.s32 $0xFFFFE000  }
0x92: {  	[tilespmem:s26], [sflag:$0x2] =	stream.linear.gather [hbm4b:s7+s3], $0x80, $0x38;
	[tilespmem:$0x1FF80] =	vst v63  }
0x93: {  	s9 =	sadd.s32 s5, s9  }
0x94: {  	[tilespmem:s24], [sflag:$0x2] =	stream.linear.gather [hbm4b:s9+s3], $0x80, $0x38;
	[tilespmem:$0x1FF80] =	vst v63  }
0x95: {  	_ =	swait.ge [sflag:s12], $0x80  }
0x96: {  	[sflag:s12] =	ssyncset.done $0x0  }
0x97: {  	[sflag:s12] =	ssyncadd.s32 $0xFFFFFF80  }
0x98: {  	_ =	swait.ge [sflag:s12], $0x80  }
0x99: {  	[sflag:s12] =	ssyncset.done $0x0  }
0x9a: {  	s22 =	simm.s32 $0xA;
	[sflag:s12] =	ssyncadd.s32 $0xFFFFFF80  }
0x9b: {  	[tilespmem:s25], [sflag:$0x7] =	stream.indirect.gather [hbm4b:s1+s13], $0x80, s10, s13, $0xb8;
	[tilespmem:$0x1FF80] =	vst v63  }
0x9c: {  	_ =	swait.ge [sflag:s22], $0x2000  }
0x9d: {  	[sflag:s22] =	ssyncset.done $0x0  }
0x9e: {  	s12 =	simm.s32 $0x19F80;
	s10 =	simm.s32 $0xF;
	[sflag:s22] =	ssyncadd.s32 $0xFFFFE000  }
0x9f: {  	[spmem:s2] =	stream.indirect.scatter.add.f32 [tilespmem:s12], [sflag:$0x10], $0x80, s16, s13, $0xb8;
	[tilespmem:$0x1FF80] =	vst v63  }
0xa0: {  	s7 =	simm.s32 $0x0;
	_ =	swait.ge [sflag:s10], $0x2000  }
0xa1: {  	s21 =	sand.u32 $0x7C00, s7;
	s24 =	rddreg [dreg:$0x4]  }
0xa2: {  	s22 =	sand.u32 $0x300, s7;
	s9 =	sadd.s32 s21, s24  }
0xa3: {  	s9 =	sor.u32 s22, s9  }
0xa4: {  	[sflag:s10] =	ssyncset.done $0x0;
	s9 =	sshrl.u32 s9, $0x3  }
0xa5: {  	[sflag:s10] =	ssyncadd.s32 $0xFFFFE000;
	s24 =	sadd.s32 s4, s9  }
0xa6: {  	[tilespmem:s28], [sflag:$0x3] =	stream.linear.gather [hbm4b:s24+s3], $0x80, $0x38;
	[tilespmem:$0x1FF80] =	vst v63  }
0xa7: {  	s9 =	sadd.s32 s5, s9  }
0xa8: {  	[tilespmem:s30], [sflag:$0x3] =	stream.linear.gather [hbm4b:s9+s3], $0x80, $0x38;
	[tilespmem:$0x1FF80] =	vst v63  }
0xa9: {  	_ =	swait.ge [sflag:s17], $0x80  }
0xaa: {  	[sflag:s17] =	ssyncset.done $0x0  }
0xab: {  	[sflag:s17] =	ssyncadd.s32 $0xFFFFFF80  }
0xac: {  	_ =	swait.ge [sflag:s17], $0x80  }
0xad: {  	[sflag:s17] =	ssyncset.done $0x0  }
0xae: {  	s30 =	simm.s32 $0xB;
	[sflag:s17] =	ssyncadd.s32 $0xFFFFFF80  }
0xaf: {  	[tilespmem:s11], [sflag:$0x8] =	stream.indirect.gather [hbm4b:s1+s13], $0x80, s26, s13, $0xb8;
	[tilespmem:$0x1FF80] =	vst v63  }
0xb0: {  	s7 =	simm.s32 $0x480;
	s21 =	simm.s32 $0x13E80;
	_ =	swait.ge [sflag:s30], $0x2000  }
0xb1: {  	s24 =	simm.s32 $0x10;
	s11 =	sand.u32 $0xFC00, s7;
	[sflag:s30] =	ssyncset.done $0x0  }
0xb2: {  	s9 =	sand.u32 $0x380, s7;
	s22 =	sadd.s32 s6, s11;
	[sflag:s30] =	ssyncadd.s32 $0xFFFFE000  }
0xb3: {  	[spmem:s2] =	stream.indirect.scatter.add.f32 [tilespmem:s15], [sflag:$0x11], $0x80, s21, s13, $0xb8;
	[tilespmem:$0x1FF80] =	vst v63  }
0xb4: {  	s9 =	sor.u32 s9, s22;
	_ =	swait.ge [sflag:s24], $0x2000  }
0xb5: {  	s9 =	sshrl.u32 s9, $0x3;
	[sflag:s24] =	ssyncset.done $0x0  }
0xb6: {  	s26 =	sadd.s32 s4, s9;
	[sflag:s24] =	ssyncadd.s32 $0xFFFFE000  }
0xb7: {  	[tilespmem:s14], [sflag:$0x4] =	stream.linear.gather [hbm4b:s26+s3], $0x80, $0x38;
	[tilespmem:$0x1FF80] =	vst v63  }
0xb8: {  	s9 =	sadd.s32 s5, s9  }
0xb9: {  	[tilespmem:s16], [sflag:$0x4] =	stream.linear.gather [hbm4b:s9+s3], $0x80, $0x38;
	[tilespmem:$0x1FF80] =	vst v63  }
0xba: {  	_ =	swait.ge [sflag:s31], $0x80  }
0xbb: {  	[sflag:s31] =	ssyncset.done $0x0  }
0xbc: {  	[sflag:s31] =	ssyncadd.s32 $0xFFFFFF80  }
0xbd: {  	_ =	swait.ge [sflag:s31], $0x80  }
0xbe: {  	[sflag:s31] =	ssyncset.done $0x0  }
0xbf: {  	[sflag:s31] =	ssyncadd.s32 $0xFFFFFF80  }
0xc0: {  	[tilespmem:s18], [sflag:$0x9] =	stream.indirect.gather [hbm4b:s1+s13], $0x80, s28, s13, $0xb8;
	[tilespmem:$0x1FF80] =	vst v63  }
0xc1: {  	s30 =	simm.s32 $0x500;
	s28 =	simm.s32 $0xC  }
0xc2: {  	s11 =	sand.u32 $0xFC00, s30;
	_ =	swait.ge [sflag:s28], $0x2000  }
0xc3: {  	s15 =	simm.s32 $0x13F00;
	s22 =	sadd.s32 s6, s11;
	[sflag:s28] =	ssyncset.done $0x0  }
0xc4: {  	s9 =	sand.u32 $0x300, s30;
	s16 =	simm.s32 $0x11;
	[sflag:s28] =	ssyncadd.s32 $0xFFFFE000  }
0xc5: {  	[spmem:s2] =	stream.indirect.scatter.add.f32 [tilespmem:s0], [sflag:$0x12], $0x80, s15, s13, $0xb8;
	[tilespmem:$0x1FF80] =	vst v63  }
0xc6: {  	s9 =	sor.u32 s9, s22;
	_ =	swait.ge [sflag:s16], $0x2000  }
0xc7: {  	s9 =	sshrl.u32 s9, $0x3;
	[sflag:s16] =	ssyncset.done $0x0  }
0xc8: {  	s18 =	sadd.s32 s4, s9;
	[sflag:s16] =	ssyncadd.s32 $0xFFFFE000  }
0xc9: {  	[tilespmem:s20], [sflag:$0x5] =	stream.linear.gather [hbm4b:s18+s3], $0x80, $0x38;
	[tilespmem:$0x1FF80] =	vst v63  }
0xca: {  	s9 =	sadd.s32 s5, s9  }
0xcb: {  	[tilespmem:s21], [sflag:$0x5] =	stream.linear.gather [hbm4b:s9+s3], $0x80, $0x38;
	[tilespmem:$0x1FF80] =	vst v63  }
0xcc: {  	_ =	swait.ge [sflag:s23], $0x80  }
0xcd: {  	[sflag:s23] =	ssyncset.done $0x0  }
0xce: {  	[sflag:s23] =	ssyncadd.s32 $0xFFFFFF80  }
0xcf: {  	_ =	swait.ge [sflag:s23], $0x80  }
0xd0: {  	[sflag:s23] =	ssyncset.done $0x0  }
0xd1: {  	[sflag:s23] =	ssyncadd.s32 $0xFFFFFF80  }
0xd2: {  	[tilespmem:s12], [sflag:$0xA] =	stream.indirect.gather [hbm4b:s1+s13], $0x80, s14, s13, $0xb8;
	[tilespmem:$0x1FF80] =	vst v63  }
0xd3: {  	s24 =	simm.s32 $0x13C80;
	s20 =	simm.s32 $0x580;
	_ =	swait.ge [sflag:s19], $0x2000  }
0xd4: {  	s26 =	simm.s32 $0x12;
	s21 =	sand.u32 $0xFC00, s20;
	[sflag:s19] =	ssyncset.done $0x0  }
0xd5: {  	s9 =	sand.u32 $0x380, s20;
	s22 =	sadd.s32 s6, s21;
	[sflag:s19] =	ssyncadd.s32 $0xFFFFE000  }
0xd6: {  	[spmem:s2] =	stream.indirect.scatter.add.f32 [tilespmem:s25], [sflag:$0xD], $0x80, s24, s13, $0xb8;
	[tilespmem:$0x1FF80] =	vst v63  }
0xd7: {  	s9 =	sor.u32 s9, s22;
	_ =	swait.ge [sflag:s26], $0x2000  }
0xd8: {  	s9 =	sshrl.u32 s9, $0x3;
	[sflag:s26] =	ssyncset.done $0x0  }
0xd9: {  	s30 =	simm.s32 $0x13C00;
	s28 =	sadd.s32 s4, s9;
	[sflag:s26] =	ssyncadd.s32 $0xFFFFE000  }
0xda: {  	[tilespmem:s30], [sflag:$0x6] =	stream.linear.gather [hbm4b:s28+s3], $0x80, $0x38;
	[tilespmem:$0x1FF80] =	vst v63  }
0xdb: {  	s9 =	sadd.s32 s5, s9  }
0xdc: {  	[tilespmem:s15], [sflag:$0x6] =	stream.linear.gather [hbm4b:s9+s3], $0x80, $0x38;
	[tilespmem:$0x1FF80] =	vst v63  }
0xdd: {  	_ =	swait.ge [sflag:s29], $0x80  }
0xde: {  	[sflag:s29] =	ssyncset.done $0x0  }
0xdf: {  	s22 =	simm.s32 $0x880;
	s26 =	simm.s32 $0x600;
	[sflag:s29] =	ssyncadd.s32 $0xFFFFFF80  }
0xe0: {  	s24 =	simm.s32 $0xB80;
	s9 =	sand.u32 $0xFC00, s26;
	_ =	swait.ge [sflag:s29], $0x80  }
.LBB2_2:
0xe1: {  	[sflag:s29] =	ssyncset.done $0x0  }
0xe2: {  	s18 =	simm.s32 $0x13B80;
	[sflag:s29] =	ssyncadd.s32 $0xFFFFFF80  }
0xe3: {  	s0 =	simm.s32 $0x1BF80;
	s7 =	simm.s32 $0x8;
	s2 =	rddreg [dreg:$0x0]  }
0xe4: {  	[tilespmem:s0], [sflag:$0xB] =	stream.indirect.gather [hbm4b:s2+s13], $0x80, s18, s13, $0xb8;
	[tilespmem:$0x1FF80] =	vst v63  }
0xe5: {  	_ =	swait.ge [sflag:s7], $0x2000  }
0xe6: {  	s9 =	sadd.s32 s6, s9;
	s10 =	sand.u32 $0x300, s26;
	[sflag:s7] =	ssyncset.done $0x0  }
0xe7: {  	s26 =	smov.u32 s24;
	s14 =	simm.s32 $0x15F80;
	[sflag:s7] =	ssyncadd.s32 $0xFFFFE000  }
0xe8: {  	s11 =	simm.s32 $0xD;
	s7 =	simm.s32 $0x13D00;
	s12 =	rddreg [dreg:$0x2]  }
0xe9: {  	[spmem:s12] =	stream.indirect.scatter.add.f32 [tilespmem:s14], [sflag:$0xE], $0x80, s7, s13, $0xb8;
	[tilespmem:$0x1FF80] =	vst v63  }
0xea: {  	s28 =	sadd.s32 $0x300, s24;
	s9 =	sor.u32 s10, s9;
	_ =	swait.ge [sflag:s11], $0x2000  }
0xeb: {  	p1 =	sne.s32 s24, $0x4D80;
	s9 =	sshrl.u32 s9, $0x3;
	[sflag:s11] =	ssyncset.done $0x0  }
0xec: {  	s24 =	simm.s32 $0x13980;
	s1 =	sadd.s32 s4, s9;
	[sflag:s11] =	ssyncadd.s32 $0xFFFFE000  }
0xed: {  	[tilespmem:s24], [sflag:$0x1] =	stream.linear.gather [hbm4b:s1+s3], $0x80, $0x38;
	[tilespmem:$0x1FF80] =	vst v63  }
0xee: {  	s25 =	simm.s32 $0x13C80;
	s9 =	sadd.s32 s5, s9  }
0xef: {  	[tilespmem:s25], [sflag:$0x1] =	stream.linear.gather [hbm4b:s9+s3], $0x80, $0x38;
	[tilespmem:$0x1FF80] =	vst v63  }
0xf0: {  	_ =	swait.ge [sflag:s8], $0x80  }
0xf1: {  	[sflag:s8] =	ssyncset.done $0x0  }
0xf2: {  	[sflag:s8] =	ssyncadd.s32 $0xFFFFFF80  }
0xf3: {  	s20 =	simm.s32 $0x13C00;
	_ =	swait.ge [sflag:s8], $0x80  }
0xf4: {  	s21 =	simm.s32 $0x1DF80;
	s11 =	sadd.s32 $0xFFFFFE00, s22;
	[sflag:s8] =	ssyncset.done $0x0  }
0xf5: {  	s15 =	simm.s32 $0x9;
	s16 =	sand.u32 $0xFC00, s11;
	[sflag:s8] =	ssyncadd.s32 $0xFFFFFF80  }
0xf6: {  	[tilespmem:s21], [sflag:$0xC] =	stream.indirect.gather [hbm4b:s2+s13], $0x80, s20, s13, $0xb8;
	[tilespmem:$0x1FF80] =	vst v63  }
0xf7: {  	s10 =	sadd.s32 s6, s16;
	_ =	swait.ge [sflag:s15], $0x2000  }
0xf8: {  	s16 =	simm.s32 $0x17F80;
	s9 =	sand.u32 $0x380, s11;
	[sflag:s15] =	ssyncset.done $0x0  }
0xf9: {  	s11 =	simm.s32 $0x13D80;
	[sflag:s15] =	ssyncadd.s32 $0xFFFFE000;
	s15 =	simm.s32 $0xE  }
0xfa: {  	[spmem:s12] =	stream.indirect.scatter.add.f32 [tilespmem:s16], [sflag:$0xF], $0x80, s11, s13, $0xb8;
	[tilespmem:$0x1FF80] =	vst v63  }
0xfb: {  	s9 =	sor.u32 s9, s10;
	_ =	swait.ge [sflag:s15], $0x2000  }
0xfc: {  	s9 =	sshrl.u32 s9, $0x3;
	[sflag:s15] =	ssyncset.done $0x0  }
0xfd: {  	s30 =	simm.s32 $0x13A00;
	s19 =	sadd.s32 s4, s9;
	[sflag:s15] =	ssyncadd.s32 $0xFFFFE000  }
0xfe: {  	[tilespmem:s30], [sflag:$0x2] =	stream.linear.gather [hbm4b:s19+s3], $0x80, $0x38;
	[tilespmem:$0x1FF80] =	vst v63  }
0xff: {  	s1 =	simm.s32 $0x1;
	s9 =	sadd.s32 s5, s9  }
0x100: {  	[tilespmem:s7], [sflag:$0x2] =	stream.linear.gather [hbm4b:s9+s3], $0x80, $0x38;
	[tilespmem:$0x1FF80] =	vst v63  }
0x101: {  	_ =	swait.ge [sflag:s1], $0x80  }
0x102: {  	[sflag:s1] =	ssyncset.done $0x0  }
0x103: {  	[sflag:s1] =	ssyncadd.s32 $0xFFFFFF80  }
0x104: {  	_ =	swait.ge [sflag:s1], $0x80  }
0x105: {  	[sflag:s1] =	ssyncset.done $0x0  }
0x106: {  	s7 =	simm.s32 $0x13F80;
	[sflag:s1] =	ssyncadd.s32 $0xFFFFFF80  }
0x107: {  	[tilespmem:s7], [sflag:$0x7] =	stream.indirect.gather [hbm4b:s2+s13], $0x80, s24, s13, $0xb8;
	[tilespmem:$0x1FF80] =	vst v63  }
0x108: {  	s24 =	simm.s32 $0xA  }
0x109: {  	_ =	swait.ge [sflag:s24], $0x2000  }
0x10a: {  	s15 =	simm.s32 $0x13E00;
	[sflag:s24] =	ssyncset.done $0x0  }
0x10b: {  	s19 =	simm.s32 $0x19F80;
	s1 =	simm.s32 $0xF;
	[sflag:s24] =	ssyncadd.s32 $0xFFFFE000  }
0x10c: {  	[spmem:s12] =	stream.indirect.scatter.add.f32 [tilespmem:s19], [sflag:$0x10], $0x80, s15, s13, $0xb8;
	[tilespmem:$0x1FF80] =	vst v63  }
0x10d: {  	s9 =	sadd.s32 $0xFFFFFA80, s22;
	_ =	swait.ge [sflag:s1], $0x2000  }
0x10e: {  	s24 =	sand.u32 $0x7C00, s9;
	s10 =	rddreg [dreg:$0x4]  }
0x10f: {  	s9 =	sand.u32 $0x300, s9;
	s10 =	sadd.s32 s24, s10  }
0x110: {  	s9 =	sor.u32 s9, s10  }
0x111: {  	[sflag:s1] =	ssyncset.done $0x0;
	s9 =	sshrl.u32 s9, $0x3  }
0x112: {  	[sflag:s1] =	ssyncadd.s32 $0xFFFFE000;
	s24 =	simm.s32 $0x13A80;
	s1 =	sadd.s32 s4, s9  }
0x113: {  	[tilespmem:s24], [sflag:$0x3] =	stream.linear.gather [hbm4b:s1+s3], $0x80, $0x38;
	[tilespmem:$0x1FF80] =	vst v63  }
0x114: {  	s9 =	sadd.s32 s5, s9  }
0x115: {  	[tilespmem:s11], [sflag:$0x3] =	stream.linear.gather [hbm4b:s9+s3], $0x80, $0x38;
	[tilespmem:$0x1FF80] =	vst v63  }
0x116: {  	_ =	swait.ge [sflag:s17], $0x80  }
0x117: {  	[sflag:s17] =	ssyncset.done $0x0  }
0x118: {  	[sflag:s17] =	ssyncadd.s32 $0xFFFFFF80  }
0x119: {  	_ =	swait.ge [sflag:s17], $0x80  }
0x11a: {  	[sflag:s17] =	ssyncset.done $0x0  }
0x11b: {  	s10 =	simm.s32 $0xB;
	s11 =	sadd.s32 $0xFFFFFF00, s22;
	[sflag:s17] =	ssyncadd.s32 $0xFFFFFF80  }
0x11c: {  	[tilespmem:s14], [sflag:$0x8] =	stream.indirect.gather [hbm4b:s2+s13], $0x80, s30, s13, $0xb8;
	[tilespmem:$0x1FF80] =	vst v63  }
0x11d: {  	s9 =	sand.u32 $0x380, s11;
	_ =	swait.ge [sflag:s10], $0x2000  }
0x11e: {  	s14 =	sand.u32 $0xFC00, s11;
	s30 =	simm.s32 $0x10;
	[sflag:s10] =	ssyncset.done $0x0  }
0x11f: {  	[sflag:s10] =	ssyncadd.s32 $0xFFFFE000;
	s10 =	sadd.s32 s6, s14;
	s14 =	simm.s32 $0x13E80  }
0x120: {  	[spmem:s12] =	stream.indirect.scatter.add.f32 [tilespmem:s0], [sflag:$0x11], $0x80, s14, s13, $0xb8;
	[tilespmem:$0x1FF80] =	vst v63  }
0x121: {  	s9 =	sor.u32 s9, s10;
	_ =	swait.ge [sflag:s30], $0x2000  }
0x122: {  	s9 =	sshrl.u32 s9, $0x3;
	[sflag:s30] =	ssyncset.done $0x0  }
0x123: {  	s11 =	simm.s32 $0x13B00;
	s1 =	sadd.s32 s4, s9;
	[sflag:s30] =	ssyncadd.s32 $0xFFFFE000  }
0x124: {  	[tilespmem:s11], [sflag:$0x4] =	stream.linear.gather [hbm4b:s1+s3], $0x80, $0x38;
	[tilespmem:$0x1FF80] =	vst v63  }
0x125: {  	s9 =	sadd.s32 s5, s9  }
0x126: {  	[tilespmem:s15], [sflag:$0x4] =	stream.linear.gather [hbm4b:s9+s3], $0x80, $0x38;
	[tilespmem:$0x1FF80] =	vst v63  }
0x127: {  	_ =	swait.ge [sflag:s31], $0x80  }
0x128: {  	[sflag:s31] =	ssyncset.done $0x0  }
0x129: {  	[sflag:s31] =	ssyncadd.s32 $0xFFFFFF80  }
0x12a: {  	_ =	swait.ge [sflag:s31], $0x80  }
0x12b: {  	[sflag:s31] =	ssyncset.done $0x0  }
0x12c: {  	[sflag:s31] =	ssyncadd.s32 $0xFFFFFF80  }
0x12d: {  	[tilespmem:s16], [sflag:$0x9] =	stream.indirect.gather [hbm4b:s2+s13], $0x80, s24, s13, $0xb8;
	[tilespmem:$0x1FF80] =	vst v63  }
0x12e: {  	s16 =	simm.s32 $0xC  }
0x12f: {  	s1 =	simm.s32 $0x11;
	s24 =	sadd.s32 $0xFFFFFF80, s22;
	_ =	swait.ge [sflag:s16], $0x2000  }
0x130: {  	s15 =	simm.s32 $0x13F00;
	s30 =	sand.u32 $0xFC00, s24;
	[sflag:s16] =	ssyncset.done $0x0  }
0x131: {  	s9 =	sand.u32 $0x300, s24;
	s10 =	sadd.s32 s6, s30;
	[sflag:s16] =	ssyncadd.s32 $0xFFFFE000  }
0x132: {  	[spmem:s12] =	stream.indirect.scatter.add.f32 [tilespmem:s21], [sflag:$0x12], $0x80, s15, s13, $0xb8;
	[tilespmem:$0x1FF80] =	vst v63  }
0x133: {  	s9 =	sor.u32 s9, s10;
	_ =	swait.ge [sflag:s1], $0x2000  }
0x134: {  	s9 =	sshrl.u32 s9, $0x3;
	[sflag:s1] =	ssyncset.done $0x0  }
0x135: {  	s16 =	sadd.s32 s4, s9;
	[sflag:s1] =	ssyncadd.s32 $0xFFFFE000  }
0x136: {  	[tilespmem:s18], [sflag:$0x5] =	stream.linear.gather [hbm4b:s16+s3], $0x80, $0x38;
	[tilespmem:$0x1FF80] =	vst v63  }
0x137: {  	s9 =	sadd.s32 s5, s9  }
0x138: {  	[tilespmem:s14], [sflag:$0x5] =	stream.linear.gather [hbm4b:s9+s3], $0x80, $0x38;
	[tilespmem:$0x1FF80] =	vst v63  }
0x139: {  	_ =	swait.ge [sflag:s23], $0x80  }
0x13a: {  	[sflag:s23] =	ssyncset.done $0x0  }
0x13b: {  	[sflag:s23] =	ssyncadd.s32 $0xFFFFFF80  }
0x13c: {  	_ =	swait.ge [sflag:s23], $0x80  }
0x13d: {  	[sflag:s23] =	ssyncset.done $0x0  }
0x13e: {  	[sflag:s23] =	ssyncadd.s32 $0xFFFFFF80  }
0x13f: {  	[tilespmem:s19], [sflag:$0xA] =	stream.indirect.gather [hbm4b:s2+s13], $0x80, s11, s13, $0xb8;
	[tilespmem:$0x1FF80] =	vst v63  }
0x140: {  	s19 =	simm.s32 $0x7  }
0x141: {  	_ =	swait.ge [sflag:s19], $0x2000  }
0x142: {  	[sflag:s19] =	ssyncset.done $0x0  }
0x143: {  	s21 =	sand.u32 $0xFC00, s22;
	[sflag:s19] =	ssyncadd.s32 $0xFFFFE000  }
0x144: {  	[spmem:s12] =	stream.indirect.scatter.add.f32 [tilespmem:s7], [sflag:$0xD], $0x80, s25, s13, $0xb8;
	[tilespmem:$0x1FF80] =	vst v63  }
0x145: {  	s24 =	sand.u32 $0x380, s22;
	s9 =	sadd.s32 s6, s21;
	s25 =	simm.s32 $0x12  }
0x146: {  	s9 =	sor.u32 s24, s9;
	_ =	swait.ge [sflag:s25], $0x2000  }
0x147: {  	s9 =	sshrl.u32 s9, $0x3;
	[sflag:s25] =	ssyncset.done $0x0  }
0x148: {  	s30 =	sadd.s32 s4, s9;
	[sflag:s25] =	ssyncadd.s32 $0xFFFFE000  }
0x149: {  	[tilespmem:s20], [sflag:$0x6] =	stream.linear.gather [hbm4b:s30+s3], $0x80, $0x38;
	[tilespmem:$0x1FF80] =	vst v63  }
0x14a: {  	s9 =	sadd.s32 s5, s9  }
0x14b: {  	[tilespmem:s15], [sflag:$0x6] =	stream.linear.gather [hbm4b:s9+s3], $0x80, $0x38;
	[tilespmem:$0x1FF80] =	vst v63  }
.Ltmp0:
0x14c: {  	_ = 	snop;
	(pc) =	sbr.rel @p1 .LBB2_2-.Ltmp0, $4  }
0x14d: {  	_ =	swait.ge [sflag:s29], $0x80  }
0x14e: {  	s22 =	smov.u32 s26;
	[sflag:s29] =	ssyncset.done $0x0  }
0x14f: {  	s26 =	sadd.s32 $0xFFFFFD80, s22;
	[sflag:s29] =	ssyncadd.s32 $0xFFFFFF80  }
0x150: {  	s24 =	smov.u32 s28;
	s9 =	sand.u32 $0xFC00, s26;
	_ =	swait.ge [sflag:s29], $0x80  }
0x151: {  	[sflag:s29] =	ssyncset.done $0x0  }
0x152: {  	s2 =	simm.s32 $0x13B80;
	[sflag:s29] =	ssyncadd.s32 $0xFFFFFF80  }
0x153: {  	s0 =	simm.s32 $0x1BF80;
	s25 =	simm.s32 $0x8;
	s18 =	rddreg [dreg:$0x0]  }
0x154: {  	[tilespmem:s0], [sflag:$0xB] =	stream.indirect.gather [hbm4b:s18+s13], $0x80, s2, s13, $0xb8;
	[tilespmem:$0x1FF80] =	vst v63  }
0x155: {  	_ =	swait.ge [sflag:s25], $0x2000  }
0x156: {  	s9 =	sadd.s32 s6, s9;
	[sflag:s25] =	ssyncset.done $0x0  }
0x157: {  	s10 =	sand.u32 $0x300, s26;
	s16 =	simm.s32 $0x13D00;
	[sflag:s25] =	ssyncadd.s32 $0xFFFFE000  }
0x158: {  	s11 =	simm.s32 $0x15F80;
	s28 =	simm.s32 $0xD;
	s12 =	rddreg [dreg:$0x2]  }
0x159: {  	[spmem:s12] =	stream.indirect.scatter.add.f32 [tilespmem:s11], [sflag:$0xE], $0x80, s16, s13, $0xb8;
	[tilespmem:$0x1FF80] =	vst v63  }
0x15a: {  	s9 =	sor.u32 s10, s9;
	_ =	swait.ge [sflag:s28], $0x2000  }
0x15b: {  	s9 =	sshrl.u32 s9, $0x3;
	[sflag:s28] =	ssyncset.done $0x0  }
0x15c: {  	s24 =	simm.s32 $0x13980;
	s20 =	sadd.s32 s4, s9;
	[sflag:s28] =	ssyncadd.s32 $0xFFFFE000  }
0x15d: {  	[tilespmem:s24], [sflag:$0x1] =	stream.linear.gather [hbm4b:s20+s3], $0x80, $0x38;
	[tilespmem:$0x1FF80] =	vst v63  }
0x15e: {  	s21 =	simm.s32 $0x13C80;
	s9 =	sadd.s32 s5, s9  }
0x15f: {  	[tilespmem:s21], [sflag:$0x1] =	stream.linear.gather [hbm4b:s9+s3], $0x80, $0x38;
	[tilespmem:$0x1FF80] =	vst v63  }
0x160: {  	_ =	swait.ge [sflag:s8], $0x80  }
0x161: {  	[sflag:s8] =	ssyncset.done $0x0  }
0x162: {  	[sflag:s8] =	ssyncadd.s32 $0xFFFFFF80  }
0x163: {  	_ =	swait.ge [sflag:s8], $0x80  }
0x164: {  	s26 =	simm.s32 $0x13C00;
	s30 =	simm.s32 $0x1DF80;
	[sflag:s8] =	ssyncset.done $0x0  }
0x165: {  	s7 =	sadd.s32 $0xFFFFFE00, s22;
	s20 =	simm.s32 $0x9;
	[sflag:s8] =	ssyncadd.s32 $0xFFFFFF80  }
0x166: {  	[tilespmem:s30], [sflag:$0xC] =	stream.indirect.gather [hbm4b:s18+s13], $0x80, s26, s13, $0xb8;
	[tilespmem:$0x1FF80] =	vst v63  }
0x167: {  	s15 =	simm.s32 $0x13D80;
	s14 =	sand.u32 $0xFC00, s7;
	_ =	swait.ge [sflag:s20], $0x2000  }
0x168: {  	s10 =	sadd.s32 s6, s14;
	s9 =	sand.u32 $0x380, s7;
	[sflag:s20] =	ssyncset.done $0x0  }
0x169: {  	s7 =	simm.s32 $0x17F80;
	s21 =	simm.s32 $0xE;
	[sflag:s20] =	ssyncadd.s32 $0xFFFFE000  }
0x16a: {  	[spmem:s12] =	stream.indirect.scatter.add.f32 [tilespmem:s7], [sflag:$0xF], $0x80, s15, s13, $0xb8;
	[tilespmem:$0x1FF80] =	vst v63  }
0x16b: {  	s9 =	sor.u32 s9, s10;
	_ =	swait.ge [sflag:s21], $0x2000  }
0x16c: {  	s9 =	sshrl.u32 s9, $0x3;
	[sflag:s21] =	ssyncset.done $0x0  }
0x16d: {  	s16 =	sadd.s32 s4, s9;
	s26 =	simm.s32 $0x13A00;
	[sflag:s21] =	ssyncadd.s32 $0xFFFFE000  }
0x16e: {  	[tilespmem:s26], [sflag:$0x2] =	stream.linear.gather [hbm4b:s16+s3], $0x80, $0x38;
	[tilespmem:$0x1FF80] =	vst v63  }
0x16f: {  	s19 =	simm.s32 $0x13D00;
	s9 =	sadd.s32 s5, s9  }
0x170: {  	[tilespmem:s19], [sflag:$0x2] =	stream.linear.gather [hbm4b:s9+s3], $0x80, $0x38;
	[tilespmem:$0x1FF80] =	vst v63  }
0x171: {  	s19 =	simm.s32 $0x1  }
0x172: {  	_ =	swait.ge [sflag:s19], $0x80  }
0x173: {  	[sflag:s19] =	ssyncset.done $0x0  }
0x174: {  	[sflag:s19] =	ssyncadd.s32 $0xFFFFFF80  }
0x175: {  	_ =	swait.ge [sflag:s19], $0x80  }
0x176: {  	[sflag:s19] =	ssyncset.done $0x0  }
0x177: {  	s30 =	simm.s32 $0x13F80;
	s16 =	simm.s32 $0xA;
	[sflag:s19] =	ssyncadd.s32 $0xFFFFFF80  }
0x178: {  	[tilespmem:s30], [sflag:$0x7] =	stream.indirect.gather [hbm4b:s18+s13], $0x80, s24, s13, $0xb8;
	[tilespmem:$0x1FF80] =	vst v63  }
0x179: {  	_ =	swait.ge [sflag:s16], $0x2000  }
0x17a: {  	s9 =	simm.s32 $0x13E00;
	[sflag:s16] =	ssyncset.done $0x0  }
0x17b: {  	s19 =	simm.s32 $0xF;
	s30 =	simm.s32 $0x19F80;
	[sflag:s16] =	ssyncadd.s32 $0xFFFFE000  }
0x17c: {  	[spmem:s12] =	stream.indirect.scatter.add.f32 [tilespmem:s30], [sflag:$0x10], $0x80, s9, s13, $0xb8;
	[tilespmem:$0x1FF80] =	vst v63  }
0x17d: {  	s11 =	sadd.s32 $0xFFFFFA80, s22;
	_ =	swait.ge [sflag:s19], $0x2000  }
0x17e: {  	s14 =	sand.u32 $0x7C00, s11;
	s10 =	rddreg [dreg:$0x4]  }
0x17f: {  	s9 =	sadd.s32 s14, s10;
	s10 =	sand.u32 $0x300, s11  }
0x180: {  	s9 =	sor.u32 s10, s9  }
0x181: {  	[sflag:s19] =	ssyncset.done $0x0;
	s9 =	sshrl.u32 s9, $0x3  }
0x182: {  	s24 =	simm.s32 $0x13A80;
	[sflag:s19] =	ssyncadd.s32 $0xFFFFE000;
	s11 =	sadd.s32 s4, s9  }
0x183: {  	[tilespmem:s24], [sflag:$0x3] =	stream.linear.gather [hbm4b:s11+s3], $0x80, $0x38;
	[tilespmem:$0x1FF80] =	vst v63  }
0x184: {  	s7 =	simm.s32 $0x13D80;
	s9 =	sadd.s32 s5, s9  }
0x185: {  	[tilespmem:s7], [sflag:$0x3] =	stream.linear.gather [hbm4b:s9+s3], $0x80, $0x38;
	[tilespmem:$0x1FF80] =	vst v63  }
0x186: {  	_ =	swait.ge [sflag:s17], $0x80  }
0x187: {  	[sflag:s17] =	ssyncset.done $0x0  }
0x188: {  	[sflag:s17] =	ssyncadd.s32 $0xFFFFFF80  }
0x189: {  	_ =	swait.ge [sflag:s17], $0x80  }
0x18a: {  	s2 =	simm.s32 $0x15F80;
	[sflag:s17] =	ssyncset.done $0x0  }
0x18b: {  	s14 =	sadd.s32 $0xFFFFFF00, s22;
	s11 =	simm.s32 $0xB;
	[sflag:s17] =	ssyncadd.s32 $0xFFFFFF80  }
0x18c: {  	[tilespmem:s2], [sflag:$0x8] =	stream.indirect.gather [hbm4b:s18+s13], $0x80, s26, s13, $0xb8;
	[tilespmem:$0x1FF80] =	vst v63  }
0x18d: {  	s1 =	simm.s32 $0x1BF80;
	s9 =	sand.u32 $0x380, s14;
	_ =	swait.ge [sflag:s11], $0x2000  }
0x18e: {  	s7 =	simm.s32 $0x10;
	s26 =	sand.u32 $0xFC00, s14;
	[sflag:s11] =	ssyncset.done $0x0  }
0x18f: {  	s10 =	sadd.s32 s6, s26;
	s26 =	simm.s32 $0x13E80;
	[sflag:s11] =	ssyncadd.s32 $0xFFFFE000  }
0x190: {  	[spmem:s12] =	stream.indirect.scatter.add.f32 [tilespmem:s1], [sflag:$0x11], $0x80, s26, s13, $0xb8;
	[tilespmem:$0x1FF80] =	vst v63  }
0x191: {  	s9 =	sor.u32 s9, s10;
	_ =	swait.ge [sflag:s7], $0x2000  }
0x192: {  	s9 =	sshrl.u32 s9, $0x3;
	[sflag:s7] =	ssyncset.done $0x0  }
0x193: {  	s14 =	simm.s32 $0x13B00;
	s2 =	sadd.s32 s4, s9;
	[sflag:s7] =	ssyncadd.s32 $0xFFFFE000  }
0x194: {  	[tilespmem:s14], [sflag:$0x4] =	stream.linear.gather [hbm4b:s2+s3], $0x80, $0x38;
	[tilespmem:$0x1FF80] =	vst v63  }
0x195: {  	s0 =	simm.s32 $0x13E00;
	s9 =	sadd.s32 s5, s9  }
0x196: {  	[tilespmem:s0], [sflag:$0x4] =	stream.linear.gather [hbm4b:s9+s3], $0x80, $0x38;
	[tilespmem:$0x1FF80] =	vst v63  }
0x197: {  	_ =	swait.ge [sflag:s31], $0x80  }
0x198: {  	[sflag:s31] =	ssyncset.done $0x0  }
0x199: {  	[sflag:s31] =	ssyncadd.s32 $0xFFFFFF80  }
0x19a: {  	_ =	swait.ge [sflag:s31], $0x80  }
0x19b: {  	s15 =	simm.s32 $0x17F80;
	s1 =	sadd.s32 $0xFFFFFF80, s22;
	[sflag:s31] =	ssyncset.done $0x0  }
0x19c: {  	s2 =	sand.u32 $0xFC00, s1;
	s0 =	simm.s32 $0xC;
	[sflag:s31] =	ssyncadd.s32 $0xFFFFFF80  }
0x19d: {  	[tilespmem:s15], [sflag:$0x9] =	stream.indirect.gather [hbm4b:s18+s13], $0x80, s24, s13, $0xb8;
	[tilespmem:$0x1FF80] =	vst v63  }
0x19e: {  	s10 =	sadd.s32 s6, s2;
	_ =	swait.ge [sflag:s0], $0x2000  }
0x19f: {  	s9 =	sand.u32 $0x300, s1;
	s1 =	simm.s32 $0x11;
	[sflag:s0] =	ssyncset.done $0x0  }
0x1a0: {  	s24 =	simm.s32 $0x13F00;
	s15 =	simm.s32 $0x1DF80;
	[sflag:s0] =	ssyncadd.s32 $0xFFFFE000  }
0x1a1: {  	[spmem:s12] =	stream.indirect.scatter.add.f32 [tilespmem:s15], [sflag:$0x12], $0x80, s24, s13, $0xb8;
	[tilespmem:$0x1FF80] =	vst v63  }
0x1a2: {  	s9 =	sor.u32 s9, s10;
	_ =	swait.ge [sflag:s1], $0x2000  }
0x1a3: {  	s9 =	sshrl.u32 s9, $0x3;
	[sflag:s1] =	ssyncset.done $0x0  }
0x1a4: {  	s2 =	sadd.s32 s4, s9;
	s15 =	simm.s32 $0x13B80;
	[sflag:s1] =	ssyncadd.s32 $0xFFFFE000  }
0x1a5: {  	[tilespmem:s15], [sflag:$0x5] =	stream.linear.gather [hbm4b:s2+s3], $0x80, $0x38;
	[tilespmem:$0x1FF80] =	vst v63  }
0x1a6: {  	s9 =	sadd.s32 s5, s9  }
0x1a7: {  	[tilespmem:s26], [sflag:$0x5] =	stream.linear.gather [hbm4b:s9+s3], $0x80, $0x38;
	[tilespmem:$0x1FF80] =	vst v63  }
0x1a8: {  	_ =	swait.ge [sflag:s23], $0x80  }
0x1a9: {  	[sflag:s23] =	ssyncset.done $0x0  }
0x1aa: {  	[sflag:s23] =	ssyncadd.s32 $0xFFFFFF80  }
0x1ab: {  	_ =	swait.ge [sflag:s23], $0x80  }
0x1ac: {  	[sflag:s23] =	ssyncset.done $0x0  }
0x1ad: {  	[sflag:s23] =	ssyncadd.s32 $0xFFFFFF80  }
0x1ae: {  	[tilespmem:s30], [sflag:$0xA] =	stream.indirect.gather [hbm4b:s18+s13], $0x80, s14, s13, $0xb8;
	[tilespmem:$0x1FF80] =	vst v63  }
0x1af: {  	s14 =	simm.s32 $0x7  }
0x1b0: {  	_ =	swait.ge [sflag:s14], $0x2000  }
0x1b1: {  	s10 =	simm.s32 $0x13F80;
	[sflag:s14] =	ssyncset.done $0x0  }
0x1b2: {  	s2 =	simm.s32 $0x13C80;
	s9 =	sand.u32 $0xFC00, s22;
	[sflag:s14] =	ssyncadd.s32 $0xFFFFE000  }
0x1b3: {  	[spmem:s12] =	stream.indirect.scatter.add.f32 [tilespmem:s10], [sflag:$0xD], $0x80, s2, s13, $0xb8;
	[tilespmem:$0x1FF80] =	vst v63  }
0x1b4: {  	s9 =	sadd.s32 s6, s9;
	s2 =	sand.u32 $0x380, s22;
	s22 =	simm.s32 $0x12  }
0x1b5: {  	_ =	swait.ge [sflag:s22], $0x2000;
	s9 =	sor.u32 s2, s9  }
0x1b6: {  	[sflag:s22] =	ssyncset.done $0x0;
	s9 =	sshrl.u32 s9, $0x3  }
0x1b7: {  	s2 =	simm.s32 $0x13C00;
	[sflag:s22] =	ssyncadd.s32 $0xFFFFE000;
	s10 =	sadd.s32 s4, s9  }
0x1b8: {  	[tilespmem:s2], [sflag:$0x6] =	stream.linear.gather [hbm4b:s10+s3], $0x80, $0x38;
	[tilespmem:$0x1FF80] =	vst v63  }
0x1b9: {  	s9 =	sadd.s32 s5, s9  }
0x1ba: {  	[tilespmem:s24], [sflag:$0x6] =	stream.linear.gather [hbm4b:s9+s3], $0x80, $0x38;
	[tilespmem:$0x1FF80] =	vst v63  }
0x1bb: {  	_ =	swait.ge [sflag:s29], $0x80  }
0x1bc: {  	[sflag:s29] =	ssyncset.done $0x0  }
0x1bd: {  	[sflag:s29] =	ssyncadd.s32 $0xFFFFFF80  }
0x1be: {  	_ =	swait.ge [sflag:s29], $0x80  }
0x1bf: {  	[sflag:s29] =	ssyncset.done $0x0  }
0x1c0: {  	s9 =	simm.s32 $0x1BF80;
	[sflag:s29] =	ssyncadd.s32 $0xFFFFFF80  }
0x1c1: {  	[tilespmem:s9], [sflag:$0xB] =	stream.indirect.gather [hbm4b:s18+s13], $0x80, s15, s13, $0xb8;
	[tilespmem:$0x1FF80] =	vst v63  }
0x1c2: {  	_ =	swait.ge [sflag:s25], $0x2000  }
0x1c3: {  	[sflag:s25] =	ssyncset.done $0x0  }
0x1c4: {  	s15 =	simm.s32 $0x13D00;
	[sflag:s25] =	ssyncadd.s32 $0xFFFFE000;
	s25 =	simm.s32 $0x15F80  }
0x1c5: {  	[spmem:s12] =	stream.indirect.scatter.add.f32 [tilespmem:s25], [sflag:$0xE], $0x80, s15, s13, $0xb8;
	[tilespmem:$0x1FF80] =	vst v63  }
0x1c6: {  	_ =	swait.ge [sflag:s8], $0x80  }
0x1c7: {  	[sflag:s8] =	ssyncset.done $0x0  }
0x1c8: {  	[sflag:s8] =	ssyncadd.s32 $0xFFFFFF80  }
0x1c9: {  	_ =	swait.ge [sflag:s8], $0x80  }
0x1ca: {  	[sflag:s8] =	ssyncset.done $0x0  }
0x1cb: {  	s10 =	simm.s32 $0x1DF80;
	[sflag:s8] =	ssyncadd.s32 $0xFFFFFF80  }
0x1cc: {  	[tilespmem:s10], [sflag:$0xC] =	stream.indirect.gather [hbm4b:s18+s13], $0x80, s2, s13, $0xb8;
	[tilespmem:$0x1FF80] =	vst v63  }
0x1cd: {  	_ =	swait.ge [sflag:s20], $0x2000  }
0x1ce: {  	[sflag:s20] =	ssyncset.done $0x0  }
0x1cf: {  	s25 =	simm.s32 $0x17F80;
	[sflag:s20] =	ssyncadd.s32 $0xFFFFE000;
	s20 =	simm.s32 $0x13D80  }
0x1d0: {  	[spmem:s12] =	stream.indirect.scatter.add.f32 [tilespmem:s25], [sflag:$0xF], $0x80, s20, s13, $0xb8;
	[tilespmem:$0x1FF80] =	vst v63  }
0x1d1: {  	_ =	swait.ge [sflag:s16], $0x2000  }
0x1d2: {  	[sflag:s16] =	ssyncset.done $0x0  }
0x1d3: {  	[sflag:s16] =	ssyncadd.s32 $0xFFFFE000;
	s16 =	simm.s32 $0x13E00  }
0x1d4: {  	[spmem:s12] =	stream.indirect.scatter.add.f32 [tilespmem:s30], [sflag:$0x10], $0x80, s16, s13, $0xb8;
	[tilespmem:$0x1FF80] =	vst v63  }
0x1d5: {  	_ =	swait.ge [sflag:s11], $0x2000  }
0x1d6: {  	[sflag:s11] =	ssyncset.done $0x0  }
0x1d7: {  	[sflag:s11] =	ssyncadd.s32 $0xFFFFE000  }
0x1d8: {  	[spmem:s12] =	stream.indirect.scatter.add.f32 [tilespmem:s9], [sflag:$0x11], $0x80, s26, s13, $0xb8;
	[tilespmem:$0x1FF80] =	vst v63  }
0x1d9: {  	_ =	swait.ge [sflag:s0], $0x2000  }
0x1da: {  	[sflag:s0] =	ssyncset.done $0x0  }
0x1db: {  	[sflag:s0] =	ssyncadd.s32 $0xFFFFE000  }
0x1dc: {  	[spmem:s12] =	stream.indirect.scatter.add.f32 [tilespmem:s10], [sflag:$0x12], $0x80, s24, s13, $0xb8;
	[tilespmem:$0x1FF80] =	vst v63  }
0x1dd: {  	_ =	swait.ge [sflag:s28], $0x2000  }
0x1de: {  	[sflag:s28] =	ssyncset.done $0x0  }
0x1df: {  	[sflag:s28] =	ssyncadd.s32 $0xFFFFE000  }
0x1e0: {  	_ =	swait.ge [sflag:s21], $0x2000  }
0x1e1: {  	[sflag:s21] =	ssyncset.done $0x0  }
0x1e2: {  	[sflag:s21] =	ssyncadd.s32 $0xFFFFE000  }
0x1e3: {  	_ =	swait.ge [sflag:s19], $0x2000  }
0x1e4: {  	[sflag:s19] =	ssyncset.done $0x0  }
0x1e5: {  	[sflag:s19] =	ssyncadd.s32 $0xFFFFE000  }
0x1e6: {  	_ =	swait.ge [sflag:s7], $0x2000  }
0x1e7: {  	[sflag:s7] =	ssyncset.done $0x0  }
0x1e8: {  	[sflag:s7] =	ssyncadd.s32 $0xFFFFE000  }
0x1e9: {  	_ =	swait.ge [sflag:s1], $0x2000  }
0x1ea: {  	[sflag:s1] =	ssyncset.done $0x0  }
0x1eb: {  	[sflag:s1] =	ssyncadd.s32 $0xFFFFE000  }
0x1ec: {  	_ =	swait.ge [sflag:s22], $0x2000  }
0x1ed: {  	[sflag:s22] =	ssyncset.done $0x0  }
0x1ee: {  	s26 =	simm.s32 $0x13880;
	s19 =	simm.s32 $0x13F80;
	[sflag:s22] =	ssyncadd.s32 $0xFFFFE000  }
0x1ef: {  	[tilespmem:s19], [sflag:$0x7] =	stream.indirect.gather [hbm4b:s18+s7], $0x80, s26, s7, $0xb8;
	[tilespmem:$0x1FF80] =	vst v63  }
0x1f0: {  	_ =	swait.ge [sflag:s14], $0x800  }
0x1f1: {  	[sflag:s14] =	ssyncset.done $0x0  }
0x1f2: {  	s24 =	simm.s32 $0x13;
	s28 =	simm.s32 $0x13900;
	[sflag:s14] =	ssyncadd.s32 $0xFFFFF800  }
0x1f3: {  	[spmem:s12] =	stream.indirect.scatter.add.f32 [tilespmem:s19], [sflag:$0x13], $0x80, s28, s7, $0xb8;
	[tilespmem:$0x1FF80] =	vst v63  }
0x1f4: {  	_ =	swait.ge [sflag:s24], $0x800  }
0x1f5: {  	[sflag:s24] =	ssyncset.done $0x0  }
0x1f6: {  	[sflag:s24] =	ssyncadd.s32 $0xFFFFF800  }
0x1f7: {  	[bflag:$0x0] =	sbarrier.arrive $0xFFFF  }
0x1f8: {  	s22 =	rddreg [dreg:$0x7]  }
0x1f9: {  	s20 =	rddreg [dreg:$0x12]  }
0x1fa: {  	s21 =	rddreg [dreg:$0x1c]  }
0x1fb: {  	[hbm:s20], [sflag:s22] =	dma.local [spmem:s21], $0x2700  }
0x1fc: {  	_ =	swait.ge [sflag:s24], $0x2700  }
0x1fd: {  	[sflag:s24] =	ssyncset.done $0x0;
	s9 =	rddreg [dreg:$0x17]  }
0x1fe: {  	s0 =	rddreg [dreg:$0x1d];
	[sflag:s24] =	ssyncadd.s32 $0xFFFFD900  }
0x1ff: {  	[hbm:s9], [sflag:s22] =	dma.local @!p0 [spmem:s0], $0x100  }
0x200: {  	s9 =	simm.s32 @!p0 $0x13  }
0x201: {  	_ =	swait.ge @!p0 [sflag:s9], $0x100  }
0x202: {  	s25 =	rddreg [dreg:$0x1b]  }
0x203: {  	s30 =	rddreg [dreg:$0x18];
	s0 =	sadd.s32 $0x1, s25  }
0x204: {  	p1 =	sne.s32 s0, s30  }
.Ltmp1:
0x205: {  	_ = 	snop;
	(pc) =	sbr.rel @p1 .LBB2_1-.Ltmp1, $3  }
0x206: {  	_ =	sdelay $0x1  }
0x207: {  	[sflag:s9] =	ssyncset.done @!p0 $0x0  }
0x208: {  	[sflag:s9] =	ssyncadd.s32 @!p0 $0xFFFFFF00  }
0x209: {  	_ =	sfence.sel $0x180000  }
0x20a: {  	[bflag:$0x0] =	sbarrier.arrive $0xFFFF  }
0x20b: {  	_ =	strace $0x9000004A  }
0x20c: {  	[bflag:$0x2] =	sbarrier.arrive $0xFFFF  }
0x20d: {  	s0 =	rddreg [dreg:$0x3]  }
0x20e: {  	s0 =	sadd.s32 @!p0 $0x100000, s0  }
0x20f: {  	[sflag:s0] =	ssyncadd.tile.s32 @!p0 $0x1;
	_ =	shalt  }
.Lfunc_end2:
_tile_overlayer_lowered:
.L_overlay_start_2:
0x210: {  	(tag) =	ssettag $0x2  }
0x211: {  	s0 =	rddreg [dreg:$0x0];
	s2 =	stileid.u32  }
0x212: {  	s1 =	rddreg [dreg:$0x1];
	p0 =	sne.s32 s2, $0x0  }
0x213: {  	s3 =	rddreg [dreg:$0x2];
	[bflag:$0x3] =	sbarrier.arrive $0xFFFF;
	s2 =	simm.s32 @!p0 $0x1C13  }
0x214: {  	[timem:s3], [sflag:s2] =	dma.local @!p0 [hbm:s0], s1  }
0x215: {  	s0 =	simm.s32 @!p0 $0x13  }
0x216: {  	_ =	swait.ge @!p0 [sflag:s0], s1  }
0x217: {  	s1 =	ssub.s32 @!p0 $0x0, s1;
	[sflag:s0] =	ssyncset.done @!p0 $0x0  }
0x218: {  	[sflag:s0] =	ssyncadd.s32 @!p0 s1  }
0x219: {  	[bflag:$0x3] =	sbarrier.arrive $0xFFFF  }
0x21a: {  	_ =	shalt  }

// kernel: _run.17.cloned.1.call-start
scs
__scs_entry_jumppad:
0x0: {  	(pc) =	sbr.rel $0x88, $3  }
0x1: {  	(tag) =	ssettag $0x0;
	lr =	simm.s32 $0x1  }
0x2: {  	[smem:$0x3F9B] =	sst lr;
	_ =	strace $0xD0000000  }
0x3: {  	_ = 	snop  }
0x4: {  	_ = 	snop  }
0x5: {  	_ = 	snop  }
0x6: {  	_ = 	snop  }
0x7: {  	_ = 	snop  }
__scs_overlays_trampoline_lowered:
0x8: {  	[smem:$0x3FAA] =	sst s0  }
0x9: {  	[smem:$0x3FAB] =	sst s1  }
0xa: {  	[smem:$0x3FAC] =	sst s2  }
0xb: {  	[smem:$0x3FAD] =	sst s3  }
0xc: {  	[smem:$0x3FAE] =	sst s4  }
0xd: {  	[smem:$0x3FAF] =	sst s5  }
0xe: {  	[smem:$0x3FB0] =	sst s6  }
0xf: {  	[smem:$0x3FB1] =	sst s7  }
0x10: {  	[smem:$0x3FB2] =	sst s8  }
0x11: {  	[smem:$0x3FB3] =	sst s9;
	s0 =	simm.s32 @!p0 $0x0  }
0x12: {  	s1 =	sld [smem:$0x3F99];
	s0 =	simm.s32 @p0 $0x1  }
0x13: {  	[smem:$0x3FB4] =	sst s0;
	s0 =	simm.s32 @!p1 $0x0  }
0x14: {  	s2 =	sld [smem:$0x3F98];
	s0 =	simm.s32 @p1 $0x1  }
0x15: {  	[smem:$0x3FB5] =	sst s0;
	s0 =	simm.s32 @!p2 $0x0  }
0x16: {  	s3 =	sld [smem:$0x3FDB];
	s0 =	simm.s32 @p2 $0x1  }
0x17: {  	s4 =	simm.s32 $0x1BF5;
	[smem:$0x3FB7] =	sst s0  }
0x18: {  	s0 =	sld [smem:$0x3F9A];
	_ =	swait.ge [sflag:s4], $0x0  }
0x19: {  	s7 =	sld [smem:$0x3F9B]  }
0x1a: {  	s8 =	sadd.s32 $0xFFFFE003, lr  }
0x1b: {  	s9 =	sadd.s32 $0xFFFFFEF7, lr;
	s5 =	simm.s32 $0xFFFFFFFF;
	p2 =	slt.u32 s8, $0xFFFFF086  }
0x1c: {  	p1 =	slt.u32 s9, $0xF7A;
	s5 =	simm.s32 @!p2 $0x0  }
0x1d: {  	s5 =	simm.s32 @p1 $0x1;
	p0 =	seq.s32 s7, s2  }
0x1e: {  	s7 =	smul.u32 @!p0 $0xF7A, s2;
	p2 =	seq.s32 @!p0 s5, $0x0  }
0x1f: {  	s9 =	smul.u32 $0xF7A, s1;
	s8 =	simm.s32 @!p0 $0x1BF5;
	p2 =	por !p2, p0  }
0x20: {  	[sflag:s8] =	ssyncset.s32 @!p0 $0xFFFFF086;
	s6 =	sadd.s32 @!p0 s3, s7;
	s7 =	simm.s32 @!p0 $0x108  }
0x21: {  	s3 =	sadd.s32 s3, s9;
	s6 =	sadd.s32 @!p0 $0x88, s6;
	s7 =	simm.s32 @p2 $0x1082  }
0x22: {  	[simem:s7], [sflag:s8] =	dma.local @!p0 [hbm:s6], $0xF7A  }
0x23: {  	s9 =	sor.u32 $0xD0000000, s2;
	s6 =	simm.s32 $0x108;
	_ =	swait.ge @!p0 [sflag:s8], $0x0  }
0x24: {  	s3 =	sadd.s32 $0x88, s3;
	s6 =	simm.s32 @!p1 $0x1082;
	[sflag:s4] =	ssyncset.s32 $0xFFFFF086  }
0x25: {  	[simem:s6], [sflag:s4] =	dma.local [hbm:s3], $0xF7A  }
0x26: {  	[smem:$0x3F9B] =	sst s1;
	(tag) =	ssettag s2;
	_ =	strace s9  }
0x27: {  	s1 =	sld [smem:$0x3FAB]  }
0x28: {  	s2 =	sld [smem:$0x3FAC]  }
0x29: {  	s4 =	sld [smem:$0x3FAE]  }
0x2a: {  	p0 =	seq.s32 s5, $0x0;
	s5 =	sld [smem:$0x3FAF]  }
0x2b: {  	s6 =	sld [smem:$0x3FB0]  }
0x2c: {  	s7 =	sld [smem:$0x3FB1]  }
0x2d: {  	s3 =	simm.s32 $0x108;
	s8 =	sld [smem:$0x3FB2]  }
0x2e: {  	s3 =	simm.s32 @!p0 $0x1082;
	s9 =	sld [smem:$0x3FB3]  }
0x2f: {  	lr =	sadd.s32 s0, s3;
	s0 =	sld [smem:$0x3FAA]  }
0x30: {  	s3 =	sld [smem:$0x3FAD]  }
0x31: {  	[smem:$0x3FB6] =	sst s10  }
0x32: {  	s10 =	sld [smem:$0x3FB4];
	_ =	sdelay $0x3  }
0x33: {  	p0 =	seq.s32 s10, $0x1;
	s10 =	sld [smem:$0x3FB6];
	_ =	sdelay $0x3  }
0x34: {  	[smem:$0x3FB6] =	sst s10  }
0x35: {  	s10 =	sld [smem:$0x3FB5];
	_ =	sdelay $0x3  }
0x36: {  	p1 =	seq.s32 s10, $0x1;
	s10 =	sld [smem:$0x3FB6];
	_ =	sdelay $0x3  }
0x37: {  	[smem:$0x3FB6] =	sst s10  }
0x38: {  	s10 =	sld [smem:$0x3FB7]  }
0x39: {  	_ = 	snop;
	(pc) =	sbr.ind lr, $3  }
0x3a: {  	_ = 	snop  }
0x3b: {  	_ = 	snop  }
0x3c: {  	p2 =	seq.s32 s10, $0x1;
	s10 =	sld [smem:$0x3FB6]  }
0x3d: {  	_ =	shalt  }
0x3e: {  	_ =	shalt  }
0x3f: {  	_ =	shalt  }
0x40: {  	_ =	shalt  }
0x41: {  	_ =	shalt  }
0x42: {  	_ =	shalt  }
0x43: {  	_ =	shalt  }
0x44: {  	_ =	shalt  }
0x45: {  	_ =	shalt  }
0x46: {  	_ =	shalt  }
0x47: {  	_ =	shalt  }
0x48: {  	_ =	shalt  }
0x49: {  	_ =	shalt  }
0x4a: {  	_ =	shalt  }
0x4b: {  	_ =	shalt  }
0x4c: {  	_ =	shalt  }
0x4d: {  	_ =	shalt  }
0x4e: {  	_ =	shalt  }
0x4f: {  	_ =	shalt  }
0x50: {  	_ =	shalt  }
0x51: {  	_ =	shalt  }
0x52: {  	_ =	shalt  }
0x53: {  	_ =	shalt  }
0x54: {  	_ =	shalt  }
0x55: {  	_ =	shalt  }
0x56: {  	_ =	shalt  }
0x57: {  	_ =	shalt  }
0x58: {  	_ =	shalt  }
0x59: {  	_ =	shalt  }
0x5a: {  	_ =	shalt  }
0x5b: {  	_ =	shalt  }
0x5c: {  	_ =	shalt  }
0x5d: {  	_ =	shalt  }
0x5e: {  	_ =	shalt  }
0x5f: {  	_ =	shalt  }
0x60: {  	_ =	shalt  }
0x61: {  	_ =	shalt  }
0x62: {  	_ =	shalt  }
0x63: {  	_ =	shalt  }
0x64: {  	_ =	shalt  }
0x65: {  	_ =	shalt  }
0x66: {  	_ =	shalt  }
0x67: {  	_ =	shalt  }
0x68: {  	_ =	shalt  }
0x69: {  	_ =	shalt  }
0x6a: {  	_ =	shalt  }
0x6b: {  	_ =	shalt  }
0x6c: {  	_ =	shalt  }
0x6d: {  	_ =	shalt  }
0x6e: {  	_ =	shalt  }
0x6f: {  	_ =	shalt  }
0x70: {  	_ =	shalt  }
0x71: {  	_ =	shalt  }
0x72: {  	_ =	shalt  }
0x73: {  	_ =	shalt  }
0x74: {  	_ =	shalt  }
0x75: {  	_ =	shalt  }
0x76: {  	_ =	shalt  }
0x77: {  	_ =	shalt  }
0x78: {  	_ =	shalt  }
0x79: {  	_ =	shalt  }
0x7a: {  	_ =	shalt  }
0x7b: {  	_ =	shalt  }
0x7c: {  	_ =	shalt  }
0x7d: {  	_ =	shalt  }
0x7e: {  	_ =	shalt  }
0x7f: {  	_ =	shalt  }
0x80: {  	_ =	shalt  }
0x81: {  	_ =	shalt  }
0x82: {  	_ =	shalt  }
0x83: {  	_ =	shalt  }
0x84: {  	_ =	shalt  }
0x85: {  	_ =	shalt  }
0x86: {  	_ =	shalt  }
0x87: {  	_ =	shalt  }
.Lfunc_end0:
.L_simem_size_0:
called_computation.2_lowered:
.L_overlay_start_0:
0x88: {  	s2 =	sld [smem:$0x3FD9]  }
0x89: {  	s3 =	sld [smem:$0x3FFE];
	_ =	sdelay $0x1  }
0x8a: {  	s1 =	srdreg.scid  }
0x8b: {  	s0 =	sand.u32 $0x1, s1  }
0x8c: {  	s17 =	sshll.u32 s0, $0xA;
	s2 =	sadd.s32 s3, s2  }
0x8d: {  	s2 =	sadd.s32 s2, s17  }
0x8e: {  	[smem:$0x3FC2] =	sst s2  }
0x8f: {  	_ = 	snop  }
0x90: {  	s2 =	sld [smem:$0x3FD0];
	(tm) =	ssettm $0x1  }
0x91: {  	s18 =	sld [smem:$0x3FFB];
	_ =	sdelay $0x3  }
0x92: {  	_ =	strace s18  }
0x93: {  	s3 =	sld [smem:$0x3FFC];
	_ =	sdelay $0x3  }
0x94: {  	_ =	strace s3  }
0x95: {  	s3 =	sld [smem:$0x3FFD];
	_ =	sdelay $0x3  }
0x96: {  	_ =	strace s3  }
0x97: {  	_ =	strace $0x8FFFFFFF  }
0x98: {  	s19 =	sld [smem:$0x3FDB];
	_ =	sdelay $0x1  }
0x99: {  	s4 =	simm.s32 $_scs_section_size  }
0x9a: {  	s5 =	simm.s32 $_size__tile_overlayer_lowered;
	s6 =	simm.s32 $_tile_overlayer_lowered  }
0x9b: {  	s22 =	simm.s32 $0x1BFF;
	s21 =	sshll.u32 s6, $0x1;
	s3 =	sadd.s32 s4, s19  }
0x9c: {  	s7 =	simm.s32 $0x0;
	s20 =	sshll.u32 s5, $0x1;
	s5 =	sadd.s32 s21, s3  }
0x9d: {  	[timem:s7], [sflag:s22] =	dma.local [hbm:s5], s20  }
0x9e: {  	_ =	swait.ge [sflag:s22], s20  }
0x9f: {  	s4 =	ssub.s32 $0x0, s20;
	[sflag:s22] =	ssyncset.done $0x0  }
0xa0: {  	[sflag:s22] =	ssyncadd.s32 s4;
	_ =	sdelay $0x1  }
0xa1: {  	s23 =	simm.s32 $0x1B8B  }
0xa2: {  	_ =	swait.ge [sflag:s23], $0x1  }
0xa3: {  	[sflag:s23] =	ssyncset.done $0x0  }
0xa4: {  	s25 =	simm.s32 $0x1B8E;
	s24 =	sld [smem:$0x3FFE];
	[sflag:s23] =	ssyncadd.s32 $0xFFFFFFFF  }
0xa5: {  	s26 =	simm.s32 $execute0_lowered;
	[smem:$0x3FD2] =	sst s25  }
0xa6: {  	s5 =	sshll.u32 s26, $0x1;
	_ =	strace $0x8000004C;
	[dreg:$0x1] =	wrdreg $0xFFFFFFFF  }
0xa7: {  	s28 =	simm.s32 $_size_execute0_lowered;
	s3 =	sadd.s32 s3, s5;
	[dreg:$0x0] =	wrdreg $0x0  }
0xa8: {  	s5 =	sshll.u32 s28, $0x1;
	[dreg:$0x2] =	wrdreg s3  }
0xa9: {  	[dreg:$0x3] =	wrdreg s5  }
0xaa: {  	[dreg:$0x4] =	wrdreg $0xC0  }
0xab: {  	_ =	task [dreg:s7], $0x5FFFF  }
0xac: {  	[dreg:$0x1] =	wrdreg $0xFFFFFFFF  }
0xad: {  	[dreg:$0x0] =	wrdreg $0x60  }
0xae: {  	[dreg:$0x2] =	wrdreg s2  }
0xaf: {  	[dreg:$0x3] =	wrdreg s24  }
0xb0: {  	[dreg:$0x4] =	wrdreg $0x0  }
0xb1: {  	[dreg:$0x5] =	wrdreg $0x9  }
0xb2: {  	_ =	task.clear_ibuf [dreg:s7], $0x6FFFF;
	_ =	strace $0x9000004C  }
0xb3: {  	s29 =	simm.s32 $0x9;
	_ =	strace $0x8000004E  }
0xb4: {  	_ =	swait.ge [sflag:s29], $0x1  }
0xb5: {  	[sflag:s29] =	ssyncadd.s32 $0xFFFFFFFF  }
0xb6: {  	_ =	strace $0x9000004E  }
0xb7: {  	_ =	sfence  }
0xb8: {  	s30 =	sld [smem:$0x0];
	_ =	sdelay $0x2  }
0xb9: {  	s31 =	sshll.u32 s1, $0xD;
	s1 =	sshrl.u32 s1, $0x2  }
0xba: {  	s3 =	sand.u32 $0x4000, s31;
	s1 =	sadd.s32 s1, s30  }
0xbb: {  	s0 =	sor.u32 s3, s0;
	s1 =	sshll.u32 s1, $0x11  }
0xbc: {  	s0 =	sor.u32 s1, s0  }
0xbd: {  	s0 =	sadd.s32 $0x8F2B, s0  }
0xbe: {  	[sflag:s0] =	ssyncadd.remote.s32 $0x1  }
0xbf: {  	_ =	sfence.sel $0xFFFF  }
0xc0: {  	[dreg:$0x0] =	wrdreg $0xFFFFFFFF;
	(pc) =	sbr.abs _section_cstart, $3  }
0xc1: {  	[dreg:$0x1] =	wrdreg $0xFFFFFFFF  }
0xc2: {  	_ =	task.clear_ibuf [dreg:s7], $0x2FFFF;
	_ =	strace $0x9FFFFFFF  }
0xc3: {  	(tm) =	ssettm $0x7FFFFFFF  }
tec
execute0_lowered:
.L_overlay_start_1:
0x0: {  	(tag) =	ssettag $0x1  }
0x1: {  	s1 =	rddreg [dreg:$0x0]  }
0x2: {  	s0 =	rddreg [dreg:$0x1]  }
0x3: {  	s2 =	rddreg [dreg:$0x2]  }
0x4: {  	s3 =	simm.s32 $0x0;
	s6 =	srdreg.scid;
	s7 =	stileid.u32  }
0x5: {  	s28 =	simm.s32 $0x13900;
	s31 =	simm.s32 $0x3;
	s29 =	simm.s32 $0x5  }
0x6: {  	[smem:$0x7FF] =	sst s3;
	s4 =	sadd.s32 $0x22200, s0;
	s5 =	sadd.s32 $0xE200, s0  }
0x7: {  	s8 =	sand.u32 $0x1, s6;
	s16 =	sshll.u32 s7, $0x1;
	s10 =	smul.u32 $0x4E000, s7  }
0x8: {  	s13 =	smul.u32 $0x13800, s7;
	s19 =	sshll.u32 s7, $0x6;
	p0 =	sne.s32 s7, $0x0  }
0x9: {  	_ =	strace $0x8000004D;
	s6 =	sor.u32 s8, s16;
	s9 =	ssub.s32 $0x2, s8  }
0xa: {  	s22 =	sor.u32 $0x1C13, s19;
	s11 =	sshll.u32 s6, $0x4;
	s10 =	sshrl.u32 s10, $0x2  }
0xb: {  	s17 =	sshrl.u32 s13, $0x3;
	[dreg:$0x7] =	wrdreg s22;
	s10 =	sadd.s32 s10, s2  }
0xc: {  	s11 =	sadd.s32 s11, s0;
	s18 =	sadd.s32 s1, s17;
	[dreg:$0x5] =	wrdreg s10  }
0xd: {  	s6 =	smul.u32 $0x5000, s6;
	[dreg:$0x6] =	wrdreg s18;
	s20 =	sadd.s32 $0xDE00, s11  }
0xe: {  	s8 =	smul.u32 $0x138800, s8;
	s11 =	sadd.s32 $0xE000, s11;
	[dreg:$0x8] =	wrdreg s20  }
0xf: {  	s10 =	sshrl.u32 s6, $0x3;
	s16 =	sor.u32 $0x400, s6;
	[dreg:$0x9] =	wrdreg s11  }
0x10: {  	s12 =	sshrl.u32 s9, $0x1;
	s21 =	sadd.s32 s4, s10;
	[dreg:$0x4] =	wrdreg s16  }
0x11: {  	s23 =	sor.u32 $0x10, s10;
	s24 =	sadd.s32 s5, s10;
	[dreg:$0xa] =	wrdreg s21  }
0x12: {  	s0 =	sadd.s32 $0x84600, s0;
	[dreg:$0xb] =	wrdreg s24;
	s25 =	sadd.s32 s4, s23  }
0x13: {  	s26 =	sor.u32 $0x20, s10;
	s11 =	sadd.s32 s5, s23;
	[dreg:$0xc] =	wrdreg s25  }
0x14: {  	s9 =	ssub.s32 s9, s12;
	s30 =	sadd.s32 s4, s26;
	[dreg:$0xd] =	wrdreg s11  }
0x15: {  	s15 =	sor.u32 $0x30, s10;
	s14 =	sadd.s32 s5, s26;
	[dreg:$0xe] =	wrdreg s30  }
0x16: {  	s20 =	sor.u32 $0x40, s10;
	s17 =	sadd.s32 s4, s15;
	[dreg:$0xf] =	wrdreg s14  }
0x17: {  	s18 =	sadd.s32 s13, s8;
	s21 =	sadd.s32 s4, s20;
	[dreg:$0x10] =	wrdreg s17  }
0x18: {  	s8 =	sshrl.u32 s8, $0x3;
	s26 =	sadd.s32 $0x138000, s2;
	[dreg:$0x13] =	wrdreg s21  }
0x19: {  	s23 =	sor.u32 $0x50, s10;
	s11 =	sadd.s32 s5, s15;
	[dreg:$0x19] =	wrdreg s26  }
0x1a: {  	s13 =	simm.s32 $0x40;
	s24 =	sadd.s32 s4, s23;
	[dreg:$0x11] =	wrdreg s11  }
0x1b: {  	s19 =	sshrl.u32 s18, $0x3;
	s7 =	sadd.s32 s5, s23;
	[dreg:$0x15] =	wrdreg s24  }
0x1c: {  	s25 =	smax.u32 s9, $0x1;
	s30 =	sadd.s32 $0x27000, s1;
	[dreg:$0x16] =	wrdreg s7  }
0x1d: {  	s26 =	simm.s32 $0x13880;
	s17 =	simm.s32 $0x2;
	[dreg:$0x18] =	wrdreg s25  }
0x1e: {  	s23 =	simm.s32 $0x4;
	s11 =	sadd.s32 s0, s19;
	[dreg:$0x1a] =	wrdreg s30  }
0x1f: {  	s0 =	sadd.s32 s0, s8;
	s8 =	sadd.s32 s5, s20;
	[dreg:$0x12] =	wrdreg s11  }
0x20: {  	s24 =	simm.s32 $0x13;
	[dreg:$0x14] =	wrdreg s8;
	s0 =	sadd.s32 $0x27000, s0  }
0x21: {  	s8 =	simm.s32 $0x6;
	[dreg:$0x17] =	wrdreg s0;
	s0 =	simm.s32 $0x0  }
.LBB2_1:
0x22: {  	[dreg:$0x1b] =	wrdreg s0  }
0x23: {  	s9 =	rddreg [dreg:$0x5]  }
0x24: {  	s7 =	rddreg [dreg:$0x6];
	s2 =	sshrl.u32 s9, $0x3  }
0x25: {  	[dreg:$0x1c] =	wrdreg s2  }
0x26: {  	[spmem:s2], [sflag:s22] =	dma.local [hbm:s7], $0x2700  }
0x27: {  	_ =	swait.ge [sflag:s24], $0x2700  }
0x28: {  	s9 =	rddreg [dreg:$0x19]  }
0x29: {  	[sflag:s24] =	ssyncset.done $0x0;
	s0 =	sshrl.u32 @!p0 s9, $0x3;
	s9 =	rddreg [dreg:$0x1a]  }
0x2a: {  	[sflag:s24] =	ssyncadd.s32 $0xFFFFD900;
	[dreg:$0x1d] =	wrdreg s0  }
0x2b: {  	[spmem:s0], [sflag:s22] =	dma.local @!p0 [hbm:s9], $0x100  }
0x2c: {  	s9 =	simm.s32 @!p0 $0x13  }
0x2d: {  	_ =	swait.ge @!p0 [sflag:s9], $0x100  }
0x2e: {  	[sflag:s9] =	ssyncset.done @!p0 $0x0  }
0x2f: {  	s10 =	rddreg [dreg:$0x8];
	[sflag:s9] =	ssyncadd.s32 @!p0 $0xFFFFFF00  }
0x30: {  	[tilespmem:s26], [sflag:$0x13] =	stream.linear.gather [hbm4b:s10+s3], $0x80, $0x38;
	[tilespmem:$0x1FF80] =	vst v63  }
0x31: {  	_ =	swait.ge [sflag:s24], $0x80  }
0x32: {  	[sflag:s24] =	ssyncset.done $0x0  }
0x33: {  	s11 =	rddreg [dreg:$0x9];
	[sflag:s24] =	ssyncadd.s32 $0xFFFFFF80  }
0x34: {  	[tilespmem:s28], [sflag:$0x13] =	stream.linear.gather [hbm4b:s11+s3], $0x80, $0x38;
	[tilespmem:$0x1FF80] =	vst v63  }
0x35: {  	_ =	swait.ge [sflag:s24], $0x80  }
0x36: {  	[sflag:s24] =	ssyncset.done $0x0  }
0x37: {  	[sflag:s24] =	ssyncadd.s32 $0xFFFFFF80  }
0x38: {  	[bflag:$0x0] =	sbarrier.arrive $0xFFFF  }
0x39: {  	s10 =	simm.s32 $0x13980;
	s12 =	rddreg [dreg:$0xa]  }
0x3a: {  	[tilespmem:s10], [sflag:$0x1] =	stream.linear.gather [hbm4b:s12+s3], $0x80, $0x38;
	[tilespmem:$0x1FF80] =	vst v63  }
0x3b: {  	s15 =	simm.s32 $0x13C80;
	s14 =	rddreg [dreg:$0xb]  }
0x3c: {  	[tilespmem:s15], [sflag:$0x1] =	stream.linear.gather [hbm4b:s14+s3], $0x80, $0x38;
	[tilespmem:$0x1FF80] =	vst v63  }
0x3d: {  	s26 =	simm.s32 $0x13A00;
	s16 =	rddreg [dreg:$0xc]  }
0x3e: {  	[tilespmem:s26], [sflag:$0x2] =	stream.linear.gather [hbm4b:s16+s3], $0x80, $0x38;
	[tilespmem:$0x1FF80] =	vst v63  }
0x3f: {  	s24 =	simm.s32 $0x13D00;
	s18 =	rddreg [dreg:$0xd];
	s12 =	simm.s32 $0x1  }
0x40: {  	[tilespmem:s24], [sflag:$0x2] =	stream.linear.gather [hbm4b:s18+s3], $0x80, $0x38;
	[tilespmem:$0x1FF80] =	vst v63  }
0x41: {  	_ =	swait.ge [sflag:s12], $0x80  }
0x42: {  	[sflag:s12] =	ssyncset.done $0x0  }
0x43: {  	[sflag:s12] =	ssyncadd.s32 $0xFFFFFF80  }
0x44: {  	_ =	swait.ge [sflag:s12], $0x80  }
0x45: {  	[sflag:s12] =	ssyncset.done $0x0  }
0x46: {  	[sflag:s12] =	ssyncadd.s32 $0xFFFFFF80  }
0x47: {  	s25 =	simm.s32 $0x13F80;
	s1 =	rddreg [dreg:$0x0]  }
0x48: {  	[tilespmem:s25], [sflag:$0x7] =	stream.indirect.gather [hbm4b:s1+s13], $0x80, s10, s13, $0xb8;
	[tilespmem:$0x1FF80] =	vst v63  }
0x49: {  	s28 =	simm.s32 $0x13A80;
	s19 =	rddreg [dreg:$0xe]  }
0x4a: {  	[tilespmem:s28], [sflag:$0x3] =	stream.linear.gather [hbm4b:s19+s3], $0x80, $0x38;
	[tilespmem:$0x1FF80] =	vst v63  }
0x4b: {  	s30 =	simm.s32 $0x13D80;
	s20 =	rddreg [dreg:$0xf]  }
0x4c: {  	[tilespmem:s30], [sflag:$0x3] =	stream.linear.gather [hbm4b:s20+s3], $0x80, $0x38;
	[tilespmem:$0x1FF80] =	vst v63  }
0x4d: {  	_ =	swait.ge [sflag:s17], $0x80  }
0x4e: {  	[sflag:s17] =	ssyncset.done $0x0  }
0x4f: {  	[sflag:s17] =	ssyncadd.s32 $0xFFFFFF80  }
0x50: {  	_ =	swait.ge [sflag:s17], $0x80  }
0x51: {  	[sflag:s17] =	ssyncset.done $0x0  }
0x52: {  	s11 =	simm.s32 $0x15F80;
	[sflag:s17] =	ssyncadd.s32 $0xFFFFFF80  }
0x53: {  	[tilespmem:s11], [sflag:$0x8] =	stream.indirect.gather [hbm4b:s1+s13], $0x80, s26, s13, $0xb8;
	[tilespmem:$0x1FF80] =	vst v63  }
0x54: {  	s14 =	simm.s32 $0x13B00;
	s21 =	rddreg [dreg:$0x10]  }
0x55: {  	[tilespmem:s14], [sflag:$0x4] =	stream.linear.gather [hbm4b:s21+s3], $0x80, $0x38;
	[tilespmem:$0x1FF80] =	vst v63  }
0x56: {  	s16 =	simm.s32 $0x13E00;
	s22 =	rddreg [dreg:$0x11]  }
0x57: {  	[tilespmem:s16], [sflag:$0x4] =	stream.linear.gather [hbm4b:s22+s3], $0x80, $0x38;
	[tilespmem:$0x1FF80] =	vst v63  }
0x58: {  	_ =	swait.ge [sflag:s31], $0x80  }
0x59: {  	[sflag:s31] =	ssyncset.done $0x0  }
0x5a: {  	[sflag:s31] =	ssyncadd.s32 $0xFFFFFF80  }
0x5b: {  	_ =	swait.ge [sflag:s31], $0x80  }
0x5c: {  	[sflag:s31] =	ssyncset.done $0x0  }
0x5d: {  	s18 =	simm.s32 $0x17F80;
	[sflag:s31] =	ssyncadd.s32 $0xFFFFFF80  }
0x5e: {  	[tilespmem:s18], [sflag:$0x9] =	stream.indirect.gather [hbm4b:s1+s13], $0x80, s28, s13, $0xb8;
	[tilespmem:$0x1FF80] =	vst v63  }
0x5f: {  	s20 =	simm.s32 $0x13B80;
	s0 =	rddreg [dreg:$0x13]  }
0x60: {  	[tilespmem:s20], [sflag:$0x5] =	stream.linear.gather [hbm4b:s0+s3], $0x80, $0x38;
	[tilespmem:$0x1FF80] =	vst v63  }
0x61: {  	s7 =	simm.s32 $0x13E80;
	s2 =	rddreg [dreg:$0x14]  }
0x62: {  	[tilespmem:s7], [sflag:$0x5] =	stream.linear.gather [hbm4b:s2+s3], $0x80, $0x38;
	[tilespmem:$0x1FF80] =	vst v63  }
0x63: {  	_ =	swait.ge [sflag:s23], $0x80  }
0x64: {  	[sflag:s23] =	ssyncset.done $0x0  }
0x65: {  	[sflag:s23] =	ssyncadd.s32 $0xFFFFFF80  }
0x66: {  	_ =	swait.ge [sflag:s23], $0x80  }
0x67: {  	[sflag:s23] =	ssyncset.done $0x0  }
0x68: {  	s9 =	simm.s32 $0x19F80;
	s19 =	simm.s32 $0x7;
	[sflag:s23] =	ssyncadd.s32 $0xFFFFFF80  }
0x69: {  	[tilespmem:s9], [sflag:$0xA] =	stream.indirect.gather [hbm4b:s1+s13], $0x80, s14, s13, $0xb8;
	[tilespmem:$0x1FF80] =	vst v63  }
0x6a: {  	_ =	swait.ge [sflag:s19], $0x2000  }
0x6b: {  	[sflag:s19] =	ssyncset.done $0x0  }
0x6c: {  	[sflag:s19] =	ssyncadd.s32 $0xFFFFE000  }
0x6d: {  	s21 =	simm.s32 $0x13C80;
	s2 =	rddreg [dreg:$0x2]  }
0x6e: {  	[spmem:s2] =	stream.indirect.scatter.add.f32 [tilespmem:s25], [sflag:$0xD], $0x80, s21, s13, $0xb8;
	[tilespmem:$0x1FF80] =	vst v63  }
0x6f: {  	s22 =	simm.s32 $0x13C00;
	s15 =	rddreg [dreg:$0x15]  }
0x70: {  	[tilespmem:s22], [sflag:$0x6] =	stream.linear.gather [hbm4b:s15+s3], $0x80, $0x38;
	[tilespmem:$0x1FF80] =	vst v63  }
0x71: {  	s0 =	rddreg [dreg:$0x16];
	s15 =	simm.s32 $0x13F00  }
0x72: {  	[tilespmem:s15], [sflag:$0x6] =	stream.linear.gather [hbm4b:s0+s3], $0x80, $0x38;
	[tilespmem:$0x1FF80] =	vst v63  }
0x73: {  	_ =	swait.ge [sflag:s29], $0x80  }
0x74: {  	[sflag:s29] =	ssyncset.done $0x0  }
0x75: {  	[sflag:s29] =	ssyncadd.s32 $0xFFFFFF80  }
0x76: {  	_ =	swait.ge [sflag:s29], $0x80  }
0x77: {  	[sflag:s29] =	ssyncset.done $0x0  }
0x78: {  	s22 =	simm.s32 $0x8;
	s15 =	simm.s32 $0x1BF80;
	[sflag:s29] =	ssyncadd.s32 $0xFFFFFF80  }
0x79: {  	[tilespmem:s15], [sflag:$0xB] =	stream.indirect.gather [hbm4b:s1+s13], $0x80, s20, s13, $0xb8;
	[tilespmem:$0x1FF80] =	vst v63  }
0x7a: {  	s9 =	simm.s32 $0x300;
	_ =	swait.ge [sflag:s22], $0x2000  }
0x7b: {  	s0 =	sand.u32 $0xFC00, s9;
	s9 =	sand.u32 $0x300, s9;
	[sflag:s22] =	ssyncset.done $0x0  }
0x7c: {  	[sflag:s22] =	ssyncadd.s32 $0xFFFFE000;
	s22 =	sadd.s32 s6, s0;
	s0 =	simm.s32 $0xD  }
0x7d: {  	[spmem:s2] =	stream.indirect.scatter.add.f32 [tilespmem:s11], [sflag:$0xE], $0x80, s24, s13, $0xb8;
	[tilespmem:$0x1FF80] =	vst v63  }
0x7e: {  	s9 =	sor.u32 s9, s22;
	_ =	swait.ge [sflag:s0], $0x2000  }
0x7f: {  	s9 =	sshrl.u32 s9, $0x3;
	[sflag:s0] =	ssyncset.done $0x0  }
0x80: {  	s22 =	sadd.s32 s4, s9;
	[sflag:s0] =	ssyncadd.s32 $0xFFFFE000  }
0x81: {  	[tilespmem:s10], [sflag:$0x1] =	stream.linear.gather [hbm4b:s22+s3], $0x80, $0x38;
	[tilespmem:$0x1FF80] =	vst v63  }
0x82: {  	s9 =	sadd.s32 s5, s9  }
0x83: {  	[tilespmem:s21], [sflag:$0x1] =	stream.linear.gather [hbm4b:s9+s3], $0x80, $0x38;
	[tilespmem:$0x1FF80] =	vst v63  }
0x84: {  	_ =	swait.ge [sflag:s8], $0x80  }
0x85: {  	[sflag:s8] =	ssyncset.done $0x0  }
0x86: {  	[sflag:s8] =	ssyncadd.s32 $0xFFFFFF80  }
0x87: {  	_ =	swait.ge [sflag:s8], $0x80  }
0x88: {  	s7 =	simm.s32 $0x13C00;
	s0 =	simm.s32 $0x1DF80;
	[sflag:s8] =	ssyncset.done $0x0  }
0x89: {  	s9 =	simm.s32 $0x380;
	s21 =	simm.s32 $0x9;
	[sflag:s8] =	ssyncadd.s32 $0xFFFFFF80  }
0x8a: {  	[tilespmem:s0], [sflag:$0xC] =	stream.indirect.gather [hbm4b:s1+s13], $0x80, s7, s13, $0xb8;
	[tilespmem:$0x1FF80] =	vst v63  }
0x8b: {  	s7 =	sand.u32 $0xFC00, s9;
	_ =	swait.ge [sflag:s21], $0x2000  }
0x8c: {  	s9 =	sand.u32 $0x380, s9;
	s22 =	sadd.s32 s6, s7;
	[sflag:s21] =	ssyncset.done $0x0  }
0x8d: {  	s9 =	sor.u32 s9, s22;
	s22 =	simm.s32 $0xE;
	[sflag:s21] =	ssyncadd.s32 $0xFFFFE000  }
0x8e: {  	[spmem:s2] =	stream.indirect.scatter.add.f32 [tilespmem:s18], [sflag:$0xF], $0x80, s30, s13, $0xb8;
	[tilespmem:$0x1FF80] =	vst v63  }
0x8f: {  	_ =	swait.ge [sflag:s22], $0x2000  }
0x90: {  	s9 =	sshrl.u32 s9, $0x3;
	[sflag:s22] =	ssyncset.done $0x0  }
0x91: {  	s7 =	sadd.s32 s4, s9;
	[sflag:s22] =	ssyncadd.s32 $0xFFFFE000  }
0x92: {  	[tilespmem:s26], [sflag:$0x2] =	stream.linear.gather [hbm4b:s7+s3], $0x80, $0x38;
	[tilespmem:$0x1FF80] =	vst v63  }
0x93: {  	s9 =	sadd.s32 s5, s9  }
0x94: {  	[tilespmem:s24], [sflag:$0x2] =	stream.linear.gather [hbm4b:s9+s3], $0x80, $0x38;
	[tilespmem:$0x1FF80] =	vst v63  }
0x95: {  	_ =	swait.ge [sflag:s12], $0x80  }
0x96: {  	[sflag:s12] =	ssyncset.done $0x0  }
0x97: {  	[sflag:s12] =	ssyncadd.s32 $0xFFFFFF80  }
0x98: {  	_ =	swait.ge [sflag:s12], $0x80  }
0x99: {  	[sflag:s12] =	ssyncset.done $0x0  }
0x9a: {  	s22 =	simm.s32 $0xA;
	[sflag:s12] =	ssyncadd.s32 $0xFFFFFF80  }
0x9b: {  	[tilespmem:s25], [sflag:$0x7] =	stream.indirect.gather [hbm4b:s1+s13], $0x80, s10, s13, $0xb8;
	[tilespmem:$0x1FF80] =	vst v63  }
0x9c: {  	_ =	swait.ge [sflag:s22], $0x2000  }
0x9d: {  	[sflag:s22] =	ssyncset.done $0x0  }
0x9e: {  	s12 =	simm.s32 $0x19F80;
	s10 =	simm.s32 $0xF;
	[sflag:s22] =	ssyncadd.s32 $0xFFFFE000  }
0x9f: {  	[spmem:s2] =	stream.indirect.scatter.add.f32 [tilespmem:s12], [sflag:$0x10], $0x80, s16, s13, $0xb8;
	[tilespmem:$0x1FF80] =	vst v63  }
0xa0: {  	s7 =	simm.s32 $0x0;
	_ =	swait.ge [sflag:s10], $0x2000  }
0xa1: {  	s21 =	sand.u32 $0x7C00, s7;
	s24 =	rddreg [dreg:$0x4]  }
0xa2: {  	s22 =	sand.u32 $0x300, s7;
	s9 =	sadd.s32 s21, s24  }
0xa3: {  	s9 =	sor.u32 s22, s9  }
0xa4: {  	[sflag:s10] =	ssyncset.done $0x0;
	s9 =	sshrl.u32 s9, $0x3  }
0xa5: {  	[sflag:s10] =	ssyncadd.s32 $0xFFFFE000;
	s24 =	sadd.s32 s4, s9  }
0xa6: {  	[tilespmem:s28], [sflag:$0x3] =	stream.linear.gather [hbm4b:s24+s3], $0x80, $0x38;
	[tilespmem:$0x1FF80] =	vst v63  }
0xa7: {  	s9 =	sadd.s32 s5, s9  }
0xa8: {  	[tilespmem:s30], [sflag:$0x3] =	stream.linear.gather [hbm4b:s9+s3], $0x80, $0x38;
	[tilespmem:$0x1FF80] =	vst v63  }
0xa9: {  	_ =	swait.ge [sflag:s17], $0x80  }
0xaa: {  	[sflag:s17] =	ssyncset.done $0x0  }
0xab: {  	[sflag:s17] =	ssyncadd.s32 $0xFFFFFF80  }
0xac: {  	_ =	swait.ge [sflag:s17], $0x80  }
0xad: {  	[sflag:s17] =	ssyncset.done $0x0  }
0xae: {  	s30 =	simm.s32 $0xB;
	[sflag:s17] =	ssyncadd.s32 $0xFFFFFF80  }
0xaf: {  	[tilespmem:s11], [sflag:$0x8] =	stream.indirect.gather [hbm4b:s1+s13], $0x80, s26, s13, $0xb8;
	[tilespmem:$0x1FF80] =	vst v63  }
0xb0: {  	s7 =	simm.s32 $0x480;
	s21 =	simm.s32 $0x13E80;
	_ =	swait.ge [sflag:s30], $0x2000  }
0xb1: {  	s24 =	simm.s32 $0x10;
	s11 =	sand.u32 $0xFC00, s7;
	[sflag:s30] =	ssyncset.done $0x0  }
0xb2: {  	s9 =	sand.u32 $0x380, s7;
	s22 =	sadd.s32 s6, s11;
	[sflag:s30] =	ssyncadd.s32 $0xFFFFE000  }
0xb3: {  	[spmem:s2] =	stream.indirect.scatter.add.f32 [tilespmem:s15], [sflag:$0x11], $0x80, s21, s13, $0xb8;
	[tilespmem:$0x1FF80] =	vst v63  }
0xb4: {  	s9 =	sor.u32 s9, s22;
	_ =	swait.ge [sflag:s24], $0x2000  }
0xb5: {  	s9 =	sshrl.u32 s9, $0x3;
	[sflag:s24] =	ssyncset.done $0x0  }
0xb6: {  	s26 =	sadd.s32 s4, s9;
	[sflag:s24] =	ssyncadd.s32 $0xFFFFE000  }
0xb7: {  	[tilespmem:s14], [sflag:$0x4] =	stream.linear.gather [hbm4b:s26+s3], $0x80, $0x38;
	[tilespmem:$0x1FF80] =	vst v63  }
0xb8: {  	s9 =	sadd.s32 s5, s9  }
0xb9: {  	[tilespmem:s16], [sflag:$0x4] =	stream.linear.gather [hbm4b:s9+s3], $0x80, $0x38;
	[tilespmem:$0x1FF80] =	vst v63  }
0xba: {  	_ =	swait.ge [sflag:s31], $0x80  }
0xbb: {  	[sflag:s31] =	ssyncset.done $0x0  }
0xbc: {  	[sflag:s31] =	ssyncadd.s32 $0xFFFFFF80  }
0xbd: {  	_ =	swait.ge [sflag:s31], $0x80  }
0xbe: {  	[sflag:s31] =	ssyncset.done $0x0  }
0xbf: {  	[sflag:s31] =	ssyncadd.s32 $0xFFFFFF80  }
0xc0: {  	[tilespmem:s18], [sflag:$0x9] =	stream.indirect.gather [hbm4b:s1+s13], $0x80, s28, s13, $0xb8;
	[tilespmem:$0x1FF80] =	vst v63  }
0xc1: {  	s30 =	simm.s32 $0x500;
	s28 =	simm.s32 $0xC  }
0xc2: {  	s11 =	sand.u32 $0xFC00, s30;
	_ =	swait.ge [sflag:s28], $0x2000  }
0xc3: {  	s15 =	simm.s32 $0x13F00;
	s22 =	sadd.s32 s6, s11;
	[sflag:s28] =	ssyncset.done $0x0  }
0xc4: {  	s9 =	sand.u32 $0x300, s30;
	s16 =	simm.s32 $0x11;
	[sflag:s28] =	ssyncadd.s32 $0xFFFFE000  }
0xc5: {  	[spmem:s2] =	stream.indirect.scatter.add.f32 [tilespmem:s0], [sflag:$0x12], $0x80, s15, s13, $0xb8;
	[tilespmem:$0x1FF80] =	vst v63  }
0xc6: {  	s9 =	sor.u32 s9, s22;
	_ =	swait.ge [sflag:s16], $0x2000  }
0xc7: {  	s9 =	sshrl.u32 s9, $0x3;
	[sflag:s16] =	ssyncset.done $0x0  }
0xc8: {  	s18 =	sadd.s32 s4, s9;
	[sflag:s16] =	ssyncadd.s32 $0xFFFFE000  }
0xc9: {  	[tilespmem:s20], [sflag:$0x5] =	stream.linear.gather [hbm4b:s18+s3], $0x80, $0x38;
	[tilespmem:$0x1FF80] =	vst v63  }
0xca: {  	s9 =	sadd.s32 s5, s9  }
0xcb: {  	[tilespmem:s21], [sflag:$0x5] =	stream.linear.gather [hbm4b:s9+s3], $0x80, $0x38;
	[tilespmem:$0x1FF80] =	vst v63  }
0xcc: {  	_ =	swait.ge [sflag:s23], $0x80  }
0xcd: {  	[sflag:s23] =	ssyncset.done $0x0  }
0xce: {  	[sflag:s23] =	ssyncadd.s32 $0xFFFFFF80  }
0xcf: {  	_ =	swait.ge [sflag:s23], $0x80  }
0xd0: {  	[sflag:s23] =	ssyncset.done $0x0  }
0xd1: {  	[sflag:s23] =	ssyncadd.s32 $0xFFFFFF80  }
0xd2: {  	[tilespmem:s12], [sflag:$0xA] =	stream.indirect.gather [hbm4b:s1+s13], $0x80, s14, s13, $0xb8;
	[tilespmem:$0x1FF80] =	vst v63  }
0xd3: {  	s24 =	simm.s32 $0x13C80;
	s20 =	simm.s32 $0x580;
	_ =	swait.ge [sflag:s19], $0x2000  }
0xd4: {  	s26 =	simm.s32 $0x12;
	s21 =	sand.u32 $0xFC00, s20;
	[sflag:s19] =	ssyncset.done $0x0  }
0xd5: {  	s9 =	sand.u32 $0x380, s20;
	s22 =	sadd.s32 s6, s21;
	[sflag:s19] =	ssyncadd.s32 $0xFFFFE000  }
0xd6: {  	[spmem:s2] =	stream.indirect.scatter.add.f32 [tilespmem:s25], [sflag:$0xD], $0x80, s24, s13, $0xb8;
	[tilespmem:$0x1FF80] =	vst v63  }
0xd7: {  	s9 =	sor.u32 s9, s22;
	_ =	swait.ge [sflag:s26], $0x2000  }
0xd8: {  	s9 =	sshrl.u32 s9, $0x3;
	[sflag:s26] =	ssyncset.done $0x0  }
0xd9: {  	s30 =	simm.s32 $0x13C00;
	s28 =	sadd.s32 s4, s9;
	[sflag:s26] =	ssyncadd.s32 $0xFFFFE000  }
0xda: {  	[tilespmem:s30], [sflag:$0x6] =	stream.linear.gather [hbm4b:s28+s3], $0x80, $0x38;
	[tilespmem:$0x1FF80] =	vst v63  }
0xdb: {  	s9 =	sadd.s32 s5, s9  }
0xdc: {  	[tilespmem:s15], [sflag:$0x6] =	stream.linear.gather [hbm4b:s9+s3], $0x80, $0x38;
	[tilespmem:$0x1FF80] =	vst v63  }
0xdd: {  	_ =	swait.ge [sflag:s29], $0x80  }
0xde: {  	[sflag:s29] =	ssyncset.done $0x0  }
0xdf: {  	s22 =	simm.s32 $0x880;
	s26 =	simm.s32 $0x600;
	[sflag:s29] =	ssyncadd.s32 $0xFFFFFF80  }
0xe0: {  	s24 =	simm.s32 $0xB80;
	s9 =	sand.u32 $0xFC00, s26;
	_ =	swait.ge [sflag:s29], $0x80  }
.LBB2_2:
0xe1: {  	[sflag:s29] =	ssyncset.done $0x0  }
0xe2: {  	s18 =	simm.s32 $0x13B80;
	[sflag:s29] =	ssyncadd.s32 $0xFFFFFF80  }
0xe3: {  	s0 =	simm.s32 $0x1BF80;
	s7 =	simm.s32 $0x8;
	s2 =	rddreg [dreg:$0x0]  }
0xe4: {  	[tilespmem:s0], [sflag:$0xB] =	stream.indirect.gather [hbm4b:s2+s13], $0x80, s18, s13, $0xb8;
	[tilespmem:$0x1FF80] =	vst v63  }
0xe5: {  	_ =	swait.ge [sflag:s7], $0x2000  }
0xe6: {  	s9 =	sadd.s32 s6, s9;
	s10 =	sand.u32 $0x300, s26;
	[sflag:s7] =	ssyncset.done $0x0  }
0xe7: {  	s26 =	smov.u32 s24;
	s14 =	simm.s32 $0x15F80;
	[sflag:s7] =	ssyncadd.s32 $0xFFFFE000  }
0xe8: {  	s11 =	simm.s32 $0xD;
	s7 =	simm.s32 $0x13D00;
	s12 =	rddreg [dreg:$0x2]  }
0xe9: {  	[spmem:s12] =	stream.indirect.scatter.add.f32 [tilespmem:s14], [sflag:$0xE], $0x80, s7, s13, $0xb8;
	[tilespmem:$0x1FF80] =	vst v63  }
0xea: {  	s28 =	sadd.s32 $0x300, s24;
	s9 =	sor.u32 s10, s9;
	_ =	swait.ge [sflag:s11], $0x2000  }
0xeb: {  	p1 =	sne.s32 s24, $0x4D80;
	s9 =	sshrl.u32 s9, $0x3;
	[sflag:s11] =	ssyncset.done $0x0  }
0xec: {  	s24 =	simm.s32 $0x13980;
	s1 =	sadd.s32 s4, s9;
	[sflag:s11] =	ssyncadd.s32 $0xFFFFE000  }
0xed: {  	[tilespmem:s24], [sflag:$0x1] =	stream.linear.gather [hbm4b:s1+s3], $0x80, $0x38;
	[tilespmem:$0x1FF80] =	vst v63  }
0xee: {  	s25 =	simm.s32 $0x13C80;
	s9 =	sadd.s32 s5, s9  }
0xef: {  	[tilespmem:s25], [sflag:$0x1] =	stream.linear.gather [hbm4b:s9+s3], $0x80, $0x38;
	[tilespmem:$0x1FF80] =	vst v63  }
0xf0: {  	_ =	swait.ge [sflag:s8], $0x80  }
0xf1: {  	[sflag:s8] =	ssyncset.done $0x0  }
0xf2: {  	[sflag:s8] =	ssyncadd.s32 $0xFFFFFF80  }
0xf3: {  	s20 =	simm.s32 $0x13C00;
	_ =	swait.ge [sflag:s8], $0x80  }
0xf4: {  	s21 =	simm.s32 $0x1DF80;
	s11 =	sadd.s32 $0xFFFFFE00, s22;
	[sflag:s8] =	ssyncset.done $0x0  }
0xf5: {  	s15 =	simm.s32 $0x9;
	s16 =	sand.u32 $0xFC00, s11;
	[sflag:s8] =	ssyncadd.s32 $0xFFFFFF80  }
0xf6: {  	[tilespmem:s21], [sflag:$0xC] =	stream.indirect.gather [hbm4b:s2+s13], $0x80, s20, s13, $0xb8;
	[tilespmem:$0x1FF80] =	vst v63  }
0xf7: {  	s10 =	sadd.s32 s6, s16;
	_ =	swait.ge [sflag:s15], $0x2000  }
0xf8: {  	s16 =	simm.s32 $0x17F80;
	s9 =	sand.u32 $0x380, s11;
	[sflag:s15] =	ssyncset.done $0x0  }
0xf9: {  	s11 =	simm.s32 $0x13D80;
	[sflag:s15] =	ssyncadd.s32 $0xFFFFE000;
	s15 =	simm.s32 $0xE  }
0xfa: {  	[spmem:s12] =	stream.indirect.scatter.add.f32 [tilespmem:s16], [sflag:$0xF], $0x80, s11, s13, $0xb8;
	[tilespmem:$0x1FF80] =	vst v63  }
0xfb: {  	s9 =	sor.u32 s9, s10;
	_ =	swait.ge [sflag:s15], $0x2000  }
0xfc: {  	s9 =	sshrl.u32 s9, $0x3;
	[sflag:s15] =	ssyncset.done $0x0  }
0xfd: {  	s30 =	simm.s32 $0x13A00;
	s19 =	sadd.s32 s4, s9;
	[sflag:s15] =	ssyncadd.s32 $0xFFFFE000  }
0xfe: {  	[tilespmem:s30], [sflag:$0x2] =	stream.linear.gather [hbm4b:s19+s3], $0x80, $0x38;
	[tilespmem:$0x1FF80] =	vst v63  }
0xff: {  	s1 =	simm.s32 $0x1;
	s9 =	sadd.s32 s5, s9  }
0x100: {  	[tilespmem:s7], [sflag:$0x2] =	stream.linear.gather [hbm4b:s9+s3], $0x80, $0x38;
	[tilespmem:$0x1FF80] =	vst v63  }
0x101: {  	_ =	swait.ge [sflag:s1], $0x80  }
0x102: {  	[sflag:s1] =	ssyncset.done $0x0  }
0x103: {  	[sflag:s1] =	ssyncadd.s32 $0xFFFFFF80  }
0x104: {  	_ =	swait.ge [sflag:s1], $0x80  }
0x105: {  	[sflag:s1] =	ssyncset.done $0x0  }
0x106: {  	s7 =	simm.s32 $0x13F80;
	[sflag:s1] =	ssyncadd.s32 $0xFFFFFF80  }
0x107: {  	[tilespmem:s7], [sflag:$0x7] =	stream.indirect.gather [hbm4b:s2+s13], $0x80, s24, s13, $0xb8;
	[tilespmem:$0x1FF80] =	vst v63  }
0x108: {  	s24 =	simm.s32 $0xA  }
0x109: {  	_ =	swait.ge [sflag:s24], $0x2000  }
0x10a: {  	s15 =	simm.s32 $0x13E00;
	[sflag:s24] =	ssyncset.done $0x0  }
0x10b: {  	s19 =	simm.s32 $0x19F80;
	s1 =	simm.s32 $0xF;
	[sflag:s24] =	ssyncadd.s32 $0xFFFFE000  }
0x10c: {  	[spmem:s12] =	stream.indirect.scatter.add.f32 [tilespmem:s19], [sflag:$0x10], $0x80, s15, s13, $0xb8;
	[tilespmem:$0x1FF80] =	vst v63  }
0x10d: {  	s9 =	sadd.s32 $0xFFFFFA80, s22;
	_ =	swait.ge [sflag:s1], $0x2000  }
0x10e: {  	s24 =	sand.u32 $0x7C00, s9;
	s10 =	rddreg [dreg:$0x4]  }
0x10f: {  	s9 =	sand.u32 $0x300, s9;
	s10 =	sadd.s32 s24, s10  }
0x110: {  	s9 =	sor.u32 s9, s10  }
0x111: {  	[sflag:s1] =	ssyncset.done $0x0;
	s9 =	sshrl.u32 s9, $0x3  }
0x112: {  	[sflag:s1] =	ssyncadd.s32 $0xFFFFE000;
	s24 =	simm.s32 $0x13A80;
	s1 =	sadd.s32 s4, s9  }
0x113: {  	[tilespmem:s24], [sflag:$0x3] =	stream.linear.gather [hbm4b:s1+s3], $0x80, $0x38;
	[tilespmem:$0x1FF80] =	vst v63  }
0x114: {  	s9 =	sadd.s32 s5, s9  }
0x115: {  	[tilespmem:s11], [sflag:$0x3] =	stream.linear.gather [hbm4b:s9+s3], $0x80, $0x38;
	[tilespmem:$0x1FF80] =	vst v63  }
0x116: {  	_ =	swait.ge [sflag:s17], $0x80  }
0x117: {  	[sflag:s17] =	ssyncset.done $0x0  }
0x118: {  	[sflag:s17] =	ssyncadd.s32 $0xFFFFFF80  }
0x119: {  	_ =	swait.ge [sflag:s17], $0x80  }
0x11a: {  	[sflag:s17] =	ssyncset.done $0x0  }
0x11b: {  	s10 =	simm.s32 $0xB;
	s11 =	sadd.s32 $0xFFFFFF00, s22;
	[sflag:s17] =	ssyncadd.s32 $0xFFFFFF80  }
0x11c: {  	[tilespmem:s14], [sflag:$0x8] =	stream.indirect.gather [hbm4b:s2+s13], $0x80, s30, s13, $0xb8;
	[tilespmem:$0x1FF80] =	vst v63  }
0x11d: {  	s9 =	sand.u32 $0x380, s11;
	_ =	swait.ge [sflag:s10], $0x2000  }
0x11e: {  	s14 =	sand.u32 $0xFC00, s11;
	s30 =	simm.s32 $0x10;
	[sflag:s10] =	ssyncset.done $0x0  }
0x11f: {  	[sflag:s10] =	ssyncadd.s32 $0xFFFFE000;
	s10 =	sadd.s32 s6, s14;
	s14 =	simm.s32 $0x13E80  }
0x120: {  	[spmem:s12] =	stream.indirect.scatter.add.f32 [tilespmem:s0], [sflag:$0x11], $0x80, s14, s13, $0xb8;
	[tilespmem:$0x1FF80] =	vst v63  }
0x121: {  	s9 =	sor.u32 s9, s10;
	_ =	swait.ge [sflag:s30], $0x2000  }
0x122: {  	s9 =	sshrl.u32 s9, $0x3;
	[sflag:s30] =	ssyncset.done $0x0  }
0x123: {  	s11 =	simm.s32 $0x13B00;
	s1 =	sadd.s32 s4, s9;
	[sflag:s30] =	ssyncadd.s32 $0xFFFFE000  }
0x124: {  	[tilespmem:s11], [sflag:$0x4] =	stream.linear.gather [hbm4b:s1+s3], $0x80, $0x38;
	[tilespmem:$0x1FF80] =	vst v63  }
0x125: {  	s9 =	sadd.s32 s5, s9  }
0x126: {  	[tilespmem:s15], [sflag:$0x4] =	stream.linear.gather [hbm4b:s9+s3], $0x80, $0x38;
	[tilespmem:$0x1FF80] =	vst v63  }
0x127: {  	_ =	swait.ge [sflag:s31], $0x80  }
0x128: {  	[sflag:s31] =	ssyncset.done $0x0  }
0x129: {  	[sflag:s31] =	ssyncadd.s32 $0xFFFFFF80  }
0x12a: {  	_ =	swait.ge [sflag:s31], $0x80  }
0x12b: {  	[sflag:s31] =	ssyncset.done $0x0  }
0x12c: {  	[sflag:s31] =	ssyncadd.s32 $0xFFFFFF80  }
0x12d: {  	[tilespmem:s16], [sflag:$0x9] =	stream.indirect.gather [hbm4b:s2+s13], $0x80, s24, s13, $0xb8;
	[tilespmem:$0x1FF80] =	vst v63  }
0x12e: {  	s16 =	simm.s32 $0xC  }
0x12f: {  	s1 =	simm.s32 $0x11;
	s24 =	sadd.s32 $0xFFFFFF80, s22;
	_ =	swait.ge [sflag:s16], $0x2000  }
0x130: {  	s15 =	simm.s32 $0x13F00;
	s30 =	sand.u32 $0xFC00, s24;
	[sflag:s16] =	ssyncset.done $0x0  }
0x131: {  	s9 =	sand.u32 $0x300, s24;
	s10 =	sadd.s32 s6, s30;
	[sflag:s16] =	ssyncadd.s32 $0xFFFFE000  }
0x132: {  	[spmem:s12] =	stream.indirect.scatter.add.f32 [tilespmem:s21], [sflag:$0x12], $0x80, s15, s13, $0xb8;
	[tilespmem:$0x1FF80] =	vst v63  }
0x133: {  	s9 =	sor.u32 s9, s10;
	_ =	swait.ge [sflag:s1], $0x2000  }
0x134: {  	s9 =	sshrl.u32 s9, $0x3;
	[sflag:s1] =	ssyncset.done $0x0  }
0x135: {  	s16 =	sadd.s32 s4, s9;
	[sflag:s1] =	ssyncadd.s32 $0xFFFFE000  }
0x136: {  	[tilespmem:s18], [sflag:$0x5] =	stream.linear.gather [hbm4b:s16+s3], $0x80, $0x38;
	[tilespmem:$0x1FF80] =	vst v63  }
0x137: {  	s9 =	sadd.s32 s5, s9  }
0x138: {  	[tilespmem:s14], [sflag:$0x5] =	stream.linear.gather [hbm4b:s9+s3], $0x80, $0x38;
	[tilespmem:$0x1FF80] =	vst v63  }
0x139: {  	_ =	swait.ge [sflag:s23], $0x80  }
0x13a: {  	[sflag:s23] =	ssyncset.done $0x0  }
0x13b: {  	[sflag:s23] =	ssyncadd.s32 $0xFFFFFF80  }
0x13c: {  	_ =	swait.ge [sflag:s23], $0x80  }
0x13d: {  	[sflag:s23] =	ssyncset.done $0x0  }
0x13e: {  	[sflag:s23] =	ssyncadd.s32 $0xFFFFFF80  }
0x13f: {  	[tilespmem:s19], [sflag:$0xA] =	stream.indirect.gather [hbm4b:s2+s13], $0x80, s11, s13, $0xb8;
	[tilespmem:$0x1FF80] =	vst v63  }
0x140: {  	s19 =	simm.s32 $0x7  }
0x141: {  	_ =	swait.ge [sflag:s19], $0x2000  }
0x142: {  	[sflag:s19] =	ssyncset.done $0x0  }
0x143: {  	s21 =	sand.u32 $0xFC00, s22;
	[sflag:s19] =	ssyncadd.s32 $0xFFFFE000  }
0x144: {  	[spmem:s12] =	stream.indirect.scatter.add.f32 [tilespmem:s7], [sflag:$0xD], $0x80, s25, s13, $0xb8;
	[tilespmem:$0x1FF80] =	vst v63  }
0x145: {  	s24 =	sand.u32 $0x380, s22;
	s9 =	sadd.s32 s6, s21;
	s25 =	simm.s32 $0x12  }
0x146: {  	s9 =	sor.u32 s24, s9;
	_ =	swait.ge [sflag:s25], $0x2000  }
0x147: {  	s9 =	sshrl.u32 s9, $0x3;
	[sflag:s25] =	ssyncset.done $0x0  }
0x148: {  	s30 =	sadd.s32 s4, s9;
	[sflag:s25] =	ssyncadd.s32 $0xFFFFE000  }
0x149: {  	[tilespmem:s20], [sflag:$0x6] =	stream.linear.gather [hbm4b:s30+s3], $0x80, $0x38;
	[tilespmem:$0x1FF80] =	vst v63  }
0x14a: {  	s9 =	sadd.s32 s5, s9  }
0x14b: {  	[tilespmem:s15], [sflag:$0x6] =	stream.linear.gather [hbm4b:s9+s3], $0x80, $0x38;
	[tilespmem:$0x1FF80] =	vst v63  }
.Ltmp0:
0x14c: {  	_ = 	snop;
	(pc) =	sbr.rel @p1 .LBB2_2-.Ltmp0, $4  }
0x14d: {  	_ =	swait.ge [sflag:s29], $0x80  }
0x14e: {  	s22 =	smov.u32 s26;
	[sflag:s29] =	ssyncset.done $0x0  }
0x14f: {  	s26 =	sadd.s32 $0xFFFFFD80, s22;
	[sflag:s29] =	ssyncadd.s32 $0xFFFFFF80  }
0x150: {  	s24 =	smov.u32 s28;
	s9 =	sand.u32 $0xFC00, s26;
	_ =	swait.ge [sflag:s29], $0x80  }
0x151: {  	[sflag:s29] =	ssyncset.done $0x0  }
0x152: {  	s2 =	simm.s32 $0x13B80;
	[sflag:s29] =	ssyncadd.s32 $0xFFFFFF80  }
0x153: {  	s0 =	simm.s32 $0x1BF80;
	s25 =	simm.s32 $0x8;
	s18 =	rddreg [dreg:$0x0]  }
0x154: {  	[tilespmem:s0], [sflag:$0xB] =	stream.indirect.gather [hbm4b:s18+s13], $0x80, s2, s13, $0xb8;
	[tilespmem:$0x1FF80] =	vst v63  }
0x155: {  	_ =	swait.ge [sflag:s25], $0x2000  }
0x156: {  	s9 =	sadd.s32 s6, s9;
	[sflag:s25] =	ssyncset.done $0x0  }
0x157: {  	s10 =	sand.u32 $0x300, s26;
	s16 =	simm.s32 $0x13D00;
	[sflag:s25] =	ssyncadd.s32 $0xFFFFE000  }
0x158: {  	s11 =	simm.s32 $0x15F80;
	s28 =	simm.s32 $0xD;
	s12 =	rddreg [dreg:$0x2]  }
0x159: {  	[spmem:s12] =	stream.indirect.scatter.add.f32 [tilespmem:s11], [sflag:$0xE], $0x80, s16, s13, $0xb8;
	[tilespmem:$0x1FF80] =	vst v63  }
0x15a: {  	s9 =	sor.u32 s10, s9;
	_ =	swait.ge [sflag:s28], $0x2000  }
0x15b: {  	s9 =	sshrl.u32 s9, $0x3;
	[sflag:s28] =	ssyncset.done $0x0  }
0x15c: {  	s24 =	simm.s32 $0x13980;
	s20 =	sadd.s32 s4, s9;
	[sflag:s28] =	ssyncadd.s32 $0xFFFFE000  }
0x15d: {  	[tilespmem:s24], [sflag:$0x1] =	stream.linear.gather [hbm4b:s20+s3], $0x80, $0x38;
	[tilespmem:$0x1FF80] =	vst v63  }
0x15e: {  	s21 =	simm.s32 $0x13C80;
	s9 =	sadd.s32 s5, s9  }
0x15f: {  	[tilespmem:s21], [sflag:$0x1] =	stream.linear.gather [hbm4b:s9+s3], $0x80, $0x38;
	[tilespmem:$0x1FF80] =	vst v63  }
0x160: {  	_ =	swait.ge [sflag:s8], $0x80  }
0x161: {  	[sflag:s8] =	ssyncset.done $0x0  }
0x162: {  	[sflag:s8] =	ssyncadd.s32 $0xFFFFFF80  }
0x163: {  	_ =	swait.ge [sflag:s8], $0x80  }
0x164: {  	s26 =	simm.s32 $0x13C00;
	s30 =	simm.s32 $0x1DF80;
	[sflag:s8] =	ssyncset.done $0x0  }
0x165: {  	s7 =	sadd.s32 $0xFFFFFE00, s22;
	s20 =	simm.s32 $0x9;
	[sflag:s8] =	ssyncadd.s32 $0xFFFFFF80  }
0x166: {  	[tilespmem:s30], [sflag:$0xC] =	stream.indirect.gather [hbm4b:s18+s13], $0x80, s26, s13, $0xb8;
	[tilespmem:$0x1FF80] =	vst v63  }
0x167: {  	s15 =	simm.s32 $0x13D80;
	s14 =	sand.u32 $0xFC00, s7;
	_ =	swait.ge [sflag:s20], $0x2000  }
0x168: {  	s10 =	sadd.s32 s6, s14;
	s9 =	sand.u32 $0x380, s7;
	[sflag:s20] =	ssyncset.done $0x0  }
0x169: {  	s7 =	simm.s32 $0x17F80;
	s21 =	simm.s32 $0xE;
	[sflag:s20] =	ssyncadd.s32 $0xFFFFE000  }
0x16a: {  	[spmem:s12] =	stream.indirect.scatter.add.f32 [tilespmem:s7], [sflag:$0xF], $0x80, s15, s13, $0xb8;
	[tilespmem:$0x1FF80] =	vst v63  }
0x16b: {  	s9 =	sor.u32 s9, s10;
	_ =	swait.ge [sflag:s21], $0x2000  }
0x16c: {  	s9 =	sshrl.u32 s9, $0x3;
	[sflag:s21] =	ssyncset.done $0x0  }
0x16d: {  	s16 =	sadd.s32 s4, s9;
	s26 =	simm.s32 $0x13A00;
	[sflag:s21] =	ssyncadd.s32 $0xFFFFE000  }
0x16e: {  	[tilespmem:s26], [sflag:$0x2] =	stream.linear.gather [hbm4b:s16+s3], $0x80, $0x38;
	[tilespmem:$0x1FF80] =	vst v63  }
0x16f: {  	s19 =	simm.s32 $0x13D00;
	s9 =	sadd.s32 s5, s9  }
0x170: {  	[tilespmem:s19], [sflag:$0x2] =	stream.linear.gather [hbm4b:s9+s3], $0x80, $0x38;
	[tilespmem:$0x1FF80] =	vst v63  }
0x171: {  	s19 =	simm.s32 $0x1  }
0x172: {  	_ =	swait.ge [sflag:s19], $0x80  }
0x173: {  	[sflag:s19] =	ssyncset.done $0x0  }
0x174: {  	[sflag:s19] =	ssyncadd.s32 $0xFFFFFF80  }
0x175: {  	_ =	swait.ge [sflag:s19], $0x80  }
0x176: {  	[sflag:s19] =	ssyncset.done $0x0  }
0x177: {  	s30 =	simm.s32 $0x13F80;
	s16 =	simm.s32 $0xA;
	[sflag:s19] =	ssyncadd.s32 $0xFFFFFF80  }
0x178: {  	[tilespmem:s30], [sflag:$0x7] =	stream.indirect.gather [hbm4b:s18+s13], $0x80, s24, s13, $0xb8;
	[tilespmem:$0x1FF80] =	vst v63  }
0x179: {  	_ =	swait.ge [sflag:s16], $0x2000  }
0x17a: {  	s9 =	simm.s32 $0x13E00;
	[sflag:s16] =	ssyncset.done $0x0  }
0x17b: {  	s19 =	simm.s32 $0xF;
	s30 =	simm.s32 $0x19F80;
	[sflag:s16] =	ssyncadd.s32 $0xFFFFE000  }
0x17c: {  	[spmem:s12] =	stream.indirect.scatter.add.f32 [tilespmem:s30], [sflag:$0x10], $0x80, s9, s13, $0xb8;
	[tilespmem:$0x1FF80] =	vst v63  }
0x17d: {  	s11 =	sadd.s32 $0xFFFFFA80, s22;
	_ =	swait.ge [sflag:s19], $0x2000  }
0x17e: {  	s14 =	sand.u32 $0x7C00, s11;
	s10 =	rddreg [dreg:$0x4]  }
0x17f: {  	s9 =	sadd.s32 s14, s10;
	s10 =	sand.u32 $0x300, s11  }
0x180: {  	s9 =	sor.u32 s10, s9  }
0x181: {  	[sflag:s19] =	ssyncset.done $0x0;
	s9 =	sshrl.u32 s9, $0x3  }
0x182: {  	s24 =	simm.s32 $0x13A80;
	[sflag:s19] =	ssyncadd.s32 $0xFFFFE000;
	s11 =	sadd.s32 s4, s9  }
0x183: {  	[tilespmem:s24], [sflag:$0x3] =	stream.linear.gather [hbm4b:s11+s3], $0x80, $0x38;
	[tilespmem:$0x1FF80] =	vst v63  }
0x184: {  	s7 =	simm.s32 $0x13D80;
	s9 =	sadd.s32 s5, s9  }
0x185: {  	[tilespmem:s7], [sflag:$0x3] =	stream.linear.gather [hbm4b:s9+s3], $0x80, $0x38;
	[tilespmem:$0x1FF80] =	vst v63  }
0x186: {  	_ =	swait.ge [sflag:s17], $0x80  }
0x187: {  	[sflag:s17] =	ssyncset.done $0x0  }
0x188: {  	[sflag:s17] =	ssyncadd.s32 $0xFFFFFF80  }
0x189: {  	_ =	swait.ge [sflag:s17], $0x80  }
0x18a: {  	s2 =	simm.s32 $0x15F80;
	[sflag:s17] =	ssyncset.done $0x0  }
0x18b: {  	s14 =	sadd.s32 $0xFFFFFF00, s22;
	s11 =	simm.s32 $0xB;
	[sflag:s17] =	ssyncadd.s32 $0xFFFFFF80  }
0x18c: {  	[tilespmem:s2], [sflag:$0x8] =	stream.indirect.gather [hbm4b:s18+s13], $0x80, s26, s13, $0xb8;
	[tilespmem:$0x1FF80] =	vst v63  }
0x18d: {  	s1 =	simm.s32 $0x1BF80;
	s9 =	sand.u32 $0x380, s14;
	_ =	swait.ge [sflag:s11], $0x2000  }
0x18e: {  	s7 =	simm.s32 $0x10;
	s26 =	sand.u32 $0xFC00, s14;
	[sflag:s11] =	ssyncset.done $0x0  }
0x18f: {  	s10 =	sadd.s32 s6, s26;
	s26 =	simm.s32 $0x13E80;
	[sflag:s11] =	ssyncadd.s32 $0xFFFFE000  }
0x190: {  	[spmem:s12] =	stream.indirect.scatter.add.f32 [tilespmem:s1], [sflag:$0x11], $0x80, s26, s13, $0xb8;
	[tilespmem:$0x1FF80] =	vst v63  }
0x191: {  	s9 =	sor.u32 s9, s10;
	_ =	swait.ge [sflag:s7], $0x2000  }
0x192: {  	s9 =	sshrl.u32 s9, $0x3;
	[sflag:s7] =	ssyncset.done $0x0  }
0x193: {  	s14 =	simm.s32 $0x13B00;
	s2 =	sadd.s32 s4, s9;
	[sflag:s7] =	ssyncadd.s32 $0xFFFFE000  }
0x194: {  	[tilespmem:s14], [sflag:$0x4] =	stream.linear.gather [hbm4b:s2+s3], $0x80, $0x38;
	[tilespmem:$0x1FF80] =	vst v63  }
0x195: {  	s0 =	simm.s32 $0x13E00;
	s9 =	sadd.s32 s5, s9  }
0x196: {  	[tilespmem:s0], [sflag:$0x4] =	stream.linear.gather [hbm4b:s9+s3], $0x80, $0x38;
	[tilespmem:$0x1FF80] =	vst v63  }
0x197: {  	_ =	swait.ge [sflag:s31], $0x80  }
0x198: {  	[sflag:s31] =	ssyncset.done $0x0  }
0x199: {  	[sflag:s31] =	ssyncadd.s32 $0xFFFFFF80  }
0x19a: {  	_ =	swait.ge [sflag:s31], $0x80  }
0x19b: {  	s15 =	simm.s32 $0x17F80;
	s1 =	sadd.s32 $0xFFFFFF80, s22;
	[sflag:s31] =	ssyncset.done $0x0  }
0x19c: {  	s2 =	sand.u32 $0xFC00, s1;
	s0 =	simm.s32 $0xC;
	[sflag:s31] =	ssyncadd.s32 $0xFFFFFF80  }
0x19d: {  	[tilespmem:s15], [sflag:$0x9] =	stream.indirect.gather [hbm4b:s18+s13], $0x80, s24, s13, $0xb8;
	[tilespmem:$0x1FF80] =	vst v63  }
0x19e: {  	s10 =	sadd.s32 s6, s2;
	_ =	swait.ge [sflag:s0], $0x2000  }
0x19f: {  	s9 =	sand.u32 $0x300, s1;
	s1 =	simm.s32 $0x11;
	[sflag:s0] =	ssyncset.done $0x0  }
0x1a0: {  	s24 =	simm.s32 $0x13F00;
	s15 =	simm.s32 $0x1DF80;
	[sflag:s0] =	ssyncadd.s32 $0xFFFFE000  }
0x1a1: {  	[spmem:s12] =	stream.indirect.scatter.add.f32 [tilespmem:s15], [sflag:$0x12], $0x80, s24, s13, $0xb8;
	[tilespmem:$0x1FF80] =	vst v63  }
0x1a2: {  	s9 =	sor.u32 s9, s10;
	_ =	swait.ge [sflag:s1], $0x2000  }
0x1a3: {  	s9 =	sshrl.u32 s9, $0x3;
	[sflag:s1] =	ssyncset.done $0x0  }
0x1a4: {  	s2 =	sadd.s32 s4, s9;
	s15 =	simm.s32 $0x13B80;
	[sflag:s1] =	ssyncadd.s32 $0xFFFFE000  }
0x1a5: {  	[tilespmem:s15], [sflag:$0x5] =	stream.linear.gather [hbm4b:s2+s3], $0x80, $0x38;
	[tilespmem:$0x1FF80] =	vst v63  }
0x1a6: {  	s9 =	sadd.s32 s5, s9  }
0x1a7: {  	[tilespmem:s26], [sflag:$0x5] =	stream.linear.gather [hbm4b:s9+s3], $0x80, $0x38;
	[tilespmem:$0x1FF80] =	vst v63  }
0x1a8: {  	_ =	swait.ge [sflag:s23], $0x80  }
0x1a9: {  	[sflag:s23] =	ssyncset.done $0x0  }
0x1aa: {  	[sflag:s23] =	ssyncadd.s32 $0xFFFFFF80  }
0x1ab: {  	_ =	swait.ge [sflag:s23], $0x80  }
0x1ac: {  	[sflag:s23] =	ssyncset.done $0x0  }
0x1ad: {  	[sflag:s23] =	ssyncadd.s32 $0xFFFFFF80  }
0x1ae: {  	[tilespmem:s30], [sflag:$0xA] =	stream.indirect.gather [hbm4b:s18+s13], $0x80, s14, s13, $0xb8;
	[tilespmem:$0x1FF80] =	vst v63  }
0x1af: {  	s14 =	simm.s32 $0x7  }
0x1b0: {  	_ =	swait.ge [sflag:s14], $0x2000  }
0x1b1: {  	s10 =	simm.s32 $0x13F80;
	[sflag:s14] =	ssyncset.done $0x0  }
0x1b2: {  	s2 =	simm.s32 $0x13C80;
	s9 =	sand.u32 $0xFC00, s22;
	[sflag:s14] =	ssyncadd.s32 $0xFFFFE000  }
0x1b3: {  	[spmem:s12] =	stream.indirect.scatter.add.f32 [tilespmem:s10], [sflag:$0xD], $0x80, s2, s13, $0xb8;
	[tilespmem:$0x1FF80] =	vst v63  }
0x1b4: {  	s9 =	sadd.s32 s6, s9;
	s2 =	sand.u32 $0x380, s22;
	s22 =	simm.s32 $0x12  }
0x1b5: {  	_ =	swait.ge [sflag:s22], $0x2000;
	s9 =	sor.u32 s2, s9  }
0x1b6: {  	[sflag:s22] =	ssyncset.done $0x0;
	s9 =	sshrl.u32 s9, $0x3  }
0x1b7: {  	s2 =	simm.s32 $0x13C00;
	[sflag:s22] =	ssyncadd.s32 $0xFFFFE000;
	s10 =	sadd.s32 s4, s9  }
0x1b8: {  	[tilespmem:s2], [sflag:$0x6] =	stream.linear.gather [hbm4b:s10+s3], $0x80, $0x38;
	[tilespmem:$0x1FF80] =	vst v63  }
0x1b9: {  	s9 =	sadd.s32 s5, s9  }
0x1ba: {  	[tilespmem:s24], [sflag:$0x6] =	stream.linear.gather [hbm4b:s9+s3], $0x80, $0x38;
	[tilespmem:$0x1FF80] =	vst v63  }
0x1bb: {  	_ =	swait.ge [sflag:s29], $0x80  }
0x1bc: {  	[sflag:s29] =	ssyncset.done $0x0  }
0x1bd: {  	[sflag:s29] =	ssyncadd.s32 $0xFFFFFF80  }
0x1be: {  	_ =	swait.ge [sflag:s29], $0x80  }
0x1bf: {  	[sflag:s29] =	ssyncset.done $0x0  }
0x1c0: {  	s9 =	simm.s32 $0x1BF80;
	[sflag:s29] =	ssyncadd.s32 $0xFFFFFF80  }
0x1c1: {  	[tilespmem:s9], [sflag:$0xB] =	stream.indirect.gather [hbm4b:s18+s13], $0x80, s15, s13, $0xb8;
	[tilespmem:$0x1FF80] =	vst v63  }
0x1c2: {  	_ =	swait.ge [sflag:s25], $0x2000  }
0x1c3: {  	[sflag:s25] =	ssyncset.done $0x0  }
0x1c4: {  	s15 =	simm.s32 $0x13D00;
	[sflag:s25] =	ssyncadd.s32 $0xFFFFE000;
	s25 =	simm.s32 $0x15F80  }
0x1c5: {  	[spmem:s12] =	stream.indirect.scatter.add.f32 [tilespmem:s25], [sflag:$0xE], $0x80, s15, s13, $0xb8;
	[tilespmem:$0x1FF80] =	vst v63  }
0x1c6: {  	_ =	swait.ge [sflag:s8], $0x80  }
0x1c7: {  	[sflag:s8] =	ssyncset.done $0x0  }
0x1c8: {  	[sflag:s8] =	ssyncadd.s32 $0xFFFFFF80  }
0x1c9: {  	_ =	swait.ge [sflag:s8], $0x80  }
0x1ca: {  	[sflag:s8] =	ssyncset.done $0x0  }
0x1cb: {  	s10 =	simm.s32 $0x1DF80;
	[sflag:s8] =	ssyncadd.s32 $0xFFFFFF80  }
0x1cc: {  	[tilespmem:s10], [sflag:$0xC] =	stream.indirect.gather [hbm4b:s18+s13], $0x80, s2, s13, $0xb8;
	[tilespmem:$0x1FF80] =	vst v63  }
0x1cd: {  	_ =	swait.ge [sflag:s20], $0x2000  }
0x1ce: {  	[sflag:s20] =	ssyncset.done $0x0  }
0x1cf: {  	s25 =	simm.s32 $0x17F80;
	[sflag:s20] =	ssyncadd.s32 $0xFFFFE000;
	s20 =	simm.s32 $0x13D80  }
0x1d0: {  	[spmem:s12] =	stream.indirect.scatter.add.f32 [tilespmem:s25], [sflag:$0xF], $0x80, s20, s13, $0xb8;
	[tilespmem:$0x1FF80] =	vst v63  }
0x1d1: {  	_ =	swait.ge [sflag:s16], $0x2000  }
0x1d2: {  	[sflag:s16] =	ssyncset.done $0x0  }
0x1d3: {  	[sflag:s16] =	ssyncadd.s32 $0xFFFFE000;
	s16 =	simm.s32 $0x13E00  }
0x1d4: {  	[spmem:s12] =	stream.indirect.scatter.add.f32 [tilespmem:s30], [sflag:$0x10], $0x80, s16, s13, $0xb8;
	[tilespmem:$0x1FF80] =	vst v63  }
0x1d5: {  	_ =	swait.ge [sflag:s11], $0x2000  }
0x1d6: {  	[sflag:s11] =	ssyncset.done $0x0  }
0x1d7: {  	[sflag:s11] =	ssyncadd.s32 $0xFFFFE000  }
0x1d8: {  	[spmem:s12] =	stream.indirect.scatter.add.f32 [tilespmem:s9], [sflag:$0x11], $0x80, s26, s13, $0xb8;
	[tilespmem:$0x1FF80] =	vst v63  }
0x1d9: {  	_ =	swait.ge [sflag:s0], $0x2000  }
0x1da: {  	[sflag:s0] =	ssyncset.done $0x0  }
0x1db: {  	[sflag:s0] =	ssyncadd.s32 $0xFFFFE000  }
0x1dc: {  	[spmem:s12] =	stream.indirect.scatter.add.f32 [tilespmem:s10], [sflag:$0x12], $0x80, s24, s13, $0xb8;
	[tilespmem:$0x1FF80] =	vst v63  }
0x1dd: {  	_ =	swait.ge [sflag:s28], $0x2000  }
0x1de: {  	[sflag:s28] =	ssyncset.done $0x0  }
0x1df: {  	[sflag:s28] =	ssyncadd.s32 $0xFFFFE000  }
0x1e0: {  	_ =	swait.ge [sflag:s21], $0x2000  }
0x1e1: {  	[sflag:s21] =	ssyncset.done $0x0  }
0x1e2: {  	[sflag:s21] =	ssyncadd.s32 $0xFFFFE000  }
0x1e3: {  	_ =	swait.ge [sflag:s19], $0x2000  }
0x1e4: {  	[sflag:s19] =	ssyncset.done $0x0  }
0x1e5: {  	[sflag:s19] =	ssyncadd.s32 $0xFFFFE000  }
0x1e6: {  	_ =	swait.ge [sflag:s7], $0x2000  }
0x1e7: {  	[sflag:s7] =	ssyncset.done $0x0  }
0x1e8: {  	[sflag:s7] =	ssyncadd.s32 $0xFFFFE000  }
0x1e9: {  	_ =	swait.ge [sflag:s1], $0x2000  }
0x1ea: {  	[sflag:s1] =	ssyncset.done $0x0  }
0x1eb: {  	[sflag:s1] =	ssyncadd.s32 $0xFFFFE000  }
0x1ec: {  	_ =	swait.ge [sflag:s22], $0x2000  }
0x1ed: {  	[sflag:s22] =	ssyncset.done $0x0  }
0x1ee: {  	s26 =	simm.s32 $0x13880;
	s19 =	simm.s32 $0x13F80;
	[sflag:s22] =	ssyncadd.s32 $0xFFFFE000  }
0x1ef: {  	[tilespmem:s19], [sflag:$0x7] =	stream.indirect.gather [hbm4b:s18+s7], $0x80, s26, s7, $0xb8;
	[tilespmem:$0x1FF80] =	vst v63  }
0x1f0: {  	_ =	swait.ge [sflag:s14], $0x800  }
0x1f1: {  	[sflag:s14] =	ssyncset.done $0x0  }
0x1f2: {  	s24 =	simm.s32 $0x13;
	s28 =	simm.s32 $0x13900;
	[sflag:s14] =	ssyncadd.s32 $0xFFFFF800  }
0x1f3: {  	[spmem:s12] =	stream.indirect.scatter.add.f32 [tilespmem:s19], [sflag:$0x13], $0x80, s28, s7, $0xb8;
	[tilespmem:$0x1FF80] =	vst v63  }
0x1f4: {  	_ =	swait.ge [sflag:s24], $0x800  }
0x1f5: {  	[sflag:s24] =	ssyncset.done $0x0  }
0x1f6: {  	[sflag:s24] =	ssyncadd.s32 $0xFFFFF800  }
0x1f7: {  	[bflag:$0x0] =	sbarrier.arrive $0xFFFF  }
0x1f8: {  	s22 =	rddreg [dreg:$0x7]  }
0x1f9: {  	s20 =	rddreg [dreg:$0x12]  }
0x1fa: {  	s21 =	rddreg [dreg:$0x1c]  }
0x1fb: {  	[hbm:s20], [sflag:s22] =	dma.local [spmem:s21], $0x2700  }
0x1fc: {  	_ =	swait.ge [sflag:s24], $0x2700  }
0x1fd: {  	[sflag:s24] =	ssyncset.done $0x0;
	s9 =	rddreg [dreg:$0x17]  }
0x1fe: {  	s0 =	rddreg [dreg:$0x1d];
	[sflag:s24] =	ssyncadd.s32 $0xFFFFD900  }
0x1ff: {  	[hbm:s9], [sflag:s22] =	dma.local @!p0 [spmem:s0], $0x100  }
0x200: {  	s9 =	simm.s32 @!p0 $0x13  }
0x201: {  	_ =	swait.ge @!p0 [sflag:s9], $0x100  }
0x202: {  	s25 =	rddreg [dreg:$0x1b]  }
0x203: {  	s30 =	rddreg [dreg:$0x18];
	s0 =	sadd.s32 $0x1, s25  }
0x204: {  	p1 =	sne.s32 s0, s30  }
.Ltmp1:
0x205: {  	_ = 	snop;
	(pc) =	sbr.rel @p1 .LBB2_1-.Ltmp1, $3  }
0x206: {  	_ =	sdelay $0x1  }
0x207: {  	[sflag:s9] =	ssyncset.done @!p0 $0x0  }
0x208: {  	[sflag:s9] =	ssyncadd.s32 @!p0 $0xFFFFFF00  }
0x209: {  	_ =	sfence.sel $0x180000  }
0x20a: {  	[bflag:$0x0] =	sbarrier.arrive $0xFFFF  }
0x20b: {  	_ =	strace $0x9000004D  }
0x20c: {  	[bflag:$0x2] =	sbarrier.arrive $0xFFFF  }
0x20d: {  	s0 =	rddreg [dreg:$0x3]  }
0x20e: {  	s0 =	sadd.s32 @!p0 $0x100000, s0  }
0x20f: {  	[sflag:s0] =	ssyncadd.tile.s32 @!p0 $0x1;
	_ =	shalt  }
.Lfunc_end2:
_tile_overlayer_lowered:
.L_overlay_start_2:
0x210: {  	(tag) =	ssettag $0x2  }
0x211: {  	s0 =	rddreg [dreg:$0x0];
	s2 =	stileid.u32  }
0x212: {  	s1 =	rddreg [dreg:$0x1];
	p0 =	sne.s32 s2, $0x0  }
0x213: {  	s3 =	rddreg [dreg:$0x2];
	[bflag:$0x3] =	sbarrier.arrive $0xFFFF;
	s2 =	simm.s32 @!p0 $0x1C13  }
0x214: {  	[timem:s3], [sflag:s2] =	dma.local @!p0 [hbm:s0], s1  }
0x215: {  	s0 =	simm.s32 @!p0 $0x13  }
0x216: {  	_ =	swait.ge @!p0 [sflag:s0], s1  }
0x217: {  	s1 =	ssub.s32 @!p0 $0x0, s1;
	[sflag:s0] =	ssyncset.done @!p0 $0x0  }
0x218: {  	[sflag:s0] =	ssyncadd.s32 @!p0 s1  }
0x219: {  	[bflag:$0x3] =	sbarrier.arrive $0xFFFF  }
0x21a: {  	_ =	shalt  }

// kernel: _run.20.cloned.1.call-start
scs
__scs_entry_jumppad:
0x0: {  	(pc) =	sbr.rel $0x88, $3  }
0x1: {  	(tag) =	ssettag $0x0;
	lr =	simm.s32 $0x1  }
0x2: {  	[smem:$0x3F9B] =	sst lr;
	_ =	strace $0xD0000000  }
0x3: {  	_ = 	snop  }
0x4: {  	_ = 	snop  }
0x5: {  	_ = 	snop  }
0x6: {  	_ = 	snop  }
0x7: {  	_ = 	snop  }
__scs_overlays_trampoline_lowered:
0x8: {  	[smem:$0x3FAA] =	sst s0  }
0x9: {  	[smem:$0x3FAB] =	sst s1  }
0xa: {  	[smem:$0x3FAC] =	sst s2  }
0xb: {  	[smem:$0x3FAD] =	sst s3  }
0xc: {  	[smem:$0x3FAE] =	sst s4  }
0xd: {  	[smem:$0x3FAF] =	sst s5  }
0xe: {  	[smem:$0x3FB0] =	sst s6  }
0xf: {  	[smem:$0x3FB1] =	sst s7  }
0x10: {  	[smem:$0x3FB2] =	sst s8  }
0x11: {  	[smem:$0x3FB3] =	sst s9;
	s0 =	simm.s32 @!p0 $0x0  }
0x12: {  	s1 =	sld [smem:$0x3F99];
	s0 =	simm.s32 @p0 $0x1  }
0x13: {  	[smem:$0x3FB4] =	sst s0;
	s0 =	simm.s32 @!p1 $0x0  }
0x14: {  	s2 =	sld [smem:$0x3F98];
	s0 =	simm.s32 @p1 $0x1  }
0x15: {  	[smem:$0x3FB5] =	sst s0;
	s0 =	simm.s32 @!p2 $0x0  }
0x16: {  	s3 =	sld [smem:$0x3FDB];
	s0 =	simm.s32 @p2 $0x1  }
0x17: {  	s4 =	simm.s32 $0x1BF5;
	[smem:$0x3FB7] =	sst s0  }
0x18: {  	s0 =	sld [smem:$0x3F9A];
	_ =	swait.ge [sflag:s4], $0x0  }
0x19: {  	s7 =	sld [smem:$0x3F9B]  }
0x1a: {  	s8 =	sadd.s32 $0xFFFFE003, lr  }
0x1b: {  	s9 =	sadd.s32 $0xFFFFFEF7, lr;
	s5 =	simm.s32 $0xFFFFFFFF;
	p2 =	slt.u32 s8, $0xFFFFF086  }
0x1c: {  	p1 =	slt.u32 s9, $0xF7A;
	s5 =	simm.s32 @!p2 $0x0  }
0x1d: {  	s5 =	simm.s32 @p1 $0x1;
	p0 =	seq.s32 s7, s2  }
0x1e: {  	s7 =	smul.u32 @!p0 $0xF7A, s2;
	p2 =	seq.s32 @!p0 s5, $0x0  }
0x1f: {  	s9 =	smul.u32 $0xF7A, s1;
	s8 =	simm.s32 @!p0 $0x1BF5;
	p2 =	por !p2, p0  }
0x20: {  	[sflag:s8] =	ssyncset.s32 @!p0 $0xFFFFF086;
	s6 =	sadd.s32 @!p0 s3, s7;
	s7 =	simm.s32 @!p0 $0x108  }
0x21: {  	s3 =	sadd.s32 s3, s9;
	s6 =	sadd.s32 @!p0 $0x88, s6;
	s7 =	simm.s32 @p2 $0x1082  }
0x22: {  	[simem:s7], [sflag:s8] =	dma.local @!p0 [hbm:s6], $0xF7A  }
0x23: {  	s9 =	sor.u32 $0xD0000000, s2;
	s6 =	simm.s32 $0x108;
	_ =	swait.ge @!p0 [sflag:s8], $0x0  }
0x24: {  	s3 =	sadd.s32 $0x88, s3;
	s6 =	simm.s32 @!p1 $0x1082;
	[sflag:s4] =	ssyncset.s32 $0xFFFFF086  }
0x25: {  	[simem:s6], [sflag:s4] =	dma.local [hbm:s3], $0xF7A  }
0x26: {  	[smem:$0x3F9B] =	sst s1;
	(tag) =	ssettag s2;
	_ =	strace s9  }
0x27: {  	s1 =	sld [smem:$0x3FAB]  }
0x28: {  	s2 =	sld [smem:$0x3FAC]  }
0x29: {  	s4 =	sld [smem:$0x3FAE]  }
0x2a: {  	p0 =	seq.s32 s5, $0x0;
	s5 =	sld [smem:$0x3FAF]  }
0x2b: {  	s6 =	sld [smem:$0x3FB0]  }
0x2c: {  	s7 =	sld [smem:$0x3FB1]  }
0x2d: {  	s3 =	simm.s32 $0x108;
	s8 =	sld [smem:$0x3FB2]  }
0x2e: {  	s3 =	simm.s32 @!p0 $0x1082;
	s9 =	sld [smem:$0x3FB3]  }
0x2f: {  	lr =	sadd.s32 s0, s3;
	s0 =	sld [smem:$0x3FAA]  }
0x30: {  	s3 =	sld [smem:$0x3FAD]  }
0x31: {  	[smem:$0x3FB6] =	sst s10  }
0x32: {  	s10 =	sld [smem:$0x3FB4];
	_ =	sdelay $0x3  }
0x33: {  	p0 =	seq.s32 s10, $0x1;
	s10 =	sld [smem:$0x3FB6];
	_ =	sdelay $0x3  }
0x34: {  	[smem:$0x3FB6] =	sst s10  }
0x35: {  	s10 =	sld [smem:$0x3FB5];
	_ =	sdelay $0x3  }
0x36: {  	p1 =	seq.s32 s10, $0x1;
	s10 =	sld [smem:$0x3FB6];
	_ =	sdelay $0x3  }
0x37: {  	[smem:$0x3FB6] =	sst s10  }
0x38: {  	s10 =	sld [smem:$0x3FB7]  }
0x39: {  	_ = 	snop;
	(pc) =	sbr.ind lr, $3  }
0x3a: {  	_ = 	snop  }
0x3b: {  	_ = 	snop  }
0x3c: {  	p2 =	seq.s32 s10, $0x1;
	s10 =	sld [smem:$0x3FB6]  }
0x3d: {  	_ =	shalt  }
0x3e: {  	_ =	shalt  }
0x3f: {  	_ =	shalt  }
0x40: {  	_ =	shalt  }
0x41: {  	_ =	shalt  }
0x42: {  	_ =	shalt  }
0x43: {  	_ =	shalt  }
0x44: {  	_ =	shalt  }
0x45: {  	_ =	shalt  }
0x46: {  	_ =	shalt  }
0x47: {  	_ =	shalt  }
0x48: {  	_ =	shalt  }
0x49: {  	_ =	shalt  }
0x4a: {  	_ =	shalt  }
0x4b: {  	_ =	shalt  }
0x4c: {  	_ =	shalt  }
0x4d: {  	_ =	shalt  }
0x4e: {  	_ =	shalt  }
0x4f: {  	_ =	shalt  }
0x50: {  	_ =	shalt  }
0x51: {  	_ =	shalt  }
0x52: {  	_ =	shalt  }
0x53: {  	_ =	shalt  }
0x54: {  	_ =	shalt  }
0x55: {  	_ =	shalt  }
0x56: {  	_ =	shalt  }
0x57: {  	_ =	shalt  }
0x58: {  	_ =	shalt  }
0x59: {  	_ =	shalt  }
0x5a: {  	_ =	shalt  }
0x5b: {  	_ =	shalt  }
0x5c: {  	_ =	shalt  }
0x5d: {  	_ =	shalt  }
0x5e: {  	_ =	shalt  }
0x5f: {  	_ =	shalt  }
0x60: {  	_ =	shalt  }
0x61: {  	_ =	shalt  }
0x62: {  	_ =	shalt  }
0x63: {  	_ =	shalt  }
0x64: {  	_ =	shalt  }
0x65: {  	_ =	shalt  }
0x66: {  	_ =	shalt  }
0x67: {  	_ =	shalt  }
0x68: {  	_ =	shalt  }
0x69: {  	_ =	shalt  }
0x6a: {  	_ =	shalt  }
0x6b: {  	_ =	shalt  }
0x6c: {  	_ =	shalt  }
0x6d: {  	_ =	shalt  }
0x6e: {  	_ =	shalt  }
0x6f: {  	_ =	shalt  }
0x70: {  	_ =	shalt  }
0x71: {  	_ =	shalt  }
0x72: {  	_ =	shalt  }
0x73: {  	_ =	shalt  }
0x74: {  	_ =	shalt  }
0x75: {  	_ =	shalt  }
0x76: {  	_ =	shalt  }
0x77: {  	_ =	shalt  }
0x78: {  	_ =	shalt  }
0x79: {  	_ =	shalt  }
0x7a: {  	_ =	shalt  }
0x7b: {  	_ =	shalt  }
0x7c: {  	_ =	shalt  }
0x7d: {  	_ =	shalt  }
0x7e: {  	_ =	shalt  }
0x7f: {  	_ =	shalt  }
0x80: {  	_ =	shalt  }
0x81: {  	_ =	shalt  }
0x82: {  	_ =	shalt  }
0x83: {  	_ =	shalt  }
0x84: {  	_ =	shalt  }
0x85: {  	_ =	shalt  }
0x86: {  	_ =	shalt  }
0x87: {  	_ =	shalt  }
.Lfunc_end0:
.L_simem_size_0:
called_computation.3_lowered:
.L_overlay_start_0:
0x88: {  	s2 =	sld [smem:$0x3FD9]  }
0x89: {  	s3 =	sld [smem:$0x3FFE];
	_ =	sdelay $0x1  }
0x8a: {  	s1 =	srdreg.scid  }
0x8b: {  	s0 =	sand.u32 $0x1, s1  }
0x8c: {  	s17 =	sshll.u32 s0, $0xA;
	s2 =	sadd.s32 s3, s2  }
0x8d: {  	s2 =	sadd.s32 s2, s17  }
0x8e: {  	[smem:$0x3FC2] =	sst s2  }
0x8f: {  	_ = 	snop  }
0x90: {  	s2 =	sld [smem:$0x3FD0];
	(tm) =	ssettm $0x1  }
0x91: {  	s18 =	sld [smem:$0x3FFB];
	_ =	sdelay $0x3  }
0x92: {  	_ =	strace s18  }
0x93: {  	s3 =	sld [smem:$0x3FFC];
	_ =	sdelay $0x3  }
0x94: {  	_ =	strace s3  }
0x95: {  	s3 =	sld [smem:$0x3FFD];
	_ =	sdelay $0x3  }
0x96: {  	_ =	strace s3  }
0x97: {  	_ =	strace $0x8FFFFFFF  }
0x98: {  	s19 =	sld [smem:$0x3FDB];
	_ =	sdelay $0x1  }
0x99: {  	s4 =	simm.s32 $_scs_section_size  }
0x9a: {  	s5 =	simm.s32 $_size__tile_overlayer_lowered;
	s6 =	simm.s32 $_tile_overlayer_lowered  }
0x9b: {  	s22 =	simm.s32 $0x1BFF;
	s21 =	sshll.u32 s6, $0x1;
	s3 =	sadd.s32 s4, s19  }
0x9c: {  	s7 =	simm.s32 $0x0;
	s20 =	sshll.u32 s5, $0x1;
	s5 =	sadd.s32 s21, s3  }
0x9d: {  	[timem:s7], [sflag:s22] =	dma.local [hbm:s5], s20  }
0x9e: {  	_ =	swait.ge [sflag:s22], s20  }
0x9f: {  	s4 =	ssub.s32 $0x0, s20;
	[sflag:s22] =	ssyncset.done $0x0  }
0xa0: {  	[sflag:s22] =	ssyncadd.s32 s4;
	_ =	sdelay $0x1  }
0xa1: {  	s23 =	simm.s32 $0x1B8B  }
0xa2: {  	_ =	swait.ge [sflag:s23], $0x1  }
0xa3: {  	[sflag:s23] =	ssyncset.done $0x0  }
0xa4: {  	s25 =	simm.s32 $0x1B8E;
	s24 =	sld [smem:$0x3FFE];
	[sflag:s23] =	ssyncadd.s32 $0xFFFFFFFF  }
0xa5: {  	s26 =	simm.s32 $execute0_lowered;
	[smem:$0x3FD2] =	sst s25  }
0xa6: {  	s5 =	sshll.u32 s26, $0x1;
	_ =	strace $0x8000004F;
	[dreg:$0x1] =	wrdreg $0xFFFFFFFF  }
0xa7: {  	s28 =	simm.s32 $_size_execute0_lowered;
	s3 =	sadd.s32 s3, s5;
	[dreg:$0x0] =	wrdreg $0x0  }
0xa8: {  	s5 =	sshll.u32 s28, $0x1;
	[dreg:$0x2] =	wrdreg s3  }
0xa9: {  	[dreg:$0x3] =	wrdreg s5  }
0xaa: {  	[dreg:$0x4] =	wrdreg $0xC0  }
0xab: {  	_ =	task [dreg:s7], $0x5FFFF  }
0xac: {  	[dreg:$0x1] =	wrdreg $0xFFFFFFFF  }
0xad: {  	[dreg:$0x0] =	wrdreg $0x60  }
0xae: {  	[dreg:$0x2] =	wrdreg s2  }
0xaf: {  	[dreg:$0x3] =	wrdreg s24  }
0xb0: {  	[dreg:$0x4] =	wrdreg $0x0  }
0xb1: {  	[dreg:$0x5] =	wrdreg $0x9  }
0xb2: {  	_ =	task.clear_ibuf [dreg:s7], $0x6FFFF;
	_ =	strace $0x9000004F  }
0xb3: {  	s29 =	simm.s32 $0x9;
	_ =	strace $0x80000051  }
0xb4: {  	_ =	swait.ge [sflag:s29], $0x1  }
0xb5: {  	[sflag:s29] =	ssyncadd.s32 $0xFFFFFFFF  }
0xb6: {  	_ =	strace $0x90000051  }
0xb7: {  	_ =	sfence  }
0xb8: {  	s30 =	sld [smem:$0x0];
	_ =	sdelay $0x2  }
0xb9: {  	s31 =	sshll.u32 s1, $0xD;
	s1 =	sshrl.u32 s1, $0x2  }
0xba: {  	s3 =	sand.u32 $0x4000, s31;
	s1 =	sadd.s32 s1, s30  }
0xbb: {  	s0 =	sor.u32 s3, s0;
	s1 =	sshll.u32 s1, $0x11  }
0xbc: {  	s0 =	sor.u32 s1, s0  }
0xbd: {  	s0 =	sadd.s32 $0x8F2B, s0  }
0xbe: {  	[sflag:s0] =	ssyncadd.remote.s32 $0x1  }
0xbf: {  	_ =	sfence.sel $0xFFFF  }
0xc0: {  	[dreg:$0x0] =	wrdreg $0xFFFFFFFF;
	(pc) =	sbr.abs _section_cstart, $3  }
0xc1: {  	[dreg:$0x1] =	wrdreg $0xFFFFFFFF  }
0xc2: {  	_ =	task.clear_ibuf [dreg:s7], $0x2FFFF;
	_ =	strace $0x9FFFFFFF  }
0xc3: {  	(tm) =	ssettm $0x7FFFFFFF  }
tec
execute0_lowered:
.L_overlay_start_1:
0x0: {  	(tag) =	ssettag $0x1  }
0x1: {  	s1 =	rddreg [dreg:$0x0]  }
0x2: {  	s0 =	rddreg [dreg:$0x1]  }
0x3: {  	s2 =	rddreg [dreg:$0x2]  }
0x4: {  	s3 =	simm.s32 $0x0;
	s6 =	srdreg.scid;
	s7 =	stileid.u32  }
0x5: {  	s28 =	simm.s32 $0x13900;
	s31 =	simm.s32 $0x3;
	s29 =	simm.s32 $0x5  }
0x6: {  	[smem:$0x7FF] =	sst s3;
	s4 =	sadd.s32 $0x22200, s0;
	s5 =	sadd.s32 $0xE200, s0  }
0x7: {  	s8 =	sand.u32 $0x1, s6;
	s16 =	sshll.u32 s7, $0x1;
	s10 =	smul.u32 $0x4E000, s7  }
0x8: {  	s13 =	smul.u32 $0x13800, s7;
	s19 =	sshll.u32 s7, $0x6;
	p0 =	sne.s32 s7, $0x0  }
0x9: {  	_ =	strace $0x80000050;
	s6 =	sor.u32 s8, s16;
	s9 =	ssub.s32 $0x2, s8  }
0xa: {  	s22 =	sor.u32 $0x1C13, s19;
	s11 =	sshll.u32 s6, $0x4;
	s10 =	sshrl.u32 s10, $0x2  }
0xb: {  	s17 =	sshrl.u32 s13, $0x3;
	[dreg:$0x7] =	wrdreg s22;
	s10 =	sadd.s32 s10, s2  }
0xc: {  	s11 =	sadd.s32 s11, s0;
	s18 =	sadd.s32 s1, s17;
	[dreg:$0x5] =	wrdreg s10  }
0xd: {  	s6 =	smul.u32 $0x5000, s6;
	[dreg:$0x6] =	wrdreg s18;
	s20 =	sadd.s32 $0xDE00, s11  }
0xe: {  	s8 =	smul.u32 $0x138800, s8;
	s11 =	sadd.s32 $0xE000, s11;
	[dreg:$0x8] =	wrdreg s20  }
0xf: {  	s10 =	sshrl.u32 s6, $0x3;
	s16 =	sor.u32 $0x400, s6;
	[dreg:$0x9] =	wrdreg s11  }
0x10: {  	s12 =	sshrl.u32 s9, $0x1;
	s21 =	sadd.s32 s4, s10;
	[dreg:$0x4] =	wrdreg s16  }
0x11: {  	s23 =	sor.u32 $0x10, s10;
	s24 =	sadd.s32 s5, s10;
	[dreg:$0xa] =	wrdreg s21  }
0x12: {  	s0 =	sadd.s32 $0x84600, s0;
	[dreg:$0xb] =	wrdreg s24;
	s25 =	sadd.s32 s4, s23  }
0x13: {  	s26 =	sor.u32 $0x20, s10;
	s11 =	sadd.s32 s5, s23;
	[dreg:$0xc] =	wrdreg s25  }
0x14: {  	s9 =	ssub.s32 s9, s12;
	s30 =	sadd.s32 s4, s26;
	[dreg:$0xd] =	wrdreg s11  }
0x15: {  	s15 =	sor.u32 $0x30, s10;
	s14 =	sadd.s32 s5, s26;
	[dreg:$0xe] =	wrdreg s30  }
0x16: {  	s20 =	sor.u32 $0x40, s10;
	s17 =	sadd.s32 s4, s15;
	[dreg:$0xf] =	wrdreg s14  }
0x17: {  	s18 =	sadd.s32 s13, s8;
	s21 =	sadd.s32 s4, s20;
	[dreg:$0x10] =	wrdreg s17  }
0x18: {  	s8 =	sshrl.u32 s8, $0x3;
	s26 =	sadd.s32 $0x138000, s2;
	[dreg:$0x13] =	wrdreg s21  }
0x19: {  	s23 =	sor.u32 $0x50, s10;
	s11 =	sadd.s32 s5, s15;
	[dreg:$0x19] =	wrdreg s26  }
0x1a: {  	s13 =	simm.s32 $0x40;
	s24 =	sadd.s32 s4, s23;
	[dreg:$0x11] =	wrdreg s11  }
0x1b: {  	s19 =	sshrl.u32 s18, $0x3;
	s7 =	sadd.s32 s5, s23;
	[dreg:$0x15] =	wrdreg s24  }
0x1c: {  	s25 =	smax.u32 s9, $0x1;
	s30 =	sadd.s32 $0x27000, s1;
	[dreg:$0x16] =	wrdreg s7  }
0x1d: {  	s26 =	simm.s32 $0x13880;
	s17 =	simm.s32 $0x2;
	[dreg:$0x18] =	wrdreg s25  }
0x1e: {  	s23 =	simm.s32 $0x4;
	s11 =	sadd.s32 s0, s19;
	[dreg:$0x1a] =	wrdreg s30  }
0x1f: {  	s0 =	sadd.s32 s0, s8;
	s8 =	sadd.s32 s5, s20;
	[dreg:$0x12] =	wrdreg s11  }
0x20: {  	s24 =	simm.s32 $0x13;
	[dreg:$0x14] =	wrdreg s8;
	s0 =	sadd.s32 $0x27000, s0  }
0x21: {  	s8 =	simm.s32 $0x6;
	[dreg:$0x17] =	wrdreg s0;
	s0 =	simm.s32 $0x0  }
.LBB2_1:
0x22: {  	[dreg:$0x1b] =	wrdreg s0  }
0x23: {  	s9 =	rddreg [dreg:$0x5]  }
0x24: {  	s7 =	rddreg [dreg:$0x6];
	s2 =	sshrl.u32 s9, $0x3  }
0x25: {  	[dreg:$0x1c] =	wrdreg s2  }
0x26: {  	[spmem:s2], [sflag:s22] =	dma.local [hbm:s7], $0x2700  }
0x27: {  	_ =	swait.ge [sflag:s24], $0x2700  }
0x28: {  	s9 =	rddreg [dreg:$0x19]  }
0x29: {  	[sflag:s24] =	ssyncset.done $0x0;
	s0 =	sshrl.u32 @!p0 s9, $0x3;
	s9 =	rddreg [dreg:$0x1a]  }
0x2a: {  	[sflag:s24] =	ssyncadd.s32 $0xFFFFD900;
	[dreg:$0x1d] =	wrdreg s0  }
0x2b: {  	[spmem:s0], [sflag:s22] =	dma.local @!p0 [hbm:s9], $0x100  }
0x2c: {  	s9 =	simm.s32 @!p0 $0x13  }
0x2d: {  	_ =	swait.ge @!p0 [sflag:s9], $0x100  }
0x2e: {  	[sflag:s9] =	ssyncset.done @!p0 $0x0  }
0x2f: {  	s10 =	rddreg [dreg:$0x8];
	[sflag:s9] =	ssyncadd.s32 @!p0 $0xFFFFFF00  }
0x30: {  	[tilespmem:s26], [sflag:$0x13] =	stream.linear.gather [hbm4b:s10+s3], $0x80, $0x38;
	[tilespmem:$0x1FF80] =	vst v63  }
0x31: {  	_ =	swait.ge [sflag:s24], $0x80  }
0x32: {  	[sflag:s24] =	ssyncset.done $0x0  }
0x33: {  	s11 =	rddreg [dreg:$0x9];
	[sflag:s24] =	ssyncadd.s32 $0xFFFFFF80  }
0x34: {  	[tilespmem:s28], [sflag:$0x13] =	stream.linear.gather [hbm4b:s11+s3], $0x80, $0x38;
	[tilespmem:$0x1FF80] =	vst v63  }
0x35: {  	_ =	swait.ge [sflag:s24], $0x80  }
0x36: {  	[sflag:s24] =	ssyncset.done $0x0  }
0x37: {  	[sflag:s24] =	ssyncadd.s32 $0xFFFFFF80  }
0x38: {  	[bflag:$0x0] =	sbarrier.arrive $0xFFFF  }
0x39: {  	s10 =	simm.s32 $0x13980;
	s12 =	rddreg [dreg:$0xa]  }
0x3a: {  	[tilespmem:s10], [sflag:$0x1] =	stream.linear.gather [hbm4b:s12+s3], $0x80, $0x38;
	[tilespmem:$0x1FF80] =	vst v63  }
0x3b: {  	s15 =	simm.s32 $0x13C80;
	s14 =	rddreg [dreg:$0xb]  }
0x3c: {  	[tilespmem:s15], [sflag:$0x1] =	stream.linear.gather [hbm4b:s14+s3], $0x80, $0x38;
	[tilespmem:$0x1FF80] =	vst v63  }
0x3d: {  	s26 =	simm.s32 $0x13A00;
	s16 =	rddreg [dreg:$0xc]  }
0x3e: {  	[tilespmem:s26], [sflag:$0x2] =	stream.linear.gather [hbm4b:s16+s3], $0x80, $0x38;
	[tilespmem:$0x1FF80] =	vst v63  }
0x3f: {  	s24 =	simm.s32 $0x13D00;
	s18 =	rddreg [dreg:$0xd];
	s12 =	simm.s32 $0x1  }
0x40: {  	[tilespmem:s24], [sflag:$0x2] =	stream.linear.gather [hbm4b:s18+s3], $0x80, $0x38;
	[tilespmem:$0x1FF80] =	vst v63  }
0x41: {  	_ =	swait.ge [sflag:s12], $0x80  }
0x42: {  	[sflag:s12] =	ssyncset.done $0x0  }
0x43: {  	[sflag:s12] =	ssyncadd.s32 $0xFFFFFF80  }
0x44: {  	_ =	swait.ge [sflag:s12], $0x80  }
0x45: {  	[sflag:s12] =	ssyncset.done $0x0  }
0x46: {  	[sflag:s12] =	ssyncadd.s32 $0xFFFFFF80  }
0x47: {  	s25 =	simm.s32 $0x13F80;
	s1 =	rddreg [dreg:$0x0]  }
0x48: {  	[tilespmem:s25], [sflag:$0x7] =	stream.indirect.gather [hbm4b:s1+s13], $0x80, s10, s13, $0xb8;
	[tilespmem:$0x1FF80] =	vst v63  }
0x49: {  	s28 =	simm.s32 $0x13A80;
	s19 =	rddreg [dreg:$0xe]  }
0x4a: {  	[tilespmem:s28], [sflag:$0x3] =	stream.linear.gather [hbm4b:s19+s3], $0x80, $0x38;
	[tilespmem:$0x1FF80] =	vst v63  }
0x4b: {  	s30 =	simm.s32 $0x13D80;
	s20 =	rddreg [dreg:$0xf]  }
0x4c: {  	[tilespmem:s30], [sflag:$0x3] =	stream.linear.gather [hbm4b:s20+s3], $0x80, $0x38;
	[tilespmem:$0x1FF80] =	vst v63  }
0x4d: {  	_ =	swait.ge [sflag:s17], $0x80  }
0x4e: {  	[sflag:s17] =	ssyncset.done $0x0  }
0x4f: {  	[sflag:s17] =	ssyncadd.s32 $0xFFFFFF80  }
0x50: {  	_ =	swait.ge [sflag:s17], $0x80  }
0x51: {  	[sflag:s17] =	ssyncset.done $0x0  }
0x52: {  	s11 =	simm.s32 $0x15F80;
	[sflag:s17] =	ssyncadd.s32 $0xFFFFFF80  }
0x53: {  	[tilespmem:s11], [sflag:$0x8] =	stream.indirect.gather [hbm4b:s1+s13], $0x80, s26, s13, $0xb8;
	[tilespmem:$0x1FF80] =	vst v63  }
0x54: {  	s14 =	simm.s32 $0x13B00;
	s21 =	rddreg [dreg:$0x10]  }
0x55: {  	[tilespmem:s14], [sflag:$0x4] =	stream.linear.gather [hbm4b:s21+s3], $0x80, $0x38;
	[tilespmem:$0x1FF80] =	vst v63  }
0x56: {  	s16 =	simm.s32 $0x13E00;
	s22 =	rddreg [dreg:$0x11]  }
0x57: {  	[tilespmem:s16], [sflag:$0x4] =	stream.linear.gather [hbm4b:s22+s3], $0x80, $0x38;
	[tilespmem:$0x1FF80] =	vst v63  }
0x58: {  	_ =	swait.ge [sflag:s31], $0x80  }
0x59: {  	[sflag:s31] =	ssyncset.done $0x0  }
0x5a: {  	[sflag:s31] =	ssyncadd.s32 $0xFFFFFF80  }
0x5b: {  	_ =	swait.ge [sflag:s31], $0x80  }
0x5c: {  	[sflag:s31] =	ssyncset.done $0x0  }
0x5d: {  	s18 =	simm.s32 $0x17F80;
	[sflag:s31] =	ssyncadd.s32 $0xFFFFFF80  }
0x5e: {  	[tilespmem:s18], [sflag:$0x9] =	stream.indirect.gather [hbm4b:s1+s13], $0x80, s28, s13, $0xb8;
	[tilespmem:$0x1FF80] =	vst v63  }
0x5f: {  	s20 =	simm.s32 $0x13B80;
	s0 =	rddreg [dreg:$0x13]  }
0x60: {  	[tilespmem:s20], [sflag:$0x5] =	stream.linear.gather [hbm4b:s0+s3], $0x80, $0x38;
	[tilespmem:$0x1FF80] =	vst v63  }
0x61: {  	s7 =	simm.s32 $0x13E80;
	s2 =	rddreg [dreg:$0x14]  }
0x62: {  	[tilespmem:s7], [sflag:$0x5] =	stream.linear.gather [hbm4b:s2+s3], $0x80, $0x38;
	[tilespmem:$0x1FF80] =	vst v63  }
0x63: {  	_ =	swait.ge [sflag:s23], $0x80  }
0x64: {  	[sflag:s23] =	ssyncset.done $0x0  }
0x65: {  	[sflag:s23] =	ssyncadd.s32 $0xFFFFFF80  }
0x66: {  	_ =	swait.ge [sflag:s23], $0x80  }
0x67: {  	[sflag:s23] =	ssyncset.done $0x0  }
0x68: {  	s9 =	simm.s32 $0x19F80;
	s19 =	simm.s32 $0x7;
	[sflag:s23] =	ssyncadd.s32 $0xFFFFFF80  }
0x69: {  	[tilespmem:s9], [sflag:$0xA] =	stream.indirect.gather [hbm4b:s1+s13], $0x80, s14, s13, $0xb8;
	[tilespmem:$0x1FF80] =	vst v63  }
0x6a: {  	_ =	swait.ge [sflag:s19], $0x2000  }
0x6b: {  	[sflag:s19] =	ssyncset.done $0x0  }
0x6c: {  	[sflag:s19] =	ssyncadd.s32 $0xFFFFE000  }
0x6d: {  	s21 =	simm.s32 $0x13C80;
	s2 =	rddreg [dreg:$0x2]  }
0x6e: {  	[spmem:s2] =	stream.indirect.scatter.add.f32 [tilespmem:s25], [sflag:$0xD], $0x80, s21, s13, $0xb8;
	[tilespmem:$0x1FF80] =	vst v63  }
0x6f: {  	s22 =	simm.s32 $0x13C00;
	s15 =	rddreg [dreg:$0x15]  }
0x70: {  	[tilespmem:s22], [sflag:$0x6] =	stream.linear.gather [hbm4b:s15+s3], $0x80, $0x38;
	[tilespmem:$0x1FF80] =	vst v63  }
0x71: {  	s0 =	rddreg [dreg:$0x16];
	s15 =	simm.s32 $0x13F00  }
0x72: {  	[tilespmem:s15], [sflag:$0x6] =	stream.linear.gather [hbm4b:s0+s3], $0x80, $0x38;
	[tilespmem:$0x1FF80] =	vst v63  }
0x73: {  	_ =	swait.ge [sflag:s29], $0x80  }
0x74: {  	[sflag:s29] =	ssyncset.done $0x0  }
0x75: {  	[sflag:s29] =	ssyncadd.s32 $0xFFFFFF80  }
0x76: {  	_ =	swait.ge [sflag:s29], $0x80  }
0x77: {  	[sflag:s29] =	ssyncset.done $0x0  }
0x78: {  	s22 =	simm.s32 $0x8;
	s15 =	simm.s32 $0x1BF80;
	[sflag:s29] =	ssyncadd.s32 $0xFFFFFF80  }
0x79: {  	[tilespmem:s15], [sflag:$0xB] =	stream.indirect.gather [hbm4b:s1+s13], $0x80, s20, s13, $0xb8;
	[tilespmem:$0x1FF80] =	vst v63  }
0x7a: {  	s9 =	simm.s32 $0x300;
	_ =	swait.ge [sflag:s22], $0x2000  }
0x7b: {  	s0 =	sand.u32 $0xFC00, s9;
	s9 =	sand.u32 $0x300, s9;
	[sflag:s22] =	ssyncset.done $0x0  }
0x7c: {  	[sflag:s22] =	ssyncadd.s32 $0xFFFFE000;
	s22 =	sadd.s32 s6, s0;
	s0 =	simm.s32 $0xD  }
0x7d: {  	[spmem:s2] =	stream.indirect.scatter.add.f32 [tilespmem:s11], [sflag:$0xE], $0x80, s24, s13, $0xb8;
	[tilespmem:$0x1FF80] =	vst v63  }
0x7e: {  	s9 =	sor.u32 s9, s22;
	_ =	swait.ge [sflag:s0], $0x2000  }
0x7f: {  	s9 =	sshrl.u32 s9, $0x3;
	[sflag:s0] =	ssyncset.done $0x0  }
0x80: {  	s22 =	sadd.s32 s4, s9;
	[sflag:s0] =	ssyncadd.s32 $0xFFFFE000  }
0x81: {  	[tilespmem:s10], [sflag:$0x1] =	stream.linear.gather [hbm4b:s22+s3], $0x80, $0x38;
	[tilespmem:$0x1FF80] =	vst v63  }
0x82: {  	s9 =	sadd.s32 s5, s9  }
0x83: {  	[tilespmem:s21], [sflag:$0x1] =	stream.linear.gather [hbm4b:s9+s3], $0x80, $0x38;
	[tilespmem:$0x1FF80] =	vst v63  }
0x84: {  	_ =	swait.ge [sflag:s8], $0x80  }
0x85: {  	[sflag:s8] =	ssyncset.done $0x0  }
0x86: {  	[sflag:s8] =	ssyncadd.s32 $0xFFFFFF80  }
0x87: {  	_ =	swait.ge [sflag:s8], $0x80  }
0x88: {  	s7 =	simm.s32 $0x13C00;
	s0 =	simm.s32 $0x1DF80;
	[sflag:s8] =	ssyncset.done $0x0  }
0x89: {  	s9 =	simm.s32 $0x380;
	s21 =	simm.s32 $0x9;
	[sflag:s8] =	ssyncadd.s32 $0xFFFFFF80  }
0x8a: {  	[tilespmem:s0], [sflag:$0xC] =	stream.indirect.gather [hbm4b:s1+s13], $0x80, s7, s13, $0xb8;
	[tilespmem:$0x1FF80] =	vst v63  }
0x8b: {  	s7 =	sand.u32 $0xFC00, s9;
	_ =	swait.ge [sflag:s21], $0x2000  }
0x8c: {  	s9 =	sand.u32 $0x380, s9;
	s22 =	sadd.s32 s6, s7;
	[sflag:s21] =	ssyncset.done $0x0  }
0x8d: {  	s9 =	sor.u32 s9, s22;
	s22 =	simm.s32 $0xE;
	[sflag:s21] =	ssyncadd.s32 $0xFFFFE000  }
0x8e: {  	[spmem:s2] =	stream.indirect.scatter.add.f32 [tilespmem:s18], [sflag:$0xF], $0x80, s30, s13, $0xb8;
	[tilespmem:$0x1FF80] =	vst v63  }
0x8f: {  	_ =	swait.ge [sflag:s22], $0x2000  }
0x90: {  	s9 =	sshrl.u32 s9, $0x3;
	[sflag:s22] =	ssyncset.done $0x0  }
0x91: {  	s7 =	sadd.s32 s4, s9;
	[sflag:s22] =	ssyncadd.s32 $0xFFFFE000  }
0x92: {  	[tilespmem:s26], [sflag:$0x2] =	stream.linear.gather [hbm4b:s7+s3], $0x80, $0x38;
	[tilespmem:$0x1FF80] =	vst v63  }
0x93: {  	s9 =	sadd.s32 s5, s9  }
0x94: {  	[tilespmem:s24], [sflag:$0x2] =	stream.linear.gather [hbm4b:s9+s3], $0x80, $0x38;
	[tilespmem:$0x1FF80] =	vst v63  }
0x95: {  	_ =	swait.ge [sflag:s12], $0x80  }
0x96: {  	[sflag:s12] =	ssyncset.done $0x0  }
0x97: {  	[sflag:s12] =	ssyncadd.s32 $0xFFFFFF80  }
0x98: {  	_ =	swait.ge [sflag:s12], $0x80  }
0x99: {  	[sflag:s12] =	ssyncset.done $0x0  }
0x9a: {  	s22 =	simm.s32 $0xA;
	[sflag:s12] =	ssyncadd.s32 $0xFFFFFF80  }
0x9b: {  	[tilespmem:s25], [sflag:$0x7] =	stream.indirect.gather [hbm4b:s1+s13], $0x80, s10, s13, $0xb8;
	[tilespmem:$0x1FF80] =	vst v63  }
0x9c: {  	_ =	swait.ge [sflag:s22], $0x2000  }
0x9d: {  	[sflag:s22] =	ssyncset.done $0x0  }
0x9e: {  	s12 =	simm.s32 $0x19F80;
	s10 =	simm.s32 $0xF;
	[sflag:s22] =	ssyncadd.s32 $0xFFFFE000  }
0x9f: {  	[spmem:s2] =	stream.indirect.scatter.add.f32 [tilespmem:s12], [sflag:$0x10], $0x80, s16, s13, $0xb8;
	[tilespmem:$0x1FF80] =	vst v63  }
0xa0: {  	s7 =	simm.s32 $0x0;
	_ =	swait.ge [sflag:s10], $0x2000  }
0xa1: {  	s21 =	sand.u32 $0x7C00, s7;
	s24 =	rddreg [dreg:$0x4]  }
0xa2: {  	s22 =	sand.u32 $0x300, s7;
	s9 =	sadd.s32 s21, s24  }
0xa3: {  	s9 =	sor.u32 s22, s9  }
0xa4: {  	[sflag:s10] =	ssyncset.done $0x0;
	s9 =	sshrl.u32 s9, $0x3  }
0xa5: {  	[sflag:s10] =	ssyncadd.s32 $0xFFFFE000;
	s24 =	sadd.s32 s4, s9  }
0xa6: {  	[tilespmem:s28], [sflag:$0x3] =	stream.linear.gather [hbm4b:s24+s3], $0x80, $0x38;
	[tilespmem:$0x1FF80] =	vst v63  }
0xa7: {  	s9 =	sadd.s32 s5, s9  }
0xa8: {  	[tilespmem:s30], [sflag:$0x3] =	stream.linear.gather [hbm4b:s9+s3], $0x80, $0x38;
	[tilespmem:$0x1FF80] =	vst v63  }
0xa9: {  	_ =	swait.ge [sflag:s17], $0x80  }
0xaa: {  	[sflag:s17] =	ssyncset.done $0x0  }
0xab: {  	[sflag:s17] =	ssyncadd.s32 $0xFFFFFF80  }
0xac: {  	_ =	swait.ge [sflag:s17], $0x80  }
0xad: {  	[sflag:s17] =	ssyncset.done $0x0  }
0xae: {  	s30 =	simm.s32 $0xB;
	[sflag:s17] =	ssyncadd.s32 $0xFFFFFF80  }
0xaf: {  	[tilespmem:s11], [sflag:$0x8] =	stream.indirect.gather [hbm4b:s1+s13], $0x80, s26, s13, $0xb8;
	[tilespmem:$0x1FF80] =	vst v63  }
0xb0: {  	s7 =	simm.s32 $0x480;
	s21 =	simm.s32 $0x13E80;
	_ =	swait.ge [sflag:s30], $0x2000  }
0xb1: {  	s24 =	simm.s32 $0x10;
	s11 =	sand.u32 $0xFC00, s7;
	[sflag:s30] =	ssyncset.done $0x0  }
0xb2: {  	s9 =	sand.u32 $0x380, s7;
	s22 =	sadd.s32 s6, s11;
	[sflag:s30] =	ssyncadd.s32 $0xFFFFE000  }
0xb3: {  	[spmem:s2] =	stream.indirect.scatter.add.f32 [tilespmem:s15], [sflag:$0x11], $0x80, s21, s13, $0xb8;
	[tilespmem:$0x1FF80] =	vst v63  }
0xb4: {  	s9 =	sor.u32 s9, s22;
	_ =	swait.ge [sflag:s24], $0x2000  }
0xb5: {  	s9 =	sshrl.u32 s9, $0x3;
	[sflag:s24] =	ssyncset.done $0x0  }
0xb6: {  	s26 =	sadd.s32 s4, s9;
	[sflag:s24] =	ssyncadd.s32 $0xFFFFE000  }
0xb7: {  	[tilespmem:s14], [sflag:$0x4] =	stream.linear.gather [hbm4b:s26+s3], $0x80, $0x38;
	[tilespmem:$0x1FF80] =	vst v63  }
0xb8: {  	s9 =	sadd.s32 s5, s9  }
0xb9: {  	[tilespmem:s16], [sflag:$0x4] =	stream.linear.gather [hbm4b:s9+s3], $0x80, $0x38;
	[tilespmem:$0x1FF80] =	vst v63  }
0xba: {  	_ =	swait.ge [sflag:s31], $0x80  }
0xbb: {  	[sflag:s31] =	ssyncset.done $0x0  }
0xbc: {  	[sflag:s31] =	ssyncadd.s32 $0xFFFFFF80  }
0xbd: {  	_ =	swait.ge [sflag:s31], $0x80  }
0xbe: {  	[sflag:s31] =	ssyncset.done $0x0  }
0xbf: {  	[sflag:s31] =	ssyncadd.s32 $0xFFFFFF80  }
0xc0: {  	[tilespmem:s18], [sflag:$0x9] =	stream.indirect.gather [hbm4b:s1+s13], $0x80, s28, s13, $0xb8;
	[tilespmem:$0x1FF80] =	vst v63  }
0xc1: {  	s30 =	simm.s32 $0x500;
	s28 =	simm.s32 $0xC  }
0xc2: {  	s11 =	sand.u32 $0xFC00, s30;
	_ =	swait.ge [sflag:s28], $0x2000  }
0xc3: {  	s15 =	simm.s32 $0x13F00;
	s22 =	sadd.s32 s6, s11;
	[sflag:s28] =	ssyncset.done $0x0  }
0xc4: {  	s9 =	sand.u32 $0x300, s30;
	s16 =	simm.s32 $0x11;
	[sflag:s28] =	ssyncadd.s32 $0xFFFFE000  }
0xc5: {  	[spmem:s2] =	stream.indirect.scatter.add.f32 [tilespmem:s0], [sflag:$0x12], $0x80, s15, s13, $0xb8;
	[tilespmem:$0x1FF80] =	vst v63  }
0xc6: {  	s9 =	sor.u32 s9, s22;
	_ =	swait.ge [sflag:s16], $0x2000  }
0xc7: {  	s9 =	sshrl.u32 s9, $0x3;
	[sflag:s16] =	ssyncset.done $0x0  }
0xc8: {  	s18 =	sadd.s32 s4, s9;
	[sflag:s16] =	ssyncadd.s32 $0xFFFFE000  }
0xc9: {  	[tilespmem:s20], [sflag:$0x5] =	stream.linear.gather [hbm4b:s18+s3], $0x80, $0x38;
	[tilespmem:$0x1FF80] =	vst v63  }
0xca: {  	s9 =	sadd.s32 s5, s9  }
0xcb: {  	[tilespmem:s21], [sflag:$0x5] =	stream.linear.gather [hbm4b:s9+s3], $0x80, $0x38;
	[tilespmem:$0x1FF80] =	vst v63  }
0xcc: {  	_ =	swait.ge [sflag:s23], $0x80  }
0xcd: {  	[sflag:s23] =	ssyncset.done $0x0  }
0xce: {  	[sflag:s23] =	ssyncadd.s32 $0xFFFFFF80  }
0xcf: {  	_ =	swait.ge [sflag:s23], $0x80  }
0xd0: {  	[sflag:s23] =	ssyncset.done $0x0  }
0xd1: {  	[sflag:s23] =	ssyncadd.s32 $0xFFFFFF80  }
0xd2: {  	[tilespmem:s12], [sflag:$0xA] =	stream.indirect.gather [hbm4b:s1+s13], $0x80, s14, s13, $0xb8;
	[tilespmem:$0x1FF80] =	vst v63  }
0xd3: {  	s24 =	simm.s32 $0x13C80;
	s20 =	simm.s32 $0x580;
	_ =	swait.ge [sflag:s19], $0x2000  }
0xd4: {  	s26 =	simm.s32 $0x12;
	s21 =	sand.u32 $0xFC00, s20;
	[sflag:s19] =	ssyncset.done $0x0  }
0xd5: {  	s9 =	sand.u32 $0x380, s20;
	s22 =	sadd.s32 s6, s21;
	[sflag:s19] =	ssyncadd.s32 $0xFFFFE000  }
0xd6: {  	[spmem:s2] =	stream.indirect.scatter.add.f32 [tilespmem:s25], [sflag:$0xD], $0x80, s24, s13, $0xb8;
	[tilespmem:$0x1FF80] =	vst v63  }
0xd7: {  	s9 =	sor.u32 s9, s22;
	_ =	swait.ge [sflag:s26], $0x2000  }
0xd8: {  	s9 =	sshrl.u32 s9, $0x3;
	[sflag:s26] =	ssyncset.done $0x0  }
0xd9: {  	s30 =	simm.s32 $0x13C00;
	s28 =	sadd.s32 s4, s9;
	[sflag:s26] =	ssyncadd.s32 $0xFFFFE000  }
0xda: {  	[tilespmem:s30], [sflag:$0x6] =	stream.linear.gather [hbm4b:s28+s3], $0x80, $0x38;
	[tilespmem:$0x1FF80] =	vst v63  }
0xdb: {  	s9 =	sadd.s32 s5, s9  }
0xdc: {  	[tilespmem:s15], [sflag:$0x6] =	stream.linear.gather [hbm4b:s9+s3], $0x80, $0x38;
	[tilespmem:$0x1FF80] =	vst v63  }
0xdd: {  	_ =	swait.ge [sflag:s29], $0x80  }
0xde: {  	[sflag:s29] =	ssyncset.done $0x0  }
0xdf: {  	s22 =	simm.s32 $0x880;
	s26 =	simm.s32 $0x600;
	[sflag:s29] =	ssyncadd.s32 $0xFFFFFF80  }
0xe0: {  	s24 =	simm.s32 $0xB80;
	s9 =	sand.u32 $0xFC00, s26;
	_ =	swait.ge [sflag:s29], $0x80  }
.LBB2_2:
0xe1: {  	[sflag:s29] =	ssyncset.done $0x0  }
0xe2: {  	s18 =	simm.s32 $0x13B80;
	[sflag:s29] =	ssyncadd.s32 $0xFFFFFF80  }
0xe3: {  	s0 =	simm.s32 $0x1BF80;
	s7 =	simm.s32 $0x8;
	s2 =	rddreg [dreg:$0x0]  }
0xe4: {  	[tilespmem:s0], [sflag:$0xB] =	stream.indirect.gather [hbm4b:s2+s13], $0x80, s18, s13, $0xb8;
	[tilespmem:$0x1FF80] =	vst v63  }
0xe5: {  	_ =	swait.ge [sflag:s7], $0x2000  }
0xe6: {  	s9 =	sadd.s32 s6, s9;
	s10 =	sand.u32 $0x300, s26;
	[sflag:s7] =	ssyncset.done $0x0  }
0xe7: {  	s26 =	smov.u32 s24;
	s14 =	simm.s32 $0x15F80;
	[sflag:s7] =	ssyncadd.s32 $0xFFFFE000  }
0xe8: {  	s11 =	simm.s32 $0xD;
	s7 =	simm.s32 $0x13D00;
	s12 =	rddreg [dreg:$0x2]  }
0xe9: {  	[spmem:s12] =	stream.indirect.scatter.add.f32 [tilespmem:s14], [sflag:$0xE], $0x80, s7, s13, $0xb8;
	[tilespmem:$0x1FF80] =	vst v63  }
0xea: {  	s28 =	sadd.s32 $0x300, s24;
	s9 =	sor.u32 s10, s9;
	_ =	swait.ge [sflag:s11], $0x2000  }
0xeb: {  	p1 =	sne.s32 s24, $0x4D80;
	s9 =	sshrl.u32 s9, $0x3;
	[sflag:s11] =	ssyncset.done $0x0  }
0xec: {  	s24 =	simm.s32 $0x13980;
	s1 =	sadd.s32 s4, s9;
	[sflag:s11] =	ssyncadd.s32 $0xFFFFE000  }
0xed: {  	[tilespmem:s24], [sflag:$0x1] =	stream.linear.gather [hbm4b:s1+s3], $0x80, $0x38;
	[tilespmem:$0x1FF80] =	vst v63  }
0xee: {  	s25 =	simm.s32 $0x13C80;
	s9 =	sadd.s32 s5, s9  }
0xef: {  	[tilespmem:s25], [sflag:$0x1] =	stream.linear.gather [hbm4b:s9+s3], $0x80, $0x38;
	[tilespmem:$0x1FF80] =	vst v63  }
0xf0: {  	_ =	swait.ge [sflag:s8], $0x80  }
0xf1: {  	[sflag:s8] =	ssyncset.done $0x0  }
0xf2: {  	[sflag:s8] =	ssyncadd.s32 $0xFFFFFF80  }
0xf3: {  	s20 =	simm.s32 $0x13C00;
	_ =	swait.ge [sflag:s8], $0x80  }
0xf4: {  	s21 =	simm.s32 $0x1DF80;
	s11 =	sadd.s32 $0xFFFFFE00, s22;
	[sflag:s8] =	ssyncset.done $0x0  }
0xf5: {  	s15 =	simm.s32 $0x9;
	s16 =	sand.u32 $0xFC00, s11;
	[sflag:s8] =	ssyncadd.s32 $0xFFFFFF80  }
0xf6: {  	[tilespmem:s21], [sflag:$0xC] =	stream.indirect.gather [hbm4b:s2+s13], $0x80, s20, s13, $0xb8;
	[tilespmem:$0x1FF80] =	vst v63  }
0xf7: {  	s10 =	sadd.s32 s6, s16;
	_ =	swait.ge [sflag:s15], $0x2000  }
0xf8: {  	s16 =	simm.s32 $0x17F80;
	s9 =	sand.u32 $0x380, s11;
	[sflag:s15] =	ssyncset.done $0x0  }
0xf9: {  	s11 =	simm.s32 $0x13D80;
	[sflag:s15] =	ssyncadd.s32 $0xFFFFE000;
	s15 =	simm.s32 $0xE  }
0xfa: {  	[spmem:s12] =	stream.indirect.scatter.add.f32 [tilespmem:s16], [sflag:$0xF], $0x80, s11, s13, $0xb8;
	[tilespmem:$0x1FF80] =	vst v63  }
0xfb: {  	s9 =	sor.u32 s9, s10;
	_ =	swait.ge [sflag:s15], $0x2000  }
0xfc: {  	s9 =	sshrl.u32 s9, $0x3;
	[sflag:s15] =	ssyncset.done $0x0  }
0xfd: {  	s30 =	simm.s32 $0x13A00;
	s19 =	sadd.s32 s4, s9;
	[sflag:s15] =	ssyncadd.s32 $0xFFFFE000  }
0xfe: {  	[tilespmem:s30], [sflag:$0x2] =	stream.linear.gather [hbm4b:s19+s3], $0x80, $0x38;
	[tilespmem:$0x1FF80] =	vst v63  }
0xff: {  	s1 =	simm.s32 $0x1;
	s9 =	sadd.s32 s5, s9  }
0x100: {  	[tilespmem:s7], [sflag:$0x2] =	stream.linear.gather [hbm4b:s9+s3], $0x80, $0x38;
	[tilespmem:$0x1FF80] =	vst v63  }
0x101: {  	_ =	swait.ge [sflag:s1], $0x80  }
0x102: {  	[sflag:s1] =	ssyncset.done $0x0  }
0x103: {  	[sflag:s1] =	ssyncadd.s32 $0xFFFFFF80  }
0x104: {  	_ =	swait.ge [sflag:s1], $0x80  }
0x105: {  	[sflag:s1] =	ssyncset.done $0x0  }
0x106: {  	s7 =	simm.s32 $0x13F80;
	[sflag:s1] =	ssyncadd.s32 $0xFFFFFF80  }
0x107: {  	[tilespmem:s7], [sflag:$0x7] =	stream.indirect.gather [hbm4b:s2+s13], $0x80, s24, s13, $0xb8;
	[tilespmem:$0x1FF80] =	vst v63  }
0x108: {  	s24 =	simm.s32 $0xA  }
0x109: {  	_ =	swait.ge [sflag:s24], $0x2000  }
0x10a: {  	s15 =	simm.s32 $0x13E00;
	[sflag:s24] =	ssyncset.done $0x0  }
0x10b: {  	s19 =	simm.s32 $0x19F80;
	s1 =	simm.s32 $0xF;
	[sflag:s24] =	ssyncadd.s32 $0xFFFFE000  }
0x10c: {  	[spmem:s12] =	stream.indirect.scatter.add.f32 [tilespmem:s19], [sflag:$0x10], $0x80, s15, s13, $0xb8;
	[tilespmem:$0x1FF80] =	vst v63  }
0x10d: {  	s9 =	sadd.s32 $0xFFFFFA80, s22;
	_ =	swait.ge [sflag:s1], $0x2000  }
0x10e: {  	s24 =	sand.u32 $0x7C00, s9;
	s10 =	rddreg [dreg:$0x4]  }
0x10f: {  	s9 =	sand.u32 $0x300, s9;
	s10 =	sadd.s32 s24, s10  }
0x110: {  	s9 =	sor.u32 s9, s10  }
0x111: {  	[sflag:s1] =	ssyncset.done $0x0;
	s9 =	sshrl.u32 s9, $0x3  }
0x112: {  	[sflag:s1] =	ssyncadd.s32 $0xFFFFE000;
	s24 =	simm.s32 $0x13A80;
	s1 =	sadd.s32 s4, s9  }
0x113: {  	[tilespmem:s24], [sflag:$0x3] =	stream.linear.gather [hbm4b:s1+s3], $0x80, $0x38;
	[tilespmem:$0x1FF80] =	vst v63  }
0x114: {  	s9 =	sadd.s32 s5, s9  }
0x115: {  	[tilespmem:s11], [sflag:$0x3] =	stream.linear.gather [hbm4b:s9+s3], $0x80, $0x38;
	[tilespmem:$0x1FF80] =	vst v63  }
0x116: {  	_ =	swait.ge [sflag:s17], $0x80  }
0x117: {  	[sflag:s17] =	ssyncset.done $0x0  }
0x118: {  	[sflag:s17] =	ssyncadd.s32 $0xFFFFFF80  }
0x119: {  	_ =	swait.ge [sflag:s17], $0x80  }
0x11a: {  	[sflag:s17] =	ssyncset.done $0x0  }
0x11b: {  	s10 =	simm.s32 $0xB;
	s11 =	sadd.s32 $0xFFFFFF00, s22;
	[sflag:s17] =	ssyncadd.s32 $0xFFFFFF80  }
0x11c: {  	[tilespmem:s14], [sflag:$0x8] =	stream.indirect.gather [hbm4b:s2+s13], $0x80, s30, s13, $0xb8;
	[tilespmem:$0x1FF80] =	vst v63  }
0x11d: {  	s9 =	sand.u32 $0x380, s11;
	_ =	swait.ge [sflag:s10], $0x2000  }
0x11e: {  	s14 =	sand.u32 $0xFC00, s11;
	s30 =	simm.s32 $0x10;
	[sflag:s10] =	ssyncset.done $0x0  }
0x11f: {  	[sflag:s10] =	ssyncadd.s32 $0xFFFFE000;
	s10 =	sadd.s32 s6, s14;
	s14 =	simm.s32 $0x13E80  }
0x120: {  	[spmem:s12] =	stream.indirect.scatter.add.f32 [tilespmem:s0], [sflag:$0x11], $0x80, s14, s13, $0xb8;
	[tilespmem:$0x1FF80] =	vst v63  }
0x121: {  	s9 =	sor.u32 s9, s10;
	_ =	swait.ge [sflag:s30], $0x2000  }
0x122: {  	s9 =	sshrl.u32 s9, $0x3;
	[sflag:s30] =	ssyncset.done $0x0  }
0x123: {  	s11 =	simm.s32 $0x13B00;
	s1 =	sadd.s32 s4, s9;
	[sflag:s30] =	ssyncadd.s32 $0xFFFFE000  }
0x124: {  	[tilespmem:s11], [sflag:$0x4] =	stream.linear.gather [hbm4b:s1+s3], $0x80, $0x38;
	[tilespmem:$0x1FF80] =	vst v63  }
0x125: {  	s9 =	sadd.s32 s5, s9  }
0x126: {  	[tilespmem:s15], [sflag:$0x4] =	stream.linear.gather [hbm4b:s9+s3], $0x80, $0x38;
	[tilespmem:$0x1FF80] =	vst v63  }
0x127: {  	_ =	swait.ge [sflag:s31], $0x80  }
0x128: {  	[sflag:s31] =	ssyncset.done $0x0  }
0x129: {  	[sflag:s31] =	ssyncadd.s32 $0xFFFFFF80  }
0x12a: {  	_ =	swait.ge [sflag:s31], $0x80  }
0x12b: {  	[sflag:s31] =	ssyncset.done $0x0  }
0x12c: {  	[sflag:s31] =	ssyncadd.s32 $0xFFFFFF80  }
0x12d: {  	[tilespmem:s16], [sflag:$0x9] =	stream.indirect.gather [hbm4b:s2+s13], $0x80, s24, s13, $0xb8;
	[tilespmem:$0x1FF80] =	vst v63  }
0x12e: {  	s16 =	simm.s32 $0xC  }
0x12f: {  	s1 =	simm.s32 $0x11;
	s24 =	sadd.s32 $0xFFFFFF80, s22;
	_ =	swait.ge [sflag:s16], $0x2000  }
0x130: {  	s15 =	simm.s32 $0x13F00;
	s30 =	sand.u32 $0xFC00, s24;
	[sflag:s16] =	ssyncset.done $0x0  }
0x131: {  	s9 =	sand.u32 $0x300, s24;
	s10 =	sadd.s32 s6, s30;
	[sflag:s16] =	ssyncadd.s32 $0xFFFFE000  }
0x132: {  	[spmem:s12] =	stream.indirect.scatter.add.f32 [tilespmem:s21], [sflag:$0x12], $0x80, s15, s13, $0xb8;
	[tilespmem:$0x1FF80] =	vst v63  }
0x133: {  	s9 =	sor.u32 s9, s10;
	_ =	swait.ge [sflag:s1], $0x2000  }
0x134: {  	s9 =	sshrl.u32 s9, $0x3;
	[sflag:s1] =	ssyncset.done $0x0  }
0x135: {  	s16 =	sadd.s32 s4, s9;
	[sflag:s1] =	ssyncadd.s32 $0xFFFFE000  }
0x136: {  	[tilespmem:s18], [sflag:$0x5] =	stream.linear.gather [hbm4b:s16+s3], $0x80, $0x38;
	[tilespmem:$0x1FF80] =	vst v63  }
0x137: {  	s9 =	sadd.s32 s5, s9  }
0x138: {  	[tilespmem:s14], [sflag:$0x5] =	stream.linear.gather [hbm4b:s9+s3], $0x80, $0x38;
	[tilespmem:$0x1FF80] =	vst v63  }
0x139: {  	_ =	swait.ge [sflag:s23], $0x80  }
0x13a: {  	[sflag:s23] =	ssyncset.done $0x0  }
0x13b: {  	[sflag:s23] =	ssyncadd.s32 $0xFFFFFF80  }
0x13c: {  	_ =	swait.ge [sflag:s23], $0x80  }
0x13d: {  	[sflag:s23] =	ssyncset.done $0x0  }
0x13e: {  	[sflag:s23] =	ssyncadd.s32 $0xFFFFFF80  }
0x13f: {  	[tilespmem:s19], [sflag:$0xA] =	stream.indirect.gather [hbm4b:s2+s13], $0x80, s11, s13, $0xb8;
	[tilespmem:$0x1FF80] =	vst v63  }
0x140: {  	s19 =	simm.s32 $0x7  }
0x141: {  	_ =	swait.ge [sflag:s19], $0x2000  }
0x142: {  	[sflag:s19] =	ssyncset.done $0x0  }
0x143: {  	s21 =	sand.u32 $0xFC00, s22;
	[sflag:s19] =	ssyncadd.s32 $0xFFFFE000  }
0x144: {  	[spmem:s12] =	stream.indirect.scatter.add.f32 [tilespmem:s7], [sflag:$0xD], $0x80, s25, s13, $0xb8;
	[tilespmem:$0x1FF80] =	vst v63  }
0x145: {  	s24 =	sand.u32 $0x380, s22;
	s9 =	sadd.s32 s6, s21;
	s25 =	simm.s32 $0x12  }
0x146: {  	s9 =	sor.u32 s24, s9;
	_ =	swait.ge [sflag:s25], $0x2000  }
0x147: {  	s9 =	sshrl.u32 s9, $0x3;
	[sflag:s25] =	ssyncset.done $0x0  }
0x148: {  	s30 =	sadd.s32 s4, s9;
	[sflag:s25] =	ssyncadd.s32 $0xFFFFE000  }
0x149: {  	[tilespmem:s20], [sflag:$0x6] =	stream.linear.gather [hbm4b:s30+s3], $0x80, $0x38;
	[tilespmem:$0x1FF80] =	vst v63  }
0x14a: {  	s9 =	sadd.s32 s5, s9  }
0x14b: {  	[tilespmem:s15], [sflag:$0x6] =	stream.linear.gather [hbm4b:s9+s3], $0x80, $0x38;
	[tilespmem:$0x1FF80] =	vst v63  }
.Ltmp0:
0x14c: {  	_ = 	snop;
	(pc) =	sbr.rel @p1 .LBB2_2-.Ltmp0, $4  }
0x14d: {  	_ =	swait.ge [sflag:s29], $0x80  }
0x14e: {  	s22 =	smov.u32 s26;
	[sflag:s29] =	ssyncset.done $0x0  }
0x14f: {  	s26 =	sadd.s32 $0xFFFFFD80, s22;
	[sflag:s29] =	ssyncadd.s32 $0xFFFFFF80  }
0x150: {  	s24 =	smov.u32 s28;
	s9 =	sand.u32 $0xFC00, s26;
	_ =	swait.ge [sflag:s29], $0x80  }
0x151: {  	[sflag:s29] =	ssyncset.done $0x0  }
0x152: {  	s2 =	simm.s32 $0x13B80;
	[sflag:s29] =	ssyncadd.s32 $0xFFFFFF80  }
0x153: {  	s0 =	simm.s32 $0x1BF80;
	s25 =	simm.s32 $0x8;
	s18 =	rddreg [dreg:$0x0]  }
0x154: {  	[tilespmem:s0], [sflag:$0xB] =	stream.indirect.gather [hbm4b:s18+s13], $0x80, s2, s13, $0xb8;
	[tilespmem:$0x1FF80] =	vst v63  }
0x155: {  	_ =	swait.ge [sflag:s25], $0x2000  }
0x156: {  	s9 =	sadd.s32 s6, s9;
	[sflag:s25] =	ssyncset.done $0x0  }
0x157: {  	s10 =	sand.u32 $0x300, s26;
	s16 =	simm.s32 $0x13D00;
	[sflag:s25] =	ssyncadd.s32 $0xFFFFE000  }
0x158: {  	s11 =	simm.s32 $0x15F80;
	s28 =	simm.s32 $0xD;
	s12 =	rddreg [dreg:$0x2]  }
0x159: {  	[spmem:s12] =	stream.indirect.scatter.add.f32 [tilespmem:s11], [sflag:$0xE], $0x80, s16, s13, $0xb8;
	[tilespmem:$0x1FF80] =	vst v63  }
0x15a: {  	s9 =	sor.u32 s10, s9;
	_ =	swait.ge [sflag:s28], $0x2000  }
0x15b: {  	s9 =	sshrl.u32 s9, $0x3;
	[sflag:s28] =	ssyncset.done $0x0  }
0x15c: {  	s24 =	simm.s32 $0x13980;
	s20 =	sadd.s32 s4, s9;
	[sflag:s28] =	ssyncadd.s32 $0xFFFFE000  }
0x15d: {  	[tilespmem:s24], [sflag:$0x1] =	stream.linear.gather [hbm4b:s20+s3], $0x80, $0x38;
	[tilespmem:$0x1FF80] =	vst v63  }
0x15e: {  	s21 =	simm.s32 $0x13C80;
	s9 =	sadd.s32 s5, s9  }
0x15f: {  	[tilespmem:s21], [sflag:$0x1] =	stream.linear.gather [hbm4b:s9+s3], $0x80, $0x38;
	[tilespmem:$0x1FF80] =	vst v63  }
0x160: {  	_ =	swait.ge [sflag:s8], $0x80  }
0x161: {  	[sflag:s8] =	ssyncset.done $0x0  }
0x162: {  	[sflag:s8] =	ssyncadd.s32 $0xFFFFFF80  }
0x163: {  	_ =	swait.ge [sflag:s8], $0x80  }
0x164: {  	s26 =	simm.s32 $0x13C00;
	s30 =	simm.s32 $0x1DF80;
	[sflag:s8] =	ssyncset.done $0x0  }
0x165: {  	s7 =	sadd.s32 $0xFFFFFE00, s22;
	s20 =	simm.s32 $0x9;
	[sflag:s8] =	ssyncadd.s32 $0xFFFFFF80  }
0x166: {  	[tilespmem:s30], [sflag:$0xC] =	stream.indirect.gather [hbm4b:s18+s13], $0x80, s26, s13, $0xb8;
	[tilespmem:$0x1FF80] =	vst v63  }
0x167: {  	s15 =	simm.s32 $0x13D80;
	s14 =	sand.u32 $0xFC00, s7;
	_ =	swait.ge [sflag:s20], $0x2000  }
0x168: {  	s10 =	sadd.s32 s6, s14;
	s9 =	sand.u32 $0x380, s7;
	[sflag:s20] =	ssyncset.done $0x0  }
0x169: {  	s7 =	simm.s32 $0x17F80;
	s21 =	simm.s32 $0xE;
	[sflag:s20] =	ssyncadd.s32 $0xFFFFE000  }
0x16a: {  	[spmem:s12] =	stream.indirect.scatter.add.f32 [tilespmem:s7], [sflag:$0xF], $0x80, s15, s13, $0xb8;
	[tilespmem:$0x1FF80] =	vst v63  }
0x16b: {  	s9 =	sor.u32 s9, s10;
	_ =	swait.ge [sflag:s21], $0x2000  }
0x16c: {  	s9 =	sshrl.u32 s9, $0x3;
	[sflag:s21] =	ssyncset.done $0x0  }
0x16d: {  	s16 =	sadd.s32 s4, s9;
	s26 =	simm.s32 $0x13A00;
	[sflag:s21] =	ssyncadd.s32 $0xFFFFE000  }
0x16e: {  	[tilespmem:s26], [sflag:$0x2] =	stream.linear.gather [hbm4b:s16+s3], $0x80, $0x38;
	[tilespmem:$0x1FF80] =	vst v63  }
0x16f: {  	s19 =	simm.s32 $0x13D00;
	s9 =	sadd.s32 s5, s9  }
0x170: {  	[tilespmem:s19], [sflag:$0x2] =	stream.linear.gather [hbm4b:s9+s3], $0x80, $0x38;
	[tilespmem:$0x1FF80] =	vst v63  }
0x171: {  	s19 =	simm.s32 $0x1  }
0x172: {  	_ =	swait.ge [sflag:s19], $0x80  }
0x173: {  	[sflag:s19] =	ssyncset.done $0x0  }
0x174: {  	[sflag:s19] =	ssyncadd.s32 $0xFFFFFF80  }
0x175: {  	_ =	swait.ge [sflag:s19], $0x80  }
0x176: {  	[sflag:s19] =	ssyncset.done $0x0  }
0x177: {  	s30 =	simm.s32 $0x13F80;
	s16 =	simm.s32 $0xA;
	[sflag:s19] =	ssyncadd.s32 $0xFFFFFF80  }
0x178: {  	[tilespmem:s30], [sflag:$0x7] =	stream.indirect.gather [hbm4b:s18+s13], $0x80, s24, s13, $0xb8;
	[tilespmem:$0x1FF80] =	vst v63  }
0x179: {  	_ =	swait.ge [sflag:s16], $0x2000  }
0x17a: {  	s9 =	simm.s32 $0x13E00;
	[sflag:s16] =	ssyncset.done $0x0  }
0x17b: {  	s19 =	simm.s32 $0xF;
	s30 =	simm.s32 $0x19F80;
	[sflag:s16] =	ssyncadd.s32 $0xFFFFE000  }
0x17c: {  	[spmem:s12] =	stream.indirect.scatter.add.f32 [tilespmem:s30], [sflag:$0x10], $0x80, s9, s13, $0xb8;
	[tilespmem:$0x1FF80] =	vst v63  }
0x17d: {  	s11 =	sadd.s32 $0xFFFFFA80, s22;
	_ =	swait.ge [sflag:s19], $0x2000  }
0x17e: {  	s14 =	sand.u32 $0x7C00, s11;
	s10 =	rddreg [dreg:$0x4]  }
0x17f: {  	s9 =	sadd.s32 s14, s10;
	s10 =	sand.u32 $0x300, s11  }
0x180: {  	s9 =	sor.u32 s10, s9  }
0x181: {  	[sflag:s19] =	ssyncset.done $0x0;
	s9 =	sshrl.u32 s9, $0x3  }
0x182: {  	s24 =	simm.s32 $0x13A80;
	[sflag:s19] =	ssyncadd.s32 $0xFFFFE000;
	s11 =	sadd.s32 s4, s9  }
0x183: {  	[tilespmem:s24], [sflag:$0x3] =	stream.linear.gather [hbm4b:s11+s3], $0x80, $0x38;
	[tilespmem:$0x1FF80] =	vst v63  }
0x184: {  	s7 =	simm.s32 $0x13D80;
	s9 =	sadd.s32 s5, s9  }
0x185: {  	[tilespmem:s7], [sflag:$0x3] =	stream.linear.gather [hbm4b:s9+s3], $0x80, $0x38;
	[tilespmem:$0x1FF80] =	vst v63  }
0x186: {  	_ =	swait.ge [sflag:s17], $0x80  }
0x187: {  	[sflag:s17] =	ssyncset.done $0x0  }
0x188: {  	[sflag:s17] =	ssyncadd.s32 $0xFFFFFF80  }
0x189: {  	_ =	swait.ge [sflag:s17], $0x80  }
0x18a: {  	s2 =	simm.s32 $0x15F80;
	[sflag:s17] =	ssyncset.done $0x0  }
0x18b: {  	s14 =	sadd.s32 $0xFFFFFF00, s22;
	s11 =	simm.s32 $0xB;
	[sflag:s17] =	ssyncadd.s32 $0xFFFFFF80  }
0x18c: {  	[tilespmem:s2], [sflag:$0x8] =	stream.indirect.gather [hbm4b:s18+s13], $0x80, s26, s13, $0xb8;
	[tilespmem:$0x1FF80] =	vst v63  }
0x18d: {  	s1 =	simm.s32 $0x1BF80;
	s9 =	sand.u32 $0x380, s14;
	_ =	swait.ge [sflag:s11], $0x2000  }
0x18e: {  	s7 =	simm.s32 $0x10;
	s26 =	sand.u32 $0xFC00, s14;
	[sflag:s11] =	ssyncset.done $0x0  }
0x18f: {  	s10 =	sadd.s32 s6, s26;
	s26 =	simm.s32 $0x13E80;
	[sflag:s11] =	ssyncadd.s32 $0xFFFFE000  }
0x190: {  	[spmem:s12] =	stream.indirect.scatter.add.f32 [tilespmem:s1], [sflag:$0x11], $0x80, s26, s13, $0xb8;
	[tilespmem:$0x1FF80] =	vst v63  }
0x191: {  	s9 =	sor.u32 s9, s10;
	_ =	swait.ge [sflag:s7], $0x2000  }
0x192: {  	s9 =	sshrl.u32 s9, $0x3;
	[sflag:s7] =	ssyncset.done $0x0  }
0x193: {  	s14 =	simm.s32 $0x13B00;
	s2 =	sadd.s32 s4, s9;
	[sflag:s7] =	ssyncadd.s32 $0xFFFFE000  }
0x194: {  	[tilespmem:s14], [sflag:$0x4] =	stream.linear.gather [hbm4b:s2+s3], $0x80, $0x38;
	[tilespmem:$0x1FF80] =	vst v63  }
0x195: {  	s0 =	simm.s32 $0x13E00;
	s9 =	sadd.s32 s5, s9  }
0x196: {  	[tilespmem:s0], [sflag:$0x4] =	stream.linear.gather [hbm4b:s9+s3], $0x80, $0x38;
	[tilespmem:$0x1FF80] =	vst v63  }
0x197: {  	_ =	swait.ge [sflag:s31], $0x80  }
0x198: {  	[sflag:s31] =	ssyncset.done $0x0  }
0x199: {  	[sflag:s31] =	ssyncadd.s32 $0xFFFFFF80  }
0x19a: {  	_ =	swait.ge [sflag:s31], $0x80  }
0x19b: {  	s15 =	simm.s32 $0x17F80;
	s1 =	sadd.s32 $0xFFFFFF80, s22;
	[sflag:s31] =	ssyncset.done $0x0  }
0x19c: {  	s2 =	sand.u32 $0xFC00, s1;
	s0 =	simm.s32 $0xC;
	[sflag:s31] =	ssyncadd.s32 $0xFFFFFF80  }
0x19d: {  	[tilespmem:s15], [sflag:$0x9] =	stream.indirect.gather [hbm4b:s18+s13], $0x80, s24, s13, $0xb8;
	[tilespmem:$0x1FF80] =	vst v63  }
0x19e: {  	s10 =	sadd.s32 s6, s2;
	_ =	swait.ge [sflag:s0], $0x2000  }
0x19f: {  	s9 =	sand.u32 $0x300, s1;
	s1 =	simm.s32 $0x11;
	[sflag:s0] =	ssyncset.done $0x0  }
0x1a0: {  	s24 =	simm.s32 $0x13F00;
	s15 =	simm.s32 $0x1DF80;
	[sflag:s0] =	ssyncadd.s32 $0xFFFFE000  }
0x1a1: {  	[spmem:s12] =	stream.indirect.scatter.add.f32 [tilespmem:s15], [sflag:$0x12], $0x80, s24, s13, $0xb8;
	[tilespmem:$0x1FF80] =	vst v63  }
0x1a2: {  	s9 =	sor.u32 s9, s10;
	_ =	swait.ge [sflag:s1], $0x2000  }
0x1a3: {  	s9 =	sshrl.u32 s9, $0x3;
	[sflag:s1] =	ssyncset.done $0x0  }
0x1a4: {  	s2 =	sadd.s32 s4, s9;
	s15 =	simm.s32 $0x13B80;
	[sflag:s1] =	ssyncadd.s32 $0xFFFFE000  }
0x1a5: {  	[tilespmem:s15], [sflag:$0x5] =	stream.linear.gather [hbm4b:s2+s3], $0x80, $0x38;
	[tilespmem:$0x1FF80] =	vst v63  }
0x1a6: {  	s9 =	sadd.s32 s5, s9  }
0x1a7: {  	[tilespmem:s26], [sflag:$0x5] =	stream.linear.gather [hbm4b:s9+s3], $0x80, $0x38;
	[tilespmem:$0x1FF80] =	vst v63  }
0x1a8: {  	_ =	swait.ge [sflag:s23], $0x80  }
0x1a9: {  	[sflag:s23] =	ssyncset.done $0x0  }
0x1aa: {  	[sflag:s23] =	ssyncadd.s32 $0xFFFFFF80  }
0x1ab: {  	_ =	swait.ge [sflag:s23], $0x80  }
0x1ac: {  	[sflag:s23] =	ssyncset.done $0x0  }
0x1ad: {  	[sflag:s23] =	ssyncadd.s32 $0xFFFFFF80  }
0x1ae: {  	[tilespmem:s30], [sflag:$0xA] =	stream.indirect.gather [hbm4b:s18+s13], $0x80, s14, s13, $0xb8;
	[tilespmem:$0x1FF80] =	vst v63  }
0x1af: {  	s14 =	simm.s32 $0x7  }
0x1b0: {  	_ =	swait.ge [sflag:s14], $0x2000  }
0x1b1: {  	s10 =	simm.s32 $0x13F80;
	[sflag:s14] =	ssyncset.done $0x0  }
0x1b2: {  	s2 =	simm.s32 $0x13C80;
	s9 =	sand.u32 $0xFC00, s22;
	[sflag:s14] =	ssyncadd.s32 $0xFFFFE000  }
0x1b3: {  	[spmem:s12] =	stream.indirect.scatter.add.f32 [tilespmem:s10], [sflag:$0xD], $0x80, s2, s13, $0xb8;
	[tilespmem:$0x1FF80] =	vst v63  }
0x1b4: {  	s9 =	sadd.s32 s6, s9;
	s2 =	sand.u32 $0x380, s22;
	s22 =	simm.s32 $0x12  }
0x1b5: {  	_ =	swait.ge [sflag:s22], $0x2000;
	s9 =	sor.u32 s2, s9  }
0x1b6: {  	[sflag:s22] =	ssyncset.done $0x0;
	s9 =	sshrl.u32 s9, $0x3  }
0x1b7: {  	s2 =	simm.s32 $0x13C00;
	[sflag:s22] =	ssyncadd.s32 $0xFFFFE000;
	s10 =	sadd.s32 s4, s9  }
0x1b8: {  	[tilespmem:s2], [sflag:$0x6] =	stream.linear.gather [hbm4b:s10+s3], $0x80, $0x38;
	[tilespmem:$0x1FF80] =	vst v63  }
0x1b9: {  	s9 =	sadd.s32 s5, s9  }
0x1ba: {  	[tilespmem:s24], [sflag:$0x6] =	stream.linear.gather [hbm4b:s9+s3], $0x80, $0x38;
	[tilespmem:$0x1FF80] =	vst v63  }
0x1bb: {  	_ =	swait.ge [sflag:s29], $0x80  }
0x1bc: {  	[sflag:s29] =	ssyncset.done $0x0  }
0x1bd: {  	[sflag:s29] =	ssyncadd.s32 $0xFFFFFF80  }
0x1be: {  	_ =	swait.ge [sflag:s29], $0x80  }
0x1bf: {  	[sflag:s29] =	ssyncset.done $0x0  }
0x1c0: {  	s9 =	simm.s32 $0x1BF80;
	[sflag:s29] =	ssyncadd.s32 $0xFFFFFF80  }
0x1c1: {  	[tilespmem:s9], [sflag:$0xB] =	stream.indirect.gather [hbm4b:s18+s13], $0x80, s15, s13, $0xb8;
	[tilespmem:$0x1FF80] =	vst v63  }
0x1c2: {  	_ =	swait.ge [sflag:s25], $0x2000  }
0x1c3: {  	[sflag:s25] =	ssyncset.done $0x0  }
0x1c4: {  	s15 =	simm.s32 $0x13D00;
	[sflag:s25] =	ssyncadd.s32 $0xFFFFE000;
	s25 =	simm.s32 $0x15F80  }
0x1c5: {  	[spmem:s12] =	stream.indirect.scatter.add.f32 [tilespmem:s25], [sflag:$0xE], $0x80, s15, s13, $0xb8;
	[tilespmem:$0x1FF80] =	vst v63  }
0x1c6: {  	_ =	swait.ge [sflag:s8], $0x80  }
0x1c7: {  	[sflag:s8] =	ssyncset.done $0x0  }
0x1c8: {  	[sflag:s8] =	ssyncadd.s32 $0xFFFFFF80  }
0x1c9: {  	_ =	swait.ge [sflag:s8], $0x80  }
0x1ca: {  	[sflag:s8] =	ssyncset.done $0x0  }
0x1cb: {  	s10 =	simm.s32 $0x1DF80;
	[sflag:s8] =	ssyncadd.s32 $0xFFFFFF80  }
0x1cc: {  	[tilespmem:s10], [sflag:$0xC] =	stream.indirect.gather [hbm4b:s18+s13], $0x80, s2, s13, $0xb8;
	[tilespmem:$0x1FF80] =	vst v63  }
0x1cd: {  	_ =	swait.ge [sflag:s20], $0x2000  }
0x1ce: {  	[sflag:s20] =	ssyncset.done $0x0  }
0x1cf: {  	s25 =	simm.s32 $0x17F80;
	[sflag:s20] =	ssyncadd.s32 $0xFFFFE000;
	s20 =	simm.s32 $0x13D80  }
0x1d0: {  	[spmem:s12] =	stream.indirect.scatter.add.f32 [tilespmem:s25], [sflag:$0xF], $0x80, s20, s13, $0xb8;
	[tilespmem:$0x1FF80] =	vst v63  }
0x1d1: {  	_ =	swait.ge [sflag:s16], $0x2000  }
0x1d2: {  	[sflag:s16] =	ssyncset.done $0x0  }
0x1d3: {  	[sflag:s16] =	ssyncadd.s32 $0xFFFFE000;
	s16 =	simm.s32 $0x13E00  }
0x1d4: {  	[spmem:s12] =	stream.indirect.scatter.add.f32 [tilespmem:s30], [sflag:$0x10], $0x80, s16, s13, $0xb8;
	[tilespmem:$0x1FF80] =	vst v63  }
0x1d5: {  	_ =	swait.ge [sflag:s11], $0x2000  }
0x1d6: {  	[sflag:s11] =	ssyncset.done $0x0  }
0x1d7: {  	[sflag:s11] =	ssyncadd.s32 $0xFFFFE000  }
0x1d8: {  	[spmem:s12] =	stream.indirect.scatter.add.f32 [tilespmem:s9], [sflag:$0x11], $0x80, s26, s13, $0xb8;
	[tilespmem:$0x1FF80] =	vst v63  }
0x1d9: {  	_ =	swait.ge [sflag:s0], $0x2000  }
0x1da: {  	[sflag:s0] =	ssyncset.done $0x0  }
0x1db: {  	[sflag:s0] =	ssyncadd.s32 $0xFFFFE000  }
0x1dc: {  	[spmem:s12] =	stream.indirect.scatter.add.f32 [tilespmem:s10], [sflag:$0x12], $0x80, s24, s13, $0xb8;
	[tilespmem:$0x1FF80] =	vst v63  }
0x1dd: {  	_ =	swait.ge [sflag:s28], $0x2000  }
0x1de: {  	[sflag:s28] =	ssyncset.done $0x0  }
0x1df: {  	[sflag:s28] =	ssyncadd.s32 $0xFFFFE000  }
0x1e0: {  	_ =	swait.ge [sflag:s21], $0x2000  }
0x1e1: {  	[sflag:s21] =	ssyncset.done $0x0  }
0x1e2: {  	[sflag:s21] =	ssyncadd.s32 $0xFFFFE000  }
0x1e3: {  	_ =	swait.ge [sflag:s19], $0x2000  }
0x1e4: {  	[sflag:s19] =	ssyncset.done $0x0  }
0x1e5: {  	[sflag:s19] =	ssyncadd.s32 $0xFFFFE000  }
0x1e6: {  	_ =	swait.ge [sflag:s7], $0x2000  }
0x1e7: {  	[sflag:s7] =	ssyncset.done $0x0  }
0x1e8: {  	[sflag:s7] =	ssyncadd.s32 $0xFFFFE000  }
0x1e9: {  	_ =	swait.ge [sflag:s1], $0x2000  }
0x1ea: {  	[sflag:s1] =	ssyncset.done $0x0  }
0x1eb: {  	[sflag:s1] =	ssyncadd.s32 $0xFFFFE000  }
0x1ec: {  	_ =	swait.ge [sflag:s22], $0x2000  }
0x1ed: {  	[sflag:s22] =	ssyncset.done $0x0  }
0x1ee: {  	s26 =	simm.s32 $0x13880;
	s19 =	simm.s32 $0x13F80;
	[sflag:s22] =	ssyncadd.s32 $0xFFFFE000  }
0x1ef: {  	[tilespmem:s19], [sflag:$0x7] =	stream.indirect.gather [hbm4b:s18+s7], $0x80, s26, s7, $0xb8;
	[tilespmem:$0x1FF80] =	vst v63  }
0x1f0: {  	_ =	swait.ge [sflag:s14], $0x800  }
0x1f1: {  	[sflag:s14] =	ssyncset.done $0x0  }
0x1f2: {  	s24 =	simm.s32 $0x13;
	s28 =	simm.s32 $0x13900;
	[sflag:s14] =	ssyncadd.s32 $0xFFFFF800  }
0x1f3: {  	[spmem:s12] =	stream.indirect.scatter.add.f32 [tilespmem:s19], [sflag:$0x13], $0x80, s28, s7, $0xb8;
	[tilespmem:$0x1FF80] =	vst v63  }
0x1f4: {  	_ =	swait.ge [sflag:s24], $0x800  }
0x1f5: {  	[sflag:s24] =	ssyncset.done $0x0  }
0x1f6: {  	[sflag:s24] =	ssyncadd.s32 $0xFFFFF800  }
0x1f7: {  	[bflag:$0x0] =	sbarrier.arrive $0xFFFF  }
0x1f8: {  	s22 =	rddreg [dreg:$0x7]  }
0x1f9: {  	s20 =	rddreg [dreg:$0x12]  }
0x1fa: {  	s21 =	rddreg [dreg:$0x1c]  }
0x1fb: {  	[hbm:s20], [sflag:s22] =	dma.local [spmem:s21], $0x2700  }
0x1fc: {  	_ =	swait.ge [sflag:s24], $0x2700  }
0x1fd: {  	[sflag:s24] =	ssyncset.done $0x0;
	s9 =	rddreg [dreg:$0x17]  }
0x1fe: {  	s0 =	rddreg [dreg:$0x1d];
	[sflag:s24] =	ssyncadd.s32 $0xFFFFD900  }
0x1ff: {  	[hbm:s9], [sflag:s22] =	dma.local @!p0 [spmem:s0], $0x100  }
0x200: {  	s9 =	simm.s32 @!p0 $0x13  }
0x201: {  	_ =	swait.ge @!p0 [sflag:s9], $0x100  }
0x202: {  	s25 =	rddreg [dreg:$0x1b]  }
0x203: {  	s30 =	rddreg [dreg:$0x18];
	s0 =	sadd.s32 $0x1, s25  }
0x204: {  	p1 =	sne.s32 s0, s30  }
.Ltmp1:
0x205: {  	_ = 	snop;
	(pc) =	sbr.rel @p1 .LBB2_1-.Ltmp1, $3  }
0x206: {  	_ =	sdelay $0x1  }
0x207: {  	[sflag:s9] =	ssyncset.done @!p0 $0x0  }
0x208: {  	[sflag:s9] =	ssyncadd.s32 @!p0 $0xFFFFFF00  }
0x209: {  	_ =	sfence.sel $0x180000  }
0x20a: {  	[bflag:$0x0] =	sbarrier.arrive $0xFFFF  }
0x20b: {  	_ =	strace $0x90000050  }
0x20c: {  	[bflag:$0x2] =	sbarrier.arrive $0xFFFF  }
0x20d: {  	s0 =	rddreg [dreg:$0x3]  }
0x20e: {  	s0 =	sadd.s32 @!p0 $0x100000, s0  }
0x20f: {  	[sflag:s0] =	ssyncadd.tile.s32 @!p0 $0x1;
	_ =	shalt  }
.Lfunc_end2:
_tile_overlayer_lowered:
.L_overlay_start_2:
0x210: {  	(tag) =	ssettag $0x2  }
0x211: {  	s0 =	rddreg [dreg:$0x0];
	s2 =	stileid.u32  }
0x212: {  	s1 =	rddreg [dreg:$0x1];
	p0 =	sne.s32 s2, $0x0  }
0x213: {  	s3 =	rddreg [dreg:$0x2];
	[bflag:$0x3] =	sbarrier.arrive $0xFFFF;
	s2 =	simm.s32 @!p0 $0x1C13  }
0x214: {  	[timem:s3], [sflag:s2] =	dma.local @!p0 [hbm:s0], s1  }
0x215: {  	s0 =	simm.s32 @!p0 $0x13  }
0x216: {  	_ =	swait.ge @!p0 [sflag:s0], s1  }
0x217: {  	s1 =	ssub.s32 @!p0 $0x0, s1;
	[sflag:s0] =	ssyncset.done @!p0 $0x0  }
0x218: {  	[sflag:s0] =	ssyncadd.s32 @!p0 s1  }
0x219: {  	[bflag:$0x3] =	sbarrier.arrive $0xFFFF  }
0x21a: {  	_ =	shalt  }

</sc_bundles>
